<compile_context>
chip_gen: v7x
topology: tpu7x:2x2x1
jax: 0.10.2.dev20260603
libtpu: 0.0.44.dev20260713+nightly
codegen_flags: <defaults>
</compile_context>

<pallas_src>
import functools

import jax
import jax.numpy as jnp
from jax import lax
from jax.experimental import pallas as pl
from jax.experimental.pallas import tpu as pltpu
from jax.experimental.pallas import tpu_sc as plsc

_L = 16
_G = 8


def _gather_body(num_cores, b_per_w, D, idx_hbm, tab_t_hbm, out_t_hbm,
                 idx_v, slab_a, slab_b, buf_v, sem_a, sem_b):
    assert D % 8 == 0
    wid = lax.axis_index("s") * num_cores + lax.axis_index("c")
    base = wid * b_per_w
    pltpu.sync_copy(idx_hbm.at[pl.ds(base, b_per_w)], idx_v.at[pl.ds(0, b_per_w)])

    lane_iota = lax.iota(jnp.int32, _L)
    kvec = lane_iota & (_G - 1)
    mask = lane_iota < _G

    def fire(g, slab, sem):
        col_vec = (idx_v[pl.ds(g * _G, _L)] >> 7) << 7
        for k in range(_G):
            col = pl.multiple_of(col_vec[k], 128)
            for tr in range(D // 8):
                pltpu.async_copy(
                    tab_t_hbm.at[pl.ds(8 * tr, 8), pl.ds(col, 128)],
                    slab.at[k, pl.ds(8 * tr, 8)],
                    sem,
                )

    def wait(slab, sem):
        for k in range(_G):
            pltpu.make_async_copy(
                tab_t_hbm.at[:, pl.ds(0, 128)], slab.at[k], sem
            ).wait()

    def extract(g, slab):
        i0 = g * _G
        lvec = idx_v[pl.ds(i0, _L)] & 127
        colidx = i0 + lane_iota
        for c in range(D):
            cvec = jnp.full((_L,), c, jnp.int32)
            vals = plsc.load_gather(slab, [kvec, cvec, lvec])
            plsc.store_scatter(buf_v, [cvec, colidx], vals, mask=mask)

    n_groups = b_per_w // _G
    assert n_groups % 2 == 0 and n_groups >= 4
    fire(0, slab_a, sem_a)
    fire(1, slab_b, sem_b)

    def body(t, _):
        wait(slab_a, sem_a)
        extract(2 * t, slab_a)
        fire(2 * t + 2, slab_a, sem_a)
        wait(slab_b, sem_b)
        extract(2 * t + 1, slab_b)
        fire(2 * t + 3, slab_b, sem_b)
        return ()

    lax.fori_loop(0, n_groups // 2 - 1, body, (), unroll=False)
    wait(slab_a, sem_a)
    extract(n_groups - 2, slab_a)
    wait(slab_b, sem_b)
    extract(n_groups - 1, slab_b)

    pltpu.sync_copy(buf_v, out_t_hbm.at[:, pl.ds(base, b_per_w)])


@functools.cache
def _build(B, V, D):
    info = plsc.get_sparse_core_info()
    nw = info.num_cores * info.num_subcores
    assert B % (8 * nw) == 0
    b_per_w = B // nw
    mesh = plsc.VectorSubcoreMesh(core_axis_name="c", subcore_axis_name="s")
    return pl.kernel(
        functools.partial(_gather_body, info.num_cores, b_per_w, D),
        mesh=mesh,
        out_type=jax.ShapeDtypeStruct((D, B), jnp.float32),
        scratch_types=[
            pltpu.VMEM((b_per_w + _L,), jnp.int32),
            pltpu.VMEM((_G, D, 128), jnp.float32),
            pltpu.VMEM((_G, D, 128), jnp.float32),
            pltpu.VMEM((D, b_per_w), jnp.float32),
            pltpu.SemaphoreType.DMA,
            pltpu.SemaphoreType.DMA,
        ],
        compiler_params=pltpu.CompilerParams(needs_layout_passes=False),
    )


def kernel(context_ids, weight):
    B = context_ids.shape[0]
    V, D = weight.shape
    out_t = _build(B, V, D)(context_ids.astype(jnp.int32), weight.T)
    return out_t.T

# --- scband reference (transcript-rebuilt; emitter-appended) ---
"""Pipeline reference for scband-context-embedding-28389733826840 (READ-ONLY COPY).

The authoritative reference and input builder live on the scoring server;
editing this copy changes nothing except your own understanding.
"""

import jax, jax.numpy as jnp
import numpy as np

NUM_CONTEXTS = 1000000
EMBEDDING_DIM = 32
BATCH = 16384
INIT_STD = 0.01


def setup_inputs(seed: int = 0) -> dict:
    key = jax.random.key(seed)
    k_idx, k_w = jax.random.split(key)
    context_ids = jax.random.randint(k_idx, (BATCH,), 0, NUM_CONTEXTS, dtype=jnp.int64 if jax.config.jax_enable_x64 else jnp.int32)
    weight = jax.random.normal(k_w, (NUM_CONTEXTS, EMBEDDING_DIM), dtype=jnp.float32) * INIT_STD
    return {"context_ids": context_ids, "weight": weight}


def reference(context_ids, weight):
    # nn.Embedding lookup: embeddings(context_ids) -> [batch, embedding_dim]
    return jnp.take(weight, context_ids, axis=0)

if __name__ == "__main__":
    import jax
    _d = setup_inputs()
    print(jax.jit(kernel)(*tuple(_d.values())))

</pallas_src>

<mosaic_0001>
#map = affine_map<(d0, d1) -> (0)>
#map1 = affine_map<(d0, d1) -> (0, 0)>
module attributes {stable_mosaic.version = 14 : i64} {
  func.func @_gather_body(%arg0: i32, %arg1: i32, %arg2: memref<16384xi32, #tpu.memory_space<hbm>>, %arg3: memref<32x1000000xf32, #tpu.memory_space<hbm>>, %arg4: memref<32x16384xf32, #tpu.memory_space<hbm>>, %arg5: memref<528xi32, #tpu.memory_space<vmem>>, %arg6: memref<8x32x128xf32, #tpu.memory_space<vmem>>, %arg7: memref<8x32x128xf32, #tpu.memory_space<vmem>>, %arg8: memref<32x512xf32, #tpu.memory_space<vmem>>, %arg9: memref<!tpu.dma_semaphore, #tpu.memory_space<semaphore_mem>>, %arg10: memref<!tpu.dma_semaphore, #tpu.memory_space<semaphore_mem>>) attributes {dimension_semantics = [#tpu.dimension_semantics<core_parallel>, #tpu.dimension_semantics<subcore_parallel>], iteration_bounds = array<i64: 2, 16>, scalar_prefetch = 0 : i64, scratch_operands = 6 : i64, tpu.core_type = #tpu.core_type<sc_vector_subcore>, window_params = [{transform_indices = #map}, {transform_indices = #map1}, {transform_indices = #map1}]} {
    %mul3A = arith.constant 2 : i32
    %mul3A_0 = arith.muli %arg1, %mul3A : i32
    %add3A = arith.addi %mul3A_0, %arg0 : i32
    %mul3A_1 = arith.constant 512 : i32
    %mul3A_2 = arith.muli %add3A, %mul3A_1 : i32
    "tpu.region"() ({
      %run_scoped3A = tpu.sem_alloc : memref<!tpu.dma_semaphore, #tpu.memory_space<semaphore_mem>>
      %dma_start3A_1345 = arith.constant 0 : i32
      %dma_start3A_1346 = tpu.memref_slice %arg5[%dma_start3A_1345] : memref<528xi32, #tpu.memory_space<vmem>> -> memref<512xi32, #tpu.memory_space<vmem>>
      %dma_start3A_1347 = tpu.memref_slice %arg2[%mul3A_2] : memref<16384xi32, #tpu.memory_space<hbm>> -> memref<512xi32, #tpu.memory_space<hbm>>
      %dma_start3A_1348 = arith.constant 0 : i32
      %dma_start3A_1349 = tpu.memref_slice %arg5[%dma_start3A_1348] : memref<528xi32, #tpu.memory_space<vmem>> -> memref<512xi32, #tpu.memory_space<vmem>>
      %dma_start3A_1350 = tpu.memref_slice %arg2[%mul3A_2] : memref<16384xi32, #tpu.memory_space<hbm>> -> memref<512xi32, #tpu.memory_space<hbm>>
      tpu.enqueue_dma source(%dma_start3A_1350 : memref<512xi32, #tpu.memory_space<hbm>>) target(%dma_start3A_1349 : memref<512xi32, #tpu.memory_space<vmem>>) target_semaphore(%run_scoped3A : memref<!tpu.dma_semaphore, #tpu.memory_space<semaphore_mem>>)
      %dma_wait3A_1351 = arith.constant 0 : i32
      %dma_wait3A_1352 = tpu.memref_slice %arg5[%dma_wait3A_1351] : memref<528xi32, #tpu.memory_space<vmem>> -> memref<512xi32, #tpu.memory_space<vmem>>
      %dma_wait3A_1353 = tpu.memref_slice %arg2[%mul3A_2] : memref<16384xi32, #tpu.memory_space<hbm>> -> memref<512xi32, #tpu.memory_space<hbm>>
      %dma_wait3A_1354 = arith.constant 0 : i32
      %dma_wait3A_1355 = tpu.memref_slice %arg5[%dma_wait3A_1354] : memref<528xi32, #tpu.memory_space<vmem>> -> memref<512xi32, #tpu.memory_space<vmem>>
      %dma_wait3A_1356 = tpu.memref_slice %arg2[%mul3A_2] : memref<16384xi32, #tpu.memory_space<hbm>> -> memref<512xi32, #tpu.memory_space<hbm>>
      tpu.wait_dma2 semaphore(%run_scoped3A : memref<!tpu.dma_semaphore, #tpu.memory_space<semaphore_mem>>) src(%dma_wait3A_1356 : memref<512xi32, #tpu.memory_space<hbm>>) dst(%dma_wait3A_1355 : memref<512xi32, #tpu.memory_space<vmem>>)
      tpu.yield
    }) : () -> ()
    %iota3A = tpu.iota {dimensions = array<i32: 0>} : vector<16xi32>
    %and3A = arith.constant 7 : i32
    %and3A_3 = vector.broadcast %and3A : i32 to vector<16xi32>
    %and3A_4 = arith.andi %iota3A, %and3A_3 : vector<16xi32>
    %lt3A = arith.constant 8 : i32
    %lt3A_5 = vector.broadcast %lt3A : i32 to vector<16xi32>
    %lt3A_6 = arith.cmpi slt, %iota3A, %lt3A_5 : vector<16xi32>
    %get3A = arith.constant 0 : index
    %get3A_7 = tpu.vector_load %arg5[%get3A] {strides = array<i32>} : memref<528xi32, #tpu.memory_space<vmem>>, vector<16xi32>,
    %shift_right_arithmetic3A = arith.constant 7 : i32
    %shift_right_arithmetic3A_8 = vector.broadcast %shift_right_arithmetic3A : i32 to vector<16xi32>
    %shift_right_arithmetic3A_9 = arith.shrsi %get3A_7, %shift_right_arithmetic3A_8 : vector<16xi32>
    %shift_left3A = arith.constant 7 : i32
    %shift_left3A_10 = vector.broadcast %shift_left3A : i32 to vector<16xi32>
    %shift_left3A_11 = arith.shli %shift_right_arithmetic3A_9, %shift_left3A_10 : vector<16xi32>
    %slice3A = vector.extract_strided_slice %shift_left3A_11 {offsets = [0], sizes = [1], strides = [1]} : vector<16xi32> to vector<1xi32>
    %squeeze3A = vector.extract %slice3A[0] : i32 from vector<1xi32>
    %multiple_of3A = tpu.assume_multiple %squeeze3A, 128 : i32
    %dma_start3A = arith.constant 0 : i32
    %dma_start3A_12 = arith.constant 0 : i32
    %dma_start3A_13 = arith.constant 0 : i32
    %dma_start3A_14 = tpu.memref_slice %arg6[%dma_start3A, %dma_start3A_12, %dma_start3A_13] : memref<8x32x128xf32, #tpu.memory_space<vmem>> -> memref<1x8x128xf32, #tpu.memory_space<vmem>>
    %dma_start3A_15 = tpu.memref_squeeze %dma_start3A_14 : memref<1x8x128xf32, #tpu.memory_space<vmem>> -> memref<8x128xf32, #tpu.memory_space<vmem>>
    %dma_start3A_16 = arith.constant 0 : i32
    %dma_start3A_17 = tpu.memref_slice %arg3[%dma_start3A_16, %multiple_of3A] : memref<32x1000000xf32, #tpu.memory_space<hbm>> -> memref<8x128xf32, #tpu.memory_space<hbm>>
    %dma_start3A_18 = arith.constant 0 : i32
    %dma_start3A_19 = arith.constant 0 : i32
    %dma_start3A_20 = tpu.memref_slice %arg6[%dma_start3A, %dma_start3A_18, %dma_start3A_19] : memref<8x32x128xf32, #tpu.memory_space<vmem>> -> memref<1x8x128xf32, #tpu.memory_space<vmem>>
    %dma_start3A_21 = tpu.memref_squeeze %dma_start3A_20 : memref<1x8x128xf32, #tpu.memory_space<vmem>> -> memref<8x128xf32, #tpu.memory_space<vmem>>
    %dma_start3A_22 = arith.constant 0 : i32
    %dma_start3A_23 = tpu.memref_slice %arg3[%dma_start3A_22, %multiple_of3A] : memref<32x1000000xf32, #tpu.memory_space<hbm>> -> memref<8x128xf32, #tpu.memory_space<hbm>>
    tpu.enqueue_dma source(%dma_start3A_23 : memref<8x128xf32, #tpu.memory_space<hbm>>) target(%dma_start3A_21 : memref<8x128xf32, #tpu.memory_space<vmem>>) target_semaphore(%arg9 : memref<!tpu.dma_semaphore, #tpu.memory_space<semaphore_mem>>)
    %dma_start3A_24 = arith.constant 0 : i32
    %dma_start3A_25 = arith.constant 8 : i32
    %dma_start3A_26 = arith.constant 0 : i32
    %dma_start3A_27 = tpu.memref_slice %arg6[%dma_start3A_24, %dma_start3A_25, %dma_start3A_26] : memref<8x32x128xf32, #tpu.memory_space<vmem>> -> memref<1x8x128xf32, #tpu.memory_space<vmem>>
    %dma_start3A_28 = tpu.memref_squeeze %dma_start3A_27 : memref<1x8x128xf32, #tpu.memory_space<vmem>> -> memref<8x128xf32, #tpu.memory_space<vmem>>
    %dma_start3A_29 = arith.constant 8 : i32
    %dma_start3A_30 = tpu.memref_slice %arg3[%dma_start3A_29, %multiple_of3A] : memref<32x1000000xf32, #tpu.memory_space<hbm>> -> memref<8x128xf32, #tpu.memory_space<hbm>>
    %dma_start3A_31 = arith.constant 8 : i32
    %dma_start3A_32 = arith.constant 0 : i32
    %dma_start3A_33 = tpu.memref_slice %arg6[%dma_start3A_24, %dma_start3A_31, %dma_start3A_32] : memref<8x32x128xf32, #tpu.memory_space<vmem>> -> memref<1x8x128xf32, #tpu.memory_space<vmem>>
    %dma_start3A_34 = tpu.memref_squeeze %dma_start3A_33 : memref<1x8x128xf32, #tpu.memory_space<vmem>> -> memref<8x128xf32, #tpu.memory_space<vmem>>
    %dma_start3A_35 = arith.constant 8 : i32
    %dma_start3A_36 = tpu.memref_slice %arg3[%dma_start3A_35, %multiple_of3A] : memref<32x1000000xf32, #tpu.memory_space<hbm>> -> memref<8x128xf32, #tpu.memory_space<hbm>>
    tpu.enqueue_dma source(%dma_start3A_36 : memref<8x128xf32, #tpu.memory_space<hbm>>) target(%dma_start3A_34 : memref<8x128xf32, #tpu.memory_space<vmem>>) target_semaphore(%arg9 : memref<!tpu.dma_semaphore, #tpu.memory_space<semaphore_mem>>)
    %dma_start3A_37 = arith.constant 0 : i32
    %dma_start3A_38 = arith.constant 16 : i32
    %dma_start3A_39 = arith.constant 0 : i32
    %dma_start3A_40 = tpu.memref_slice %arg6[%dma_start3A_37, %dma_start3A_38, %dma_start3A_39] : memref<8x32x128xf32, #tpu.memory_space<vmem>> -> memref<1x8x128xf32, #tpu.memory_space<vmem>>
    %dma_start3A_41 = tpu.memref_squeeze %dma_start3A_40 : memref<1x8x128xf32, #tpu.memory_space<vmem>> -> memref<8x128xf32, #tpu.memory_space<vmem>>
    %dma_start3A_42 = arith.constant 16 : i32
    %dma_start3A_43 = tpu.memref_slice %arg3[%dma_start3A_42, %multiple_of3A] : memref<32x1000000xf32, #tpu.memory_space<hbm>> -> memref<8x128xf32, #tpu.memory_space<hbm>>
    %dma_start3A_44 = arith.constant 16 : i32
    %dma_start3A_45 = arith.constant 0 : i32
    %dma_start3A_46 = tpu.memref_slice %arg6[%dma_start3A_37, %dma_start3A_44, %dma_start3A_45] : memref<8x32x128xf32, #tpu.memory_space<vmem>> -> memref<1x8x128xf32, #tpu.memory_space<vmem>>
    %dma_start3A_47 = tpu.memref_squeeze %dma_start3A_46 : memref<1x8x128xf32, #tpu.memory_space<vmem>> -> memref<8x128xf32, #tpu.memory_space<vmem>>
    %dma_start3A_48 = arith.constant 16 : i32
    %dma_start3A_49 = tpu.memref_slice %arg3[%dma_start3A_48, %multiple_of3A] : memref<32x1000000xf32, #tpu.memory_space<hbm>> -> memref<8x128xf32, #tpu.memory_space<hbm>>
    tpu.enqueue_dma source(%dma_start3A_49 : memref<8x128xf32, #tpu.memory_space<hbm>>) target(%dma_start3A_47 : memref<8x128xf32, #tpu.memory_space<vmem>>) target_semaphore(%arg9 : memref<!tpu.dma_semaphore, #tpu.memory_space<semaphore_mem>>)
    %dma_start3A_50 = arith.constant 0 : i32
    %dma_start3A_51 = arith.constant 24 : i32
    %dma_start3A_52 = arith.constant 0 : i32
    %dma_start3A_53 = tpu.memref_slice %arg6[%dma_start3A_50, %dma_start3A_51, %dma_start3A_52] : memref<8x32x128xf32, #tpu.memory_space<vmem>> -> memref<1x8x128xf32, #tpu.memory_space<vmem>>
    %dma_start3A_54 = tpu.memref_squeeze %dma_start3A_53 : memref<1x8x128xf32, #tpu.memory_space<vmem>> -> memref<8x128xf32, #tpu.memory_space<vmem>>
    %dma_start3A_55 = arith.constant 24 : i32
    %dma_start3A_56 = tpu.memref_slice %arg3[%dma_start3A_55, %multiple_of3A] : memref<32x1000000xf32, #tpu.memory_space<hbm>> -> memref<8x128xf32, #tpu.memory_space<hbm>>
    %dma_start3A_57 = arith.constant 24 : i32
    %dma_start3A_58 = arith.constant 0 : i32
    %dma_start3A_59 = tpu.memref_slice %arg6[%dma_start3A_50, %dma_start3A_57, %dma_start3A_58] : memref<8x32x128xf32, #tpu.memory_space<vmem>> -> memref<1x8x128xf32, #tpu.memory_space<vmem>>
    %dma_start3A_60 = tpu.memref_squeeze %dma_start3A_59 : memref<1x8x128xf32, #tpu.memory_space<vmem>> -> memref<8x128xf32, #tpu.memory_space<vmem>>
    %dma_start3A_61 = arith.constant 24 : i32
    %dma_start3A_62 = tpu.memref_slice %arg3[%dma_start3A_61, %multiple_of3A] : memref<32x1000000xf32, #tpu.memory_space<hbm>> -> memref<8x128xf32, #tpu.memory_space<hbm>>
    tpu.enqueue_dma source(%dma_start3A_62 : memref<8x128xf32, #tpu.memory_space<hbm>>) target(%dma_start3A_60 : memref<8x128xf32, #tpu.memory_space<vmem>>) target_semaphore(%arg9 : memref<!tpu.dma_semaphore, #tpu.memory_space<semaphore_mem>>)
    %slice3A_63 = vector.extract_strided_slice %shift_left3A_11 {offsets = [1], sizes = [1], strides = [1]} : vector<16xi32> to vector<1xi32>
    %squeeze3A_64 = vector.extract %slice3A_63[0] : i32 from vector<1xi32>
    %multiple_of3A_65 = tpu.assume_multiple %squeeze3A_64, 128 : i32
    %dma_start3A_66 = arith.constant 1 : i32
    %dma_start3A_67 = arith.constant 0 : i32
    %dma_start3A_68 = arith.constant 0 : i32
    %dma_start3A_69 = tpu.memref_slice %arg6[%dma_start3A_66, %dma_start3A_67, %dma_start3A_68] : memref<8x32x128xf32, #tpu.memory_space<vmem>> -> memref<1x8x128xf32, #tpu.memory_space<vmem>>
    %dma_start3A_70 = tpu.memref_squeeze %dma_start3A_69 : memref<1x8x128xf32, #tpu.memory_space<vmem>> -> memref<8x128xf32, #tpu.memory_space<vmem>>
    %dma_start3A_71 = arith.constant 0 : i32
    %dma_start3A_72 = tpu.memref_slice %arg3[%dma_start3A_71, %multiple_of3A_65] : memref<32x1000000xf32, #tpu.memory_space<hbm>> -> memref<8x128xf32, #tpu.memory_space<hbm>>
    %dma_start3A_73 = arith.constant 0 : i32
    %dma_start3A_74 = arith.constant 0 : i32
    %dma_start3A_75 = tpu.memref_slice %arg6[%dma_start3A_66, %dma_start3A_73, %dma_start3A_74] : memref<8x32x128xf32, #tpu.memory_space<vmem>> -> memref<1x8x128xf32, #tpu.memory_space<vmem>>
    %dma_start3A_76 = tpu.memref_squeeze %dma_start3A_75 : memref<1x8x128xf32, #tpu.memory_space<vmem>> -> memref<8x128xf32, #tpu.memory_space<vmem>>
    %dma_start3A_77 = arith.constant 0 : i32
    %dma_start3A_78 = tpu.memref_slice %arg3[%dma_start3A_77, %multiple_of3A_65] : memref<32x1000000xf32, #tpu.memory_space<hbm>> -> memref<8x128xf32, #tpu.memory_space<hbm>>
    tpu.enqueue_dma source(%dma_start3A_78 : memref<8x128xf32, #tpu.memory_space<hbm>>) target(%dma_start3A_76 : memref<8x128xf32, #tpu.memory_space<vmem>>) target_semaphore(%arg9 : memref<!tpu.dma_semaphore, #tpu.memory_space<semaphore_mem>>)
    %dma_start3A_79 = arith.constant 1 : i32
    %dma_start3A_80 = arith.constant 8 : i32
    %dma_start3A_81 = arith.constant 0 : i32
    %dma_start3A_82 = tpu.memref_slice %arg6[%dma_start3A_79, %dma_start3A_80, %dma_start3A_81] : memref<8x32x128xf32, #tpu.memory_space<vmem>> -> memref<1x8x128xf32, #tpu.memory_space<vmem>>
    %dma_start3A_83 = tpu.memref_squeeze %dma_start3A_82 : memref<1x8x128xf32, #tpu.memory_space<vmem>> -> memref<8x128xf32, #tpu.memory_space<vmem>>
    %dma_start3A_84 = arith.constant 8 : i32
    %dma_start3A_85 = tpu.memref_slice %arg3[%dma_start3A_84, %multiple_of3A_65] : memref<32x1000000xf32, #tpu.memory_space<hbm>> -> memref<8x128xf32, #tpu.memory_space<hbm>>
    %dma_start3A_86 = arith.constant 8 : i32
    %dma_start3A_87 = arith.constant 0 : i32
    %dma_start3A_88 = tpu.memref_slice %arg6[%dma_start3A_79, %dma_start3A_86, %dma_start3A_87] : memref<8x32x128xf32, #tpu.memory_space<vmem>> -> memref<1x8x128xf32, #tpu.memory_space<vmem>>
    %dma_start3A_89 = tpu.memref_squeeze %dma_start3A_88 : memref<1x8x128xf32, #tpu.memory_space<vmem>> -> memref<8x128xf32, #tpu.memory_space<vmem>>
    %dma_start3A_90 = arith.constant 8 : i32
    %dma_start3A_91 = tpu.memref_slice %arg3[%dma_start3A_90, %multiple_of3A_65] : memref<32x1000000xf32, #tpu.memory_space<hbm>> -> memref<8x128xf32, #tpu.memory_space<hbm>>
    tpu.enqueue_dma source(%dma_start3A_91 : memref<8x128xf32, #tpu.memory_space<hbm>>) target(%dma_start3A_89 : memref<8x128xf32, #tpu.memory_space<vmem>>) target_semaphore(%arg9 : memref<!tpu.dma_semaphore, #tpu.memory_space<semaphore_mem>>)
    %dma_start3A_92 = arith.constant 1 : i32
    %dma_start3A_93 = arith.constant 16 : i32
    %dma_start3A_94 = arith.constant 0 : i32
    %dma_start3A_95 = tpu.memref_slice %arg6[%dma_start3A_92, %dma_start3A_93, %dma_start3A_94] : memref<8x32x128xf32, #tpu.memory_space<vmem>> -> memref<1x8x128xf32, #tpu.memory_space<vmem>>
    %dma_start3A_96 = tpu.memref_squeeze %dma_start3A_95 : memref<1x8x128xf32, #tpu.memory_space<vmem>> -> memref<8x128xf32, #tpu.memory_space<vmem>>
    %dma_start3A_97 = arith.constant 16 : i32
    %dma_start3A_98 = tpu.memref_slice %arg3[%dma_start3A_97, %multiple_of3A_65] : memref<32x1000000xf32, #tpu.memory_space<hbm>> -> memref<8x128xf32, #tpu.memory_space<hbm>>
    %dma_start3A_99 = arith.constant 16 : i32
    %dma_start3A_100 = arith.constant 0 : i32
    %dma_start3A_101 = tpu.memref_slice %arg6[%dma_start3A_92, %dma_start3A_99, %dma_start3A_100] : memref<8x32x128xf32, #tpu.memory_space<vmem>> -> memref<1x8x128xf32, #tpu.memory_space<vmem>>
    %dma_start3A_102 = tpu.memref_squeeze %dma_start3A_101 : memref<1x8x128xf32, #tpu.memory_space<vmem>> -> memref<8x128xf32, #tpu.memory_space<vmem>>
    %dma_start3A_103 = arith.constant 16 : i32
    %dma_start3A_104 = tpu.memref_slice %arg3[%dma_start3A_103, %multiple_of3A_65] : memref<32x1000000xf32, #tpu.memory_space<hbm>> -> memref<8x128xf32, #tpu.memory_space<hbm>>
    tpu.enqueue_dma source(%dma_start3A_104 : memref<8x128xf32, #tpu.memory_space<hbm>>) target(%dma_start3A_102 : memref<8x128xf32, #tpu.memory_space<vmem>>) target_semaphore(%arg9 : memref<!tpu.dma_semaphore, #tpu.memory_space<semaphore_mem>>)
    %dma_start3A_105 = arith.constant 1 : i32
    %dma_start3A_106 = arith.constant 24 : i32
    %dma_start3A_107 = arith.constant 0 : i32
    %dma_start3A_108 = tpu.memref_slice %arg6[%dma_start3A_105, %dma_start3A_106, %dma_start3A_107] : memref<8x32x128xf32, #tpu.memory_space<vmem>> -> memref<1x8x128xf32, #tpu.memory_space<vmem>>
    %dma_start3A_109 = tpu.memref_squeeze %dma_start3A_108 : memref<1x8x128xf32, #tpu.memory_space<vmem>> -> memref<8x128xf32, #tpu.memory_space<vmem>>
    %dma_start3A_110 = arith.constant 24 : i32
    %dma_start3A_111 = tpu.memref_slice %arg3[%dma_start3A_110, %multiple_of3A_65] : memref<32x1000000xf32, #tpu.memory_space<hbm>> -> memref<8x128xf32, #tpu.memory_space<hbm>>
    %dma_start3A_112 = arith.constant 24 : i32
    %dma_start3A_113 = arith.constant 0 : i32
    %dma_start3A_114 = tpu.memref_slice %arg6[%dma_start3A_105, %dma_start3A_112, %dma_start3A_113] : memref<8x32x128xf32, #tpu.memory_space<vmem>> -> memref<1x8x128xf32, #tpu.memory_space<vmem>>
    %dma_start3A_115 = tpu.memref_squeeze %dma_start3A_114 : memref<1x8x128xf32, #tpu.memory_space<vmem>> -> memref<8x128xf32, #tpu.memory_space<vmem>>
    %dma_start3A_116 = arith.constant 24 : i32
    %dma_start3A_117 = tpu.memref_slice %arg3[%dma_start3A_116, %multiple_of3A_65] : memref<32x1000000xf32, #tpu.memory_space<hbm>> -> memref<8x128xf32, #tpu.memory_space<hbm>>
    tpu.enqueue_dma source(%dma_start3A_117 : memref<8x128xf32, #tpu.memory_space<hbm>>) target(%dma_start3A_115 : memref<8x128xf32, #tpu.memory_space<vmem>>) target_semaphore(%arg9 : memref<!tpu.dma_semaphore, #tpu.memory_space<semaphore_mem>>)
    %slice3A_118 = vector.extract_strided_slice %shift_left3A_11 {offsets = [2], sizes = [1], strides = [1]} : vector<16xi32> to vector<1xi32>
    %squeeze3A_119 = vector.extract %slice3A_118[0] : i32 from vector<1xi32>
    %multiple_of3A_120 = tpu.assume_multiple %squeeze3A_119, 128 : i32
    %dma_start3A_121 = arith.constant 2 : i32
    %dma_start3A_122 = arith.constant 0 : i32
    %dma_start3A_123 = arith.constant 0 : i32
    %dma_start3A_124 = tpu.memref_slice %arg6[%dma_start3A_121, %dma_start3A_122, %dma_start3A_123] : memref<8x32x128xf32, #tpu.memory_space<vmem>> -> memref<1x8x128xf32, #tpu.memory_space<vmem>>
    %dma_start3A_125 = tpu.memref_squeeze %dma_start3A_124 : memref<1x8x128xf32, #tpu.memory_space<vmem>> -> memref<8x128xf32, #tpu.memory_space<vmem>>
    %dma_start3A_126 = arith.constant 0 : i32
    %dma_start3A_127 = tpu.memref_slice %arg3[%dma_start3A_126, %multiple_of3A_120] : memref<32x1000000xf32, #tpu.memory_space<hbm>> -> memref<8x128xf32, #tpu.memory_space<hbm>>
    %dma_start3A_128 = arith.constant 0 : i32
    %dma_start3A_129 = arith.constant 0 : i32
    %dma_start3A_130 = tpu.memref_slice %arg6[%dma_start3A_121, %dma_start3A_128, %dma_start3A_129] : memref<8x32x128xf32, #tpu.memory_space<vmem>> -> memref<1x8x128xf32, #tpu.memory_space<vmem>>
    %dma_start3A_131 = tpu.memref_squeeze %dma_start3A_130 : memref<1x8x128xf32, #tpu.memory_space<vmem>> -> memref<8x128xf32, #tpu.memory_space<vmem>>
    %dma_start3A_132 = arith.constant 0 : i32
    %dma_start3A_133 = tpu.memref_slice %arg3[%dma_start3A_132, %multiple_of3A_120] : memref<32x1000000xf32, #tpu.memory_space<hbm>> -> memref<8x128xf32, #tpu.memory_space<hbm>>
    tpu.enqueue_dma source(%dma_start3A_133 : memref<8x128xf32, #tpu.memory_space<hbm>>) target(%dma_start3A_131 : memref<8x128xf32, #tpu.memory_space<vmem>>) target_semaphore(%arg9 : memref<!tpu.dma_semaphore, #tpu.memory_space<semaphore_mem>>)
    %dma_start3A_134 = arith.constant 2 : i32
    %dma_start3A_135 = arith.constant 8 : i32
    %dma_start3A_136 = arith.constant 0 : i32
    %dma_start3A_137 = tpu.memref_slice %arg6[%dma_start3A_134, %dma_start3A_135, %dma_start3A_136] : memref<8x32x128xf32, #tpu.memory_space<vmem>> -> memref<1x8x128xf32, #tpu.memory_space<vmem>>
    %dma_start3A_138 = tpu.memref_squeeze %dma_start3A_137 : memref<1x8x128xf32, #tpu.memory_space<vmem>> -> memref<8x128xf32, #tpu.memory_space<vmem>>
    %dma_start3A_139 = arith.constant 8 : i32
    %dma_start3A_140 = tpu.memref_slice %arg3[%dma_start3A_139, %multiple_of3A_120] : memref<32x1000000xf32, #tpu.memory_space<hbm>> -> memref<8x128xf32, #tpu.memory_space<hbm>>
    %dma_start3A_141 = arith.constant 8 : i32
    %dma_start3A_142 = arith.constant 0 : i32
    %dma_start3A_143 = tpu.memref_slice %arg6[%dma_start3A_134, %dma_start3A_141, %dma_start3A_142] : memref<8x32x128xf32, #tpu.memory_space<vmem>> -> memref<1x8x128xf32, #tpu.memory_space<vmem>>
    %dma_start3A_144 = tpu.memref_squeeze %dma_start3A_143 : memref<1x8x128xf32, #tpu.memory_space<vmem>> -> memref<8x128xf32, #tpu.memory_space<vmem>>
    %dma_start3A_145 = arith.constant 8 : i32
    %dma_start3A_146 = tpu.memref_slice %arg3[%dma_start3A_145, %multiple_of3A_120] : memref<32x1000000xf32, #tpu.memory_space<hbm>> -> memref<8x128xf32, #tpu.memory_space<hbm>>
    tpu.enqueue_dma source(%dma_start3A_146 : memref<8x128xf32, #tpu.memory_space<hbm>>) target(%dma_start3A_144 : memref<8x128xf32, #tpu.memory_space<vmem>>) target_semaphore(%arg9 : memref<!tpu.dma_semaphore, #tpu.memory_space<semaphore_mem>>)
    %dma_start3A_147 = arith.constant 2 : i32
    %dma_start3A_148 = arith.constant 16 : i32
    %dma_start3A_149 = arith.constant 0 : i32
    %dma_start3A_150 = tpu.memref_slice %arg6[%dma_start3A_147, %dma_start3A_148, %dma_start3A_149] : memref<8x32x128xf32, #tpu.memory_space<vmem>> -> memref<1x8x128xf32, #tpu.memory_space<vmem>>
    %dma_start3A_151 = tpu.memref_squeeze %dma_start3A_150 : memref<1x8x128xf32, #tpu.memory_space<vmem>> -> memref<8x128xf32, #tpu.memory_space<vmem>>
    %dma_start3A_152 = arith.constant 16 : i32
    %dma_start3A_153 = tpu.memref_slice %arg3[%dma_start3A_152, %multiple_of3A_120] : memref<32x1000000xf32, #tpu.memory_space<hbm>> -> memref<8x128xf32, #tpu.memory_space<hbm>>
    %dma_start3A_154 = arith.constant 16 : i32
    %dma_start3A_155 = arith.constant 0 : i32
    %dma_start3A_156 = tpu.memref_slice %arg6[%dma_start3A_147, %dma_start3A_154, %dma_start3A_155] : memref<8x32x128xf32, #tpu.memory_space<vmem>> -> memref<1x8x128xf32, #tpu.memory_space<vmem>>
    %dma_start3A_157 = tpu.memref_squeeze %dma_start3A_156 : memref<1x8x128xf32, #tpu.memory_space<vmem>> -> memref<8x128xf32, #tpu.memory_space<vmem>>
    %dma_start3A_158 = arith.constant 16 : i32
    %dma_start3A_159 = tpu.memref_slice %arg3[%dma_start3A_158, %multiple_of3A_120] : memref<32x1000000xf32, #tpu.memory_space<hbm>> -> memref<8x128xf32, #tpu.memory_space<hbm>>
    tpu.enqueue_dma source(%dma_start3A_159 : memref<8x128xf32, #tpu.memory_space<hbm>>) target(%dma_start3A_157 : memref<8x128xf32, #tpu.memory_space<vmem>>) target_semaphore(%arg9 : memref<!tpu.dma_semaphore, #tpu.memory_space<semaphore_mem>>)
    %dma_start3A_160 = arith.constant 2 : i32
    %dma_start3A_161 = arith.constant 24 : i32
    %dma_start3A_162 = arith.constant 0 : i32
    %dma_start3A_163 = tpu.memref_slice %arg6[%dma_start3A_160, %dma_start3A_161, %dma_start3A_162] : memref<8x32x128xf32, #tpu.memory_space<vmem>> -> memref<1x8x128xf32, #tpu.memory_space<vmem>>
    %dma_start3A_164 = tpu.memref_squeeze %dma_start3A_163 : memref<1x8x128xf32, #tpu.memory_space<vmem>> -> memref<8x128xf32, #tpu.memory_space<vmem>>
    %dma_start3A_165 = arith.constant 24 : i32
    %dma_start3A_166 = tpu.memref_slice %arg3[%dma_start3A_165, %multiple_of3A_120] : memref<32x1000000xf32, #tpu.memory_space<hbm>> -> memref<8x128xf32, #tpu.memory_space<hbm>>
    %dma_start3A_167 = arith.constant 24 : i32
    %dma_start3A_168 = arith.constant 0 : i32
    %dma_start3A_169 = tpu.memref_slice %arg6[%dma_start3A_160, %dma_start3A_167, %dma_start3A_168] : memref<8x32x128xf32, #tpu.memory_space<vmem>> -> memref<1x8x128xf32, #tpu.memory_space<vmem>>
    %dma_start3A_170 = tpu.memref_squeeze %dma_start3A_169 : memref<1x8x128xf32, #tpu.memory_space<vmem>> -> memref<8x128xf32, #tpu.memory_space<vmem>>
    %dma_start3A_171 = arith.constant 24 : i32
    %dma_start3A_172 = tpu.memref_slice %arg3[%dma_start3A_171, %multiple_of3A_120] : memref<32x1000000xf32, #tpu.memory_space<hbm>> -> memref<8x128xf32, #tpu.memory_space<hbm>>
    tpu.enqueue_dma source(%dma_start3A_172 : memref<8x128xf32, #tpu.memory_space<hbm>>) target(%dma_start3A_170 : memref<8x128xf32, #tpu.memory_space<vmem>>) target_semaphore(%arg9 : memref<!tpu.dma_semaphore, #tpu.memory_space<semaphore_mem>>)
    %slice3A_173 = vector.extract_strided_slice %shift_left3A_11 {offsets = [3], sizes = [1], strides = [1]} : vector<16xi32> to vector<1xi32>
    %squeeze3A_174 = vector.extract %slice3A_173[0] : i32 from vector<1xi32>
    %multiple_of3A_175 = tpu.assume_multiple %squeeze3A_174, 128 : i32
    %dma_start3A_176 = arith.constant 3 : i32
    %dma_start3A_177 = arith.constant 0 : i32
    %dma_start3A_178 = arith.constant 0 : i32
    %dma_start3A_179 = tpu.memref_slice %arg6[%dma_start3A_176, %dma_start3A_177, %dma_start3A_178] : memref<8x32x128xf32, #tpu.memory_space<vmem>> -> memref<1x8x128xf32, #tpu.memory_space<vmem>>
    %dma_start3A_180 = tpu.memref_squeeze %dma_start3A_179 : memref<1x8x128xf32, #tpu.memory_space<vmem>> -> memref<8x128xf32, #tpu.memory_space<vmem>>
    %dma_start3A_181 = arith.constant 0 : i32
    %dma_start3A_182 = tpu.memref_slice %arg3[%dma_start3A_181, %multiple_of3A_175] : memref<32x1000000xf32, #tpu.memory_space<hbm>> -> memref<8x128xf32, #tpu.memory_space<hbm>>
    %dma_start3A_183 = arith.constant 0 : i32
    %dma_start3A_184 = arith.constant 0 : i32
    %dma_start3A_185 = tpu.memref_slice %arg6[%dma_start3A_176, %dma_start3A_183, %dma_start3A_184] : memref<8x32x128xf32, #tpu.memory_space<vmem>> -> memref<1x8x128xf32, #tpu.memory_space<vmem>>
    %dma_start3A_186 = tpu.memref_squeeze %dma_start3A_185 : memref<1x8x128xf32, #tpu.memory_space<vmem>> -> memref<8x128xf32, #tpu.memory_space<vmem>>
    %dma_start3A_187 = arith.constant 0 : i32
    %dma_start3A_188 = tpu.memref_slice %arg3[%dma_start3A_187, %multiple_of3A_175] : memref<32x1000000xf32, #tpu.memory_space<hbm>> -> memref<8x128xf32, #tpu.memory_space<hbm>>
    tpu.enqueue_dma source(%dma_start3A_188 : memref<8x128xf32, #tpu.memory_space<hbm>>) target(%dma_start3A_186 : memref<8x128xf32, #tpu.memory_space<vmem>>) target_semaphore(%arg9 : memref<!tpu.dma_semaphore, #tpu.memory_space<semaphore_mem>>)
    %dma_start3A_189 = arith.constant 3 : i32
    %dma_start3A_190 = arith.constant 8 : i32
    %dma_start3A_191 = arith.constant 0 : i32
    %dma_start3A_192 = tpu.memref_slice %arg6[%dma_start3A_189, %dma_start3A_190, %dma_start3A_191] : memref<8x32x128xf32, #tpu.memory_space<vmem>> -> memref<1x8x128xf32, #tpu.memory_space<vmem>>
    %dma_start3A_193 = tpu.memref_squeeze %dma_start3A_192 : memref<1x8x128xf32, #tpu.memory_space<vmem>> -> memref<8x128xf32, #tpu.memory_space<vmem>>
    %dma_start3A_194 = arith.constant 8 : i32
    %dma_start3A_195 = tpu.memref_slice %arg3[%dma_start3A_194, %multiple_of3A_175] : memref<32x1000000xf32, #tpu.memory_space<hbm>> -> memref<8x128xf32, #tpu.memory_space<hbm>>
    %dma_start3A_196 = arith.constant 8 : i32
    %dma_start3A_197 = arith.constant 0 : i32
    %dma_start3A_198 = tpu.memref_slice %arg6[%dma_start3A_189, %dma_start3A_196, %dma_start3A_197] : memref<8x32x128xf32, #tpu.memory_space<vmem>> -> memref<1x8x128xf32, #tpu.memory_space<vmem>>
    %dma_start3A_199 = tpu.memref_squeeze %dma_start3A_198 : memref<1x8x128xf32, #tpu.memory_space<vmem>> -> memref<8x128xf32, #tpu.memory_space<vmem>>
    %dma_start3A_200 = arith.constant 8 : i32
    %dma_start3A_201 = tpu.memref_slice %arg3[%dma_start3A_200, %multiple_of3A_175] : memref<32x1000000xf32, #tpu.memory_space<hbm>> -> memref<8x128xf32, #tpu.memory_space<hbm>>
    tpu.enqueue_dma source(%dma_start3A_201 : memref<8x128xf32, #tpu.memory_space<hbm>>) target(%dma_start3A_199 : memref<8x128xf32, #tpu.memory_space<vmem>>) target_semaphore(%arg9 : memref<!tpu.dma_semaphore, #tpu.memory_space<semaphore_mem>>)
    %dma_start3A_202 = arith.constant 3 : i32
    %dma_start3A_203 = arith.constant 16 : i32
    %dma_start3A_204 = arith.constant 0 : i32
    %dma_start3A_205 = tpu.memref_slice %arg6[%dma_start3A_202, %dma_start3A_203, %dma_start3A_204] : memref<8x32x128xf32, #tpu.memory_space<vmem>> -> memref<1x8x128xf32, #tpu.memory_space<vmem>>
    %dma_start3A_206 = tpu.memref_squeeze %dma_start3A_205 : memref<1x8x128xf32, #tpu.memory_space<vmem>> -> memref<8x128xf32, #tpu.memory_space<vmem>>
    %dma_start3A_207 = arith.constant 16 : i32
    %dma_start3A_208 = tpu.memref_slice %arg3[%dma_start3A_207, %multiple_of3A_175] : memref<32x1000000xf32, #tpu.memory_space<hbm>> -> memref<8x128xf32, #tpu.memory_space<hbm>>
    %dma_start3A_209 = arith.constant 16 : i32
    %dma_start3A_210 = arith.constant 0 : i32
    %dma_start3A_211 = tpu.memref_slice %arg6[%dma_start3A_202, %dma_start3A_209, %dma_start3A_210] : memref<8x32x128xf32, #tpu.memory_space<vmem>> -> memref<1x8x128xf32, #tpu.memory_space<vmem>>
    %dma_start3A_212 = tpu.memref_squeeze %dma_start3A_211 : memref<1x8x128xf32, #tpu.memory_space<vmem>> -> memref<8x128xf32, #tpu.memory_space<vmem>>
    %dma_start3A_213 = arith.constant 16 : i32
    %dma_start3A_214 = tpu.memref_slice %arg3[%dma_start3A_213, %multiple_of3A_175] : memref<32x1000000xf32, #tpu.memory_space<hbm>> -> memref<8x128xf32, #tpu.memory_space<hbm>>
    tpu.enqueue_dma source(%dma_start3A_214 : memref<8x128xf32, #tpu.memory_space<hbm>>) target(%dma_start3A_212 : memref<8x128xf32, #tpu.memory_space<vmem>>) target_semaphore(%arg9 : memref<!tpu.dma_semaphore, #tpu.memory_space<semaphore_mem>>)
    %dma_start3A_215 = arith.constant 3 : i32
    %dma_start3A_216 = arith.constant 24 : i32
    %dma_start3A_217 = arith.constant 0 : i32
    %dma_start3A_218 = tpu.memref_slice %arg6[%dma_start3A_215, %dma_start3A_216, %dma_start3A_217] : memref<8x32x128xf32, #tpu.memory_space<vmem>> -> memref<1x8x128xf32, #tpu.memory_space<vmem>>
    %dma_start3A_219 = tpu.memref_squeeze %dma_start3A_218 : memref<1x8x128xf32, #tpu.memory_space<vmem>> -> memref<8x128xf32, #tpu.memory_space<vmem>>
    %dma_start3A_220 = arith.constant 24 : i32
    %dma_start3A_221 = tpu.memref_slice %arg3[%dma_start3A_220, %multiple_of3A_175] : memref<32x1000000xf32, #tpu.memory_space<hbm>> -> memref<8x128xf32, #tpu.memory_space<hbm>>
    %dma_start3A_222 = arith.constant 24 : i32
    %dma_start3A_223 = arith.constant 0 : i32
    %dma_start3A_224 = tpu.memref_slice %arg6[%dma_start3A_215, %dma_start3A_222, %dma_start3A_223] : memref<8x32x128xf32, #tpu.memory_space<vmem>> -> memref<1x8x128xf32, #tpu.memory_space<vmem>>
    %dma_start3A_225 = tpu.memref_squeeze %dma_start3A_224 : memref<1x8x128xf32, #tpu.memory_space<vmem>> -> memref<8x128xf32, #tpu.memory_space<vmem>>
    %dma_start3A_226 = arith.constant 24 : i32
    %dma_start3A_227 = tpu.memref_slice %arg3[%dma_start3A_226, %multiple_of3A_175] : memref<32x1000000xf32, #tpu.memory_space<hbm>> -> memref<8x128xf32, #tpu.memory_space<hbm>>
    tpu.enqueue_dma source(%dma_start3A_227 : memref<8x128xf32, #tpu.memory_space<hbm>>) target(%dma_start3A_225 : memref<8x128xf32, #tpu.memory_space<vmem>>) target_semaphore(%arg9 : memref<!tpu.dma_semaphore, #tpu.memory_space<semaphore_mem>>)
    %slice3A_228 = vector.extract_strided_slice %shift_left3A_11 {offsets = [4], sizes = [1], strides = [1]} : vector<16xi32> to vector<1xi32>
    %squeeze3A_229 = vector.extract %slice3A_228[0] : i32 from vector<1xi32>
    %multiple_of3A_230 = tpu.assume_multiple %squeeze3A_229, 128 : i32
    %dma_start3A_231 = arith.constant 4 : i32
    %dma_start3A_232 = arith.constant 0 : i32
    %dma_start3A_233 = arith.constant 0 : i32
    %dma_start3A_234 = tpu.memref_slice %arg6[%dma_start3A_231, %dma_start3A_232, %dma_start3A_233] : memref<8x32x128xf32, #tpu.memory_space<vmem>> -> memref<1x8x128xf32, #tpu.memory_space<vmem>>
    %dma_start3A_235 = tpu.memref_squeeze %dma_start3A_234 : memref<1x8x128xf32, #tpu.memory_space<vmem>> -> memref<8x128xf32, #tpu.memory_space<vmem>>
    %dma_start3A_236 = arith.constant 0 : i32
    %dma_start3A_237 = tpu.memref_slice %arg3[%dma_start3A_236, %multiple_of3A_230] : memref<32x1000000xf32, #tpu.memory_space<hbm>> -> memref<8x128xf32, #tpu.memory_space<hbm>>
    %dma_start3A_238 = arith.constant 0 : i32
    %dma_start3A_239 = arith.constant 0 : i32
    %dma_start3A_240 = tpu.memref_slice %arg6[%dma_start3A_231, %dma_start3A_238, %dma_start3A_239] : memref<8x32x128xf32, #tpu.memory_space<vmem>> -> memref<1x8x128xf32, #tpu.memory_space<vmem>>
    %dma_start3A_241 = tpu.memref_squeeze %dma_start3A_240 : memref<1x8x128xf32, #tpu.memory_space<vmem>> -> memref<8x128xf32, #tpu.memory_space<vmem>>
    %dma_start3A_242 = arith.constant 0 : i32
    %dma_start3A_243 = tpu.memref_slice %arg3[%dma_start3A_242, %multiple_of3A_230] : memref<32x1000000xf32, #tpu.memory_space<hbm>> -> memref<8x128xf32, #tpu.memory_space<hbm>>
    tpu.enqueue_dma source(%dma_start3A_243 : memref<8x128xf32, #tpu.memory_space<hbm>>) target(%dma_start3A_241 : memref<8x128xf32, #tpu.memory_space<vmem>>) target_semaphore(%arg9 : memref<!tpu.dma_semaphore, #tpu.memory_space<semaphore_mem>>)
    %dma_start3A_244 = arith.constant 4 : i32
    %dma_start3A_245 = arith.constant 8 : i32
    %dma_start3A_246 = arith.constant 0 : i32
    %dma_start3A_247 = tpu.memref_slice %arg6[%dma_start3A_244, %dma_start3A_245, %dma_start3A_246] : memref<8x32x128xf32, #tpu.memory_space<vmem>> -> memref<1x8x128xf32, #tpu.memory_space<vmem>>
    %dma_start3A_248 = tpu.memref_squeeze %dma_start3A_247 : memref<1x8x128xf32, #tpu.memory_space<vmem>> -> memref<8x128xf32, #tpu.memory_space<vmem>>
    %dma_start3A_249 = arith.constant 8 : i32
    %dma_start3A_250 = tpu.memref_slice %arg3[%dma_start3A_249, %multiple_of3A_230] : memref<32x1000000xf32, #tpu.memory_space<hbm>> -> memref<8x128xf32, #tpu.memory_space<hbm>>
    %dma_start3A_251 = arith.constant 8 : i32
    %dma_start3A_252 = arith.constant 0 : i32
    %dma_start3A_253 = tpu.memref_slice %arg6[%dma_start3A_244, %dma_start3A_251, %dma_start3A_252] : memref<8x32x128xf32, #tpu.memory_space<vmem>> -> memref<1x8x128xf32, #tpu.memory_space<vmem>>
    %dma_start3A_254 = tpu.memref_squeeze %dma_start3A_253 : memref<1x8x128xf32, #tpu.memory_space<vmem>> -> memref<8x128xf32, #tpu.memory_space<vmem>>
    %dma_start3A_255 = arith.constant 8 : i32
    %dma_start3A_256 = tpu.memref_slice %arg3[%dma_start3A_255, %multiple_of3A_230] : memref<32x1000000xf32, #tpu.memory_space<hbm>> -> memref<8x128xf32, #tpu.memory_space<hbm>>
    tpu.enqueue_dma source(%dma_start3A_256 : memref<8x128xf32, #tpu.memory_space<hbm>>) target(%dma_start3A_254 : memref<8x128xf32, #tpu.memory_space<vmem>>) target_semaphore(%arg9 : memref<!tpu.dma_semaphore, #tpu.memory_space<semaphore_mem>>)
    %dma_start3A_257 = arith.constant 4 : i32
    %dma_start3A_258 = arith.constant 16 : i32
    %dma_start3A_259 = arith.constant 0 : i32
    %dma_start3A_260 = tpu.memref_slice %arg6[%dma_start3A_257, %dma_start3A_258, %dma_start3A_259] : memref<8x32x128xf32, #tpu.memory_space<vmem>> -> memref<1x8x128xf32, #tpu.memory_space<vmem>>
    %dma_start3A_261 = tpu.memref_squeeze %dma_start3A_260 : memref<1x8x128xf32, #tpu.memory_space<vmem>> -> memref<8x128xf32, #tpu.memory_space<vmem>>
    %dma_start3A_262 = arith.constant 16 : i32
    %dma_start3A_263 = tpu.memref_slice %arg3[%dma_start3A_262, %multiple_of3A_230] : memref<32x1000000xf32, #tpu.memory_space<hbm>> -> memref<8x128xf32, #tpu.memory_space<hbm>>
    %dma_start3A_264 = arith.constant 16 : i32
    %dma_start3A_265 = arith.constant 0 : i32
    %dma_start3A_266 = tpu.memref_slice %arg6[%dma_start3A_257, %dma_start3A_264, %dma_start3A_265] : memref<8x32x128xf32, #tpu.memory_space<vmem>> -> memref<1x8x128xf32, #tpu.memory_space<vmem>>
    %dma_start3A_267 = tpu.memref_squeeze %dma_start3A_266 : memref<1x8x128xf32, #tpu.memory_space<vmem>> -> memref<8x128xf32, #tpu.memory_space<vmem>>
    %dma_start3A_268 = arith.constant 16 : i32
    %dma_start3A_269 = tpu.memref_slice %arg3[%dma_start3A_268, %multiple_of3A_230] : memref<32x1000000xf32, #tpu.memory_space<hbm>> -> memref<8x128xf32, #tpu.memory_space<hbm>>
    tpu.enqueue_dma source(%dma_start3A_269 : memref<8x128xf32, #tpu.memory_space<hbm>>) target(%dma_start3A_267 : memref<8x128xf32, #tpu.memory_space<vmem>>) target_semaphore(%arg9 : memref<!tpu.dma_semaphore, #tpu.memory_space<semaphore_mem>>)
    %dma_start3A_270 = arith.constant 4 : i32
    %dma_start3A_271 = arith.constant 24 : i32
    %dma_start3A_272 = arith.constant 0 : i32
    %dma_start3A_273 = tpu.memref_slice %arg6[%dma_start3A_270, %dma_start3A_271, %dma_start3A_272] : memref<8x32x128xf32, #tpu.memory_space<vmem>> -> memref<1x8x128xf32, #tpu.memory_space<vmem>>
    %dma_start3A_274 = tpu.memref_squeeze %dma_start3A_273 : memref<1x8x128xf32, #tpu.memory_space<vmem>> -> memref<8x128xf32, #tpu.memory_space<vmem>>
    %dma_start3A_275 = arith.constant 24 : i32
    %dma_start3A_276 = tpu.memref_slice %arg3[%dma_start3A_275, %multiple_of3A_230] : memref<32x1000000xf32, #tpu.memory_space<hbm>> -> memref<8x128xf32, #tpu.memory_space<hbm>>
    %dma_start3A_277 = arith.constant 24 : i32
    %dma_start3A_278 = arith.constant 0 : i32
    %dma_start3A_279 = tpu.memref_slice %arg6[%dma_start3A_270, %dma_start3A_277, %dma_start3A_278] : memref<8x32x128xf32, #tpu.memory_space<vmem>> -> memref<1x8x128xf32, #tpu.memory_space<vmem>>
    %dma_start3A_280 = tpu.memref_squeeze %dma_start3A_279 : memref<1x8x128xf32, #tpu.memory_space<vmem>> -> memref<8x128xf32, #tpu.memory_space<vmem>>
    %dma_start3A_281 = arith.constant 24 : i32
    %dma_start3A_282 = tpu.memref_slice %arg3[%dma_start3A_281, %multiple_of3A_230] : memref<32x1000000xf32, #tpu.memory_space<hbm>> -> memref<8x128xf32, #tpu.memory_space<hbm>>
    tpu.enqueue_dma source(%dma_start3A_282 : memref<8x128xf32, #tpu.memory_space<hbm>>) target(%dma_start3A_280 : memref<8x128xf32, #tpu.memory_space<vmem>>) target_semaphore(%arg9 : memref<!tpu.dma_semaphore, #tpu.memory_space<semaphore_mem>>)
    %slice3A_283 = vector.extract_strided_slice %shift_left3A_11 {offsets = [5], sizes = [1], strides = [1]} : vector<16xi32> to vector<1xi32>
    %squeeze3A_284 = vector.extract %slice3A_283[0] : i32 from vector<1xi32>
    %multiple_of3A_285 = tpu.assume_multiple %squeeze3A_284, 128 : i32
    %dma_start3A_286 = arith.constant 5 : i32
    %dma_start3A_287 = arith.constant 0 : i32
    %dma_start3A_288 = arith.constant 0 : i32
    %dma_start3A_289 = tpu.memref_slice %arg6[%dma_start3A_286, %dma_start3A_287, %dma_start3A_288] : memref<8x32x128xf32, #tpu.memory_space<vmem>> -> memref<1x8x128xf32, #tpu.memory_space<vmem>>
    %dma_start3A_290 = tpu.memref_squeeze %dma_start3A_289 : memref<1x8x128xf32, #tpu.memory_space<vmem>> -> memref<8x128xf32, #tpu.memory_space<vmem>>
    %dma_start3A_291 = arith.constant 0 : i32
    %dma_start3A_292 = tpu.memref_slice %arg3[%dma_start3A_291, %multiple_of3A_285] : memref<32x1000000xf32, #tpu.memory_space<hbm>> -> memref<8x128xf32, #tpu.memory_space<hbm>>
    %dma_start3A_293 = arith.constant 0 : i32
    %dma_start3A_294 = arith.constant 0 : i32
    %dma_start3A_295 = tpu.memref_slice %arg6[%dma_start3A_286, %dma_start3A_293, %dma_start3A_294] : memref<8x32x128xf32, #tpu.memory_space<vmem>> -> memref<1x8x128xf32, #tpu.memory_space<vmem>>
    %dma_start3A_296 = tpu.memref_squeeze %dma_start3A_295 : memref<1x8x128xf32, #tpu.memory_space<vmem>> -> memref<8x128xf32, #tpu.memory_space<vmem>>
    %dma_start3A_297 = arith.constant 0 : i32
    %dma_start3A_298 = tpu.memref_slice %arg3[%dma_start3A_297, %multiple_of3A_285] : memref<32x1000000xf32, #tpu.memory_space<hbm>> -> memref<8x128xf32, #tpu.memory_space<hbm>>
    tpu.enqueue_dma source(%dma_start3A_298 : memref<8x128xf32, #tpu.memory_space<hbm>>) target(%dma_start3A_296 : memref<8x128xf32, #tpu.memory_space<vmem>>) target_semaphore(%arg9 : memref<!tpu.dma_semaphore, #tpu.memory_space<semaphore_mem>>)
    %dma_start3A_299 = arith.constant 5 : i32
    %dma_start3A_300 = arith.constant 8 : i32
    %dma_start3A_301 = arith.constant 0 : i32
    %dma_start3A_302 = tpu.memref_slice %arg6[%dma_start3A_299, %dma_start3A_300, %dma_start3A_301] : memref<8x32x128xf32, #tpu.memory_space<vmem>> -> memref<1x8x128xf32, #tpu.memory_space<vmem>>
    %dma_start3A_303 = tpu.memref_squeeze %dma_start3A_302 : memref<1x8x128xf32, #tpu.memory_space<vmem>> -> memref<8x128xf32, #tpu.memory_space<vmem>>
    %dma_start3A_304 = arith.constant 8 : i32
    %dma_start3A_305 = tpu.memref_slice %arg3[%dma_start3A_304, %multiple_of3A_285] : memref<32x1000000xf32, #tpu.memory_space<hbm>> -> memref<8x128xf32, #tpu.memory_space<hbm>>
    %dma_start3A_306 = arith.constant 8 : i32
    %dma_start3A_307 = arith.constant 0 : i32
    %dma_start3A_308 = tpu.memref_slice %arg6[%dma_start3A_299, %dma_start3A_306, %dma_start3A_307] : memref<8x32x128xf32, #tpu.memory_space<vmem>> -> memref<1x8x128xf32, #tpu.memory_space<vmem>>
    %dma_start3A_309 = tpu.memref_squeeze %dma_start3A_308 : memref<1x8x128xf32, #tpu.memory_space<vmem>> -> memref<8x128xf32, #tpu.memory_space<vmem>>
    %dma_start3A_310 = arith.constant 8 : i32
    %dma_start3A_311 = tpu.memref_slice %arg3[%dma_start3A_310, %multiple_of3A_285] : memref<32x1000000xf32, #tpu.memory_space<hbm>> -> memref<8x128xf32, #tpu.memory_space<hbm>>
    tpu.enqueue_dma source(%dma_start3A_311 : memref<8x128xf32, #tpu.memory_space<hbm>>) target(%dma_start3A_309 : memref<8x128xf32, #tpu.memory_space<vmem>>) target_semaphore(%arg9 : memref<!tpu.dma_semaphore, #tpu.memory_space<semaphore_mem>>)
    %dma_start3A_312 = arith.constant 5 : i32
    %dma_start3A_313 = arith.constant 16 : i32
    %dma_start3A_314 = arith.constant 0 : i32
    %dma_start3A_315 = tpu.memref_slice %arg6[%dma_start3A_312, %dma_start3A_313, %dma_start3A_314] : memref<8x32x128xf32, #tpu.memory_space<vmem>> -> memref<1x8x128xf32, #tpu.memory_space<vmem>>
    %dma_start3A_316 = tpu.memref_squeeze %dma_start3A_315 : memref<1x8x128xf32, #tpu.memory_space<vmem>> -> memref<8x128xf32, #tpu.memory_space<vmem>>
    %dma_start3A_317 = arith.constant 16 : i32
    %dma_start3A_318 = tpu.memref_slice %arg3[%dma_start3A_317, %multiple_of3A_285] : memref<32x1000000xf32, #tpu.memory_space<hbm>> -> memref<8x128xf32, #tpu.memory_space<hbm>>
    %dma_start3A_319 = arith.constant 16 : i32
    %dma_start3A_320 = arith.constant 0 : i32
    %dma_start3A_321 = tpu.memref_slice %arg6[%dma_start3A_312, %dma_start3A_319, %dma_start3A_320] : memref<8x32x128xf32, #tpu.memory_space<vmem>> -> memref<1x8x128xf32, #tpu.memory_space<vmem>>
    %dma_start3A_322 = tpu.memref_squeeze %dma_start3A_321 : memref<1x8x128xf32, #tpu.memory_space<vmem>> -> memref<8x128xf32, #tpu.memory_space<vmem>>
    %dma_start3A_323 = arith.constant 16 : i32
    %dma_start3A_324 = tpu.memref_slice %arg3[%dma_start3A_323, %multiple_of3A_285] : memref<32x1000000xf32, #tpu.memory_space<hbm>> -> memref<8x128xf32, #tpu.memory_space<hbm>>
    tpu.enqueue_dma source(%dma_start3A_324 : memref<8x128xf32, #tpu.memory_space<hbm>>) target(%dma_start3A_322 : memref<8x128xf32, #tpu.memory_space<vmem>>) target_semaphore(%arg9 : memref<!tpu.dma_semaphore, #tpu.memory_space<semaphore_mem>>)
    %dma_start3A_325 = arith.constant 5 : i32
    %dma_start3A_326 = arith.constant 24 : i32
    %dma_start3A_327 = arith.constant 0 : i32
    %dma_start3A_328 = tpu.memref_slice %arg6[%dma_start3A_325, %dma_start3A_326, %dma_start3A_327] : memref<8x32x128xf32, #tpu.memory_space<vmem>> -> memref<1x8x128xf32, #tpu.memory_space<vmem>>
    %dma_start3A_329 = tpu.memref_squeeze %dma_start3A_328 : memref<1x8x128xf32, #tpu.memory_space<vmem>> -> memref<8x128xf32, #tpu.memory_space<vmem>>
    %dma_start3A_330 = arith.constant 24 : i32
    %dma_start3A_331 = tpu.memref_slice %arg3[%dma_start3A_330, %multiple_of3A_285] : memref<32x1000000xf32, #tpu.memory_space<hbm>> -> memref<8x128xf32, #tpu.memory_space<hbm>>
    %dma_start3A_332 = arith.constant 24 : i32
    %dma_start3A_333 = arith.constant 0 : i32
    %dma_start3A_334 = tpu.memref_slice %arg6[%dma_start3A_325, %dma_start3A_332, %dma_start3A_333] : memref<8x32x128xf32, #tpu.memory_space<vmem>> -> memref<1x8x128xf32, #tpu.memory_space<vmem>>
    %dma_start3A_335 = tpu.memref_squeeze %dma_start3A_334 : memref<1x8x128xf32, #tpu.memory_space<vmem>> -> memref<8x128xf32, #tpu.memory_space<vmem>>
    %dma_start3A_336 = arith.constant 24 : i32
    %dma_start3A_337 = tpu.memref_slice %arg3[%dma_start3A_336, %multiple_of3A_285] : memref<32x1000000xf32, #tpu.memory_space<hbm>> -> memref<8x128xf32, #tpu.memory_space<hbm>>
    tpu.enqueue_dma source(%dma_start3A_337 : memref<8x128xf32, #tpu.memory_space<hbm>>) target(%dma_start3A_335 : memref<8x128xf32, #tpu.memory_space<vmem>>) target_semaphore(%arg9 : memref<!tpu.dma_semaphore, #tpu.memory_space<semaphore_mem>>)
    %slice3A_338 = vector.extract_strided_slice %shift_left3A_11 {offsets = [6], sizes = [1], strides = [1]} : vector<16xi32> to vector<1xi32>
    %squeeze3A_339 = vector.extract %slice3A_338[0] : i32 from vector<1xi32>
    %multiple_of3A_340 = tpu.assume_multiple %squeeze3A_339, 128 : i32
    %dma_start3A_341 = arith.constant 6 : i32
    %dma_start3A_342 = arith.constant 0 : i32
    %dma_start3A_343 = arith.constant 0 : i32
    %dma_start3A_344 = tpu.memref_slice %arg6[%dma_start3A_341, %dma_start3A_342, %dma_start3A_343] : memref<8x32x128xf32, #tpu.memory_space<vmem>> -> memref<1x8x128xf32, #tpu.memory_space<vmem>>
    %dma_start3A_345 = tpu.memref_squeeze %dma_start3A_344 : memref<1x8x128xf32, #tpu.memory_space<vmem>> -> memref<8x128xf32, #tpu.memory_space<vmem>>
    %dma_start3A_346 = arith.constant 0 : i32
    %dma_start3A_347 = tpu.memref_slice %arg3[%dma_start3A_346, %multiple_of3A_340] : memref<32x1000000xf32, #tpu.memory_space<hbm>> -> memref<8x128xf32, #tpu.memory_space<hbm>>
    %dma_start3A_348 = arith.constant 0 : i32
    %dma_start3A_349 = arith.constant 0 : i32
    %dma_start3A_350 = tpu.memref_slice %arg6[%dma_start3A_341, %dma_start3A_348, %dma_start3A_349] : memref<8x32x128xf32, #tpu.memory_space<vmem>> -> memref<1x8x128xf32, #tpu.memory_space<vmem>>
    %dma_start3A_351 = tpu.memref_squeeze %dma_start3A_350 : memref<1x8x128xf32, #tpu.memory_space<vmem>> -> memref<8x128xf32, #tpu.memory_space<vmem>>
    %dma_start3A_352 = arith.constant 0 : i32
    %dma_start3A_353 = tpu.memref_slice %arg3[%dma_start3A_352, %multiple_of3A_340] : memref<32x1000000xf32, #tpu.memory_space<hbm>> -> memref<8x128xf32, #tpu.memory_space<hbm>>
    tpu.enqueue_dma source(%dma_start3A_353 : memref<8x128xf32, #tpu.memory_space<hbm>>) target(%dma_start3A_351 : memref<8x128xf32, #tpu.memory_space<vmem>>) target_semaphore(%arg9 : memref<!tpu.dma_semaphore, #tpu.memory_space<semaphore_mem>>)
    %dma_start3A_354 = arith.constant 6 : i32
    %dma_start3A_355 = arith.constant 8 : i32
    %dma_start3A_356 = arith.constant 0 : i32
    %dma_start3A_357 = tpu.memref_slice %arg6[%dma_start3A_354, %dma_start3A_355, %dma_start3A_356] : memref<8x32x128xf32, #tpu.memory_space<vmem>> -> memref<1x8x128xf32, #tpu.memory_space<vmem>>
    %dma_start3A_358 = tpu.memref_squeeze %dma_start3A_357 : memref<1x8x128xf32, #tpu.memory_space<vmem>> -> memref<8x128xf32, #tpu.memory_space<vmem>>
    %dma_start3A_359 = arith.constant 8 : i32
    %dma_start3A_360 = tpu.memref_slice %arg3[%dma_start3A_359, %multiple_of3A_340] : memref<32x1000000xf32, #tpu.memory_space<hbm>> -> memref<8x128xf32, #tpu.memory_space<hbm>>
    %dma_start3A_361 = arith.constant 8 : i32
    %dma_start3A_362 = arith.constant 0 : i32
    %dma_start3A_363 = tpu.memref_slice %arg6[%dma_start3A_354, %dma_start3A_361, %dma_start3A_362] : memref<8x32x128xf32, #tpu.memory_space<vmem>> -> memref<1x8x128xf32, #tpu.memory_space<vmem>>
    %dma_start3A_364 = tpu.memref_squeeze %dma_start3A_363 : memref<1x8x128xf32, #tpu.memory_space<vmem>> -> memref<8x128xf32, #tpu.memory_space<vmem>>
    %dma_start3A_365 = arith.constant 8 : i32
    %dma_start3A_366 = tpu.memref_slice %arg3[%dma_start3A_365, %multiple_of3A_340] : memref<32x1000000xf32, #tpu.memory_space<hbm>> -> memref<8x128xf32, #tpu.memory_space<hbm>>
    tpu.enqueue_dma source(%dma_start3A_366 : memref<8x128xf32, #tpu.memory_space<hbm>>) target(%dma_start3A_364 : memref<8x128xf32, #tpu.memory_space<vmem>>) target_semaphore(%arg9 : memref<!tpu.dma_semaphore, #tpu.memory_space<semaphore_mem>>)
    %dma_start3A_367 = arith.constant 6 : i32
    %dma_start3A_368 = arith.constant 16 : i32
    %dma_start3A_369 = arith.constant 0 : i32
    %dma_start3A_370 = tpu.memref_slice %arg6[%dma_start3A_367, %dma_start3A_368, %dma_start3A_369] : memref<8x32x128xf32, #tpu.memory_space<vmem>> -> memref<1x8x128xf32, #tpu.memory_space<vmem>>
    %dma_start3A_371 = tpu.memref_squeeze %dma_start3A_370 : memref<1x8x128xf32, #tpu.memory_space<vmem>> -> memref<8x128xf32, #tpu.memory_space<vmem>>
    %dma_start3A_372 = arith.constant 16 : i32
    %dma_start3A_373 = tpu.memref_slice %arg3[%dma_start3A_372, %multiple_of3A_340] : memref<32x1000000xf32, #tpu.memory_space<hbm>> -> memref<8x128xf32, #tpu.memory_space<hbm>>
    %dma_start3A_374 = arith.constant 16 : i32
    %dma_start3A_375 = arith.constant 0 : i32
    %dma_start3A_376 = tpu.memref_slice %arg6[%dma_start3A_367, %dma_start3A_374, %dma_start3A_375] : memref<8x32x128xf32, #tpu.memory_space<vmem>> -> memref<1x8x128xf32, #tpu.memory_space<vmem>>
    %dma_start3A_377 = tpu.memref_squeeze %dma_start3A_376 : memref<1x8x128xf32, #tpu.memory_space<vmem>> -> memref<8x128xf32, #tpu.memory_space<vmem>>
    %dma_start3A_378 = arith.constant 16 : i32
    %dma_start3A_379 = tpu.memref_slice %arg3[%dma_start3A_378, %multiple_of3A_340] : memref<32x1000000xf32, #tpu.memory_space<hbm>> -> memref<8x128xf32, #tpu.memory_space<hbm>>
    tpu.enqueue_dma source(%dma_start3A_379 : memref<8x128xf32, #tpu.memory_space<hbm>>) target(%dma_start3A_377 : memref<8x128xf32, #tpu.memory_space<vmem>>) target_semaphore(%arg9 : memref<!tpu.dma_semaphore, #tpu.memory_space<semaphore_mem>>)
    %dma_start3A_380 = arith.constant 6 : i32
    %dma_start3A_381 = arith.constant 24 : i32
    %dma_start3A_382 = arith.constant 0 : i32
    %dma_start3A_383 = tpu.memref_slice %arg6[%dma_start3A_380, %dma_start3A_381, %dma_start3A_382] : memref<8x32x128xf32, #tpu.memory_space<vmem>> -> memref<1x8x128xf32, #tpu.memory_space<vmem>>
    %dma_start3A_384 = tpu.memref_squeeze %dma_start3A_383 : memref<1x8x128xf32, #tpu.memory_space<vmem>> -> memref<8x128xf32, #tpu.memory_space<vmem>>
    %dma_start3A_385 = arith.constant 24 : i32
    %dma_start3A_386 = tpu.memref_slice %arg3[%dma_start3A_385, %multiple_of3A_340] : memref<32x1000000xf32, #tpu.memory_space<hbm>> -> memref<8x128xf32, #tpu.memory_space<hbm>>
    %dma_start3A_387 = arith.constant 24 : i32
    %dma_start3A_388 = arith.constant 0 : i32
    %dma_start3A_389 = tpu.memref_slice %arg6[%dma_start3A_380, %dma_start3A_387, %dma_start3A_388] : memref<8x32x128xf32, #tpu.memory_space<vmem>> -> memref<1x8x128xf32, #tpu.memory_space<vmem>>
    %dma_start3A_390 = tpu.memref_squeeze %dma_start3A_389 : memref<1x8x128xf32, #tpu.memory_space<vmem>> -> memref<8x128xf32, #tpu.memory_space<vmem>>
    %dma_start3A_391 = arith.constant 24 : i32
    %dma_start3A_392 = tpu.memref_slice %arg3[%dma_start3A_391, %multiple_of3A_340] : memref<32x1000000xf32, #tpu.memory_space<hbm>> -> memref<8x128xf32, #tpu.memory_space<hbm>>
    tpu.enqueue_dma source(%dma_start3A_392 : memref<8x128xf32, #tpu.memory_space<hbm>>) target(%dma_start3A_390 : memref<8x128xf32, #tpu.memory_space<vmem>>) target_semaphore(%arg9 : memref<!tpu.dma_semaphore, #tpu.memory_space<semaphore_mem>>)
    %slice3A_393 = vector.extract_strided_slice %shift_left3A_11 {offsets = [7], sizes = [1], strides = [1]} : vector<16xi32> to vector<1xi32>
    %squeeze3A_394 = vector.extract %slice3A_393[0] : i32 from vector<1xi32>
    %multiple_of3A_395 = tpu.assume_multiple %squeeze3A_394, 128 : i32
    %dma_start3A_396 = arith.constant 7 : i32
    %dma_start3A_397 = arith.constant 0 : i32
    %dma_start3A_398 = arith.constant 0 : i32
    %dma_start3A_399 = tpu.memref_slice %arg6[%dma_start3A_396, %dma_start3A_397, %dma_start3A_398] : memref<8x32x128xf32, #tpu.memory_space<vmem>> -> memref<1x8x128xf32, #tpu.memory_space<vmem>>
    %dma_start3A_400 = tpu.memref_squeeze %dma_start3A_399 : memref<1x8x128xf32, #tpu.memory_space<vmem>> -> memref<8x128xf32, #tpu.memory_space<vmem>>
    %dma_start3A_401 = arith.constant 0 : i32
    %dma_start3A_402 = tpu.memref_slice %arg3[%dma_start3A_401, %multiple_of3A_395] : memref<32x1000000xf32, #tpu.memory_space<hbm>> -> memref<8x128xf32, #tpu.memory_space<hbm>>
    %dma_start3A_403 = arith.constant 0 : i32
    %dma_start3A_404 = arith.constant 0 : i32
    %dma_start3A_405 = tpu.memref_slice %arg6[%dma_start3A_396, %dma_start3A_403, %dma_start3A_404] : memref<8x32x128xf32, #tpu.memory_space<vmem>> -> memref<1x8x128xf32, #tpu.memory_space<vmem>>
    %dma_start3A_406 = tpu.memref_squeeze %dma_start3A_405 : memref<1x8x128xf32, #tpu.memory_space<vmem>> -> memref<8x128xf32, #tpu.memory_space<vmem>>
    %dma_start3A_407 = arith.constant 0 : i32
    %dma_start3A_408 = tpu.memref_slice %arg3[%dma_start3A_407, %multiple_of3A_395] : memref<32x1000000xf32, #tpu.memory_space<hbm>> -> memref<8x128xf32, #tpu.memory_space<hbm>>
    tpu.enqueue_dma source(%dma_start3A_408 : memref<8x128xf32, #tpu.memory_space<hbm>>) target(%dma_start3A_406 : memref<8x128xf32, #tpu.memory_space<vmem>>) target_semaphore(%arg9 : memref<!tpu.dma_semaphore, #tpu.memory_space<semaphore_mem>>)
    %dma_start3A_409 = arith.constant 7 : i32
    %dma_start3A_410 = arith.constant 8 : i32
    %dma_start3A_411 = arith.constant 0 : i32
    %dma_start3A_412 = tpu.memref_slice %arg6[%dma_start3A_409, %dma_start3A_410, %dma_start3A_411] : memref<8x32x128xf32, #tpu.memory_space<vmem>> -> memref<1x8x128xf32, #tpu.memory_space<vmem>>
    %dma_start3A_413 = tpu.memref_squeeze %dma_start3A_412 : memref<1x8x128xf32, #tpu.memory_space<vmem>> -> memref<8x128xf32, #tpu.memory_space<vmem>>
    %dma_start3A_414 = arith.constant 8 : i32
    %dma_start3A_415 = tpu.memref_slice %arg3[%dma_start3A_414, %multiple_of3A_395] : memref<32x1000000xf32, #tpu.memory_space<hbm>> -> memref<8x128xf32, #tpu.memory_space<hbm>>
    %dma_start3A_416 = arith.constant 8 : i32
    %dma_start3A_417 = arith.constant 0 : i32
    %dma_start3A_418 = tpu.memref_slice %arg6[%dma_start3A_409, %dma_start3A_416, %dma_start3A_417] : memref<8x32x128xf32, #tpu.memory_space<vmem>> -> memref<1x8x128xf32, #tpu.memory_space<vmem>>
    %dma_start3A_419 = tpu.memref_squeeze %dma_start3A_418 : memref<1x8x128xf32, #tpu.memory_space<vmem>> -> memref<8x128xf32, #tpu.memory_space<vmem>>
    %dma_start3A_420 = arith.constant 8 : i32
    %dma_start3A_421 = tpu.memref_slice %arg3[%dma_start3A_420, %multiple_of3A_395] : memref<32x1000000xf32, #tpu.memory_space<hbm>> -> memref<8x128xf32, #tpu.memory_space<hbm>>
    tpu.enqueue_dma source(%dma_start3A_421 : memref<8x128xf32, #tpu.memory_space<hbm>>) target(%dma_start3A_419 : memref<8x128xf32, #tpu.memory_space<vmem>>) target_semaphore(%arg9 : memref<!tpu.dma_semaphore, #tpu.memory_space<semaphore_mem>>)
    %dma_start3A_422 = arith.constant 7 : i32
    %dma_start3A_423 = arith.constant 16 : i32
    %dma_start3A_424 = arith.constant 0 : i32
    %dma_start3A_425 = tpu.memref_slice %arg6[%dma_start3A_422, %dma_start3A_423, %dma_start3A_424] : memref<8x32x128xf32, #tpu.memory_space<vmem>> -> memref<1x8x128xf32, #tpu.memory_space<vmem>>
    %dma_start3A_426 = tpu.memref_squeeze %dma_start3A_425 : memref<1x8x128xf32, #tpu.memory_space<vmem>> -> memref<8x128xf32, #tpu.memory_space<vmem>>
    %dma_start3A_427 = arith.constant 16 : i32
    %dma_start3A_428 = tpu.memref_slice %arg3[%dma_start3A_427, %multiple_of3A_395] : memref<32x1000000xf32, #tpu.memory_space<hbm>> -> memref<8x128xf32, #tpu.memory_space<hbm>>
    %dma_start3A_429 = arith.constant 16 : i32
    %dma_start3A_430 = arith.constant 0 : i32
    %dma_start3A_431 = tpu.memref_slice %arg6[%dma_start3A_422, %dma_start3A_429, %dma_start3A_430] : memref<8x32x128xf32, #tpu.memory_space<vmem>> -> memref<1x8x128xf32, #tpu.memory_space<vmem>>
    %dma_start3A_432 = tpu.memref_squeeze %dma_start3A_431 : memref<1x8x128xf32, #tpu.memory_space<vmem>> -> memref<8x128xf32, #tpu.memory_space<vmem>>
    %dma_start3A_433 = arith.constant 16 : i32
    %dma_start3A_434 = tpu.memref_slice %arg3[%dma_start3A_433, %multiple_of3A_395] : memref<32x1000000xf32, #tpu.memory_space<hbm>> -> memref<8x128xf32, #tpu.memory_space<hbm>>
    tpu.enqueue_dma source(%dma_start3A_434 : memref<8x128xf32, #tpu.memory_space<hbm>>) target(%dma_start3A_432 : memref<8x128xf32, #tpu.memory_space<vmem>>) target_semaphore(%arg9 : memref<!tpu.dma_semaphore, #tpu.memory_space<semaphore_mem>>)
    %dma_start3A_435 = arith.constant 7 : i32
    %dma_start3A_436 = arith.constant 24 : i32
    %dma_start3A_437 = arith.constant 0 : i32
    %dma_start3A_438 = tpu.memref_slice %arg6[%dma_start3A_435, %dma_start3A_436, %dma_start3A_437] : memref<8x32x128xf32, #tpu.memory_space<vmem>> -> memref<1x8x128xf32, #tpu.memory_space<vmem>>
    %dma_start3A_439 = tpu.memref_squeeze %dma_start3A_438 : memref<1x8x128xf32, #tpu.memory_space<vmem>> -> memref<8x128xf32, #tpu.memory_space<vmem>>
    %dma_start3A_440 = arith.constant 24 : i32
    %dma_start3A_441 = tpu.memref_slice %arg3[%dma_start3A_440, %multiple_of3A_395] : memref<32x1000000xf32, #tpu.memory_space<hbm>> -> memref<8x128xf32, #tpu.memory_space<hbm>>
    %dma_start3A_442 = arith.constant 24 : i32
    %dma_start3A_443 = arith.constant 0 : i32
    %dma_start3A_444 = tpu.memref_slice %arg6[%dma_start3A_435, %dma_start3A_442, %dma_start3A_443] : memref<8x32x128xf32, #tpu.memory_space<vmem>> -> memref<1x8x128xf32, #tpu.memory_space<vmem>>
    %dma_start3A_445 = tpu.memref_squeeze %dma_start3A_444 : memref<1x8x128xf32, #tpu.memory_space<vmem>> -> memref<8x128xf32, #tpu.memory_space<vmem>>
    %dma_start3A_446 = arith.constant 24 : i32
    %dma_start3A_447 = tpu.memref_slice %arg3[%dma_start3A_446, %multiple_of3A_395] : memref<32x1000000xf32, #tpu.memory_space<hbm>> -> memref<8x128xf32, #tpu.memory_space<hbm>>
    tpu.enqueue_dma source(%dma_start3A_447 : memref<8x128xf32, #tpu.memory_space<hbm>>) target(%dma_start3A_445 : memref<8x128xf32, #tpu.memory_space<vmem>>) target_semaphore(%arg9 : memref<!tpu.dma_semaphore, #tpu.memory_space<semaphore_mem>>)
    %get3A_448 = arith.constant 8 : index
    %get3A_449 = tpu.vector_load %arg5[%get3A_448] {strides = array<i32>} : memref<528xi32, #tpu.memory_space<vmem>>, vector<16xi32>,
    %shift_right_arithmetic3A_450 = arith.constant 7 : i32
    %shift_right_arithmetic3A_451 = vector.broadcast %shift_right_arithmetic3A_450 : i32 to vector<16xi32>
    %shift_right_arithmetic3A_452 = arith.shrsi %get3A_449, %shift_right_arithmetic3A_451 : vector<16xi32>
    %shift_left3A_453 = arith.constant 7 : i32
    %shift_left3A_454 = vector.broadcast %shift_left3A_453 : i32 to vector<16xi32>
    %shift_left3A_455 = arith.shli %shift_right_arithmetic3A_452, %shift_left3A_454 : vector<16xi32>
    %slice3A_456 = vector.extract_strided_slice %shift_left3A_455 {offsets = [0], sizes = [1], strides = [1]} : vector<16xi32> to vector<1xi32>
    %squeeze3A_457 = vector.extract %slice3A_456[0] : i32 from vector<1xi32>
    %multiple_of3A_458 = tpu.assume_multiple %squeeze3A_457, 128 : i32
    %dma_start3A_459 = arith.constant 0 : i32
    %dma_start3A_460 = arith.constant 0 : i32
    %dma_start3A_461 = arith.constant 0 : i32
    %dma_start3A_462 = tpu.memref_slice %arg7[%dma_start3A_459, %dma_start3A_460, %dma_start3A_461] : memref<8x32x128xf32, #tpu.memory_space<vmem>> -> memref<1x8x128xf32, #tpu.memory_space<vmem>>
    %dma_start3A_463 = tpu.memref_squeeze %dma_start3A_462 : memref<1x8x128xf32, #tpu.memory_space<vmem>> -> memref<8x128xf32, #tpu.memory_space<vmem>>
    %dma_start3A_464 = arith.constant 0 : i32
    %dma_start3A_465 = tpu.memref_slice %arg3[%dma_start3A_464, %multiple_of3A_458] : memref<32x1000000xf32, #tpu.memory_space<hbm>> -> memref<8x128xf32, #tpu.memory_space<hbm>>
    %dma_start3A_466 = arith.constant 0 : i32
    %dma_start3A_467 = arith.constant 0 : i32
    %dma_start3A_468 = tpu.memref_slice %arg7[%dma_start3A_459, %dma_start3A_466, %dma_start3A_467] : memref<8x32x128xf32, #tpu.memory_space<vmem>> -> memref<1x8x128xf32, #tpu.memory_space<vmem>>
    %dma_start3A_469 = tpu.memref_squeeze %dma_start3A_468 : memref<1x8x128xf32, #tpu.memory_space<vmem>> -> memref<8x128xf32, #tpu.memory_space<vmem>>
    %dma_start3A_470 = arith.constant 0 : i32
    %dma_start3A_471 = tpu.memref_slice %arg3[%dma_start3A_470, %multiple_of3A_458] : memref<32x1000000xf32, #tpu.memory_space<hbm>> -> memref<8x128xf32, #tpu.memory_space<hbm>>
    tpu.enqueue_dma source(%dma_start3A_471 : memref<8x128xf32, #tpu.memory_space<hbm>>) target(%dma_start3A_469 : memref<8x128xf32, #tpu.memory_space<vmem>>) target_semaphore(%arg10 : memref<!tpu.dma_semaphore, #tpu.memory_space<semaphore_mem>>)
    %dma_start3A_472 = arith.constant 0 : i32
    %dma_start3A_473 = arith.constant 8 : i32
    %dma_start3A_474 = arith.constant 0 : i32
    %dma_start3A_475 = tpu.memref_slice %arg7[%dma_start3A_472, %dma_start3A_473, %dma_start3A_474] : memref<8x32x128xf32, #tpu.memory_space<vmem>> -> memref<1x8x128xf32, #tpu.memory_space<vmem>>
    %dma_start3A_476 = tpu.memref_squeeze %dma_start3A_475 : memref<1x8x128xf32, #tpu.memory_space<vmem>> -> memref<8x128xf32, #tpu.memory_space<vmem>>
    %dma_start3A_477 = arith.constant 8 : i32
    %dma_start3A_478 = tpu.memref_slice %arg3[%dma_start3A_477, %multiple_of3A_458] : memref<32x1000000xf32, #tpu.memory_space<hbm>> -> memref<8x128xf32, #tpu.memory_space<hbm>>
    %dma_start3A_479 = arith.constant 8 : i32
    %dma_start3A_480 = arith.constant 0 : i32
    %dma_start3A_481 = tpu.memref_slice %arg7[%dma_start3A_472, %dma_start3A_479, %dma_start3A_480] : memref<8x32x128xf32, #tpu.memory_space<vmem>> -> memref<1x8x128xf32, #tpu.memory_space<vmem>>
    %dma_start3A_482 = tpu.memref_squeeze %dma_start3A_481 : memref<1x8x128xf32, #tpu.memory_space<vmem>> -> memref<8x128xf32, #tpu.memory_space<vmem>>
    %dma_start3A_483 = arith.constant 8 : i32
    %dma_start3A_484 = tpu.memref_slice %arg3[%dma_start3A_483, %multiple_of3A_458] : memref<32x1000000xf32, #tpu.memory_space<hbm>> -> memref<8x128xf32, #tpu.memory_space<hbm>>
    tpu.enqueue_dma source(%dma_start3A_484 : memref<8x128xf32, #tpu.memory_space<hbm>>) target(%dma_start3A_482 : memref<8x128xf32, #tpu.memory_space<vmem>>) target_semaphore(%arg10 : memref<!tpu.dma_semaphore, #tpu.memory_space<semaphore_mem>>)
    %dma_start3A_485 = arith.constant 0 : i32
    %dma_start3A_486 = arith.constant 16 : i32
    %dma_start3A_487 = arith.constant 0 : i32
    %dma_start3A_488 = tpu.memref_slice %arg7[%dma_start3A_485, %dma_start3A_486, %dma_start3A_487] : memref<8x32x128xf32, #tpu.memory_space<vmem>> -> memref<1x8x128xf32, #tpu.memory_space<vmem>>
    %dma_start3A_489 = tpu.memref_squeeze %dma_start3A_488 : memref<1x8x128xf32, #tpu.memory_space<vmem>> -> memref<8x128xf32, #tpu.memory_space<vmem>>
    %dma_start3A_490 = arith.constant 16 : i32
    %dma_start3A_491 = tpu.memref_slice %arg3[%dma_start3A_490, %multiple_of3A_458] : memref<32x1000000xf32, #tpu.memory_space<hbm>> -> memref<8x128xf32, #tpu.memory_space<hbm>>
    %dma_start3A_492 = arith.constant 16 : i32
    %dma_start3A_493 = arith.constant 0 : i32
    %dma_start3A_494 = tpu.memref_slice %arg7[%dma_start3A_485, %dma_start3A_492, %dma_start3A_493] : memref<8x32x128xf32, #tpu.memory_space<vmem>> -> memref<1x8x128xf32, #tpu.memory_space<vmem>>
    %dma_start3A_495 = tpu.memref_squeeze %dma_start3A_494 : memref<1x8x128xf32, #tpu.memory_space<vmem>> -> memref<8x128xf32, #tpu.memory_space<vmem>>
    %dma_start3A_496 = arith.constant 16 : i32
    %dma_start3A_497 = tpu.memref_slice %arg3[%dma_start3A_496, %multiple_of3A_458] : memref<32x1000000xf32, #tpu.memory_space<hbm>> -> memref<8x128xf32, #tpu.memory_space<hbm>>
    tpu.enqueue_dma source(%dma_start3A_497 : memref<8x128xf32, #tpu.memory_space<hbm>>) target(%dma_start3A_495 : memref<8x128xf32, #tpu.memory_space<vmem>>) target_semaphore(%arg10 : memref<!tpu.dma_semaphore, #tpu.memory_space<semaphore_mem>>)
    %dma_start3A_498 = arith.constant 0 : i32
    %dma_start3A_499 = arith.constant 24 : i32
    %dma_start3A_500 = arith.constant 0 : i32
    %dma_start3A_501 = tpu.memref_slice %arg7[%dma_start3A_498, %dma_start3A_499, %dma_start3A_500] : memref<8x32x128xf32, #tpu.memory_space<vmem>> -> memref<1x8x128xf32, #tpu.memory_space<vmem>>
    %dma_start3A_502 = tpu.memref_squeeze %dma_start3A_501 : memref<1x8x128xf32, #tpu.memory_space<vmem>> -> memref<8x128xf32, #tpu.memory_space<vmem>>
    %dma_start3A_503 = arith.constant 24 : i32
    %dma_start3A_504 = tpu.memref_slice %arg3[%dma_start3A_503, %multiple_of3A_458] : memref<32x1000000xf32, #tpu.memory_space<hbm>> -> memref<8x128xf32, #tpu.memory_space<hbm>>
    %dma_start3A_505 = arith.constant 24 : i32
    %dma_start3A_506 = arith.constant 0 : i32
    %dma_start3A_507 = tpu.memref_slice %arg7[%dma_start3A_498, %dma_start3A_505, %dma_start3A_506] : memref<8x32x128xf32, #tpu.memory_space<vmem>> -> memref<1x8x128xf32, #tpu.memory_space<vmem>>
    %dma_start3A_508 = tpu.memref_squeeze %dma_start3A_507 : memref<1x8x128xf32, #tpu.memory_space<vmem>> -> memref<8x128xf32, #tpu.memory_space<vmem>>
    %dma_start3A_509 = arith.constant 24 : i32
    %dma_start3A_510 = tpu.memref_slice %arg3[%dma_start3A_509, %multiple_of3A_458] : memref<32x1000000xf32, #tpu.memory_space<hbm>> -> memref<8x128xf32, #tpu.memory_space<hbm>>
    tpu.enqueue_dma source(%dma_start3A_510 : memref<8x128xf32, #tpu.memory_space<hbm>>) target(%dma_start3A_508 : memref<8x128xf32, #tpu.memory_space<vmem>>) target_semaphore(%arg10 : memref<!tpu.dma_semaphore, #tpu.memory_space<semaphore_mem>>)
    %slice3A_511 = vector.extract_strided_slice %shift_left3A_455 {offsets = [1], sizes = [1], strides = [1]} : vector<16xi32> to vector<1xi32>
    %squeeze3A_512 = vector.extract %slice3A_511[0] : i32 from vector<1xi32>
    %multiple_of3A_513 = tpu.assume_multiple %squeeze3A_512, 128 : i32
    %dma_start3A_514 = arith.constant 1 : i32
    %dma_start3A_515 = arith.constant 0 : i32
    %dma_start3A_516 = arith.constant 0 : i32
    %dma_start3A_517 = tpu.memref_slice %arg7[%dma_start3A_514, %dma_start3A_515, %dma_start3A_516] : memref<8x32x128xf32, #tpu.memory_space<vmem>> -> memref<1x8x128xf32, #tpu.memory_space<vmem>>
    %dma_start3A_518 = tpu.memref_squeeze %dma_start3A_517 : memref<1x8x128xf32, #tpu.memory_space<vmem>> -> memref<8x128xf32, #tpu.memory_space<vmem>>
    %dma_start3A_519 = arith.constant 0 : i32
    %dma_start3A_520 = tpu.memref_slice %arg3[%dma_start3A_519, %multiple_of3A_513] : memref<32x1000000xf32, #tpu.memory_space<hbm>> -> memref<8x128xf32, #tpu.memory_space<hbm>>
    %dma_start3A_521 = arith.constant 0 : i32
    %dma_start3A_522 = arith.constant 0 : i32
    %dma_start3A_523 = tpu.memref_slice %arg7[%dma_start3A_514, %dma_start3A_521, %dma_start3A_522] : memref<8x32x128xf32, #tpu.memory_space<vmem>> -> memref<1x8x128xf32, #tpu.memory_space<vmem>>
    %dma_start3A_524 = tpu.memref_squeeze %dma_start3A_523 : memref<1x8x128xf32, #tpu.memory_space<vmem>> -> memref<8x128xf32, #tpu.memory_space<vmem>>
    %dma_start3A_525 = arith.constant 0 : i32
    %dma_start3A_526 = tpu.memref_slice %arg3[%dma_start3A_525, %multiple_of3A_513] : memref<32x1000000xf32, #tpu.memory_space<hbm>> -> memref<8x128xf32, #tpu.memory_space<hbm>>
    tpu.enqueue_dma source(%dma_start3A_526 : memref<8x128xf32, #tpu.memory_space<hbm>>) target(%dma_start3A_524 : memref<8x128xf32, #tpu.memory_space<vmem>>) target_semaphore(%arg10 : memref<!tpu.dma_semaphore, #tpu.memory_space<semaphore_mem>>)
    %dma_start3A_527 = arith.constant 1 : i32
    %dma_start3A_528 = arith.constant 8 : i32
    %dma_start3A_529 = arith.constant 0 : i32
    %dma_start3A_530 = tpu.memref_slice %arg7[%dma_start3A_527, %dma_start3A_528, %dma_start3A_529] : memref<8x32x128xf32, #tpu.memory_space<vmem>> -> memref<1x8x128xf32, #tpu.memory_space<vmem>>
    %dma_start3A_531 = tpu.memref_squeeze %dma_start3A_530 : memref<1x8x128xf32, #tpu.memory_space<vmem>> -> memref<8x128xf32, #tpu.memory_space<vmem>>
    %dma_start3A_532 = arith.constant 8 : i32
    %dma_start3A_533 = tpu.memref_slice %arg3[%dma_start3A_532, %multiple_of3A_513] : memref<32x1000000xf32, #tpu.memory_space<hbm>> -> memref<8x128xf32, #tpu.memory_space<hbm>>
    %dma_start3A_534 = arith.constant 8 : i32
    %dma_start3A_535 = arith.constant 0 : i32
    %dma_start3A_536 = tpu.memref_slice %arg7[%dma_start3A_527, %dma_start3A_534, %dma_start3A_535] : memref<8x32x128xf32, #tpu.memory_space<vmem>> -> memref<1x8x128xf32, #tpu.memory_space<vmem>>
    %dma_start3A_537 = tpu.memref_squeeze %dma_start3A_536 : memref<1x8x128xf32, #tpu.memory_space<vmem>> -> memref<8x128xf32, #tpu.memory_space<vmem>>
    %dma_start3A_538 = arith.constant 8 : i32
    %dma_start3A_539 = tpu.memref_slice %arg3[%dma_start3A_538, %multiple_of3A_513] : memref<32x1000000xf32, #tpu.memory_space<hbm>> -> memref<8x128xf32, #tpu.memory_space<hbm>>
    tpu.enqueue_dma source(%dma_start3A_539 : memref<8x128xf32, #tpu.memory_space<hbm>>) target(%dma_start3A_537 : memref<8x128xf32, #tpu.memory_space<vmem>>) target_semaphore(%arg10 : memref<!tpu.dma_semaphore, #tpu.memory_space<semaphore_mem>>)
    %dma_start3A_540 = arith.constant 1 : i32
    %dma_start3A_541 = arith.constant 16 : i32
    %dma_start3A_542 = arith.constant 0 : i32
    %dma_start3A_543 = tpu.memref_slice %arg7[%dma_start3A_540, %dma_start3A_541, %dma_start3A_542] : memref<8x32x128xf32, #tpu.memory_space<vmem>> -> memref<1x8x128xf32, #tpu.memory_space<vmem>>
    %dma_start3A_544 = tpu.memref_squeeze %dma_start3A_543 : memref<1x8x128xf32, #tpu.memory_space<vmem>> -> memref<8x128xf32, #tpu.memory_space<vmem>>
    %dma_start3A_545 = arith.constant 16 : i32
    %dma_start3A_546 = tpu.memref_slice %arg3[%dma_start3A_545, %multiple_of3A_513] : memref<32x1000000xf32, #tpu.memory_space<hbm>> -> memref<8x128xf32, #tpu.memory_space<hbm>>
    %dma_start3A_547 = arith.constant 16 : i32
    %dma_start3A_548 = arith.constant 0 : i32
    %dma_start3A_549 = tpu.memref_slice %arg7[%dma_start3A_540, %dma_start3A_547, %dma_start3A_548] : memref<8x32x128xf32, #tpu.memory_space<vmem>> -> memref<1x8x128xf32, #tpu.memory_space<vmem>>
    %dma_start3A_550 = tpu.memref_squeeze %dma_start3A_549 : memref<1x8x128xf32, #tpu.memory_space<vmem>> -> memref<8x128xf32, #tpu.memory_space<vmem>>
    %dma_start3A_551 = arith.constant 16 : i32
    %dma_start3A_552 = tpu.memref_slice %arg3[%dma_start3A_551, %multiple_of3A_513] : memref<32x1000000xf32, #tpu.memory_space<hbm>> -> memref<8x128xf32, #tpu.memory_space<hbm>>
    tpu.enqueue_dma source(%dma_start3A_552 : memref<8x128xf32, #tpu.memory_space<hbm>>) target(%dma_start3A_550 : memref<8x128xf32, #tpu.memory_space<vmem>>) target_semaphore(%arg10 : memref<!tpu.dma_semaphore, #tpu.memory_space<semaphore_mem>>)
    %dma_start3A_553 = arith.constant 1 : i32
    %dma_start3A_554 = arith.constant 24 : i32
    %dma_start3A_555 = arith.constant 0 : i32
    %dma_start3A_556 = tpu.memref_slice %arg7[%dma_start3A_553, %dma_start3A_554, %dma_start3A_555] : memref<8x32x128xf32, #tpu.memory_space<vmem>> -> memref<1x8x128xf32, #tpu.memory_space<vmem>>
    %dma_start3A_557 = tpu.memref_squeeze %dma_start3A_556 : memref<1x8x128xf32, #tpu.memory_space<vmem>> -> memref<8x128xf32, #tpu.memory_space<vmem>>
    %dma_start3A_558 = arith.constant 24 : i32
    %dma_start3A_559 = tpu.memref_slice %arg3[%dma_start3A_558, %multiple_of3A_513] : memref<32x1000000xf32, #tpu.memory_space<hbm>> -> memref<8x128xf32, #tpu.memory_space<hbm>>
    %dma_start3A_560 = arith.constant 24 : i32
    %dma_start3A_561 = arith.constant 0 : i32
    %dma_start3A_562 = tpu.memref_slice %arg7[%dma_start3A_553, %dma_start3A_560, %dma_start3A_561] : memref<8x32x128xf32, #tpu.memory_space<vmem>> -> memref<1x8x128xf32, #tpu.memory_space<vmem>>
    %dma_start3A_563 = tpu.memref_squeeze %dma_start3A_562 : memref<1x8x128xf32, #tpu.memory_space<vmem>> -> memref<8x128xf32, #tpu.memory_space<vmem>>
    %dma_start3A_564 = arith.constant 24 : i32
    %dma_start3A_565 = tpu.memref_slice %arg3[%dma_start3A_564, %multiple_of3A_513] : memref<32x1000000xf32, #tpu.memory_space<hbm>> -> memref<8x128xf32, #tpu.memory_space<hbm>>
    tpu.enqueue_dma source(%dma_start3A_565 : memref<8x128xf32, #tpu.memory_space<hbm>>) target(%dma_start3A_563 : memref<8x128xf32, #tpu.memory_space<vmem>>) target_semaphore(%arg10 : memref<!tpu.dma_semaphore, #tpu.memory_space<semaphore_mem>>)
    %slice3A_566 = vector.extract_strided_slice %shift_left3A_455 {offsets = [2], sizes = [1], strides = [1]} : vector<16xi32> to vector<1xi32>
    %squeeze3A_567 = vector.extract %slice3A_566[0] : i32 from vector<1xi32>
    %multiple_of3A_568 = tpu.assume_multiple %squeeze3A_567, 128 : i32
    %dma_start3A_569 = arith.constant 2 : i32
    %dma_start3A_570 = arith.constant 0 : i32
    %dma_start3A_571 = arith.constant 0 : i32
    %dma_start3A_572 = tpu.memref_slice %arg7[%dma_start3A_569, %dma_start3A_570, %dma_start3A_571] : memref<8x32x128xf32, #tpu.memory_space<vmem>> -> memref<1x8x128xf32, #tpu.memory_space<vmem>>
    %dma_start3A_573 = tpu.memref_squeeze %dma_start3A_572 : memref<1x8x128xf32, #tpu.memory_space<vmem>> -> memref<8x128xf32, #tpu.memory_space<vmem>>
    %dma_start3A_574 = arith.constant 0 : i32
    %dma_start3A_575 = tpu.memref_slice %arg3[%dma_start3A_574, %multiple_of3A_568] : memref<32x1000000xf32, #tpu.memory_space<hbm>> -> memref<8x128xf32, #tpu.memory_space<hbm>>
    %dma_start3A_576 = arith.constant 0 : i32
    %dma_start3A_577 = arith.constant 0 : i32
    %dma_start3A_578 = tpu.memref_slice %arg7[%dma_start3A_569, %dma_start3A_576, %dma_start3A_577] : memref<8x32x128xf32, #tpu.memory_space<vmem>> -> memref<1x8x128xf32, #tpu.memory_space<vmem>>
    %dma_start3A_579 = tpu.memref_squeeze %dma_start3A_578 : memref<1x8x128xf32, #tpu.memory_space<vmem>> -> memref<8x128xf32, #tpu.memory_space<vmem>>
    %dma_start3A_580 = arith.constant 0 : i32
    %dma_start3A_581 = tpu.memref_slice %arg3[%dma_start3A_580, %multiple_of3A_568] : memref<32x1000000xf32, #tpu.memory_space<hbm>> -> memref<8x128xf32, #tpu.memory_space<hbm>>
    tpu.enqueue_dma source(%dma_start3A_581 : memref<8x128xf32, #tpu.memory_space<hbm>>) target(%dma_start3A_579 : memref<8x128xf32, #tpu.memory_space<vmem>>) target_semaphore(%arg10 : memref<!tpu.dma_semaphore, #tpu.memory_space<semaphore_mem>>)
    %dma_start3A_582 = arith.constant 2 : i32
    %dma_start3A_583 = arith.constant 8 : i32
    %dma_start3A_584 = arith.constant 0 : i32
    %dma_start3A_585 = tpu.memref_slice %arg7[%dma_start3A_582, %dma_start3A_583, %dma_start3A_584] : memref<8x32x128xf32, #tpu.memory_space<vmem>> -> memref<1x8x128xf32, #tpu.memory_space<vmem>>
    %dma_start3A_586 = tpu.memref_squeeze %dma_start3A_585 : memref<1x8x128xf32, #tpu.memory_space<vmem>> -> memref<8x128xf32, #tpu.memory_space<vmem>>
    %dma_start3A_587 = arith.constant 8 : i32
    %dma_start3A_588 = tpu.memref_slice %arg3[%dma_start3A_587, %multiple_of3A_568] : memref<32x1000000xf32, #tpu.memory_space<hbm>> -> memref<8x128xf32, #tpu.memory_space<hbm>>
    %dma_start3A_589 = arith.constant 8 : i32
    %dma_start3A_590 = arith.constant 0 : i32
    %dma_start3A_591 = tpu.memref_slice %arg7[%dma_start3A_582, %dma_start3A_589, %dma_start3A_590] : memref<8x32x128xf32, #tpu.memory_space<vmem>> -> memref<1x8x128xf32, #tpu.memory_space<vmem>>
    %dma_start3A_592 = tpu.memref_squeeze %dma_start3A_591 : memref<1x8x128xf32, #tpu.memory_space<vmem>> -> memref<8x128xf32, #tpu.memory_space<vmem>>
    %dma_start3A_593 = arith.constant 8 : i32
    %dma_start3A_594 = tpu.memref_slice %arg3[%dma_start3A_593, %multiple_of3A_568] : memref<32x1000000xf32, #tpu.memory_space<hbm>> -> memref<8x128xf32, #tpu.memory_space<hbm>>
    tpu.enqueue_dma source(%dma_start3A_594 : memref<8x128xf32, #tpu.memory_space<hbm>>) target(%dma_start3A_592 : memref<8x128xf32, #tpu.memory_space<vmem>>) target_semaphore(%arg10 : memref<!tpu.dma_semaphore, #tpu.memory_space<semaphore_mem>>)
    %dma_start3A_595 = arith.constant 2 : i32
    %dma_start3A_596 = arith.constant 16 : i32
    %dma_start3A_597 = arith.constant 0 : i32
    %dma_start3A_598 = tpu.memref_slice %arg7[%dma_start3A_595, %dma_start3A_596, %dma_start3A_597] : memref<8x32x128xf32, #tpu.memory_space<vmem>> -> memref<1x8x128xf32, #tpu.memory_space<vmem>>
    %dma_start3A_599 = tpu.memref_squeeze %dma_start3A_598 : memref<1x8x128xf32, #tpu.memory_space<vmem>> -> memref<8x128xf32, #tpu.memory_space<vmem>>
    %dma_start3A_600 = arith.constant 16 : i32
    %dma_start3A_601 = tpu.memref_slice %arg3[%dma_start3A_600, %multiple_of3A_568] : memref<32x1000000xf32, #tpu.memory_space<hbm>> -> memref<8x128xf32, #tpu.memory_space<hbm>>
    %dma_start3A_602 = arith.constant 16 : i32
    %dma_start3A_603 = arith.constant 0 : i32
    %dma_start3A_604 = tpu.memref_slice %arg7[%dma_start3A_595, %dma_start3A_602, %dma_start3A_603] : memref<8x32x128xf32, #tpu.memory_space<vmem>> -> memref<1x8x128xf32, #tpu.memory_space<vmem>>
    %dma_start3A_605 = tpu.memref_squeeze %dma_start3A_604 : memref<1x8x128xf32, #tpu.memory_space<vmem>> -> memref<8x128xf32, #tpu.memory_space<vmem>>
    %dma_start3A_606 = arith.constant 16 : i32
    %dma_start3A_607 = tpu.memref_slice %arg3[%dma_start3A_606, %multiple_of3A_568] : memref<32x1000000xf32, #tpu.memory_space<hbm>> -> memref<8x128xf32, #tpu.memory_space<hbm>>
    tpu.enqueue_dma source(%dma_start3A_607 : memref<8x128xf32, #tpu.memory_space<hbm>>) target(%dma_start3A_605 : memref<8x128xf32, #tpu.memory_space<vmem>>) target_semaphore(%arg10 : memref<!tpu.dma_semaphore, #tpu.memory_space<semaphore_mem>>)
    %dma_start3A_608 = arith.constant 2 : i32
    %dma_start3A_609 = arith.constant 24 : i32
    %dma_start3A_610 = arith.constant 0 : i32
    %dma_start3A_611 = tpu.memref_slice %arg7[%dma_start3A_608, %dma_start3A_609, %dma_start3A_610] : memref<8x32x128xf32, #tpu.memory_space<vmem>> -> memref<1x8x128xf32, #tpu.memory_space<vmem>>
    %dma_start3A_612 = tpu.memref_squeeze %dma_start3A_611 : memref<1x8x128xf32, #tpu.memory_space<vmem>> -> memref<8x128xf32, #tpu.memory_space<vmem>>
    %dma_start3A_613 = arith.constant 24 : i32
    %dma_start3A_614 = tpu.memref_slice %arg3[%dma_start3A_613, %multiple_of3A_568] : memref<32x1000000xf32, #tpu.memory_space<hbm>> -> memref<8x128xf32, #tpu.memory_space<hbm>>
    %dma_start3A_615 = arith.constant 24 : i32
    %dma_start3A_616 = arith.constant 0 : i32
    %dma_start3A_617 = tpu.memref_slice %arg7[%dma_start3A_608, %dma_start3A_615, %dma_start3A_616] : memref<8x32x128xf32, #tpu.memory_space<vmem>> -> memref<1x8x128xf32, #tpu.memory_space<vmem>>
    %dma_start3A_618 = tpu.memref_squeeze %dma_start3A_617 : memref<1x8x128xf32, #tpu.memory_space<vmem>> -> memref<8x128xf32, #tpu.memory_space<vmem>>
    %dma_start3A_619 = arith.constant 24 : i32
    %dma_start3A_620 = tpu.memref_slice %arg3[%dma_start3A_619, %multiple_of3A_568] : memref<32x1000000xf32, #tpu.memory_space<hbm>> -> memref<8x128xf32, #tpu.memory_space<hbm>>
    tpu.enqueue_dma source(%dma_start3A_620 : memref<8x128xf32, #tpu.memory_space<hbm>>) target(%dma_start3A_618 : memref<8x128xf32, #tpu.memory_space<vmem>>) target_semaphore(%arg10 : memref<!tpu.dma_semaphore, #tpu.memory_space<semaphore_mem>>)
    %slice3A_621 = vector.extract_strided_slice %shift_left3A_455 {offsets = [3], sizes = [1], strides = [1]} : vector<16xi32> to vector<1xi32>
    %squeeze3A_622 = vector.extract %slice3A_621[0] : i32 from vector<1xi32>
    %multiple_of3A_623 = tpu.assume_multiple %squeeze3A_622, 128 : i32
    %dma_start3A_624 = arith.constant 3 : i32
    %dma_start3A_625 = arith.constant 0 : i32
    %dma_start3A_626 = arith.constant 0 : i32
    %dma_start3A_627 = tpu.memref_slice %arg7[%dma_start3A_624, %dma_start3A_625, %dma_start3A_626] : memref<8x32x128xf32, #tpu.memory_space<vmem>> -> memref<1x8x128xf32, #tpu.memory_space<vmem>>
    %dma_start3A_628 = tpu.memref_squeeze %dma_start3A_627 : memref<1x8x128xf32, #tpu.memory_space<vmem>> -> memref<8x128xf32, #tpu.memory_space<vmem>>
    %dma_start3A_629 = arith.constant 0 : i32
    %dma_start3A_630 = tpu.memref_slice %arg3[%dma_start3A_629, %multiple_of3A_623] : memref<32x1000000xf32, #tpu.memory_space<hbm>> -> memref<8x128xf32, #tpu.memory_space<hbm>>
    %dma_start3A_631 = arith.constant 0 : i32
    %dma_start3A_632 = arith.constant 0 : i32
    %dma_start3A_633 = tpu.memref_slice %arg7[%dma_start3A_624, %dma_start3A_631, %dma_start3A_632] : memref<8x32x128xf32, #tpu.memory_space<vmem>> -> memref<1x8x128xf32, #tpu.memory_space<vmem>>
    %dma_start3A_634 = tpu.memref_squeeze %dma_start3A_633 : memref<1x8x128xf32, #tpu.memory_space<vmem>> -> memref<8x128xf32, #tpu.memory_space<vmem>>
    %dma_start3A_635 = arith.constant 0 : i32
    %dma_start3A_636 = tpu.memref_slice %arg3[%dma_start3A_635, %multiple_of3A_623] : memref<32x1000000xf32, #tpu.memory_space<hbm>> -> memref<8x128xf32, #tpu.memory_space<hbm>>
    tpu.enqueue_dma source(%dma_start3A_636 : memref<8x128xf32, #tpu.memory_space<hbm>>) target(%dma_start3A_634 : memref<8x128xf32, #tpu.memory_space<vmem>>) target_semaphore(%arg10 : memref<!tpu.dma_semaphore, #tpu.memory_space<semaphore_mem>>)
    %dma_start3A_637 = arith.constant 3 : i32
    %dma_start3A_638 = arith.constant 8 : i32
    %dma_start3A_639 = arith.constant 0 : i32
    %dma_start3A_640 = tpu.memref_slice %arg7[%dma_start3A_637, %dma_start3A_638, %dma_start3A_639] : memref<8x32x128xf32, #tpu.memory_space<vmem>> -> memref<1x8x128xf32, #tpu.memory_space<vmem>>
    %dma_start3A_641 = tpu.memref_squeeze %dma_start3A_640 : memref<1x8x128xf32, #tpu.memory_space<vmem>> -> memref<8x128xf32, #tpu.memory_space<vmem>>
    %dma_start3A_642 = arith.constant 8 : i32
    %dma_start3A_643 = tpu.memref_slice %arg3[%dma_start3A_642, %multiple_of3A_623] : memref<32x1000000xf32, #tpu.memory_space<hbm>> -> memref<8x128xf32, #tpu.memory_space<hbm>>
    %dma_start3A_644 = arith.constant 8 : i32
    %dma_start3A_645 = arith.constant 0 : i32
    %dma_start3A_646 = tpu.memref_slice %arg7[%dma_start3A_637, %dma_start3A_644, %dma_start3A_645] : memref<8x32x128xf32, #tpu.memory_space<vmem>> -> memref<1x8x128xf32, #tpu.memory_space<vmem>>
    %dma_start3A_647 = tpu.memref_squeeze %dma_start3A_646 : memref<1x8x128xf32, #tpu.memory_space<vmem>> -> memref<8x128xf32, #tpu.memory_space<vmem>>
    %dma_start3A_648 = arith.constant 8 : i32
    %dma_start3A_649 = tpu.memref_slice %arg3[%dma_start3A_648, %multiple_of3A_623] : memref<32x1000000xf32, #tpu.memory_space<hbm>> -> memref<8x128xf32, #tpu.memory_space<hbm>>
    tpu.enqueue_dma source(%dma_start3A_649 : memref<8x128xf32, #tpu.memory_space<hbm>>) target(%dma_start3A_647 : memref<8x128xf32, #tpu.memory_space<vmem>>) target_semaphore(%arg10 : memref<!tpu.dma_semaphore, #tpu.memory_space<semaphore_mem>>)
    %dma_start3A_650 = arith.constant 3 : i32
    %dma_start3A_651 = arith.constant 16 : i32
    %dma_start3A_652 = arith.constant 0 : i32
    %dma_start3A_653 = tpu.memref_slice %arg7[%dma_start3A_650, %dma_start3A_651, %dma_start3A_652] : memref<8x32x128xf32, #tpu.memory_space<vmem>> -> memref<1x8x128xf32, #tpu.memory_space<vmem>>
    %dma_start3A_654 = tpu.memref_squeeze %dma_start3A_653 : memref<1x8x128xf32, #tpu.memory_space<vmem>> -> memref<8x128xf32, #tpu.memory_space<vmem>>
    %dma_start3A_655 = arith.constant 16 : i32
    %dma_start3A_656 = tpu.memref_slice %arg3[%dma_start3A_655, %multiple_of3A_623] : memref<32x1000000xf32, #tpu.memory_space<hbm>> -> memref<8x128xf32, #tpu.memory_space<hbm>>
    %dma_start3A_657 = arith.constant 16 : i32
    %dma_start3A_658 = arith.constant 0 : i32
    %dma_start3A_659 = tpu.memref_slice %arg7[%dma_start3A_650, %dma_start3A_657, %dma_start3A_658] : memref<8x32x128xf32, #tpu.memory_space<vmem>> -> memref<1x8x128xf32, #tpu.memory_space<vmem>>
    %dma_start3A_660 = tpu.memref_squeeze %dma_start3A_659 : memref<1x8x128xf32, #tpu.memory_space<vmem>> -> memref<8x128xf32, #tpu.memory_space<vmem>>
    %dma_start3A_661 = arith.constant 16 : i32
    %dma_start3A_662 = tpu.memref_slice %arg3[%dma_start3A_661, %multiple_of3A_623] : memref<32x1000000xf32, #tpu.memory_space<hbm>> -> memref<8x128xf32, #tpu.memory_space<hbm>>
    tpu.enqueue_dma source(%dma_start3A_662 : memref<8x128xf32, #tpu.memory_space<hbm>>) target(%dma_start3A_660 : memref<8x128xf32, #tpu.memory_space<vmem>>) target_semaphore(%arg10 : memref<!tpu.dma_semaphore, #tpu.memory_space<semaphore_mem>>)
    %dma_start3A_663 = arith.constant 3 : i32
    %dma_start3A_664 = arith.constant 24 : i32
    %dma_start3A_665 = arith.constant 0 : i32
    %dma_start3A_666 = tpu.memref_slice %arg7[%dma_start3A_663, %dma_start3A_664, %dma_start3A_665] : memref<8x32x128xf32, #tpu.memory_space<vmem>> -> memref<1x8x128xf32, #tpu.memory_space<vmem>>
    %dma_start3A_667 = tpu.memref_squeeze %dma_start3A_666 : memref<1x8x128xf32, #tpu.memory_space<vmem>> -> memref<8x128xf32, #tpu.memory_space<vmem>>
    %dma_start3A_668 = arith.constant 24 : i32
    %dma_start3A_669 = tpu.memref_slice %arg3[%dma_start3A_668, %multiple_of3A_623] : memref<32x1000000xf32, #tpu.memory_space<hbm>> -> memref<8x128xf32, #tpu.memory_space<hbm>>
    %dma_start3A_670 = arith.constant 24 : i32
    %dma_start3A_671 = arith.constant 0 : i32
    %dma_start3A_672 = tpu.memref_slice %arg7[%dma_start3A_663, %dma_start3A_670, %dma_start3A_671] : memref<8x32x128xf32, #tpu.memory_space<vmem>> -> memref<1x8x128xf32, #tpu.memory_space<vmem>>
    %dma_start3A_673 = tpu.memref_squeeze %dma_start3A_672 : memref<1x8x128xf32, #tpu.memory_space<vmem>> -> memref<8x128xf32, #tpu.memory_space<vmem>>
    %dma_start3A_674 = arith.constant 24 : i32
    %dma_start3A_675 = tpu.memref_slice %arg3[%dma_start3A_674, %multiple_of3A_623] : memref<32x1000000xf32, #tpu.memory_space<hbm>> -> memref<8x128xf32, #tpu.memory_space<hbm>>
    tpu.enqueue_dma source(%dma_start3A_675 : memref<8x128xf32, #tpu.memory_space<hbm>>) target(%dma_start3A_673 : memref<8x128xf32, #tpu.memory_space<vmem>>) target_semaphore(%arg10 : memref<!tpu.dma_semaphore, #tpu.memory_space<semaphore_mem>>)
    %slice3A_676 = vector.extract_strided_slice %shift_left3A_455 {offsets = [4], sizes = [1], strides = [1]} : vector<16xi32> to vector<1xi32>
    %squeeze3A_677 = vector.extract %slice3A_676[0] : i32 from vector<1xi32>
    %multiple_of3A_678 = tpu.assume_multiple %squeeze3A_677, 128 : i32
    %dma_start3A_679 = arith.constant 4 : i32
    %dma_start3A_680 = arith.constant 0 : i32
    %dma_start3A_681 = arith.constant 0 : i32
    %dma_start3A_682 = tpu.memref_slice %arg7[%dma_start3A_679, %dma_start3A_680, %dma_start3A_681] : memref<8x32x128xf32, #tpu.memory_space<vmem>> -> memref<1x8x128xf32, #tpu.memory_space<vmem>>
    %dma_start3A_683 = tpu.memref_squeeze %dma_start3A_682 : memref<1x8x128xf32, #tpu.memory_space<vmem>> -> memref<8x128xf32, #tpu.memory_space<vmem>>
    %dma_start3A_684 = arith.constant 0 : i32
    %dma_start3A_685 = tpu.memref_slice %arg3[%dma_start3A_684, %multiple_of3A_678] : memref<32x1000000xf32, #tpu.memory_space<hbm>> -> memref<8x128xf32, #tpu.memory_space<hbm>>
    %dma_start3A_686 = arith.constant 0 : i32
    %dma_start3A_687 = arith.constant 0 : i32
    %dma_start3A_688 = tpu.memref_slice %arg7[%dma_start3A_679, %dma_start3A_686, %dma_start3A_687] : memref<8x32x128xf32, #tpu.memory_space<vmem>> -> memref<1x8x128xf32, #tpu.memory_space<vmem>>
    %dma_start3A_689 = tpu.memref_squeeze %dma_start3A_688 : memref<1x8x128xf32, #tpu.memory_space<vmem>> -> memref<8x128xf32, #tpu.memory_space<vmem>>
    %dma_start3A_690 = arith.constant 0 : i32
    %dma_start3A_691 = tpu.memref_slice %arg3[%dma_start3A_690, %multiple_of3A_678] : memref<32x1000000xf32, #tpu.memory_space<hbm>> -> memref<8x128xf32, #tpu.memory_space<hbm>>
    tpu.enqueue_dma source(%dma_start3A_691 : memref<8x128xf32, #tpu.memory_space<hbm>>) target(%dma_start3A_689 : memref<8x128xf32, #tpu.memory_space<vmem>>) target_semaphore(%arg10 : memref<!tpu.dma_semaphore, #tpu.memory_space<semaphore_mem>>)
    %dma_start3A_692 = arith.constant 4 : i32
    %dma_start3A_693 = arith.constant 8 : i32
    %dma_start3A_694 = arith.constant 0 : i32
    %dma_start3A_695 = tpu.memref_slice %arg7[%dma_start3A_692, %dma_start3A_693, %dma_start3A_694] : memref<8x32x128xf32, #tpu.memory_space<vmem>> -> memref<1x8x128xf32, #tpu.memory_space<vmem>>
    %dma_start3A_696 = tpu.memref_squeeze %dma_start3A_695 : memref<1x8x128xf32, #tpu.memory_space<vmem>> -> memref<8x128xf32, #tpu.memory_space<vmem>>
    %dma_start3A_697 = arith.constant 8 : i32
    %dma_start3A_698 = tpu.memref_slice %arg3[%dma_start3A_697, %multiple_of3A_678] : memref<32x1000000xf32, #tpu.memory_space<hbm>> -> memref<8x128xf32, #tpu.memory_space<hbm>>
    %dma_start3A_699 = arith.constant 8 : i32
    %dma_start3A_700 = arith.constant 0 : i32
    %dma_start3A_701 = tpu.memref_slice %arg7[%dma_start3A_692, %dma_start3A_699, %dma_start3A_700] : memref<8x32x128xf32, #tpu.memory_space<vmem>> -> memref<1x8x128xf32, #tpu.memory_space<vmem>>
    %dma_start3A_702 = tpu.memref_squeeze %dma_start3A_701 : memref<1x8x128xf32, #tpu.memory_space<vmem>> -> memref<8x128xf32, #tpu.memory_space<vmem>>
    %dma_start3A_703 = arith.constant 8 : i32
    %dma_start3A_704 = tpu.memref_slice %arg3[%dma_start3A_703, %multiple_of3A_678] : memref<32x1000000xf32, #tpu.memory_space<hbm>> -> memref<8x128xf32, #tpu.memory_space<hbm>>
    tpu.enqueue_dma source(%dma_start3A_704 : memref<8x128xf32, #tpu.memory_space<hbm>>) target(%dma_start3A_702 : memref<8x128xf32, #tpu.memory_space<vmem>>) target_semaphore(%arg10 : memref<!tpu.dma_semaphore, #tpu.memory_space<semaphore_mem>>)
    %dma_start3A_705 = arith.constant 4 : i32
    %dma_start3A_706 = arith.constant 16 : i32
    %dma_start3A_707 = arith.constant 0 : i32
    %dma_start3A_708 = tpu.memref_slice %arg7[%dma_start3A_705, %dma_start3A_706, %dma_start3A_707] : memref<8x32x128xf32, #tpu.memory_space<vmem>> -> memref<1x8x128xf32, #tpu.memory_space<vmem>>
    %dma_start3A_709 = tpu.memref_squeeze %dma_start3A_708 : memref<1x8x128xf32, #tpu.memory_space<vmem>> -> memref<8x128xf32, #tpu.memory_space<vmem>>
    %dma_start3A_710 = arith.constant 16 : i32
    %dma_start3A_711 = tpu.memref_slice %arg3[%dma_start3A_710, %multiple_of3A_678] : memref<32x1000000xf32, #tpu.memory_space<hbm>> -> memref<8x128xf32, #tpu.memory_space<hbm>>
    %dma_start3A_712 = arith.constant 16 : i32
    %dma_start3A_713 = arith.constant 0 : i32
    %dma_start3A_714 = tpu.memref_slice %arg7[%dma_start3A_705, %dma_start3A_712, %dma_start3A_713] : memref<8x32x128xf32, #tpu.memory_space<vmem>> -> memref<1x8x128xf32, #tpu.memory_space<vmem>>
    %dma_start3A_715 = tpu.memref_squeeze %dma_start3A_714 : memref<1x8x128xf32, #tpu.memory_space<vmem>> -> memref<8x128xf32, #tpu.memory_space<vmem>>
    %dma_start3A_716 = arith.constant 16 : i32
    %dma_start3A_717 = tpu.memref_slice %arg3[%dma_start3A_716, %multiple_of3A_678] : memref<32x1000000xf32, #tpu.memory_space<hbm>> -> memref<8x128xf32, #tpu.memory_space<hbm>>
    tpu.enqueue_dma source(%dma_start3A_717 : memref<8x128xf32, #tpu.memory_space<hbm>>) target(%dma_start3A_715 : memref<8x128xf32, #tpu.memory_space<vmem>>) target_semaphore(%arg10 : memref<!tpu.dma_semaphore, #tpu.memory_space<semaphore_mem>>)
    %dma_start3A_718 = arith.constant 4 : i32
    %dma_start3A_719 = arith.constant 24 : i32
    %dma_start3A_720 = arith.constant 0 : i32
    %dma_start3A_721 = tpu.memref_slice %arg7[%dma_start3A_718, %dma_start3A_719, %dma_start3A_720] : memref<8x32x128xf32, #tpu.memory_space<vmem>> -> memref<1x8x128xf32, #tpu.memory_space<vmem>>
    %dma_start3A_722 = tpu.memref_squeeze %dma_start3A_721 : memref<1x8x128xf32, #tpu.memory_space<vmem>> -> memref<8x128xf32, #tpu.memory_space<vmem>>
    %dma_start3A_723 = arith.constant 24 : i32
    %dma_start3A_724 = tpu.memref_slice %arg3[%dma_start3A_723, %multiple_of3A_678] : memref<32x1000000xf32, #tpu.memory_space<hbm>> -> memref<8x128xf32, #tpu.memory_space<hbm>>
    %dma_start3A_725 = arith.constant 24 : i32
    %dma_start3A_726 = arith.constant 0 : i32
    %dma_start3A_727 = tpu.memref_slice %arg7[%dma_start3A_718, %dma_start3A_725, %dma_start3A_726] : memref<8x32x128xf32, #tpu.memory_space<vmem>> -> memref<1x8x128xf32, #tpu.memory_space<vmem>>
    %dma_start3A_728 = tpu.memref_squeeze %dma_start3A_727 : memref<1x8x128xf32, #tpu.memory_space<vmem>> -> memref<8x128xf32, #tpu.memory_space<vmem>>
    %dma_start3A_729 = arith.constant 24 : i32
    %dma_start3A_730 = tpu.memref_slice %arg3[%dma_start3A_729, %multiple_of3A_678] : memref<32x1000000xf32, #tpu.memory_space<hbm>> -> memref<8x128xf32, #tpu.memory_space<hbm>>
    tpu.enqueue_dma source(%dma_start3A_730 : memref<8x128xf32, #tpu.memory_space<hbm>>) target(%dma_start3A_728 : memref<8x128xf32, #tpu.memory_space<vmem>>) target_semaphore(%arg10 : memref<!tpu.dma_semaphore, #tpu.memory_space<semaphore_mem>>)
    %slice3A_731 = vector.extract_strided_slice %shift_left3A_455 {offsets = [5], sizes = [1], strides = [1]} : vector<16xi32> to vector<1xi32>
    %squeeze3A_732 = vector.extract %slice3A_731[0] : i32 from vector<1xi32>
    %multiple_of3A_733 = tpu.assume_multiple %squeeze3A_732, 128 : i32
    %dma_start3A_734 = arith.constant 5 : i32
    %dma_start3A_735 = arith.constant 0 : i32
    %dma_start3A_736 = arith.constant 0 : i32
    %dma_start3A_737 = tpu.memref_slice %arg7[%dma_start3A_734, %dma_start3A_735, %dma_start3A_736] : memref<8x32x128xf32, #tpu.memory_space<vmem>> -> memref<1x8x128xf32, #tpu.memory_space<vmem>>
    %dma_start3A_738 = tpu.memref_squeeze %dma_start3A_737 : memref<1x8x128xf32, #tpu.memory_space<vmem>> -> memref<8x128xf32, #tpu.memory_space<vmem>>
    %dma_start3A_739 = arith.constant 0 : i32
    %dma_start3A_740 = tpu.memref_slice %arg3[%dma_start3A_739, %multiple_of3A_733] : memref<32x1000000xf32, #tpu.memory_space<hbm>> -> memref<8x128xf32, #tpu.memory_space<hbm>>
    %dma_start3A_741 = arith.constant 0 : i32
    %dma_start3A_742 = arith.constant 0 : i32
    %dma_start3A_743 = tpu.memref_slice %arg7[%dma_start3A_734, %dma_start3A_741, %dma_start3A_742] : memref<8x32x128xf32, #tpu.memory_space<vmem>> -> memref<1x8x128xf32, #tpu.memory_space<vmem>>
    %dma_start3A_744 = tpu.memref_squeeze %dma_start3A_743 : memref<1x8x128xf32, #tpu.memory_space<vmem>> -> memref<8x128xf32, #tpu.memory_space<vmem>>
    %dma_start3A_745 = arith.constant 0 : i32
    %dma_start3A_746 = tpu.memref_slice %arg3[%dma_start3A_745, %multiple_of3A_733] : memref<32x1000000xf32, #tpu.memory_space<hbm>> -> memref<8x128xf32, #tpu.memory_space<hbm>>
    tpu.enqueue_dma source(%dma_start3A_746 : memref<8x128xf32, #tpu.memory_space<hbm>>) target(%dma_start3A_744 : memref<8x128xf32, #tpu.memory_space<vmem>>) target_semaphore(%arg10 : memref<!tpu.dma_semaphore, #tpu.memory_space<semaphore_mem>>)
    %dma_start3A_747 = arith.constant 5 : i32
    %dma_start3A_748 = arith.constant 8 : i32
    %dma_start3A_749 = arith.constant 0 : i32
    %dma_start3A_750 = tpu.memref_slice %arg7[%dma_start3A_747, %dma_start3A_748, %dma_start3A_749] : memref<8x32x128xf32, #tpu.memory_space<vmem>> -> memref<1x8x128xf32, #tpu.memory_space<vmem>>
    %dma_start3A_751 = tpu.memref_squeeze %dma_start3A_750 : memref<1x8x128xf32, #tpu.memory_space<vmem>> -> memref<8x128xf32, #tpu.memory_space<vmem>>
    %dma_start3A_752 = arith.constant 8 : i32
    %dma_start3A_753 = tpu.memref_slice %arg3[%dma_start3A_752, %multiple_of3A_733] : memref<32x1000000xf32, #tpu.memory_space<hbm>> -> memref<8x128xf32, #tpu.memory_space<hbm>>
    %dma_start3A_754 = arith.constant 8 : i32
    %dma_start3A_755 = arith.constant 0 : i32
    %dma_start3A_756 = tpu.memref_slice %arg7[%dma_start3A_747, %dma_start3A_754, %dma_start3A_755] : memref<8x32x128xf32, #tpu.memory_space<vmem>> -> memref<1x8x128xf32, #tpu.memory_space<vmem>>
    %dma_start3A_757 = tpu.memref_squeeze %dma_start3A_756 : memref<1x8x128xf32, #tpu.memory_space<vmem>> -> memref<8x128xf32, #tpu.memory_space<vmem>>
    %dma_start3A_758 = arith.constant 8 : i32
    %dma_start3A_759 = tpu.memref_slice %arg3[%dma_start3A_758, %multiple_of3A_733] : memref<32x1000000xf32, #tpu.memory_space<hbm>> -> memref<8x128xf32, #tpu.memory_space<hbm>>
    tpu.enqueue_dma source(%dma_start3A_759 : memref<8x128xf32, #tpu.memory_space<hbm>>) target(%dma_start3A_757 : memref<8x128xf32, #tpu.memory_space<vmem>>) target_semaphore(%arg10 : memref<!tpu.dma_semaphore, #tpu.memory_space<semaphore_mem>>)
    %dma_start3A_760 = arith.constant 5 : i32
    %dma_start3A_761 = arith.constant 16 : i32
    %dma_start3A_762 = arith.constant 0 : i32
    %dma_start3A_763 = tpu.memref_slice %arg7[%dma_start3A_760, %dma_start3A_761, %dma_start3A_762] : memref<8x32x128xf32, #tpu.memory_space<vmem>> -> memref<1x8x128xf32, #tpu.memory_space<vmem>>
    %dma_start3A_764 = tpu.memref_squeeze %dma_start3A_763 : memref<1x8x128xf32, #tpu.memory_space<vmem>> -> memref<8x128xf32, #tpu.memory_space<vmem>>
    %dma_start3A_765 = arith.constant 16 : i32
    %dma_start3A_766 = tpu.memref_slice %arg3[%dma_start3A_765, %multiple_of3A_733] : memref<32x1000000xf32, #tpu.memory_space<hbm>> -> memref<8x128xf32, #tpu.memory_space<hbm>>
    %dma_start3A_767 = arith.constant 16 : i32
    %dma_start3A_768 = arith.constant 0 : i32
    %dma_start3A_769 = tpu.memref_slice %arg7[%dma_start3A_760, %dma_start3A_767, %dma_start3A_768] : memref<8x32x128xf32, #tpu.memory_space<vmem>> -> memref<1x8x128xf32, #tpu.memory_space<vmem>>
    %dma_start3A_770 = tpu.memref_squeeze %dma_start3A_769 : memref<1x8x128xf32, #tpu.memory_space<vmem>> -> memref<8x128xf32, #tpu.memory_space<vmem>>
    %dma_start3A_771 = arith.constant 16 : i32
    %dma_start3A_772 = tpu.memref_slice %arg3[%dma_start3A_771, %multiple_of3A_733] : memref<32x1000000xf32, #tpu.memory_space<hbm>> -> memref<8x128xf32, #tpu.memory_space<hbm>>
    tpu.enqueue_dma source(%dma_start3A_772 : memref<8x128xf32, #tpu.memory_space<hbm>>) target(%dma_start3A_770 : memref<8x128xf32, #tpu.memory_space<vmem>>) target_semaphore(%arg10 : memref<!tpu.dma_semaphore, #tpu.memory_space<semaphore_mem>>)
    %dma_start3A_773 = arith.constant 5 : i32
    %dma_start3A_774 = arith.constant 24 : i32
    %dma_start3A_775 = arith.constant 0 : i32
    %dma_start3A_776 = tpu.memref_slice %arg7[%dma_start3A_773, %dma_start3A_774, %dma_start3A_775] : memref<8x32x128xf32, #tpu.memory_space<vmem>> -> memref<1x8x128xf32, #tpu.memory_space<vmem>>
    %dma_start3A_777 = tpu.memref_squeeze %dma_start3A_776 : memref<1x8x128xf32, #tpu.memory_space<vmem>> -> memref<8x128xf32, #tpu.memory_space<vmem>>
    %dma_start3A_778 = arith.constant 24 : i32
    %dma_start3A_779 = tpu.memref_slice %arg3[%dma_start3A_778, %multiple_of3A_733] : memref<32x1000000xf32, #tpu.memory_space<hbm>> -> memref<8x128xf32, #tpu.memory_space<hbm>>
    %dma_start3A_780 = arith.constant 24 : i32
    %dma_start3A_781 = arith.constant 0 : i32
    %dma_start3A_782 = tpu.memref_slice %arg7[%dma_start3A_773, %dma_start3A_780, %dma_start3A_781] : memref<8x32x128xf32, #tpu.memory_space<vmem>> -> memref<1x8x128xf32, #tpu.memory_space<vmem>>
    %dma_start3A_783 = tpu.memref_squeeze %dma_start3A_782 : memref<1x8x128xf32, #tpu.memory_space<vmem>> -> memref<8x128xf32, #tpu.memory_space<vmem>>
    %dma_start3A_784 = arith.constant 24 : i32
    %dma_start3A_785 = tpu.memref_slice %arg3[%dma_start3A_784, %multiple_of3A_733] : memref<32x1000000xf32, #tpu.memory_space<hbm>> -> memref<8x128xf32, #tpu.memory_space<hbm>>
    tpu.enqueue_dma source(%dma_start3A_785 : memref<8x128xf32, #tpu.memory_space<hbm>>) target(%dma_start3A_783 : memref<8x128xf32, #tpu.memory_space<vmem>>) target_semaphore(%arg10 : memref<!tpu.dma_semaphore, #tpu.memory_space<semaphore_mem>>)
    %slice3A_786 = vector.extract_strided_slice %shift_left3A_455 {offsets = [6], sizes = [1], strides = [1]} : vector<16xi32> to vector<1xi32>
    %squeeze3A_787 = vector.extract %slice3A_786[0] : i32 from vector<1xi32>
    %multiple_of3A_788 = tpu.assume_multiple %squeeze3A_787, 128 : i32
    %dma_start3A_789 = arith.constant 6 : i32
    %dma_start3A_790 = arith.constant 0 : i32
    %dma_start3A_791 = arith.constant 0 : i32
    %dma_start3A_792 = tpu.memref_slice %arg7[%dma_start3A_789, %dma_start3A_790, %dma_start3A_791] : memref<8x32x128xf32, #tpu.memory_space<vmem>> -> memref<1x8x128xf32, #tpu.memory_space<vmem>>
    %dma_start3A_793 = tpu.memref_squeeze %dma_start3A_792 : memref<1x8x128xf32, #tpu.memory_space<vmem>> -> memref<8x128xf32, #tpu.memory_space<vmem>>
    %dma_start3A_794 = arith.constant 0 : i32
    %dma_start3A_795 = tpu.memref_slice %arg3[%dma_start3A_794, %multiple_of3A_788] : memref<32x1000000xf32, #tpu.memory_space<hbm>> -> memref<8x128xf32, #tpu.memory_space<hbm>>
    %dma_start3A_796 = arith.constant 0 : i32
    %dma_start3A_797 = arith.constant 0 : i32
    %dma_start3A_798 = tpu.memref_slice %arg7[%dma_start3A_789, %dma_start3A_796, %dma_start3A_797] : memref<8x32x128xf32, #tpu.memory_space<vmem>> -> memref<1x8x128xf32, #tpu.memory_space<vmem>>
    %dma_start3A_799 = tpu.memref_squeeze %dma_start3A_798 : memref<1x8x128xf32, #tpu.memory_space<vmem>> -> memref<8x128xf32, #tpu.memory_space<vmem>>
    %dma_start3A_800 = arith.constant 0 : i32
    %dma_start3A_801 = tpu.memref_slice %arg3[%dma_start3A_800, %multiple_of3A_788] : memref<32x1000000xf32, #tpu.memory_space<hbm>> -> memref<8x128xf32, #tpu.memory_space<hbm>>
    tpu.enqueue_dma source(%dma_start3A_801 : memref<8x128xf32, #tpu.memory_space<hbm>>) target(%dma_start3A_799 : memref<8x128xf32, #tpu.memory_space<vmem>>) target_semaphore(%arg10 : memref<!tpu.dma_semaphore, #tpu.memory_space<semaphore_mem>>)
    %dma_start3A_802 = arith.constant 6 : i32
    %dma_start3A_803 = arith.constant 8 : i32
    %dma_start3A_804 = arith.constant 0 : i32
    %dma_start3A_805 = tpu.memref_slice %arg7[%dma_start3A_802, %dma_start3A_803, %dma_start3A_804] : memref<8x32x128xf32, #tpu.memory_space<vmem>> -> memref<1x8x128xf32, #tpu.memory_space<vmem>>
    %dma_start3A_806 = tpu.memref_squeeze %dma_start3A_805 : memref<1x8x128xf32, #tpu.memory_space<vmem>> -> memref<8x128xf32, #tpu.memory_space<vmem>>
    %dma_start3A_807 = arith.constant 8 : i32
    %dma_start3A_808 = tpu.memref_slice %arg3[%dma_start3A_807, %multiple_of3A_788] : memref<32x1000000xf32, #tpu.memory_space<hbm>> -> memref<8x128xf32, #tpu.memory_space<hbm>>
    %dma_start3A_809 = arith.constant 8 : i32
    %dma_start3A_810 = arith.constant 0 : i32
    %dma_start3A_811 = tpu.memref_slice %arg7[%dma_start3A_802, %dma_start3A_809, %dma_start3A_810] : memref<8x32x128xf32, #tpu.memory_space<vmem>> -> memref<1x8x128xf32, #tpu.memory_space<vmem>>
    %dma_start3A_812 = tpu.memref_squeeze %dma_start3A_811 : memref<1x8x128xf32, #tpu.memory_space<vmem>> -> memref<8x128xf32, #tpu.memory_space<vmem>>
    %dma_start3A_813 = arith.constant 8 : i32
    %dma_start3A_814 = tpu.memref_slice %arg3[%dma_start3A_813, %multiple_of3A_788] : memref<32x1000000xf32, #tpu.memory_space<hbm>> -> memref<8x128xf32, #tpu.memory_space<hbm>>
    tpu.enqueue_dma source(%dma_start3A_814 : memref<8x128xf32, #tpu.memory_space<hbm>>) target(%dma_start3A_812 : memref<8x128xf32, #tpu.memory_space<vmem>>) target_semaphore(%arg10 : memref<!tpu.dma_semaphore, #tpu.memory_space<semaphore_mem>>)
    %dma_start3A_815 = arith.constant 6 : i32
    %dma_start3A_816 = arith.constant 16 : i32
    %dma_start3A_817 = arith.constant 0 : i32
    %dma_start3A_818 = tpu.memref_slice %arg7[%dma_start3A_815, %dma_start3A_816, %dma_start3A_817] : memref<8x32x128xf32, #tpu.memory_space<vmem>> -> memref<1x8x128xf32, #tpu.memory_space<vmem>>
    %dma_start3A_819 = tpu.memref_squeeze %dma_start3A_818 : memref<1x8x128xf32, #tpu.memory_space<vmem>> -> memref<8x128xf32, #tpu.memory_space<vmem>>
    %dma_start3A_820 = arith.constant 16 : i32
    %dma_start3A_821 = tpu.memref_slice %arg3[%dma_start3A_820, %multiple_of3A_788] : memref<32x1000000xf32, #tpu.memory_space<hbm>> -> memref<8x128xf32, #tpu.memory_space<hbm>>
    %dma_start3A_822 = arith.constant 16 : i32
    %dma_start3A_823 = arith.constant 0 : i32
    %dma_start3A_824 = tpu.memref_slice %arg7[%dma_start3A_815, %dma_start3A_822, %dma_start3A_823] : memref<8x32x128xf32, #tpu.memory_space<vmem>> -> memref<1x8x128xf32, #tpu.memory_space<vmem>>
    %dma_start3A_825 = tpu.memref_squeeze %dma_start3A_824 : memref<1x8x128xf32, #tpu.memory_space<vmem>> -> memref<8x128xf32, #tpu.memory_space<vmem>>
    %dma_start3A_826 = arith.constant 16 : i32
    %dma_start3A_827 = tpu.memref_slice %arg3[%dma_start3A_826, %multiple_of3A_788] : memref<32x1000000xf32, #tpu.memory_space<hbm>> -> memref<8x128xf32, #tpu.memory_space<hbm>>
    tpu.enqueue_dma source(%dma_start3A_827 : memref<8x128xf32, #tpu.memory_space<hbm>>) target(%dma_start3A_825 : memref<8x128xf32, #tpu.memory_space<vmem>>) target_semaphore(%arg10 : memref<!tpu.dma_semaphore, #tpu.memory_space<semaphore_mem>>)
    %dma_start3A_828 = arith.constant 6 : i32
    %dma_start3A_829 = arith.constant 24 : i32
    %dma_start3A_830 = arith.constant 0 : i32
    %dma_start3A_831 = tpu.memref_slice %arg7[%dma_start3A_828, %dma_start3A_829, %dma_start3A_830] : memref<8x32x128xf32, #tpu.memory_space<vmem>> -> memref<1x8x128xf32, #tpu.memory_space<vmem>>
    %dma_start3A_832 = tpu.memref_squeeze %dma_start3A_831 : memref<1x8x128xf32, #tpu.memory_space<vmem>> -> memref<8x128xf32, #tpu.memory_space<vmem>>
    %dma_start3A_833 = arith.constant 24 : i32
    %dma_start3A_834 = tpu.memref_slice %arg3[%dma_start3A_833, %multiple_of3A_788] : memref<32x1000000xf32, #tpu.memory_space<hbm>> -> memref<8x128xf32, #tpu.memory_space<hbm>>
    %dma_start3A_835 = arith.constant 24 : i32
    %dma_start3A_836 = arith.constant 0 : i32
    %dma_start3A_837 = tpu.memref_slice %arg7[%dma_start3A_828, %dma_start3A_835, %dma_start3A_836] : memref<8x32x128xf32, #tpu.memory_space<vmem>> -> memref<1x8x128xf32, #tpu.memory_space<vmem>>
    %dma_start3A_838 = tpu.memref_squeeze %dma_start3A_837 : memref<1x8x128xf32, #tpu.memory_space<vmem>> -> memref<8x128xf32, #tpu.memory_space<vmem>>
    %dma_start3A_839 = arith.constant 24 : i32
    %dma_start3A_840 = tpu.memref_slice %arg3[%dma_start3A_839, %multiple_of3A_788] : memref<32x1000000xf32, #tpu.memory_space<hbm>> -> memref<8x128xf32, #tpu.memory_space<hbm>>
    tpu.enqueue_dma source(%dma_start3A_840 : memref<8x128xf32, #tpu.memory_space<hbm>>) target(%dma_start3A_838 : memref<8x128xf32, #tpu.memory_space<vmem>>) target_semaphore(%arg10 : memref<!tpu.dma_semaphore, #tpu.memory_space<semaphore_mem>>)
    %slice3A_841 = vector.extract_strided_slice %shift_left3A_455 {offsets = [7], sizes = [1], strides = [1]} : vector<16xi32> to vector<1xi32>
    %squeeze3A_842 = vector.extract %slice3A_841[0] : i32 from vector<1xi32>
    %multiple_of3A_843 = tpu.assume_multiple %squeeze3A_842, 128 : i32
    %dma_start3A_844 = arith.constant 7 : i32
    %dma_start3A_845 = arith.constant 0 : i32
    %dma_start3A_846 = arith.constant 0 : i32
    %dma_start3A_847 = tpu.memref_slice %arg7[%dma_start3A_844, %dma_start3A_845, %dma_start3A_846] : memref<8x32x128xf32, #tpu.memory_space<vmem>> -> memref<1x8x128xf32, #tpu.memory_space<vmem>>
    %dma_start3A_848 = tpu.memref_squeeze %dma_start3A_847 : memref<1x8x128xf32, #tpu.memory_space<vmem>> -> memref<8x128xf32, #tpu.memory_space<vmem>>
    %dma_start3A_849 = arith.constant 0 : i32
    %dma_start3A_850 = tpu.memref_slice %arg3[%dma_start3A_849, %multiple_of3A_843] : memref<32x1000000xf32, #tpu.memory_space<hbm>> -> memref<8x128xf32, #tpu.memory_space<hbm>>
    %dma_start3A_851 = arith.constant 0 : i32
    %dma_start3A_852 = arith.constant 0 : i32
    %dma_start3A_853 = tpu.memref_slice %arg7[%dma_start3A_844, %dma_start3A_851, %dma_start3A_852] : memref<8x32x128xf32, #tpu.memory_space<vmem>> -> memref<1x8x128xf32, #tpu.memory_space<vmem>>
    %dma_start3A_854 = tpu.memref_squeeze %dma_start3A_853 : memref<1x8x128xf32, #tpu.memory_space<vmem>> -> memref<8x128xf32, #tpu.memory_space<vmem>>
    %dma_start3A_855 = arith.constant 0 : i32
    %dma_start3A_856 = tpu.memref_slice %arg3[%dma_start3A_855, %multiple_of3A_843] : memref<32x1000000xf32, #tpu.memory_space<hbm>> -> memref<8x128xf32, #tpu.memory_space<hbm>>
    tpu.enqueue_dma source(%dma_start3A_856 : memref<8x128xf32, #tpu.memory_space<hbm>>) target(%dma_start3A_854 : memref<8x128xf32, #tpu.memory_space<vmem>>) target_semaphore(%arg10 : memref<!tpu.dma_semaphore, #tpu.memory_space<semaphore_mem>>)
    %dma_start3A_857 = arith.constant 7 : i32
    %dma_start3A_858 = arith.constant 8 : i32
    %dma_start3A_859 = arith.constant 0 : i32
    %dma_start3A_860 = tpu.memref_slice %arg7[%dma_start3A_857, %dma_start3A_858, %dma_start3A_859] : memref<8x32x128xf32, #tpu.memory_space<vmem>> -> memref<1x8x128xf32, #tpu.memory_space<vmem>>
    %dma_start3A_861 = tpu.memref_squeeze %dma_start3A_860 : memref<1x8x128xf32, #tpu.memory_space<vmem>> -> memref<8x128xf32, #tpu.memory_space<vmem>>
    %dma_start3A_862 = arith.constant 8 : i32
    %dma_start3A_863 = tpu.memref_slice %arg3[%dma_start3A_862, %multiple_of3A_843] : memref<32x1000000xf32, #tpu.memory_space<hbm>> -> memref<8x128xf32, #tpu.memory_space<hbm>>
    %dma_start3A_864 = arith.constant 8 : i32
    %dma_start3A_865 = arith.constant 0 : i32
    %dma_start3A_866 = tpu.memref_slice %arg7[%dma_start3A_857, %dma_start3A_864, %dma_start3A_865] : memref<8x32x128xf32, #tpu.memory_space<vmem>> -> memref<1x8x128xf32, #tpu.memory_space<vmem>>
    %dma_start3A_867 = tpu.memref_squeeze %dma_start3A_866 : memref<1x8x128xf32, #tpu.memory_space<vmem>> -> memref<8x128xf32, #tpu.memory_space<vmem>>
    %dma_start3A_868 = arith.constant 8 : i32
    %dma_start3A_869 = tpu.memref_slice %arg3[%dma_start3A_868, %multiple_of3A_843] : memref<32x1000000xf32, #tpu.memory_space<hbm>> -> memref<8x128xf32, #tpu.memory_space<hbm>>
    tpu.enqueue_dma source(%dma_start3A_869 : memref<8x128xf32, #tpu.memory_space<hbm>>) target(%dma_start3A_867 : memref<8x128xf32, #tpu.memory_space<vmem>>) target_semaphore(%arg10 : memref<!tpu.dma_semaphore, #tpu.memory_space<semaphore_mem>>)
    %dma_start3A_870 = arith.constant 7 : i32
    %dma_start3A_871 = arith.constant 16 : i32
    %dma_start3A_872 = arith.constant 0 : i32
    %dma_start3A_873 = tpu.memref_slice %arg7[%dma_start3A_870, %dma_start3A_871, %dma_start3A_872] : memref<8x32x128xf32, #tpu.memory_space<vmem>> -> memref<1x8x128xf32, #tpu.memory_space<vmem>>
    %dma_start3A_874 = tpu.memref_squeeze %dma_start3A_873 : memref<1x8x128xf32, #tpu.memory_space<vmem>> -> memref<8x128xf32, #tpu.memory_space<vmem>>
    %dma_start3A_875 = arith.constant 16 : i32
    %dma_start3A_876 = tpu.memref_slice %arg3[%dma_start3A_875, %multiple_of3A_843] : memref<32x1000000xf32, #tpu.memory_space<hbm>> -> memref<8x128xf32, #tpu.memory_space<hbm>>
    %dma_start3A_877 = arith.constant 16 : i32
    %dma_start3A_878 = arith.constant 0 : i32
    %dma_start3A_879 = tpu.memref_slice %arg7[%dma_start3A_870, %dma_start3A_877, %dma_start3A_878] : memref<8x32x128xf32, #tpu.memory_space<vmem>> -> memref<1x8x128xf32, #tpu.memory_space<vmem>>
    %dma_start3A_880 = tpu.memref_squeeze %dma_start3A_879 : memref<1x8x128xf32, #tpu.memory_space<vmem>> -> memref<8x128xf32, #tpu.memory_space<vmem>>
    %dma_start3A_881 = arith.constant 16 : i32
    %dma_start3A_882 = tpu.memref_slice %arg3[%dma_start3A_881, %multiple_of3A_843] : memref<32x1000000xf32, #tpu.memory_space<hbm>> -> memref<8x128xf32, #tpu.memory_space<hbm>>
    tpu.enqueue_dma source(%dma_start3A_882 : memref<8x128xf32, #tpu.memory_space<hbm>>) target(%dma_start3A_880 : memref<8x128xf32, #tpu.memory_space<vmem>>) target_semaphore(%arg10 : memref<!tpu.dma_semaphore, #tpu.memory_space<semaphore_mem>>)
    %dma_start3A_883 = arith.constant 7 : i32
    %dma_start3A_884 = arith.constant 24 : i32
    %dma_start3A_885 = arith.constant 0 : i32
    %dma_start3A_886 = tpu.memref_slice %arg7[%dma_start3A_883, %dma_start3A_884, %dma_start3A_885] : memref<8x32x128xf32, #tpu.memory_space<vmem>> -> memref<1x8x128xf32, #tpu.memory_space<vmem>>
    %dma_start3A_887 = tpu.memref_squeeze %dma_start3A_886 : memref<1x8x128xf32, #tpu.memory_space<vmem>> -> memref<8x128xf32, #tpu.memory_space<vmem>>
    %dma_start3A_888 = arith.constant 24 : i32
    %dma_start3A_889 = tpu.memref_slice %arg3[%dma_start3A_888, %multiple_of3A_843] : memref<32x1000000xf32, #tpu.memory_space<hbm>> -> memref<8x128xf32, #tpu.memory_space<hbm>>
    %dma_start3A_890 = arith.constant 24 : i32
    %dma_start3A_891 = arith.constant 0 : i32
    %dma_start3A_892 = tpu.memref_slice %arg7[%dma_start3A_883, %dma_start3A_890, %dma_start3A_891] : memref<8x32x128xf32, #tpu.memory_space<vmem>> -> memref<1x8x128xf32, #tpu.memory_space<vmem>>
    %dma_start3A_893 = tpu.memref_squeeze %dma_start3A_892 : memref<1x8x128xf32, #tpu.memory_space<vmem>> -> memref<8x128xf32, #tpu.memory_space<vmem>>
    %dma_start3A_894 = arith.constant 24 : i32
    %dma_start3A_895 = tpu.memref_slice %arg3[%dma_start3A_894, %multiple_of3A_843] : memref<32x1000000xf32, #tpu.memory_space<hbm>> -> memref<8x128xf32, #tpu.memory_space<hbm>>
    tpu.enqueue_dma source(%dma_start3A_895 : memref<8x128xf32, #tpu.memory_space<hbm>>) target(%dma_start3A_893 : memref<8x128xf32, #tpu.memory_space<vmem>>) target_semaphore(%arg10 : memref<!tpu.dma_semaphore, #tpu.memory_space<semaphore_mem>>)
    %scan3A = arith.constant 0 : i32
    %scan3A_896 = arith.constant 31 : i32
    %scan3A_897 = arith.addi %scan3A, %scan3A_896 : i32
    %scan3A_898 = arith.constant 1 : i32
    scf.for %scan3A_1345 = %scan3A to %scan3A_897 step %scan3A_898  : i32 {
      %dma_wait3A_1346 = arith.constant 0 : i32
      %dma_wait3A_1347 = arith.constant 0 : i32
      %dma_wait3A_1348 = arith.constant 0 : i32
      %dma_wait3A_1349 = tpu.memref_slice %arg6[%dma_wait3A_1346, %dma_wait3A_1347, %dma_wait3A_1348] : memref<8x32x128xf32, #tpu.memory_space<vmem>> -> memref<1x32x128xf32, #tpu.memory_space<vmem>>
      %dma_wait3A_1350 = tpu.memref_squeeze %dma_wait3A_1349 : memref<1x32x128xf32, #tpu.memory_space<vmem>> -> memref<32x128xf32, #tpu.memory_space<vmem>>
      %dma_wait3A_1351 = arith.constant 0 : i32
      %dma_wait3A_1352 = arith.constant 0 : i32
      %dma_wait3A_1353 = tpu.memref_slice %arg3[%dma_wait3A_1351, %dma_wait3A_1352] : memref<32x1000000xf32, #tpu.memory_space<hbm>> -> memref<32x128xf32, #tpu.memory_space<hbm>>
      %dma_wait3A_1354 = arith.constant 0 : i32
      %dma_wait3A_1355 = arith.constant 0 : i32
      %dma_wait3A_1356 = tpu.memref_slice %arg6[%dma_wait3A_1346, %dma_wait3A_1354, %dma_wait3A_1355] : memref<8x32x128xf32, #tpu.memory_space<vmem>> -> memref<1x32x128xf32, #tpu.memory_space<vmem>>
      %dma_wait3A_1357 = tpu.memref_squeeze %dma_wait3A_1356 : memref<1x32x128xf32, #tpu.memory_space<vmem>> -> memref<32x128xf32, #tpu.memory_space<vmem>>
      %dma_wait3A_1358 = arith.constant 0 : i32
      %dma_wait3A_1359 = arith.constant 0 : i32
      %dma_wait3A_1360 = tpu.memref_slice %arg3[%dma_wait3A_1358, %dma_wait3A_1359] : memref<32x1000000xf32, #tpu.memory_space<hbm>> -> memref<32x128xf32, #tpu.memory_space<hbm>>
      tpu.wait_dma2 semaphore(%arg9 : memref<!tpu.dma_semaphore, #tpu.memory_space<semaphore_mem>>) src(%dma_wait3A_1360 : memref<32x128xf32, #tpu.memory_space<hbm>>) dst(%dma_wait3A_1357 : memref<32x128xf32, #tpu.memory_space<vmem>>)
      %dma_wait3A_1361 = arith.constant 1 : i32
      %dma_wait3A_1362 = arith.constant 0 : i32
      %dma_wait3A_1363 = arith.constant 0 : i32
      %dma_wait3A_1364 = tpu.memref_slice %arg6[%dma_wait3A_1361, %dma_wait3A_1362, %dma_wait3A_1363] : memref<8x32x128xf32, #tpu.memory_space<vmem>> -> memref<1x32x128xf32, #tpu.memory_space<vmem>>
      %dma_wait3A_1365 = tpu.memref_squeeze %dma_wait3A_1364 : memref<1x32x128xf32, #tpu.memory_space<vmem>> -> memref<32x128xf32, #tpu.memory_space<vmem>>
      %dma_wait3A_1366 = arith.constant 0 : i32
      %dma_wait3A_1367 = arith.constant 0 : i32
      %dma_wait3A_1368 = tpu.memref_slice %arg3[%dma_wait3A_1366, %dma_wait3A_1367] : memref<32x1000000xf32, #tpu.memory_space<hbm>> -> memref<32x128xf32, #tpu.memory_space<hbm>>
      %dma_wait3A_1369 = arith.constant 0 : i32
      %dma_wait3A_1370 = arith.constant 0 : i32
      %dma_wait3A_1371 = tpu.memref_slice %arg6[%dma_wait3A_1361, %dma_wait3A_1369, %dma_wait3A_1370] : memref<8x32x128xf32, #tpu.memory_space<vmem>> -> memref<1x32x128xf32, #tpu.memory_space<vmem>>
      %dma_wait3A_1372 = tpu.memref_squeeze %dma_wait3A_1371 : memref<1x32x128xf32, #tpu.memory_space<vmem>> -> memref<32x128xf32, #tpu.memory_space<vmem>>
      %dma_wait3A_1373 = arith.constant 0 : i32
      %dma_wait3A_1374 = arith.constant 0 : i32
      %dma_wait3A_1375 = tpu.memref_slice %arg3[%dma_wait3A_1373, %dma_wait3A_1374] : memref<32x1000000xf32, #tpu.memory_space<hbm>> -> memref<32x128xf32, #tpu.memory_space<hbm>>
      tpu.wait_dma2 semaphore(%arg9 : memref<!tpu.dma_semaphore, #tpu.memory_space<semaphore_mem>>) src(%dma_wait3A_1375 : memref<32x128xf32, #tpu.memory_space<hbm>>) dst(%dma_wait3A_1372 : memref<32x128xf32, #tpu.memory_space<vmem>>)
      %dma_wait3A_1376 = arith.constant 2 : i32
      %dma_wait3A_1377 = arith.constant 0 : i32
      %dma_wait3A_1378 = arith.constant 0 : i32
      %dma_wait3A_1379 = tpu.memref_slice %arg6[%dma_wait3A_1376, %dma_wait3A_1377, %dma_wait3A_1378] : memref<8x32x128xf32, #tpu.memory_space<vmem>> -> memref<1x32x128xf32, #tpu.memory_space<vmem>>
      %dma_wait3A_1380 = tpu.memref_squeeze %dma_wait3A_1379 : memref<1x32x128xf32, #tpu.memory_space<vmem>> -> memref<32x128xf32, #tpu.memory_space<vmem>>
      %dma_wait3A_1381 = arith.constant 0 : i32
      %dma_wait3A_1382 = arith.constant 0 : i32
      %dma_wait3A_1383 = tpu.memref_slice %arg3[%dma_wait3A_1381, %dma_wait3A_1382] : memref<32x1000000xf32, #tpu.memory_space<hbm>> -> memref<32x128xf32, #tpu.memory_space<hbm>>
      %dma_wait3A_1384 = arith.constant 0 : i32
      %dma_wait3A_1385 = arith.constant 0 : i32
      %dma_wait3A_1386 = tpu.memref_slice %arg6[%dma_wait3A_1376, %dma_wait3A_1384, %dma_wait3A_1385] : memref<8x32x128xf32, #tpu.memory_space<vmem>> -> memref<1x32x128xf32, #tpu.memory_space<vmem>>
      %dma_wait3A_1387 = tpu.memref_squeeze %dma_wait3A_1386 : memref<1x32x128xf32, #tpu.memory_space<vmem>> -> memref<32x128xf32, #tpu.memory_space<vmem>>
      %dma_wait3A_1388 = arith.constant 0 : i32
      %dma_wait3A_1389 = arith.constant 0 : i32
      %dma_wait3A_1390 = tpu.memref_slice %arg3[%dma_wait3A_1388, %dma_wait3A_1389] : memref<32x1000000xf32, #tpu.memory_space<hbm>> -> memref<32x128xf32, #tpu.memory_space<hbm>>
      tpu.wait_dma2 semaphore(%arg9 : memref<!tpu.dma_semaphore, #tpu.memory_space<semaphore_mem>>) src(%dma_wait3A_1390 : memref<32x128xf32, #tpu.memory_space<hbm>>) dst(%dma_wait3A_1387 : memref<32x128xf32, #tpu.memory_space<vmem>>)
      %dma_wait3A_1391 = arith.constant 3 : i32
      %dma_wait3A_1392 = arith.constant 0 : i32
      %dma_wait3A_1393 = arith.constant 0 : i32
      %dma_wait3A_1394 = tpu.memref_slice %arg6[%dma_wait3A_1391, %dma_wait3A_1392, %dma_wait3A_1393] : memref<8x32x128xf32, #tpu.memory_space<vmem>> -> memref<1x32x128xf32, #tpu.memory_space<vmem>>
      %dma_wait3A_1395 = tpu.memref_squeeze %dma_wait3A_1394 : memref<1x32x128xf32, #tpu.memory_space<vmem>> -> memref<32x128xf32, #tpu.memory_space<vmem>>
      %dma_wait3A_1396 = arith.constant 0 : i32
      %dma_wait3A_1397 = arith.constant 0 : i32
      %dma_wait3A_1398 = tpu.memref_slice %arg3[%dma_wait3A_1396, %dma_wait3A_1397] : memref<32x1000000xf32, #tpu.memory_space<hbm>> -> memref<32x128xf32, #tpu.memory_space<hbm>>
      %dma_wait3A_1399 = arith.constant 0 : i32
      %dma_wait3A_1400 = arith.constant 0 : i32
      %dma_wait3A_1401 = tpu.memref_slice %arg6[%dma_wait3A_1391, %dma_wait3A_1399, %dma_wait3A_1400] : memref<8x32x128xf32, #tpu.memory_space<vmem>> -> memref<1x32x128xf32, #tpu.memory_space<vmem>>
      %dma_wait3A_1402 = tpu.memref_squeeze %dma_wait3A_1401 : memref<1x32x128xf32, #tpu.memory_space<vmem>> -> memref<32x128xf32, #tpu.memory_space<vmem>>
      %dma_wait3A_1403 = arith.constant 0 : i32
      %dma_wait3A_1404 = arith.constant 0 : i32
      %dma_wait3A_1405 = tpu.memref_slice %arg3[%dma_wait3A_1403, %dma_wait3A_1404] : memref<32x1000000xf32, #tpu.memory_space<hbm>> -> memref<32x128xf32, #tpu.memory_space<hbm>>
      tpu.wait_dma2 semaphore(%arg9 : memref<!tpu.dma_semaphore, #tpu.memory_space<semaphore_mem>>) src(%dma_wait3A_1405 : memref<32x128xf32, #tpu.memory_space<hbm>>) dst(%dma_wait3A_1402 : memref<32x128xf32, #tpu.memory_space<vmem>>)
      %dma_wait3A_1406 = arith.constant 4 : i32
      %dma_wait3A_1407 = arith.constant 0 : i32
      %dma_wait3A_1408 = arith.constant 0 : i32
      %dma_wait3A_1409 = tpu.memref_slice %arg6[%dma_wait3A_1406, %dma_wait3A_1407, %dma_wait3A_1408] : memref<8x32x128xf32, #tpu.memory_space<vmem>> -> memref<1x32x128xf32, #tpu.memory_space<vmem>>
      %dma_wait3A_1410 = tpu.memref_squeeze %dma_wait3A_1409 : memref<1x32x128xf32, #tpu.memory_space<vmem>> -> memref<32x128xf32, #tpu.memory_space<vmem>>
      %dma_wait3A_1411 = arith.constant 0 : i32
      %dma_wait3A_1412 = arith.constant 0 : i32
      %dma_wait3A_1413 = tpu.memref_slice %arg3[%dma_wait3A_1411, %dma_wait3A_1412] : memref<32x1000000xf32, #tpu.memory_space<hbm>> -> memref<32x128xf32, #tpu.memory_space<hbm>>
      %dma_wait3A_1414 = arith.constant 0 : i32
      %dma_wait3A_1415 = arith.constant 0 : i32
      %dma_wait3A_1416 = tpu.memref_slice %arg6[%dma_wait3A_1406, %dma_wait3A_1414, %dma_wait3A_1415] : memref<8x32x128xf32, #tpu.memory_space<vmem>> -> memref<1x32x128xf32, #tpu.memory_space<vmem>>
      %dma_wait3A_1417 = tpu.memref_squeeze %dma_wait3A_1416 : memref<1x32x128xf32, #tpu.memory_space<vmem>> -> memref<32x128xf32, #tpu.memory_space<vmem>>
      %dma_wait3A_1418 = arith.constant 0 : i32
      %dma_wait3A_1419 = arith.constant 0 : i32
      %dma_wait3A_1420 = tpu.memref_slice %arg3[%dma_wait3A_1418, %dma_wait3A_1419] : memref<32x1000000xf32, #tpu.memory_space<hbm>> -> memref<32x128xf32, #tpu.memory_space<hbm>>
      tpu.wait_dma2 semaphore(%arg9 : memref<!tpu.dma_semaphore, #tpu.memory_space<semaphore_mem>>) src(%dma_wait3A_1420 : memref<32x128xf32, #tpu.memory_space<hbm>>) dst(%dma_wait3A_1417 : memref<32x128xf32, #tpu.memory_space<vmem>>)
      %dma_wait3A_1421 = arith.constant 5 : i32
      %dma_wait3A_1422 = arith.constant 0 : i32
      %dma_wait3A_1423 = arith.constant 0 : i32
      %dma_wait3A_1424 = tpu.memref_slice %arg6[%dma_wait3A_1421, %dma_wait3A_1422, %dma_wait3A_1423] : memref<8x32x128xf32, #tpu.memory_space<vmem>> -> memref<1x32x128xf32, #tpu.memory_space<vmem>>
      %dma_wait3A_1425 = tpu.memref_squeeze %dma_wait3A_1424 : memref<1x32x128xf32, #tpu.memory_space<vmem>> -> memref<32x128xf32, #tpu.memory_space<vmem>>
      %dma_wait3A_1426 = arith.constant 0 : i32
      %dma_wait3A_1427 = arith.constant 0 : i32
      %dma_wait3A_1428 = tpu.memref_slice %arg3[%dma_wait3A_1426, %dma_wait3A_1427] : memref<32x1000000xf32, #tpu.memory_space<hbm>> -> memref<32x128xf32, #tpu.memory_space<hbm>>
      %dma_wait3A_1429 = arith.constant 0 : i32
      %dma_wait3A_1430 = arith.constant 0 : i32
      %dma_wait3A_1431 = tpu.memref_slice %arg6[%dma_wait3A_1421, %dma_wait3A_1429, %dma_wait3A_1430] : memref<8x32x128xf32, #tpu.memory_space<vmem>> -> memref<1x32x128xf32, #tpu.memory_space<vmem>>
      %dma_wait3A_1432 = tpu.memref_squeeze %dma_wait3A_1431 : memref<1x32x128xf32, #tpu.memory_space<vmem>> -> memref<32x128xf32, #tpu.memory_space<vmem>>
      %dma_wait3A_1433 = arith.constant 0 : i32
      %dma_wait3A_1434 = arith.constant 0 : i32
      %dma_wait3A_1435 = tpu.memref_slice %arg3[%dma_wait3A_1433, %dma_wait3A_1434] : memref<32x1000000xf32, #tpu.memory_space<hbm>> -> memref<32x128xf32, #tpu.memory_space<hbm>>
      tpu.wait_dma2 semaphore(%arg9 : memref<!tpu.dma_semaphore, #tpu.memory_space<semaphore_mem>>) src(%dma_wait3A_1435 : memref<32x128xf32, #tpu.memory_space<hbm>>) dst(%dma_wait3A_1432 : memref<32x128xf32, #tpu.memory_space<vmem>>)
      %dma_wait3A_1436 = arith.constant 6 : i32
      %dma_wait3A_1437 = arith.constant 0 : i32
      %dma_wait3A_1438 = arith.constant 0 : i32
      %dma_wait3A_1439 = tpu.memref_slice %arg6[%dma_wait3A_1436, %dma_wait3A_1437, %dma_wait3A_1438] : memref<8x32x128xf32, #tpu.memory_space<vmem>> -> memref<1x32x128xf32, #tpu.memory_space<vmem>>
      %dma_wait3A_1440 = tpu.memref_squeeze %dma_wait3A_1439 : memref<1x32x128xf32, #tpu.memory_space<vmem>> -> memref<32x128xf32, #tpu.memory_space<vmem>>
      %dma_wait3A_1441 = arith.constant 0 : i32
      %dma_wait3A_1442 = arith.constant 0 : i32
      %dma_wait3A_1443 = tpu.memref_slice %arg3[%dma_wait3A_1441, %dma_wait3A_1442] : memref<32x1000000xf32, #tpu.memory_space<hbm>> -> memref<32x128xf32, #tpu.memory_space<hbm>>
      %dma_wait3A_1444 = arith.constant 0 : i32
      %dma_wait3A_1445 = arith.constant 0 : i32
      %dma_wait3A_1446 = tpu.memref_slice %arg6[%dma_wait3A_1436, %dma_wait3A_1444, %dma_wait3A_1445] : memref<8x32x128xf32, #tpu.memory_space<vmem>> -> memref<1x32x128xf32, #tpu.memory_space<vmem>>
      %dma_wait3A_1447 = tpu.memref_squeeze %dma_wait3A_1446 : memref<1x32x128xf32, #tpu.memory_space<vmem>> -> memref<32x128xf32, #tpu.memory_space<vmem>>
      %dma_wait3A_1448 = arith.constant 0 : i32
      %dma_wait3A_1449 = arith.constant 0 : i32
      %dma_wait3A_1450 = tpu.memref_slice %arg3[%dma_wait3A_1448, %dma_wait3A_1449] : memref<32x1000000xf32, #tpu.memory_space<hbm>> -> memref<32x128xf32, #tpu.memory_space<hbm>>
      tpu.wait_dma2 semaphore(%arg9 : memref<!tpu.dma_semaphore, #tpu.memory_space<semaphore_mem>>) src(%dma_wait3A_1450 : memref<32x128xf32, #tpu.memory_space<hbm>>) dst(%dma_wait3A_1447 : memref<32x128xf32, #tpu.memory_space<vmem>>)
      %dma_wait3A_1451 = arith.constant 7 : i32
      %dma_wait3A_1452 = arith.constant 0 : i32
      %dma_wait3A_1453 = arith.constant 0 : i32
      %dma_wait3A_1454 = tpu.memref_slice %arg6[%dma_wait3A_1451, %dma_wait3A_1452, %dma_wait3A_1453] : memref<8x32x128xf32, #tpu.memory_space<vmem>> -> memref<1x32x128xf32, #tpu.memory_space<vmem>>
      %dma_wait3A_1455 = tpu.memref_squeeze %dma_wait3A_1454 : memref<1x32x128xf32, #tpu.memory_space<vmem>> -> memref<32x128xf32, #tpu.memory_space<vmem>>
      %dma_wait3A_1456 = arith.constant 0 : i32
      %dma_wait3A_1457 = arith.constant 0 : i32
      %dma_wait3A_1458 = tpu.memref_slice %arg3[%dma_wait3A_1456, %dma_wait3A_1457] : memref<32x1000000xf32, #tpu.memory_space<hbm>> -> memref<32x128xf32, #tpu.memory_space<hbm>>
      %dma_wait3A_1459 = arith.constant 0 : i32
      %dma_wait3A_1460 = arith.constant 0 : i32
      %dma_wait3A_1461 = tpu.memref_slice %arg6[%dma_wait3A_1451, %dma_wait3A_1459, %dma_wait3A_1460] : memref<8x32x128xf32, #tpu.memory_space<vmem>> -> memref<1x32x128xf32, #tpu.memory_space<vmem>>
      %dma_wait3A_1462 = tpu.memref_squeeze %dma_wait3A_1461 : memref<1x32x128xf32, #tpu.memory_space<vmem>> -> memref<32x128xf32, #tpu.memory_space<vmem>>
      %dma_wait3A_1463 = arith.constant 0 : i32
      %dma_wait3A_1464 = arith.constant 0 : i32
      %dma_wait3A_1465 = tpu.memref_slice %arg3[%dma_wait3A_1463, %dma_wait3A_1464] : memref<32x1000000xf32, #tpu.memory_space<hbm>> -> memref<32x128xf32, #tpu.memory_space<hbm>>
      tpu.wait_dma2 semaphore(%arg9 : memref<!tpu.dma_semaphore, #tpu.memory_space<semaphore_mem>>) src(%dma_wait3A_1465 : memref<32x128xf32, #tpu.memory_space<hbm>>) dst(%dma_wait3A_1462 : memref<32x128xf32, #tpu.memory_space<vmem>>)
      %mul3A_1466 = arith.constant 2 : i32
      %mul3A_1467 = arith.muli %mul3A_1466, %scan3A_1345 : i32
      %mul3A_1468 = arith.constant 8 : i32
      %mul3A_1469 = arith.muli %mul3A_1467, %mul3A_1468 : i32
      %get3A_1470 = arith.index_cast %mul3A_1469 : i32 to index
      %get3A_1471 = tpu.vector_load %arg5[%get3A_1470] {strides = array<i32>} : memref<528xi32, #tpu.memory_space<vmem>>, vector<16xi32>,
      %and3A_1472 = arith.constant 127 : i32
      %and3A_1473 = vector.broadcast %and3A_1472 : i32 to vector<16xi32>
      %and3A_1474 = arith.andi %get3A_1471, %and3A_1473 : vector<16xi32>
      %add3A_1475 = vector.broadcast %mul3A_1469 : i32 to vector<16xi32>
      %add3A_1476 = arith.addi %add3A_1475, %iota3A : vector<16xi32>
      %broadcast_in_dim3A_1477 = arith.constant 0 : i32
      %broadcast_in_dim3A_1478 = vector.broadcast %broadcast_in_dim3A_1477 : i32 to vector<16xi32>
      %gather3A_1479 = tpu.vector_load_idx %arg6[%and3A_4, %broadcast_in_dim3A_1478, %and3A_1474] : memref<8x32x128xf32, #tpu.memory_space<vmem>>[vector<16xi32>, vector<16xi32>, vector<16xi32>], vector<16xf32>,
      tpu.vector_store_idx %arg8[%broadcast_in_dim3A_1478, %add3A_1476], %gather3A_1479 masked %lt3A_6 : memref<32x512xf32, #tpu.memory_space<vmem>>[vector<16xi32>, vector<16xi32>], vector<16xf32>, vector<16xi1>
      %broadcast_in_dim3A_1480 = arith.constant 1 : i32
      %broadcast_in_dim3A_1481 = vector.broadcast %broadcast_in_dim3A_1480 : i32 to vector<16xi32>
      %gather3A_1482 = tpu.vector_load_idx %arg6[%and3A_4, %broadcast_in_dim3A_1481, %and3A_1474] : memref<8x32x128xf32, #tpu.memory_space<vmem>>[vector<16xi32>, vector<16xi32>, vector<16xi32>], vector<16xf32>,
      tpu.vector_store_idx %arg8[%broadcast_in_dim3A_1481, %add3A_1476], %gather3A_1482 masked %lt3A_6 : memref<32x512xf32, #tpu.memory_space<vmem>>[vector<16xi32>, vector<16xi32>], vector<16xf32>, vector<16xi1>
      %broadcast_in_dim3A_1483 = arith.constant 2 : i32
      %broadcast_in_dim3A_1484 = vector.broadcast %broadcast_in_dim3A_1483 : i32 to vector<16xi32>
      %gather3A_1485 = tpu.vector_load_idx %arg6[%and3A_4, %broadcast_in_dim3A_1484, %and3A_1474] : memref<8x32x128xf32, #tpu.memory_space<vmem>>[vector<16xi32>, vector<16xi32>, vector<16xi32>], vector<16xf32>,
      tpu.vector_store_idx %arg8[%broadcast_in_dim3A_1484, %add3A_1476], %gather3A_1485 masked %lt3A_6 : memref<32x512xf32, #tpu.memory_space<vmem>>[vector<16xi32>, vector<16xi32>], vector<16xf32>, vector<16xi1>
      %broadcast_in_dim3A_1486 = arith.constant 3 : i32
      %broadcast_in_dim3A_1487 = vector.broadcast %broadcast_in_dim3A_1486 : i32 to vector<16xi32>
      %gather3A_1488 = tpu.vector_load_idx %arg6[%and3A_4, %broadcast_in_dim3A_1487, %and3A_1474] : memref<8x32x128xf32, #tpu.memory_space<vmem>>[vector<16xi32>, vector<16xi32>, vector<16xi32>], vector<16xf32>,
      tpu.vector_store_idx %arg8[%broadcast_in_dim3A_1487, %add3A_1476], %gather3A_1488 masked %lt3A_6 : memref<32x512xf32, #tpu.memory_space<vmem>>[vector<16xi32>, vector<16xi32>], vector<16xf32>, vector<16xi1>
      %broadcast_in_dim3A_1489 = arith.constant 4 : i32
      %broadcast_in_dim3A_1490 = vector.broadcast %broadcast_in_dim3A_1489 : i32 to vector<16xi32>
      %gather3A_1491 = tpu.vector_load_idx %arg6[%and3A_4, %broadcast_in_dim3A_1490, %and3A_1474] : memref<8x32x128xf32, #tpu.memory_space<vmem>>[vector<16xi32>, vector<16xi32>, vector<16xi32>], vector<16xf32>,
      tpu.vector_store_idx %arg8[%broadcast_in_dim3A_1490, %add3A_1476], %gather3A_1491 masked %lt3A_6 : memref<32x512xf32, #tpu.memory_space<vmem>>[vector<16xi32>, vector<16xi32>], vector<16xf32>, vector<16xi1>
      %broadcast_in_dim3A_1492 = arith.constant 5 : i32
      %broadcast_in_dim3A_1493 = vector.broadcast %broadcast_in_dim3A_1492 : i32 to vector<16xi32>
      %gather3A_1494 = tpu.vector_load_idx %arg6[%and3A_4, %broadcast_in_dim3A_1493, %and3A_1474] : memref<8x32x128xf32, #tpu.memory_space<vmem>>[vector<16xi32>, vector<16xi32>, vector<16xi32>], vector<16xf32>,
      tpu.vector_store_idx %arg8[%broadcast_in_dim3A_1493, %add3A_1476], %gather3A_1494 masked %lt3A_6 : memref<32x512xf32, #tpu.memory_space<vmem>>[vector<16xi32>, vector<16xi32>], vector<16xf32>, vector<16xi1>
      %broadcast_in_dim3A_1495 = arith.constant 6 : i32
      %broadcast_in_dim3A_1496 = vector.broadcast %broadcast_in_dim3A_1495 : i32 to vector<16xi32>
      %gather3A_1497 = tpu.vector_load_idx %arg6[%and3A_4, %broadcast_in_dim3A_1496, %and3A_1474] : memref<8x32x128xf32, #tpu.memory_space<vmem>>[vector<16xi32>, vector<16xi32>, vector<16xi32>], vector<16xf32>,
      tpu.vector_store_idx %arg8[%broadcast_in_dim3A_1496, %add3A_1476], %gather3A_1497 masked %lt3A_6 : memref<32x512xf32, #tpu.memory_space<vmem>>[vector<16xi32>, vector<16xi32>], vector<16xf32>, vector<16xi1>
      %broadcast_in_dim3A_1498 = arith.constant 7 : i32
      %broadcast_in_dim3A_1499 = vector.broadcast %broadcast_in_dim3A_1498 : i32 to vector<16xi32>
      %gather3A_1500 = tpu.vector_load_idx %arg6[%and3A_4, %broadcast_in_dim3A_1499, %and3A_1474] : memref<8x32x128xf32, #tpu.memory_space<vmem>>[vector<16xi32>, vector<16xi32>, vector<16xi32>], vector<16xf32>,
      tpu.vector_store_idx %arg8[%broadcast_in_dim3A_1499, %add3A_1476], %gather3A_1500 masked %lt3A_6 : memref<32x512xf32, #tpu.memory_space<vmem>>[vector<16xi32>, vector<16xi32>], vector<16xf32>, vector<16xi1>
      %broadcast_in_dim3A_1501 = arith.constant 8 : i32
      %broadcast_in_dim3A_1502 = vector.broadcast %broadcast_in_dim3A_1501 : i32 to vector<16xi32>
      %gather3A_1503 = tpu.vector_load_idx %arg6[%and3A_4, %broadcast_in_dim3A_1502, %and3A_1474] : memref<8x32x128xf32, #tpu.memory_space<vmem>>[vector<16xi32>, vector<16xi32>, vector<16xi32>], vector<16xf32>,
      tpu.vector_store_idx %arg8[%broadcast_in_dim3A_1502, %add3A_1476], %gather3A_1503 masked %lt3A_6 : memref<32x512xf32, #tpu.memory_space<vmem>>[vector<16xi32>, vector<16xi32>], vector<16xf32>, vector<16xi1>
      %broadcast_in_dim3A_1504 = arith.constant 9 : i32
      %broadcast_in_dim3A_1505 = vector.broadcast %broadcast_in_dim3A_1504 : i32 to vector<16xi32>
      %gather3A_1506 = tpu.vector_load_idx %arg6[%and3A_4, %broadcast_in_dim3A_1505, %and3A_1474] : memref<8x32x128xf32, #tpu.memory_space<vmem>>[vector<16xi32>, vector<16xi32>, vector<16xi32>], vector<16xf32>,
      tpu.vector_store_idx %arg8[%broadcast_in_dim3A_1505, %add3A_1476], %gather3A_1506 masked %lt3A_6 : memref<32x512xf32, #tpu.memory_space<vmem>>[vector<16xi32>, vector<16xi32>], vector<16xf32>, vector<16xi1>
      %broadcast_in_dim3A_1507 = arith.constant 10 : i32
      %broadcast_in_dim3A_1508 = vector.broadcast %broadcast_in_dim3A_1507 : i32 to vector<16xi32>
      %gather3A_1509 = tpu.vector_load_idx %arg6[%and3A_4, %broadcast_in_dim3A_1508, %and3A_1474] : memref<8x32x128xf32, #tpu.memory_space<vmem>>[vector<16xi32>, vector<16xi32>, vector<16xi32>], vector<16xf32>,
      tpu.vector_store_idx %arg8[%broadcast_in_dim3A_1508, %add3A_1476], %gather3A_1509 masked %lt3A_6 : memref<32x512xf32, #tpu.memory_space<vmem>>[vector<16xi32>, vector<16xi32>], vector<16xf32>, vector<16xi1>
      %broadcast_in_dim3A_1510 = arith.constant 11 : i32
      %broadcast_in_dim3A_1511 = vector.broadcast %broadcast_in_dim3A_1510 : i32 to vector<16xi32>
      %gather3A_1512 = tpu.vector_load_idx %arg6[%and3A_4, %broadcast_in_dim3A_1511, %and3A_1474] : memref<8x32x128xf32, #tpu.memory_space<vmem>>[vector<16xi32>, vector<16xi32>, vector<16xi32>], vector<16xf32>,
      tpu.vector_store_idx %arg8[%broadcast_in_dim3A_1511, %add3A_1476], %gather3A_1512 masked %lt3A_6 : memref<32x512xf32, #tpu.memory_space<vmem>>[vector<16xi32>, vector<16xi32>], vector<16xf32>, vector<16xi1>
      %broadcast_in_dim3A_1513 = arith.constant 12 : i32
      %broadcast_in_dim3A_1514 = vector.broadcast %broadcast_in_dim3A_1513 : i32 to vector<16xi32>
      %gather3A_1515 = tpu.vector_load_idx %arg6[%and3A_4, %broadcast_in_dim3A_1514, %and3A_1474] : memref<8x32x128xf32, #tpu.memory_space<vmem>>[vector<16xi32>, vector<16xi32>, vector<16xi32>], vector<16xf32>,
      tpu.vector_store_idx %arg8[%broadcast_in_dim3A_1514, %add3A_1476], %gather3A_1515 masked %lt3A_6 : memref<32x512xf32, #tpu.memory_space<vmem>>[vector<16xi32>, vector<16xi32>], vector<16xf32>, vector<16xi1>
      %broadcast_in_dim3A_1516 = arith.constant 13 : i32
      %broadcast_in_dim3A_1517 = vector.broadcast %broadcast_in_dim3A_1516 : i32 to vector<16xi32>
      %gather3A_1518 = tpu.vector_load_idx %arg6[%and3A_4, %broadcast_in_dim3A_1517, %and3A_1474] : memref<8x32x128xf32, #tpu.memory_space<vmem>>[vector<16xi32>, vector<16xi32>, vector<16xi32>], vector<16xf32>,
      tpu.vector_store_idx %arg8[%broadcast_in_dim3A_1517, %add3A_1476], %gather3A_1518 masked %lt3A_6 : memref<32x512xf32, #tpu.memory_space<vmem>>[vector<16xi32>, vector<16xi32>], vector<16xf32>, vector<16xi1>
      %broadcast_in_dim3A_1519 = arith.constant 14 : i32
      %broadcast_in_dim3A_1520 = vector.broadcast %broadcast_in_dim3A_1519 : i32 to vector<16xi32>
      %gather3A_1521 = tpu.vector_load_idx %arg6[%and3A_4, %broadcast_in_dim3A_1520, %and3A_1474] : memref<8x32x128xf32, #tpu.memory_space<vmem>>[vector<16xi32>, vector<16xi32>, vector<16xi32>], vector<16xf32>,
      tpu.vector_store_idx %arg8[%broadcast_in_dim3A_1520, %add3A_1476], %gather3A_1521 masked %lt3A_6 : memref<32x512xf32, #tpu.memory_space<vmem>>[vector<16xi32>, vector<16xi32>], vector<16xf32>, vector<16xi1>
      %broadcast_in_dim3A_1522 = arith.constant 15 : i32
      %broadcast_in_dim3A_1523 = vector.broadcast %broadcast_in_dim3A_1522 : i32 to vector<16xi32>
      %gather3A_1524 = tpu.vector_load_idx %arg6[%and3A_4, %broadcast_in_dim3A_1523, %and3A_1474] : memref<8x32x128xf32, #tpu.memory_space<vmem>>[vector<16xi32>, vector<16xi32>, vector<16xi32>], vector<16xf32>,
      tpu.vector_store_idx %arg8[%broadcast_in_dim3A_1523, %add3A_1476], %gather3A_1524 masked %lt3A_6 : memref<32x512xf32, #tpu.memory_space<vmem>>[vector<16xi32>, vector<16xi32>], vector<16xf32>, vector<16xi1>
      %broadcast_in_dim3A_1525 = arith.constant 16 : i32
      %broadcast_in_dim3A_1526 = vector.broadcast %broadcast_in_dim3A_1525 : i32 to vector<16xi32>
      %gather3A_1527 = tpu.vector_load_idx %arg6[%and3A_4, %broadcast_in_dim3A_1526, %and3A_1474] : memref<8x32x128xf32, #tpu.memory_space<vmem>>[vector<16xi32>, vector<16xi32>, vector<16xi32>], vector<16xf32>,
      tpu.vector_store_idx %arg8[%broadcast_in_dim3A_1526, %add3A_1476], %gather3A_1527 masked %lt3A_6 : memref<32x512xf32, #tpu.memory_space<vmem>>[vector<16xi32>, vector<16xi32>], vector<16xf32>, vector<16xi1>
      %broadcast_in_dim3A_1528 = arith.constant 17 : i32
      %broadcast_in_dim3A_1529 = vector.broadcast %broadcast_in_dim3A_1528 : i32 to vector<16xi32>
      %gather3A_1530 = tpu.vector_load_idx %arg6[%and3A_4, %broadcast_in_dim3A_1529, %and3A_1474] : memref<8x32x128xf32, #tpu.memory_space<vmem>>[vector<16xi32>, vector<16xi32>, vector<16xi32>], vector<16xf32>,
      tpu.vector_store_idx %arg8[%broadcast_in_dim3A_1529, %add3A_1476], %gather3A_1530 masked %lt3A_6 : memref<32x512xf32, #tpu.memory_space<vmem>>[vector<16xi32>, vector<16xi32>], vector<16xf32>, vector<16xi1>
      %broadcast_in_dim3A_1531 = arith.constant 18 : i32
      %broadcast_in_dim3A_1532 = vector.broadcast %broadcast_in_dim3A_1531 : i32 to vector<16xi32>
      %gather3A_1533 = tpu.vector_load_idx %arg6[%and3A_4, %broadcast_in_dim3A_1532, %and3A_1474] : memref<8x32x128xf32, #tpu.memory_space<vmem>>[vector<16xi32>, vector<16xi32>, vector<16xi32>], vector<16xf32>,
      tpu.vector_store_idx %arg8[%broadcast_in_dim3A_1532, %add3A_1476], %gather3A_1533 masked %lt3A_6 : memref<32x512xf32, #tpu.memory_space<vmem>>[vector<16xi32>, vector<16xi32>], vector<16xf32>, vector<16xi1>
      %broadcast_in_dim3A_1534 = arith.constant 19 : i32
      %broadcast_in_dim3A_1535 = vector.broadcast %broadcast_in_dim3A_1534 : i32 to vector<16xi32>
      %gather3A_1536 = tpu.vector_load_idx %arg6[%and3A_4, %broadcast_in_dim3A_1535, %and3A_1474] : memref<8x32x128xf32, #tpu.memory_space<vmem>>[vector<16xi32>, vector<16xi32>, vector<16xi32>], vector<16xf32>,
      tpu.vector_store_idx %arg8[%broadcast_in_dim3A_1535, %add3A_1476], %gather3A_1536 masked %lt3A_6 : memref<32x512xf32, #tpu.memory_space<vmem>>[vector<16xi32>, vector<16xi32>], vector<16xf32>, vector<16xi1>
      %broadcast_in_dim3A_1537 = arith.constant 20 : i32
      %broadcast_in_dim3A_1538 = vector.broadcast %broadcast_in_dim3A_1537 : i32 to vector<16xi32>
      %gather3A_1539 = tpu.vector_load_idx %arg6[%and3A_4, %broadcast_in_dim3A_1538, %and3A_1474] : memref<8x32x128xf32, #tpu.memory_space<vmem>>[vector<16xi32>, vector<16xi32>, vector<16xi32>], vector<16xf32>,
      tpu.vector_store_idx %arg8[%broadcast_in_dim3A_1538, %add3A_1476], %gather3A_1539 masked %lt3A_6 : memref<32x512xf32, #tpu.memory_space<vmem>>[vector<16xi32>, vector<16xi32>], vector<16xf32>, vector<16xi1>
      %broadcast_in_dim3A_1540 = arith.constant 21 : i32
      %broadcast_in_dim3A_1541 = vector.broadcast %broadcast_in_dim3A_1540 : i32 to vector<16xi32>
      %gather3A_1542 = tpu.vector_load_idx %arg6[%and3A_4, %broadcast_in_dim3A_1541, %and3A_1474] : memref<8x32x128xf32, #tpu.memory_space<vmem>>[vector<16xi32>, vector<16xi32>, vector<16xi32>], vector<16xf32>,
      tpu.vector_store_idx %arg8[%broadcast_in_dim3A_1541, %add3A_1476], %gather3A_1542 masked %lt3A_6 : memref<32x512xf32, #tpu.memory_space<vmem>>[vector<16xi32>, vector<16xi32>], vector<16xf32>, vector<16xi1>
      %broadcast_in_dim3A_1543 = arith.constant 22 : i32
      %broadcast_in_dim3A_1544 = vector.broadcast %broadcast_in_dim3A_1543 : i32 to vector<16xi32>
      %gather3A_1545 = tpu.vector_load_idx %arg6[%and3A_4, %broadcast_in_dim3A_1544, %and3A_1474] : memref<8x32x128xf32, #tpu.memory_space<vmem>>[vector<16xi32>, vector<16xi32>, vector<16xi32>], vector<16xf32>,
      tpu.vector_store_idx %arg8[%broadcast_in_dim3A_1544, %add3A_1476], %gather3A_1545 masked %lt3A_6 : memref<32x512xf32, #tpu.memory_space<vmem>>[vector<16xi32>, vector<16xi32>], vector<16xf32>, vector<16xi1>
      %broadcast_in_dim3A_1546 = arith.constant 23 : i32
      %broadcast_in_dim3A_1547 = vector.broadcast %broadcast_in_dim3A_1546 : i32 to vector<16xi32>
      %gather3A_1548 = tpu.vector_load_idx %arg6[%and3A_4, %broadcast_in_dim3A_1547, %and3A_1474] : memref<8x32x128xf32, #tpu.memory_space<vmem>>[vector<16xi32>, vector<16xi32>, vector<16xi32>], vector<16xf32>,
      tpu.vector_store_idx %arg8[%broadcast_in_dim3A_1547, %add3A_1476], %gather3A_1548 masked %lt3A_6 : memref<32x512xf32, #tpu.memory_space<vmem>>[vector<16xi32>, vector<16xi32>], vector<16xf32>, vector<16xi1>
      %broadcast_in_dim3A_1549 = arith.constant 24 : i32
      %broadcast_in_dim3A_1550 = vector.broadcast %broadcast_in_dim3A_1549 : i32 to vector<16xi32>
      %gather3A_1551 = tpu.vector_load_idx %arg6[%and3A_4, %broadcast_in_dim3A_1550, %and3A_1474] : memref<8x32x128xf32, #tpu.memory_space<vmem>>[vector<16xi32>, vector<16xi32>, vector<16xi32>], vector<16xf32>,
      tpu.vector_store_idx %arg8[%broadcast_in_dim3A_1550, %add3A_1476], %gather3A_1551 masked %lt3A_6 : memref<32x512xf32, #tpu.memory_space<vmem>>[vector<16xi32>, vector<16xi32>], vector<16xf32>, vector<16xi1>
      %broadcast_in_dim3A_1552 = arith.constant 25 : i32
      %broadcast_in_dim3A_1553 = vector.broadcast %broadcast_in_dim3A_1552 : i32 to vector<16xi32>
      %gather3A_1554 = tpu.vector_load_idx %arg6[%and3A_4, %broadcast_in_dim3A_1553, %and3A_1474] : memref<8x32x128xf32, #tpu.memory_space<vmem>>[vector<16xi32>, vector<16xi32>, vector<16xi32>], vector<16xf32>,
      tpu.vector_store_idx %arg8[%broadcast_in_dim3A_1553, %add3A_1476], %gather3A_1554 masked %lt3A_6 : memref<32x512xf32, #tpu.memory_space<vmem>>[vector<16xi32>, vector<16xi32>], vector<16xf32>, vector<16xi1>
      %broadcast_in_dim3A_1555 = arith.constant 26 : i32
      %broadcast_in_dim3A_1556 = vector.broadcast %broadcast_in_dim3A_1555 : i32 to vector<16xi32>
      %gather3A_1557 = tpu.vector_load_idx %arg6[%and3A_4, %broadcast_in_dim3A_1556, %and3A_1474] : memref<8x32x128xf32, #tpu.memory_space<vmem>>[vector<16xi32>, vector<16xi32>, vector<16xi32>], vector<16xf32>,
      tpu.vector_store_idx %arg8[%broadcast_in_dim3A_1556, %add3A_1476], %gather3A_1557 masked %lt3A_6 : memref<32x512xf32, #tpu.memory_space<vmem>>[vector<16xi32>, vector<16xi32>], vector<16xf32>, vector<16xi1>
      %broadcast_in_dim3A_1558 = arith.constant 27 : i32
      %broadcast_in_dim3A_1559 = vector.broadcast %broadcast_in_dim3A_1558 : i32 to vector<16xi32>
      %gather3A_1560 = tpu.vector_load_idx %arg6[%and3A_4, %broadcast_in_dim3A_1559, %and3A_1474] : memref<8x32x128xf32, #tpu.memory_space<vmem>>[vector<16xi32>, vector<16xi32>, vector<16xi32>], vector<16xf32>,
      tpu.vector_store_idx %arg8[%broadcast_in_dim3A_1559, %add3A_1476], %gather3A_1560 masked %lt3A_6 : memref<32x512xf32, #tpu.memory_space<vmem>>[vector<16xi32>, vector<16xi32>], vector<16xf32>, vector<16xi1>
      %broadcast_in_dim3A_1561 = arith.constant 28 : i32
      %broadcast_in_dim3A_1562 = vector.broadcast %broadcast_in_dim3A_1561 : i32 to vector<16xi32>
      %gather3A_1563 = tpu.vector_load_idx %arg6[%and3A_4, %broadcast_in_dim3A_1562, %and3A_1474] : memref<8x32x128xf32, #tpu.memory_space<vmem>>[vector<16xi32>, vector<16xi32>, vector<16xi32>], vector<16xf32>,
      tpu.vector_store_idx %arg8[%broadcast_in_dim3A_1562, %add3A_1476], %gather3A_1563 masked %lt3A_6 : memref<32x512xf32, #tpu.memory_space<vmem>>[vector<16xi32>, vector<16xi32>], vector<16xf32>, vector<16xi1>
      %broadcast_in_dim3A_1564 = arith.constant 29 : i32
      %broadcast_in_dim3A_1565 = vector.broadcast %broadcast_in_dim3A_1564 : i32 to vector<16xi32>
      %gather3A_1566 = tpu.vector_load_idx %arg6[%and3A_4, %broadcast_in_dim3A_1565, %and3A_1474] : memref<8x32x128xf32, #tpu.memory_space<vmem>>[vector<16xi32>, vector<16xi32>, vector<16xi32>], vector<16xf32>,
      tpu.vector_store_idx %arg8[%broadcast_in_dim3A_1565, %add3A_1476], %gather3A_1566 masked %lt3A_6 : memref<32x512xf32, #tpu.memory_space<vmem>>[vector<16xi32>, vector<16xi32>], vector<16xf32>, vector<16xi1>
      %broadcast_in_dim3A_1567 = arith.constant 30 : i32
      %broadcast_in_dim3A_1568 = vector.broadcast %broadcast_in_dim3A_1567 : i32 to vector<16xi32>
      %gather3A_1569 = tpu.vector_load_idx %arg6[%and3A_4, %broadcast_in_dim3A_1568, %and3A_1474] : memref<8x32x128xf32, #tpu.memory_space<vmem>>[vector<16xi32>, vector<16xi32>, vector<16xi32>], vector<16xf32>,
      tpu.vector_store_idx %arg8[%broadcast_in_dim3A_1568, %add3A_1476], %gather3A_1569 masked %lt3A_6 : memref<32x512xf32, #tpu.memory_space<vmem>>[vector<16xi32>, vector<16xi32>], vector<16xf32>, vector<16xi1>
      %broadcast_in_dim3A_1570 = arith.constant 31 : i32
      %broadcast_in_dim3A_1571 = vector.broadcast %broadcast_in_dim3A_1570 : i32 to vector<16xi32>
      %gather3A_1572 = tpu.vector_load_idx %arg6[%and3A_4, %broadcast_in_dim3A_1571, %and3A_1474] : memref<8x32x128xf32, #tpu.memory_space<vmem>>[vector<16xi32>, vector<16xi32>, vector<16xi32>], vector<16xf32>,
      tpu.vector_store_idx %arg8[%broadcast_in_dim3A_1571, %add3A_1476], %gather3A_1572 masked %lt3A_6 : memref<32x512xf32, #tpu.memory_space<vmem>>[vector<16xi32>, vector<16xi32>], vector<16xf32>, vector<16xi1>
      %mul3A_1573 = arith.constant 2 : i32
      %mul3A_1574 = arith.muli %mul3A_1573, %scan3A_1345 : i32
      %add3A_1575 = arith.constant 2 : i32
      %add3A_1576 = arith.addi %mul3A_1574, %add3A_1575 : i32
      %mul3A_1577 = arith.constant 8 : i32
      %mul3A_1578 = arith.muli %add3A_1576, %mul3A_1577 : i32
      %get3A_1579 = arith.index_cast %mul3A_1578 : i32 to index
      %get3A_1580 = tpu.vector_load %arg5[%get3A_1579] {strides = array<i32>} : memref<528xi32, #tpu.memory_space<vmem>>, vector<16xi32>,
      %shift_right_arithmetic3A_1581 = arith.constant 7 : i32
      %shift_right_arithmetic3A_1582 = vector.broadcast %shift_right_arithmetic3A_1581 : i32 to vector<16xi32>
      %shift_right_arithmetic3A_1583 = arith.shrsi %get3A_1580, %shift_right_arithmetic3A_1582 : vector<16xi32>
      %shift_left3A_1584 = arith.constant 7 : i32
      %shift_left3A_1585 = vector.broadcast %shift_left3A_1584 : i32 to vector<16xi32>
      %shift_left3A_1586 = arith.shli %shift_right_arithmetic3A_1583, %shift_left3A_1585 : vector<16xi32>
      %slice3A_1587 = vector.extract_strided_slice %shift_left3A_1586 {offsets = [0], sizes = [1], strides = [1]} : vector<16xi32> to vector<1xi32>
      %squeeze3A_1588 = vector.extract %slice3A_1587[0] : i32 from vector<1xi32>
      %multiple_of3A_1589 = tpu.assume_multiple %squeeze3A_1588, 128 : i32
      %dma_start3A_1590 = arith.constant 0 : i32
      %dma_start3A_1591 = arith.constant 0 : i32
      %dma_start3A_1592 = arith.constant 0 : i32
      %dma_start3A_1593 = tpu.memref_slice %arg6[%dma_start3A_1590, %dma_start3A_1591, %dma_start3A_1592] : memref<8x32x128xf32, #tpu.memory_space<vmem>> -> memref<1x8x128xf32, #tpu.memory_space<vmem>>
      %dma_start3A_1594 = tpu.memref_squeeze %dma_start3A_1593 : memref<1x8x128xf32, #tpu.memory_space<vmem>> -> memref<8x128xf32, #tpu.memory_space<vmem>>
      %dma_start3A_1595 = arith.constant 0 : i32
      %dma_start3A_1596 = tpu.memref_slice %arg3[%dma_start3A_1595, %multiple_of3A_1589] : memref<32x1000000xf32, #tpu.memory_space<hbm>> -> memref<8x128xf32, #tpu.memory_space<hbm>>
      %dma_start3A_1597 = arith.constant 0 : i32
      %dma_start3A_1598 = arith.constant 0 : i32
      %dma_start3A_1599 = tpu.memref_slice %arg6[%dma_start3A_1590, %dma_start3A_1597, %dma_start3A_1598] : memref<8x32x128xf32, #tpu.memory_space<vmem>> -> memref<1x8x128xf32, #tpu.memory_space<vmem>>
      %dma_start3A_1600 = tpu.memref_squeeze %dma_start3A_1599 : memref<1x8x128xf32, #tpu.memory_space<vmem>> -> memref<8x128xf32, #tpu.memory_space<vmem>>
      %dma_start3A_1601 = arith.constant 0 : i32
      %dma_start3A_1602 = tpu.memref_slice %arg3[%dma_start3A_1601, %multiple_of3A_1589] : memref<32x1000000xf32, #tpu.memory_space<hbm>> -> memref<8x128xf32, #tpu.memory_space<hbm>>
      tpu.enqueue_dma source(%dma_start3A_1602 : memref<8x128xf32, #tpu.memory_space<hbm>>) target(%dma_start3A_1600 : memref<8x128xf32, #tpu.memory_space<vmem>>) target_semaphore(%arg9 : memref<!tpu.dma_semaphore, #tpu.memory_space<semaphore_mem>>)
      %dma_start3A_1603 = arith.constant 0 : i32
      %dma_start3A_1604 = arith.constant 8 : i32
      %dma_start3A_1605 = arith.constant 0 : i32
      %dma_start3A_1606 = tpu.memref_slice %arg6[%dma_start3A_1603, %dma_start3A_1604, %dma_start3A_1605] : memref<8x32x128xf32, #tpu.memory_space<vmem>> -> memref<1x8x128xf32, #tpu.memory_space<vmem>>
      %dma_start3A_1607 = tpu.memref_squeeze %dma_start3A_1606 : memref<1x8x128xf32, #tpu.memory_space<vmem>> -> memref<8x128xf32, #tpu.memory_space<vmem>>
      %dma_start3A_1608 = arith.constant 8 : i32
      %dma_start3A_1609 = tpu.memref_slice %arg3[%dma_start3A_1608, %multiple_of3A_1589] : memref<32x1000000xf32, #tpu.memory_space<hbm>> -> memref<8x128xf32, #tpu.memory_space<hbm>>
      %dma_start3A_1610 = arith.constant 8 : i32
      %dma_start3A_1611 = arith.constant 0 : i32
      %dma_start3A_1612 = tpu.memref_slice %arg6[%dma_start3A_1603, %dma_start3A_1610, %dma_start3A_1611] : memref<8x32x128xf32, #tpu.memory_space<vmem>> -> memref<1x8x128xf32, #tpu.memory_space<vmem>>
      %dma_start3A_1613 = tpu.memref_squeeze %dma_start3A_1612 : memref<1x8x128xf32, #tpu.memory_space<vmem>> -> memref<8x128xf32, #tpu.memory_space<vmem>>
      %dma_start3A_1614 = arith.constant 8 : i32
      %dma_start3A_1615 = tpu.memref_slice %arg3[%dma_start3A_1614, %multiple_of3A_1589] : memref<32x1000000xf32, #tpu.memory_space<hbm>> -> memref<8x128xf32, #tpu.memory_space<hbm>>
      tpu.enqueue_dma source(%dma_start3A_1615 : memref<8x128xf32, #tpu.memory_space<hbm>>) target(%dma_start3A_1613 : memref<8x128xf32, #tpu.memory_space<vmem>>) target_semaphore(%arg9 : memref<!tpu.dma_semaphore, #tpu.memory_space<semaphore_mem>>)
      %dma_start3A_1616 = arith.constant 0 : i32
      %dma_start3A_1617 = arith.constant 16 : i32
      %dma_start3A_1618 = arith.constant 0 : i32
      %dma_start3A_1619 = tpu.memref_slice %arg6[%dma_start3A_1616, %dma_start3A_1617, %dma_start3A_1618] : memref<8x32x128xf32, #tpu.memory_space<vmem>> -> memref<1x8x128xf32, #tpu.memory_space<vmem>>
      %dma_start3A_1620 = tpu.memref_squeeze %dma_start3A_1619 : memref<1x8x128xf32, #tpu.memory_space<vmem>> -> memref<8x128xf32, #tpu.memory_space<vmem>>
      %dma_start3A_1621 = arith.constant 16 : i32
      %dma_start3A_1622 = tpu.memref_slice %arg3[%dma_start3A_1621, %multiple_of3A_1589] : memref<32x1000000xf32, #tpu.memory_space<hbm>> -> memref<8x128xf32, #tpu.memory_space<hbm>>
      %dma_start3A_1623 = arith.constant 16 : i32
      %dma_start3A_1624 = arith.constant 0 : i32
      %dma_start3A_1625 = tpu.memref_slice %arg6[%dma_start3A_1616, %dma_start3A_1623, %dma_start3A_1624] : memref<8x32x128xf32, #tpu.memory_space<vmem>> -> memref<1x8x128xf32, #tpu.memory_space<vmem>>
      %dma_start3A_1626 = tpu.memref_squeeze %dma_start3A_1625 : memref<1x8x128xf32, #tpu.memory_space<vmem>> -> memref<8x128xf32, #tpu.memory_space<vmem>>
      %dma_start3A_1627 = arith.constant 16 : i32
      %dma_start3A_1628 = tpu.memref_slice %arg3[%dma_start3A_1627, %multiple_of3A_1589] : memref<32x1000000xf32, #tpu.memory_space<hbm>> -> memref<8x128xf32, #tpu.memory_space<hbm>>
      tpu.enqueue_dma source(%dma_start3A_1628 : memref<8x128xf32, #tpu.memory_space<hbm>>) target(%dma_start3A_1626 : memref<8x128xf32, #tpu.memory_space<vmem>>) target_semaphore(%arg9 : memref<!tpu.dma_semaphore, #tpu.memory_space<semaphore_mem>>)
      %dma_start3A_1629 = arith.constant 0 : i32
      %dma_start3A_1630 = arith.constant 24 : i32
      %dma_start3A_1631 = arith.constant 0 : i32
      %dma_start3A_1632 = tpu.memref_slice %arg6[%dma_start3A_1629, %dma_start3A_1630, %dma_start3A_1631] : memref<8x32x128xf32, #tpu.memory_space<vmem>> -> memref<1x8x128xf32, #tpu.memory_space<vmem>>
      %dma_start3A_1633 = tpu.memref_squeeze %dma_start3A_1632 : memref<1x8x128xf32, #tpu.memory_space<vmem>> -> memref<8x128xf32, #tpu.memory_space<vmem>>
      %dma_start3A_1634 = arith.constant 24 : i32
      %dma_start3A_1635 = tpu.memref_slice %arg3[%dma_start3A_1634, %multiple_of3A_1589] : memref<32x1000000xf32, #tpu.memory_space<hbm>> -> memref<8x128xf32, #tpu.memory_space<hbm>>
      %dma_start3A_1636 = arith.constant 24 : i32
      %dma_start3A_1637 = arith.constant 0 : i32
      %dma_start3A_1638 = tpu.memref_slice %arg6[%dma_start3A_1629, %dma_start3A_1636, %dma_start3A_1637] : memref<8x32x128xf32, #tpu.memory_space<vmem>> -> memref<1x8x128xf32, #tpu.memory_space<vmem>>
      %dma_start3A_1639 = tpu.memref_squeeze %dma_start3A_1638 : memref<1x8x128xf32, #tpu.memory_space<vmem>> -> memref<8x128xf32, #tpu.memory_space<vmem>>
      %dma_start3A_1640 = arith.constant 24 : i32
      %dma_start3A_1641 = tpu.memref_slice %arg3[%dma_start3A_1640, %multiple_of3A_1589] : memref<32x1000000xf32, #tpu.memory_space<hbm>> -> memref<8x128xf32, #tpu.memory_space<hbm>>
      tpu.enqueue_dma source(%dma_start3A_1641 : memref<8x128xf32, #tpu.memory_space<hbm>>) target(%dma_start3A_1639 : memref<8x128xf32, #tpu.memory_space<vmem>>) target_semaphore(%arg9 : memref<!tpu.dma_semaphore, #tpu.memory_space<semaphore_mem>>)
      %slice3A_1642 = vector.extract_strided_slice %shift_left3A_1586 {offsets = [1], sizes = [1], strides = [1]} : vector<16xi32> to vector<1xi32>
      %squeeze3A_1643 = vector.extract %slice3A_1642[0] : i32 from vector<1xi32>
      %multiple_of3A_1644 = tpu.assume_multiple %squeeze3A_1643, 128 : i32
      %dma_start3A_1645 = arith.constant 1 : i32
      %dma_start3A_1646 = arith.constant 0 : i32
      %dma_start3A_1647 = arith.constant 0 : i32
      %dma_start3A_1648 = tpu.memref_slice %arg6[%dma_start3A_1645, %dma_start3A_1646, %dma_start3A_1647] : memref<8x32x128xf32, #tpu.memory_space<vmem>> -> memref<1x8x128xf32, #tpu.memory_space<vmem>>
      %dma_start3A_1649 = tpu.memref_squeeze %dma_start3A_1648 : memref<1x8x128xf32, #tpu.memory_space<vmem>> -> memref<8x128xf32, #tpu.memory_space<vmem>>
      %dma_start3A_1650 = arith.constant 0 : i32
      %dma_start3A_1651 = tpu.memref_slice %arg3[%dma_start3A_1650, %multiple_of3A_1644] : memref<32x1000000xf32, #tpu.memory_space<hbm>> -> memref<8x128xf32, #tpu.memory_space<hbm>>
      %dma_start3A_1652 = arith.constant 0 : i32
      %dma_start3A_1653 = arith.constant 0 : i32
      %dma_start3A_1654 = tpu.memref_slice %arg6[%dma_start3A_1645, %dma_start3A_1652, %dma_start3A_1653] : memref<8x32x128xf32, #tpu.memory_space<vmem>> -> memref<1x8x128xf32, #tpu.memory_space<vmem>>
      %dma_start3A_1655 = tpu.memref_squeeze %dma_start3A_1654 : memref<1x8x128xf32, #tpu.memory_space<vmem>> -> memref<8x128xf32, #tpu.memory_space<vmem>>
      %dma_start3A_1656 = arith.constant 0 : i32
      %dma_start3A_1657 = tpu.memref_slice %arg3[%dma_start3A_1656, %multiple_of3A_1644] : memref<32x1000000xf32, #tpu.memory_space<hbm>> -> memref<8x128xf32, #tpu.memory_space<hbm>>
      tpu.enqueue_dma source(%dma_start3A_1657 : memref<8x128xf32, #tpu.memory_space<hbm>>) target(%dma_start3A_1655 : memref<8x128xf32, #tpu.memory_space<vmem>>) target_semaphore(%arg9 : memref<!tpu.dma_semaphore, #tpu.memory_space<semaphore_mem>>)
      %dma_start3A_1658 = arith.constant 1 : i32
      %dma_start3A_1659 = arith.constant 8 : i32
      %dma_start3A_1660 = arith.constant 0 : i32
      %dma_start3A_1661 = tpu.memref_slice %arg6[%dma_start3A_1658, %dma_start3A_1659, %dma_start3A_1660] : memref<8x32x128xf32, #tpu.memory_space<vmem>> -> memref<1x8x128xf32, #tpu.memory_space<vmem>>
      %dma_start3A_1662 = tpu.memref_squeeze %dma_start3A_1661 : memref<1x8x128xf32, #tpu.memory_space<vmem>> -> memref<8x128xf32, #tpu.memory_space<vmem>>
      %dma_start3A_1663 = arith.constant 8 : i32
      %dma_start3A_1664 = tpu.memref_slice %arg3[%dma_start3A_1663, %multiple_of3A_1644] : memref<32x1000000xf32, #tpu.memory_space<hbm>> -> memref<8x128xf32, #tpu.memory_space<hbm>>
      %dma_start3A_1665 = arith.constant 8 : i32
      %dma_start3A_1666 = arith.constant 0 : i32
      %dma_start3A_1667 = tpu.memref_slice %arg6[%dma_start3A_1658, %dma_start3A_1665, %dma_start3A_1666] : memref<8x32x128xf32, #tpu.memory_space<vmem>> -> memref<1x8x128xf32, #tpu.memory_space<vmem>>
      %dma_start3A_1668 = tpu.memref_squeeze %dma_start3A_1667 : memref<1x8x128xf32, #tpu.memory_space<vmem>> -> memref<8x128xf32, #tpu.memory_space<vmem>>
      %dma_start3A_1669 = arith.constant 8 : i32
      %dma_start3A_1670 = tpu.memref_slice %arg3[%dma_start3A_1669, %multiple_of3A_1644] : memref<32x1000000xf32, #tpu.memory_space<hbm>> -> memref<8x128xf32, #tpu.memory_space<hbm>>
      tpu.enqueue_dma source(%dma_start3A_1670 : memref<8x128xf32, #tpu.memory_space<hbm>>) target(%dma_start3A_1668 : memref<8x128xf32, #tpu.memory_space<vmem>>) target_semaphore(%arg9 : memref<!tpu.dma_semaphore, #tpu.memory_space<semaphore_mem>>)
      %dma_start3A_1671 = arith.constant 1 : i32
      %dma_start3A_1672 = arith.constant 16 : i32
      %dma_start3A_1673 = arith.constant 0 : i32
      %dma_start3A_1674 = tpu.memref_slice %arg6[%dma_start3A_1671, %dma_start3A_1672, %dma_start3A_1673] : memref<8x32x128xf32, #tpu.memory_space<vmem>> -> memref<1x8x128xf32, #tpu.memory_space<vmem>>
      %dma_start3A_1675 = tpu.memref_squeeze %dma_start3A_1674 : memref<1x8x128xf32, #tpu.memory_space<vmem>> -> memref<8x128xf32, #tpu.memory_space<vmem>>
      %dma_start3A_1676 = arith.constant 16 : i32
      %dma_start3A_1677 = tpu.memref_slice %arg3[%dma_start3A_1676, %multiple_of3A_1644] : memref<32x1000000xf32, #tpu.memory_space<hbm>> -> memref<8x128xf32, #tpu.memory_space<hbm>>
      %dma_start3A_1678 = arith.constant 16 : i32
      %dma_start3A_1679 = arith.constant 0 : i32
      %dma_start3A_1680 = tpu.memref_slice %arg6[%dma_start3A_1671, %dma_start3A_1678, %dma_start3A_1679] : memref<8x32x128xf32, #tpu.memory_space<vmem>> -> memref<1x8x128xf32, #tpu.memory_space<vmem>>
      %dma_start3A_1681 = tpu.memref_squeeze %dma_start3A_1680 : memref<1x8x128xf32, #tpu.memory_space<vmem>> -> memref<8x128xf32, #tpu.memory_space<vmem>>
      %dma_start3A_1682 = arith.constant 16 : i32
      %dma_start3A_1683 = tpu.memref_slice %arg3[%dma_start3A_1682, %multiple_of3A_1644] : memref<32x1000000xf32, #tpu.memory_space<hbm>> -> memref<8x128xf32, #tpu.memory_space<hbm>>
      tpu.enqueue_dma source(%dma_start3A_1683 : memref<8x128xf32, #tpu.memory_space<hbm>>) target(%dma_start3A_1681 : memref<8x128xf32, #tpu.memory_space<vmem>>) target_semaphore(%arg9 : memref<!tpu.dma_semaphore, #tpu.memory_space<semaphore_mem>>)
      %dma_start3A_1684 = arith.constant 1 : i32
      %dma_start3A_1685 = arith.constant 24 : i32
      %dma_start3A_1686 = arith.constant 0 : i32
      %dma_start3A_1687 = tpu.memref_slice %arg6[%dma_start3A_1684, %dma_start3A_1685, %dma_start3A_1686] : memref<8x32x128xf32, #tpu.memory_space<vmem>> -> memref<1x8x128xf32, #tpu.memory_space<vmem>>
      %dma_start3A_1688 = tpu.memref_squeeze %dma_start3A_1687 : memref<1x8x128xf32, #tpu.memory_space<vmem>> -> memref<8x128xf32, #tpu.memory_space<vmem>>
      %dma_start3A_1689 = arith.constant 24 : i32
      %dma_start3A_1690 = tpu.memref_slice %arg3[%dma_start3A_1689, %multiple_of3A_1644] : memref<32x1000000xf32, #tpu.memory_space<hbm>> -> memref<8x128xf32, #tpu.memory_space<hbm>>
      %dma_start3A_1691 = arith.constant 24 : i32
      %dma_start3A_1692 = arith.constant 0 : i32
      %dma_start3A_1693 = tpu.memref_slice %arg6[%dma_start3A_1684, %dma_start3A_1691, %dma_start3A_1692] : memref<8x32x128xf32, #tpu.memory_space<vmem>> -> memref<1x8x128xf32, #tpu.memory_space<vmem>>
      %dma_start3A_1694 = tpu.memref_squeeze %dma_start3A_1693 : memref<1x8x128xf32, #tpu.memory_space<vmem>> -> memref<8x128xf32, #tpu.memory_space<vmem>>
      %dma_start3A_1695 = arith.constant 24 : i32
      %dma_start3A_1696 = tpu.memref_slice %arg3[%dma_start3A_1695, %multiple_of3A_1644] : memref<32x1000000xf32, #tpu.memory_space<hbm>> -> memref<8x128xf32, #tpu.memory_space<hbm>>
      tpu.enqueue_dma source(%dma_start3A_1696 : memref<8x128xf32, #tpu.memory_space<hbm>>) target(%dma_start3A_1694 : memref<8x128xf32, #tpu.memory_space<vmem>>) target_semaphore(%arg9 : memref<!tpu.dma_semaphore, #tpu.memory_space<semaphore_mem>>)
      %slice3A_1697 = vector.extract_strided_slice %shift_left3A_1586 {offsets = [2], sizes = [1], strides = [1]} : vector<16xi32> to vector<1xi32>
      %squeeze3A_1698 = vector.extract %slice3A_1697[0] : i32 from vector<1xi32>
      %multiple_of3A_1699 = tpu.assume_multiple %squeeze3A_1698, 128 : i32
      %dma_start3A_1700 = arith.constant 2 : i32
      %dma_start3A_1701 = arith.constant 0 : i32
      %dma_start3A_1702 = arith.constant 0 : i32
      %dma_start3A_1703 = tpu.memref_slice %arg6[%dma_start3A_1700, %dma_start3A_1701, %dma_start3A_1702] : memref<8x32x128xf32, #tpu.memory_space<vmem>> -> memref<1x8x128xf32, #tpu.memory_space<vmem>>
      %dma_start3A_1704 = tpu.memref_squeeze %dma_start3A_1703 : memref<1x8x128xf32, #tpu.memory_space<vmem>> -> memref<8x128xf32, #tpu.memory_space<vmem>>
      %dma_start3A_1705 = arith.constant 0 : i32
      %dma_start3A_1706 = tpu.memref_slice %arg3[%dma_start3A_1705, %multiple_of3A_1699] : memref<32x1000000xf32, #tpu.memory_space<hbm>> -> memref<8x128xf32, #tpu.memory_space<hbm>>
      %dma_start3A_1707 = arith.constant 0 : i32
      %dma_start3A_1708 = arith.constant 0 : i32
      %dma_start3A_1709 = tpu.memref_slice %arg6[%dma_start3A_1700, %dma_start3A_1707, %dma_start3A_1708] : memref<8x32x128xf32, #tpu.memory_space<vmem>> -> memref<1x8x128xf32, #tpu.memory_space<vmem>>
      %dma_start3A_1710 = tpu.memref_squeeze %dma_start3A_1709 : memref<1x8x128xf32, #tpu.memory_space<vmem>> -> memref<8x128xf32, #tpu.memory_space<vmem>>
      %dma_start3A_1711 = arith.constant 0 : i32
      %dma_start3A_1712 = tpu.memref_slice %arg3[%dma_start3A_1711, %multiple_of3A_1699] : memref<32x1000000xf32, #tpu.memory_space<hbm>> -> memref<8x128xf32, #tpu.memory_space<hbm>>
      tpu.enqueue_dma source(%dma_start3A_1712 : memref<8x128xf32, #tpu.memory_space<hbm>>) target(%dma_start3A_1710 : memref<8x128xf32, #tpu.memory_space<vmem>>) target_semaphore(%arg9 : memref<!tpu.dma_semaphore, #tpu.memory_space<semaphore_mem>>)
      %dma_start3A_1713 = arith.constant 2 : i32
      %dma_start3A_1714 = arith.constant 8 : i32
      %dma_start3A_1715 = arith.constant 0 : i32
      %dma_start3A_1716 = tpu.memref_slice %arg6[%dma_start3A_1713, %dma_start3A_1714, %dma_start3A_1715] : memref<8x32x128xf32, #tpu.memory_space<vmem>> -> memref<1x8x128xf32, #tpu.memory_space<vmem>>
      %dma_start3A_1717 = tpu.memref_squeeze %dma_start3A_1716 : memref<1x8x128xf32, #tpu.memory_space<vmem>> -> memref<8x128xf32, #tpu.memory_space<vmem>>
      %dma_start3A_1718 = arith.constant 8 : i32
      %dma_start3A_1719 = tpu.memref_slice %arg3[%dma_start3A_1718, %multiple_of3A_1699] : memref<32x1000000xf32, #tpu.memory_space<hbm>> -> memref<8x128xf32, #tpu.memory_space<hbm>>
      %dma_start3A_1720 = arith.constant 8 : i32
      %dma_start3A_1721 = arith.constant 0 : i32
      %dma_start3A_1722 = tpu.memref_slice %arg6[%dma_start3A_1713, %dma_start3A_1720, %dma_start3A_1721] : memref<8x32x128xf32, #tpu.memory_space<vmem>> -> memref<1x8x128xf32, #tpu.memory_space<vmem>>
      %dma_start3A_1723 = tpu.memref_squeeze %dma_start3A_1722 : memref<1x8x128xf32, #tpu.memory_space<vmem>> -> memref<8x128xf32, #tpu.memory_space<vmem>>
      %dma_start3A_1724 = arith.constant 8 : i32
      %dma_start3A_1725 = tpu.memref_slice %arg3[%dma_start3A_1724, %multiple_of3A_1699] : memref<32x1000000xf32, #tpu.memory_space<hbm>> -> memref<8x128xf32, #tpu.memory_space<hbm>>
      tpu.enqueue_dma source(%dma_start3A_1725 : memref<8x128xf32, #tpu.memory_space<hbm>>) target(%dma_start3A_1723 : memref<8x128xf32, #tpu.memory_space<vmem>>) target_semaphore(%arg9 : memref<!tpu.dma_semaphore, #tpu.memory_space<semaphore_mem>>)
      %dma_start3A_1726 = arith.constant 2 : i32
      %dma_start3A_1727 = arith.constant 16 : i32
      %dma_start3A_1728 = arith.constant 0 : i32
      %dma_start3A_1729 = tpu.memref_slice %arg6[%dma_start3A_1726, %dma_start3A_1727, %dma_start3A_1728] : memref<8x32x128xf32, #tpu.memory_space<vmem>> -> memref<1x8x128xf32, #tpu.memory_space<vmem>>
      %dma_start3A_1730 = tpu.memref_squeeze %dma_start3A_1729 : memref<1x8x128xf32, #tpu.memory_space<vmem>> -> memref<8x128xf32, #tpu.memory_space<vmem>>
      %dma_start3A_1731 = arith.constant 16 : i32
      %dma_start3A_1732 = tpu.memref_slice %arg3[%dma_start3A_1731, %multiple_of3A_1699] : memref<32x1000000xf32, #tpu.memory_space<hbm>> -> memref<8x128xf32, #tpu.memory_space<hbm>>
      %dma_start3A_1733 = arith.constant 16 : i32
      %dma_start3A_1734 = arith.constant 0 : i32
      %dma_start3A_1735 = tpu.memref_slice %arg6[%dma_start3A_1726, %dma_start3A_1733, %dma_start3A_1734] : memref<8x32x128xf32, #tpu.memory_space<vmem>> -> memref<1x8x128xf32, #tpu.memory_space<vmem>>
      %dma_start3A_1736 = tpu.memref_squeeze %dma_start3A_1735 : memref<1x8x128xf32, #tpu.memory_space<vmem>> -> memref<8x128xf32, #tpu.memory_space<vmem>>
      %dma_start3A_1737 = arith.constant 16 : i32
      %dma_start3A_1738 = tpu.memref_slice %arg3[%dma_start3A_1737, %multiple_of3A_1699] : memref<32x1000000xf32, #tpu.memory_space<hbm>> -> memref<8x128xf32, #tpu.memory_space<hbm>>
      tpu.enqueue_dma source(%dma_start3A_1738 : memref<8x128xf32, #tpu.memory_space<hbm>>) target(%dma_start3A_1736 : memref<8x128xf32, #tpu.memory_space<vmem>>) target_semaphore(%arg9 : memref<!tpu.dma_semaphore, #tpu.memory_space<semaphore_mem>>)
      %dma_start3A_1739 = arith.constant 2 : i32
      %dma_start3A_1740 = arith.constant 24 : i32
      %dma_start3A_1741 = arith.constant 0 : i32
      %dma_start3A_1742 = tpu.memref_slice %arg6[%dma_start3A_1739, %dma_start3A_1740, %dma_start3A_1741] : memref<8x32x128xf32, #tpu.memory_space<vmem>> -> memref<1x8x128xf32, #tpu.memory_space<vmem>>
      %dma_start3A_1743 = tpu.memref_squeeze %dma_start3A_1742 : memref<1x8x128xf32, #tpu.memory_space<vmem>> -> memref<8x128xf32, #tpu.memory_space<vmem>>
      %dma_start3A_1744 = arith.constant 24 : i32
      %dma_start3A_1745 = tpu.memref_slice %arg3[%dma_start3A_1744, %multiple_of3A_1699] : memref<32x1000000xf32, #tpu.memory_space<hbm>> -> memref<8x128xf32, #tpu.memory_space<hbm>>
      %dma_start3A_1746 = arith.constant 24 : i32
      %dma_start3A_1747 = arith.constant 0 : i32
      %dma_start3A_1748 = tpu.memref_slice %arg6[%dma_start3A_1739, %dma_start3A_1746, %dma_start3A_1747] : memref<8x32x128xf32, #tpu.memory_space<vmem>> -> memref<1x8x128xf32, #tpu.memory_space<vmem>>
      %dma_start3A_1749 = tpu.memref_squeeze %dma_start3A_1748 : memref<1x8x128xf32, #tpu.memory_space<vmem>> -> memref<8x128xf32, #tpu.memory_space<vmem>>
      %dma_start3A_1750 = arith.constant 24 : i32
      %dma_start3A_1751 = tpu.memref_slice %arg3[%dma_start3A_1750, %multiple_of3A_1699] : memref<32x1000000xf32, #tpu.memory_space<hbm>> -> memref<8x128xf32, #tpu.memory_space<hbm>>
      tpu.enqueue_dma source(%dma_start3A_1751 : memref<8x128xf32, #tpu.memory_space<hbm>>) target(%dma_start3A_1749 : memref<8x128xf32, #tpu.memory_space<vmem>>) target_semaphore(%arg9 : memref<!tpu.dma_semaphore, #tpu.memory_space<semaphore_mem>>)
      %slice3A_1752 = vector.extract_strided_slice %shift_left3A_1586 {offsets = [3], sizes = [1], strides = [1]} : vector<16xi32> to vector<1xi32>
      %squeeze3A_1753 = vector.extract %slice3A_1752[0] : i32 from vector<1xi32>
      %multiple_of3A_1754 = tpu.assume_multiple %squeeze3A_1753, 128 : i32
      %dma_start3A_1755 = arith.constant 3 : i32
      %dma_start3A_1756 = arith.constant 0 : i32
      %dma_start3A_1757 = arith.constant 0 : i32
      %dma_start3A_1758 = tpu.memref_slice %arg6[%dma_start3A_1755, %dma_start3A_1756, %dma_start3A_1757] : memref<8x32x128xf32, #tpu.memory_space<vmem>> -> memref<1x8x128xf32, #tpu.memory_space<vmem>>
      %dma_start3A_1759 = tpu.memref_squeeze %dma_start3A_1758 : memref<1x8x128xf32, #tpu.memory_space<vmem>> -> memref<8x128xf32, #tpu.memory_space<vmem>>
      %dma_start3A_1760 = arith.constant 0 : i32
      %dma_start3A_1761 = tpu.memref_slice %arg3[%dma_start3A_1760, %multiple_of3A_1754] : memref<32x1000000xf32, #tpu.memory_space<hbm>> -> memref<8x128xf32, #tpu.memory_space<hbm>>
      %dma_start3A_1762 = arith.constant 0 : i32
      %dma_start3A_1763 = arith.constant 0 : i32
      %dma_start3A_1764 = tpu.memref_slice %arg6[%dma_start3A_1755, %dma_start3A_1762, %dma_start3A_1763] : memref<8x32x128xf32, #tpu.memory_space<vmem>> -> memref<1x8x128xf32, #tpu.memory_space<vmem>>
      %dma_start3A_1765 = tpu.memref_squeeze %dma_start3A_1764 : memref<1x8x128xf32, #tpu.memory_space<vmem>> -> memref<8x128xf32, #tpu.memory_space<vmem>>
      %dma_start3A_1766 = arith.constant 0 : i32
      %dma_start3A_1767 = tpu.memref_slice %arg3[%dma_start3A_1766, %multiple_of3A_1754] : memref<32x1000000xf32, #tpu.memory_space<hbm>> -> memref<8x128xf32, #tpu.memory_space<hbm>>
      tpu.enqueue_dma source(%dma_start3A_1767 : memref<8x128xf32, #tpu.memory_space<hbm>>) target(%dma_start3A_1765 : memref<8x128xf32, #tpu.memory_space<vmem>>) target_semaphore(%arg9 : memref<!tpu.dma_semaphore, #tpu.memory_space<semaphore_mem>>)
      %dma_start3A_1768 = arith.constant 3 : i32
      %dma_start3A_1769 = arith.constant 8 : i32
      %dma_start3A_1770 = arith.constant 0 : i32
      %dma_start3A_1771 = tpu.memref_slice %arg6[%dma_start3A_1768, %dma_start3A_1769, %dma_start3A_1770] : memref<8x32x128xf32, #tpu.memory_space<vmem>> -> memref<1x8x128xf32, #tpu.memory_space<vmem>>
      %dma_start3A_1772 = tpu.memref_squeeze %dma_start3A_1771 : memref<1x8x128xf32, #tpu.memory_space<vmem>> -> memref<8x128xf32, #tpu.memory_space<vmem>>
      %dma_start3A_1773 = arith.constant 8 : i32
      %dma_start3A_1774 = tpu.memref_slice %arg3[%dma_start3A_1773, %multiple_of3A_1754] : memref<32x1000000xf32, #tpu.memory_space<hbm>> -> memref<8x128xf32, #tpu.memory_space<hbm>>
      %dma_start3A_1775 = arith.constant 8 : i32
      %dma_start3A_1776 = arith.constant 0 : i32
      %dma_start3A_1777 = tpu.memref_slice %arg6[%dma_start3A_1768, %dma_start3A_1775, %dma_start3A_1776] : memref<8x32x128xf32, #tpu.memory_space<vmem>> -> memref<1x8x128xf32, #tpu.memory_space<vmem>>
      %dma_start3A_1778 = tpu.memref_squeeze %dma_start3A_1777 : memref<1x8x128xf32, #tpu.memory_space<vmem>> -> memref<8x128xf32, #tpu.memory_space<vmem>>
      %dma_start3A_1779 = arith.constant 8 : i32
      %dma_start3A_1780 = tpu.memref_slice %arg3[%dma_start3A_1779, %multiple_of3A_1754] : memref<32x1000000xf32, #tpu.memory_space<hbm>> -> memref<8x128xf32, #tpu.memory_space<hbm>>
      tpu.enqueue_dma source(%dma_start3A_1780 : memref<8x128xf32, #tpu.memory_space<hbm>>) target(%dma_start3A_1778 : memref<8x128xf32, #tpu.memory_space<vmem>>) target_semaphore(%arg9 : memref<!tpu.dma_semaphore, #tpu.memory_space<semaphore_mem>>)
      %dma_start3A_1781 = arith.constant 3 : i32
      %dma_start3A_1782 = arith.constant 16 : i32
      %dma_start3A_1783 = arith.constant 0 : i32
      %dma_start3A_1784 = tpu.memref_slice %arg6[%dma_start3A_1781, %dma_start3A_1782, %dma_start3A_1783] : memref<8x32x128xf32, #tpu.memory_space<vmem>> -> memref<1x8x128xf32, #tpu.memory_space<vmem>>
      %dma_start3A_1785 = tpu.memref_squeeze %dma_start3A_1784 : memref<1x8x128xf32, #tpu.memory_space<vmem>> -> memref<8x128xf32, #tpu.memory_space<vmem>>
      %dma_start3A_1786 = arith.constant 16 : i32
      %dma_start3A_1787 = tpu.memref_slice %arg3[%dma_start3A_1786, %multiple_of3A_1754] : memref<32x1000000xf32, #tpu.memory_space<hbm>> -> memref<8x128xf32, #tpu.memory_space<hbm>>
      %dma_start3A_1788 = arith.constant 16 : i32
      %dma_start3A_1789 = arith.constant 0 : i32
      %dma_start3A_1790 = tpu.memref_slice %arg6[%dma_start3A_1781, %dma_start3A_1788, %dma_start3A_1789] : memref<8x32x128xf32, #tpu.memory_space<vmem>> -> memref<1x8x128xf32, #tpu.memory_space<vmem>>
      %dma_start3A_1791 = tpu.memref_squeeze %dma_start3A_1790 : memref<1x8x128xf32, #tpu.memory_space<vmem>> -> memref<8x128xf32, #tpu.memory_space<vmem>>
      %dma_start3A_1792 = arith.constant 16 : i32
      %dma_start3A_1793 = tpu.memref_slice %arg3[%dma_start3A_1792, %multiple_of3A_1754] : memref<32x1000000xf32, #tpu.memory_space<hbm>> -> memref<8x128xf32, #tpu.memory_space<hbm>>
      tpu.enqueue_dma source(%dma_start3A_1793 : memref<8x128xf32, #tpu.memory_space<hbm>>) target(%dma_start3A_1791 : memref<8x128xf32, #tpu.memory_space<vmem>>) target_semaphore(%arg9 : memref<!tpu.dma_semaphore, #tpu.memory_space<semaphore_mem>>)
      %dma_start3A_1794 = arith.constant 3 : i32
      %dma_start3A_1795 = arith.constant 24 : i32
      %dma_start3A_1796 = arith.constant 0 : i32
      %dma_start3A_1797 = tpu.memref_slice %arg6[%dma_start3A_1794, %dma_start3A_1795, %dma_start3A_1796] : memref<8x32x128xf32, #tpu.memory_space<vmem>> -> memref<1x8x128xf32, #tpu.memory_space<vmem>>
      %dma_start3A_1798 = tpu.memref_squeeze %dma_start3A_1797 : memref<1x8x128xf32, #tpu.memory_space<vmem>> -> memref<8x128xf32, #tpu.memory_space<vmem>>
      %dma_start3A_1799 = arith.constant 24 : i32
      %dma_start3A_1800 = tpu.memref_slice %arg3[%dma_start3A_1799, %multiple_of3A_1754] : memref<32x1000000xf32, #tpu.memory_space<hbm>> -> memref<8x128xf32, #tpu.memory_space<hbm>>
      %dma_start3A_1801 = arith.constant 24 : i32
      %dma_start3A_1802 = arith.constant 0 : i32
      %dma_start3A_1803 = tpu.memref_slice %arg6[%dma_start3A_1794, %dma_start3A_1801, %dma_start3A_1802] : memref<8x32x128xf32, #tpu.memory_space<vmem>> -> memref<1x8x128xf32, #tpu.memory_space<vmem>>
      %dma_start3A_1804 = tpu.memref_squeeze %dma_start3A_1803 : memref<1x8x128xf32, #tpu.memory_space<vmem>> -> memref<8x128xf32, #tpu.memory_space<vmem>>
      %dma_start3A_1805 = arith.constant 24 : i32
      %dma_start3A_1806 = tpu.memref_slice %arg3[%dma_start3A_1805, %multiple_of3A_1754] : memref<32x1000000xf32, #tpu.memory_space<hbm>> -> memref<8x128xf32, #tpu.memory_space<hbm>>
      tpu.enqueue_dma source(%dma_start3A_1806 : memref<8x128xf32, #tpu.memory_space<hbm>>) target(%dma_start3A_1804 : memref<8x128xf32, #tpu.memory_space<vmem>>) target_semaphore(%arg9 : memref<!tpu.dma_semaphore, #tpu.memory_space<semaphore_mem>>)
      %slice3A_1807 = vector.extract_strided_slice %shift_left3A_1586 {offsets = [4], sizes = [1], strides = [1]} : vector<16xi32> to vector<1xi32>
      %squeeze3A_1808 = vector.extract %slice3A_1807[0] : i32 from vector<1xi32>
      %multiple_of3A_1809 = tpu.assume_multiple %squeeze3A_1808, 128 : i32
      %dma_start3A_1810 = arith.constant 4 : i32
      %dma_start3A_1811 = arith.constant 0 : i32
      %dma_start3A_1812 = arith.constant 0 : i32
      %dma_start3A_1813 = tpu.memref_slice %arg6[%dma_start3A_1810, %dma_start3A_1811, %dma_start3A_1812] : memref<8x32x128xf32, #tpu.memory_space<vmem>> -> memref<1x8x128xf32, #tpu.memory_space<vmem>>
      %dma_start3A_1814 = tpu.memref_squeeze %dma_start3A_1813 : memref<1x8x128xf32, #tpu.memory_space<vmem>> -> memref<8x128xf32, #tpu.memory_space<vmem>>
      %dma_start3A_1815 = arith.constant 0 : i32
      %dma_start3A_1816 = tpu.memref_slice %arg3[%dma_start3A_1815, %multiple_of3A_1809] : memref<32x1000000xf32, #tpu.memory_space<hbm>> -> memref<8x128xf32, #tpu.memory_space<hbm>>
      %dma_start3A_1817 = arith.constant 0 : i32
      %dma_start3A_1818 = arith.constant 0 : i32
      %dma_start3A_1819 = tpu.memref_slice %arg6[%dma_start3A_1810, %dma_start3A_1817, %dma_start3A_1818] : memref<8x32x128xf32, #tpu.memory_space<vmem>> -> memref<1x8x128xf32, #tpu.memory_space<vmem>>
      %dma_start3A_1820 = tpu.memref_squeeze %dma_start3A_1819 : memref<1x8x128xf32, #tpu.memory_space<vmem>> -> memref<8x128xf32, #tpu.memory_space<vmem>>
      %dma_start3A_1821 = arith.constant 0 : i32
      %dma_start3A_1822 = tpu.memref_slice %arg3[%dma_start3A_1821, %multiple_of3A_1809] : memref<32x1000000xf32, #tpu.memory_space<hbm>> -> memref<8x128xf32, #tpu.memory_space<hbm>>
      tpu.enqueue_dma source(%dma_start3A_1822 : memref<8x128xf32, #tpu.memory_space<hbm>>) target(%dma_start3A_1820 : memref<8x128xf32, #tpu.memory_space<vmem>>) target_semaphore(%arg9 : memref<!tpu.dma_semaphore, #tpu.memory_space<semaphore_mem>>)
      %dma_start3A_1823 = arith.constant 4 : i32
      %dma_start3A_1824 = arith.constant 8 : i32
      %dma_start3A_1825 = arith.constant 0 : i32
      %dma_start3A_1826 = tpu.memref_slice %arg6[%dma_start3A_1823, %dma_start3A_1824, %dma_start3A_1825] : memref<8x32x128xf32, #tpu.memory_space<vmem>> -> memref<1x8x128xf32, #tpu.memory_space<vmem>>
      %dma_start3A_1827 = tpu.memref_squeeze %dma_start3A_1826 : memref<1x8x128xf32, #tpu.memory_space<vmem>> -> memref<8x128xf32, #tpu.memory_space<vmem>>
      %dma_start3A_1828 = arith.constant 8 : i32
      %dma_start3A_1829 = tpu.memref_slice %arg3[%dma_start3A_1828, %multiple_of3A_1809] : memref<32x1000000xf32, #tpu.memory_space<hbm>> -> memref<8x128xf32, #tpu.memory_space<hbm>>
      %dma_start3A_1830 = arith.constant 8 : i32
      %dma_start3A_1831 = arith.constant 0 : i32
      %dma_start3A_1832 = tpu.memref_slice %arg6[%dma_start3A_1823, %dma_start3A_1830, %dma_start3A_1831] : memref<8x32x128xf32, #tpu.memory_space<vmem>> -> memref<1x8x128xf32, #tpu.memory_space<vmem>>
      %dma_start3A_1833 = tpu.memref_squeeze %dma_start3A_1832 : memref<1x8x128xf32, #tpu.memory_space<vmem>> -> memref<8x128xf32, #tpu.memory_space<vmem>>
      %dma_start3A_1834 = arith.constant 8 : i32
      %dma_start3A_1835 = tpu.memref_slice %arg3[%dma_start3A_1834, %multiple_of3A_1809] : memref<32x1000000xf32, #tpu.memory_space<hbm>> -> memref<8x128xf32, #tpu.memory_space<hbm>>
      tpu.enqueue_dma source(%dma_start3A_1835 : memref<8x128xf32, #tpu.memory_space<hbm>>) target(%dma_start3A_1833 : memref<8x128xf32, #tpu.memory_space<vmem>>) target_semaphore(%arg9 : memref<!tpu.dma_semaphore, #tpu.memory_space<semaphore_mem>>)
      %dma_start3A_1836 = arith.constant 4 : i32
      %dma_start3A_1837 = arith.constant 16 : i32
      %dma_start3A_1838 = arith.constant 0 : i32
      %dma_start3A_1839 = tpu.memref_slice %arg6[%dma_start3A_1836, %dma_start3A_1837, %dma_start3A_1838] : memref<8x32x128xf32, #tpu.memory_space<vmem>> -> memref<1x8x128xf32, #tpu.memory_space<vmem>>
      %dma_start3A_1840 = tpu.memref_squeeze %dma_start3A_1839 : memref<1x8x128xf32, #tpu.memory_space<vmem>> -> memref<8x128xf32, #tpu.memory_space<vmem>>
      %dma_start3A_1841 = arith.constant 16 : i32
      %dma_start3A_1842 = tpu.memref_slice %arg3[%dma_start3A_1841, %multiple_of3A_1809] : memref<32x1000000xf32, #tpu.memory_space<hbm>> -> memref<8x128xf32, #tpu.memory_space<hbm>>
      %dma_start3A_1843 = arith.constant 16 : i32
      %dma_start3A_1844 = arith.constant 0 : i32
      %dma_start3A_1845 = tpu.memref_slice %arg6[%dma_start3A_1836, %dma_start3A_1843, %dma_start3A_1844] : memref<8x32x128xf32, #tpu.memory_space<vmem>> -> memref<1x8x128xf32, #tpu.memory_space<vmem>>
      %dma_start3A_1846 = tpu.memref_squeeze %dma_start3A_1845 : memref<1x8x128xf32, #tpu.memory_space<vmem>> -> memref<8x128xf32, #tpu.memory_space<vmem>>
      %dma_start3A_1847 = arith.constant 16 : i32
      %dma_start3A_1848 = tpu.memref_slice %arg3[%dma_start3A_1847, %multiple_of3A_1809] : memref<32x1000000xf32, #tpu.memory_space<hbm>> -> memref<8x128xf32, #tpu.memory_space<hbm>>
      tpu.enqueue_dma source(%dma_start3A_1848 : memref<8x128xf32, #tpu.memory_space<hbm>>) target(%dma_start3A_1846 : memref<8x128xf32, #tpu.memory_space<vmem>>) target_semaphore(%arg9 : memref<!tpu.dma_semaphore, #tpu.memory_space<semaphore_mem>>)
      %dma_start3A_1849 = arith.constant 4 : i32
      %dma_start3A_1850 = arith.constant 24 : i32
      %dma_start3A_1851 = arith.constant 0 : i32
      %dma_start3A_1852 = tpu.memref_slice %arg6[%dma_start3A_1849, %dma_start3A_1850, %dma_start3A_1851] : memref<8x32x128xf32, #tpu.memory_space<vmem>> -> memref<1x8x128xf32, #tpu.memory_space<vmem>>
      %dma_start3A_1853 = tpu.memref_squeeze %dma_start3A_1852 : memref<1x8x128xf32, #tpu.memory_space<vmem>> -> memref<8x128xf32, #tpu.memory_space<vmem>>
      %dma_start3A_1854 = arith.constant 24 : i32
      %dma_start3A_1855 = tpu.memref_slice %arg3[%dma_start3A_1854, %multiple_of3A_1809] : memref<32x1000000xf32, #tpu.memory_space<hbm>> -> memref<8x128xf32, #tpu.memory_space<hbm>>
      %dma_start3A_1856 = arith.constant 24 : i32
      %dma_start3A_1857 = arith.constant 0 : i32
      %dma_start3A_1858 = tpu.memref_slice %arg6[%dma_start3A_1849, %dma_start3A_1856, %dma_start3A_1857] : memref<8x32x128xf32, #tpu.memory_space<vmem>> -> memref<1x8x128xf32, #tpu.memory_space<vmem>>
      %dma_start3A_1859 = tpu.memref_squeeze %dma_start3A_1858 : memref<1x8x128xf32, #tpu.memory_space<vmem>> -> memref<8x128xf32, #tpu.memory_space<vmem>>
      %dma_start3A_1860 = arith.constant 24 : i32
      %dma_start3A_1861 = tpu.memref_slice %arg3[%dma_start3A_1860, %multiple_of3A_1809] : memref<32x1000000xf32, #tpu.memory_space<hbm>> -> memref<8x128xf32, #tpu.memory_space<hbm>>
      tpu.enqueue_dma source(%dma_start3A_1861 : memref<8x128xf32, #tpu.memory_space<hbm>>) target(%dma_start3A_1859 : memref<8x128xf32, #tpu.memory_space<vmem>>) target_semaphore(%arg9 : memref<!tpu.dma_semaphore, #tpu.memory_space<semaphore_mem>>)
      %slice3A_1862 = vector.extract_strided_slice %shift_left3A_1586 {offsets = [5], sizes = [1], strides = [1]} : vector<16xi32> to vector<1xi32>
      %squeeze3A_1863 = vector.extract %slice3A_1862[0] : i32 from vector<1xi32>
      %multiple_of3A_1864 = tpu.assume_multiple %squeeze3A_1863, 128 : i32
      %dma_start3A_1865 = arith.constant 5 : i32
      %dma_start3A_1866 = arith.constant 0 : i32
      %dma_start3A_1867 = arith.constant 0 : i32
      %dma_start3A_1868 = tpu.memref_slice %arg6[%dma_start3A_1865, %dma_start3A_1866, %dma_start3A_1867] : memref<8x32x128xf32, #tpu.memory_space<vmem>> -> memref<1x8x128xf32, #tpu.memory_space<vmem>>
      %dma_start3A_1869 = tpu.memref_squeeze %dma_start3A_1868 : memref<1x8x128xf32, #tpu.memory_space<vmem>> -> memref<8x128xf32, #tpu.memory_space<vmem>>
      %dma_start3A_1870 = arith.constant 0 : i32
      %dma_start3A_1871 = tpu.memref_slice %arg3[%dma_start3A_1870, %multiple_of3A_1864] : memref<32x1000000xf32, #tpu.memory_space<hbm>> -> memref<8x128xf32, #tpu.memory_space<hbm>>
      %dma_start3A_1872 = arith.constant 0 : i32
      %dma_start3A_1873 = arith.constant 0 : i32
      %dma_start3A_1874 = tpu.memref_slice %arg6[%dma_start3A_1865, %dma_start3A_1872, %dma_start3A_1873] : memref<8x32x128xf32, #tpu.memory_space<vmem>> -> memref<1x8x128xf32, #tpu.memory_space<vmem>>
      %dma_start3A_1875 = tpu.memref_squeeze %dma_start3A_1874 : memref<1x8x128xf32, #tpu.memory_space<vmem>> -> memref<8x128xf32, #tpu.memory_space<vmem>>
      %dma_start3A_1876 = arith.constant 0 : i32
      %dma_start3A_1877 = tpu.memref_slice %arg3[%dma_start3A_1876, %multiple_of3A_1864] : memref<32x1000000xf32, #tpu.memory_space<hbm>> -> memref<8x128xf32, #tpu.memory_space<hbm>>
      tpu.enqueue_dma source(%dma_start3A_1877 : memref<8x128xf32, #tpu.memory_space<hbm>>) target(%dma_start3A_1875 : memref<8x128xf32, #tpu.memory_space<vmem>>) target_semaphore(%arg9 : memref<!tpu.dma_semaphore, #tpu.memory_space<semaphore_mem>>)
      %dma_start3A_1878 = arith.constant 5 : i32
      %dma_start3A_1879 = arith.constant 8 : i32
      %dma_start3A_1880 = arith.constant 0 : i32
      %dma_start3A_1881 = tpu.memref_slice %arg6[%dma_start3A_1878, %dma_start3A_1879, %dma_start3A_1880] : memref<8x32x128xf32, #tpu.memory_space<vmem>> -> memref<1x8x128xf32, #tpu.memory_space<vmem>>
      %dma_start3A_1882 = tpu.memref_squeeze %dma_start3A_1881 : memref<1x8x128xf32, #tpu.memory_space<vmem>> -> memref<8x128xf32, #tpu.memory_space<vmem>>
      %dma_start3A_1883 = arith.constant 8 : i32
      %dma_start3A_1884 = tpu.memref_slice %arg3[%dma_start3A_1883, %multiple_of3A_1864] : memref<32x1000000xf32, #tpu.memory_space<hbm>> -> memref<8x128xf32, #tpu.memory_space<hbm>>
      %dma_start3A_1885 = arith.constant 8 : i32
      %dma_start3A_1886 = arith.constant 0 : i32
      %dma_start3A_1887 = tpu.memref_slice %arg6[%dma_start3A_1878, %dma_start3A_1885, %dma_start3A_1886] : memref<8x32x128xf32, #tpu.memory_space<vmem>> -> memref<1x8x128xf32, #tpu.memory_space<vmem>>
      %dma_start3A_1888 = tpu.memref_squeeze %dma_start3A_1887 : memref<1x8x128xf32, #tpu.memory_space<vmem>> -> memref<8x128xf32, #tpu.memory_space<vmem>>
      %dma_start3A_1889 = arith.constant 8 : i32
      %dma_start3A_1890 = tpu.memref_slice %arg3[%dma_start3A_1889, %multiple_of3A_1864] : memref<32x1000000xf32, #tpu.memory_space<hbm>> -> memref<8x128xf32, #tpu.memory_space<hbm>>
      tpu.enqueue_dma source(%dma_start3A_1890 : memref<8x128xf32, #tpu.memory_space<hbm>>) target(%dma_start3A_1888 : memref<8x128xf32, #tpu.memory_space<vmem>>) target_semaphore(%arg9 : memref<!tpu.dma_semaphore, #tpu.memory_space<semaphore_mem>>)
      %dma_start3A_1891 = arith.constant 5 : i32
      %dma_start3A_1892 = arith.constant 16 : i32
      %dma_start3A_1893 = arith.constant 0 : i32
      %dma_start3A_1894 = tpu.memref_slice %arg6[%dma_start3A_1891, %dma_start3A_1892, %dma_start3A_1893] : memref<8x32x128xf32, #tpu.memory_space<vmem>> -> memref<1x8x128xf32, #tpu.memory_space<vmem>>
      %dma_start3A_1895 = tpu.memref_squeeze %dma_start3A_1894 : memref<1x8x128xf32, #tpu.memory_space<vmem>> -> memref<8x128xf32, #tpu.memory_space<vmem>>
      %dma_start3A_1896 = arith.constant 16 : i32
      %dma_start3A_1897 = tpu.memref_slice %arg3[%dma_start3A_1896, %multiple_of3A_1864] : memref<32x1000000xf32, #tpu.memory_space<hbm>> -> memref<8x128xf32, #tpu.memory_space<hbm>>
      %dma_start3A_1898 = arith.constant 16 : i32
      %dma_start3A_1899 = arith.constant 0 : i32
      %dma_start3A_1900 = tpu.memref_slice %arg6[%dma_start3A_1891, %dma_start3A_1898, %dma_start3A_1899] : memref<8x32x128xf32, #tpu.memory_space<vmem>> -> memref<1x8x128xf32, #tpu.memory_space<vmem>>
      %dma_start3A_1901 = tpu.memref_squeeze %dma_start3A_1900 : memref<1x8x128xf32, #tpu.memory_space<vmem>> -> memref<8x128xf32, #tpu.memory_space<vmem>>
      %dma_start3A_1902 = arith.constant 16 : i32
      %dma_start3A_1903 = tpu.memref_slice %arg3[%dma_start3A_1902, %multiple_of3A_1864] : memref<32x1000000xf32, #tpu.memory_space<hbm>> -> memref<8x128xf32, #tpu.memory_space<hbm>>
      tpu.enqueue_dma source(%dma_start3A_1903 : memref<8x128xf32, #tpu.memory_space<hbm>>) target(%dma_start3A_1901 : memref<8x128xf32, #tpu.memory_space<vmem>>) target_semaphore(%arg9 : memref<!tpu.dma_semaphore, #tpu.memory_space<semaphore_mem>>)
      %dma_start3A_1904 = arith.constant 5 : i32
      %dma_start3A_1905 = arith.constant 24 : i32
      %dma_start3A_1906 = arith.constant 0 : i32
      %dma_start3A_1907 = tpu.memref_slice %arg6[%dma_start3A_1904, %dma_start3A_1905, %dma_start3A_1906] : memref<8x32x128xf32, #tpu.memory_space<vmem>> -> memref<1x8x128xf32, #tpu.memory_space<vmem>>
      %dma_start3A_1908 = tpu.memref_squeeze %dma_start3A_1907 : memref<1x8x128xf32, #tpu.memory_space<vmem>> -> memref<8x128xf32, #tpu.memory_space<vmem>>
      %dma_start3A_1909 = arith.constant 24 : i32
      %dma_start3A_1910 = tpu.memref_slice %arg3[%dma_start3A_1909, %multiple_of3A_1864] : memref<32x1000000xf32, #tpu.memory_space<hbm>> -> memref<8x128xf32, #tpu.memory_space<hbm>>
      %dma_start3A_1911 = arith.constant 24 : i32
      %dma_start3A_1912 = arith.constant 0 : i32
      %dma_start3A_1913 = tpu.memref_slice %arg6[%dma_start3A_1904, %dma_start3A_1911, %dma_start3A_1912] : memref<8x32x128xf32, #tpu.memory_space<vmem>> -> memref<1x8x128xf32, #tpu.memory_space<vmem>>
      %dma_start3A_1914 = tpu.memref_squeeze %dma_start3A_1913 : memref<1x8x128xf32, #tpu.memory_space<vmem>> -> memref<8x128xf32, #tpu.memory_space<vmem>>
      %dma_start3A_1915 = arith.constant 24 : i32
      %dma_start3A_1916 = tpu.memref_slice %arg3[%dma_start3A_1915, %multiple_of3A_1864] : memref<32x1000000xf32, #tpu.memory_space<hbm>> -> memref<8x128xf32, #tpu.memory_space<hbm>>
      tpu.enqueue_dma source(%dma_start3A_1916 : memref<8x128xf32, #tpu.memory_space<hbm>>) target(%dma_start3A_1914 : memref<8x128xf32, #tpu.memory_space<vmem>>) target_semaphore(%arg9 : memref<!tpu.dma_semaphore, #tpu.memory_space<semaphore_mem>>)
      %slice3A_1917 = vector.extract_strided_slice %shift_left3A_1586 {offsets = [6], sizes = [1], strides = [1]} : vector<16xi32> to vector<1xi32>
      %squeeze3A_1918 = vector.extract %slice3A_1917[0] : i32 from vector<1xi32>
      %multiple_of3A_1919 = tpu.assume_multiple %squeeze3A_1918, 128 : i32
      %dma_start3A_1920 = arith.constant 6 : i32
      %dma_start3A_1921 = arith.constant 0 : i32
      %dma_start3A_1922 = arith.constant 0 : i32
      %dma_start3A_1923 = tpu.memref_slice %arg6[%dma_start3A_1920, %dma_start3A_1921, %dma_start3A_1922] : memref<8x32x128xf32, #tpu.memory_space<vmem>> -> memref<1x8x128xf32, #tpu.memory_space<vmem>>
      %dma_start3A_1924 = tpu.memref_squeeze %dma_start3A_1923 : memref<1x8x128xf32, #tpu.memory_space<vmem>> -> memref<8x128xf32, #tpu.memory_space<vmem>>
      %dma_start3A_1925 = arith.constant 0 : i32
      %dma_start3A_1926 = tpu.memref_slice %arg3[%dma_start3A_1925, %multiple_of3A_1919] : memref<32x1000000xf32, #tpu.memory_space<hbm>> -> memref<8x128xf32, #tpu.memory_space<hbm>>
      %dma_start3A_1927 = arith.constant 0 : i32
      %dma_start3A_1928 = arith.constant 0 : i32
      %dma_start3A_1929 = tpu.memref_slice %arg6[%dma_start3A_1920, %dma_start3A_1927, %dma_start3A_1928] : memref<8x32x128xf32, #tpu.memory_space<vmem>> -> memref<1x8x128xf32, #tpu.memory_space<vmem>>
      %dma_start3A_1930 = tpu.memref_squeeze %dma_start3A_1929 : memref<1x8x128xf32, #tpu.memory_space<vmem>> -> memref<8x128xf32, #tpu.memory_space<vmem>>
      %dma_start3A_1931 = arith.constant 0 : i32
      %dma_start3A_1932 = tpu.memref_slice %arg3[%dma_start3A_1931, %multiple_of3A_1919] : memref<32x1000000xf32, #tpu.memory_space<hbm>> -> memref<8x128xf32, #tpu.memory_space<hbm>>
      tpu.enqueue_dma source(%dma_start3A_1932 : memref<8x128xf32, #tpu.memory_space<hbm>>) target(%dma_start3A_1930 : memref<8x128xf32, #tpu.memory_space<vmem>>) target_semaphore(%arg9 : memref<!tpu.dma_semaphore, #tpu.memory_space<semaphore_mem>>)
      %dma_start3A_1933 = arith.constant 6 : i32
      %dma_start3A_1934 = arith.constant 8 : i32
      %dma_start3A_1935 = arith.constant 0 : i32
      %dma_start3A_1936 = tpu.memref_slice %arg6[%dma_start3A_1933, %dma_start3A_1934, %dma_start3A_1935] : memref<8x32x128xf32, #tpu.memory_space<vmem>> -> memref<1x8x128xf32, #tpu.memory_space<vmem>>
      %dma_start3A_1937 = tpu.memref_squeeze %dma_start3A_1936 : memref<1x8x128xf32, #tpu.memory_space<vmem>> -> memref<8x128xf32, #tpu.memory_space<vmem>>
      %dma_start3A_1938 = arith.constant 8 : i32
      %dma_start3A_1939 = tpu.memref_slice %arg3[%dma_start3A_1938, %multiple_of3A_1919] : memref<32x1000000xf32, #tpu.memory_space<hbm>> -> memref<8x128xf32, #tpu.memory_space<hbm>>
      %dma_start3A_1940 = arith.constant 8 : i32
      %dma_start3A_1941 = arith.constant 0 : i32
      %dma_start3A_1942 = tpu.memref_slice %arg6[%dma_start3A_1933, %dma_start3A_1940, %dma_start3A_1941] : memref<8x32x128xf32, #tpu.memory_space<vmem>> -> memref<1x8x128xf32, #tpu.memory_space<vmem>>
      %dma_start3A_1943 = tpu.memref_squeeze %dma_start3A_1942 : memref<1x8x128xf32, #tpu.memory_space<vmem>> -> memref<8x128xf32, #tpu.memory_space<vmem>>
      %dma_start3A_1944 = arith.constant 8 : i32
      %dma_start3A_1945 = tpu.memref_slice %arg3[%dma_start3A_1944, %multiple_of3A_1919] : memref<32x1000000xf32, #tpu.memory_space<hbm>> -> memref<8x128xf32, #tpu.memory_space<hbm>>
      tpu.enqueue_dma source(%dma_start3A_1945 : memref<8x128xf32, #tpu.memory_space<hbm>>) target(%dma_start3A_1943 : memref<8x128xf32, #tpu.memory_space<vmem>>) target_semaphore(%arg9 : memref<!tpu.dma_semaphore, #tpu.memory_space<semaphore_mem>>)
      %dma_start3A_1946 = arith.constant 6 : i32
      %dma_start3A_1947 = arith.constant 16 : i32
      %dma_start3A_1948 = arith.constant 0 : i32
      %dma_start3A_1949 = tpu.memref_slice %arg6[%dma_start3A_1946, %dma_start3A_1947, %dma_start3A_1948] : memref<8x32x128xf32, #tpu.memory_space<vmem>> -> memref<1x8x128xf32, #tpu.memory_space<vmem>>
      %dma_start3A_1950 = tpu.memref_squeeze %dma_start3A_1949 : memref<1x8x128xf32, #tpu.memory_space<vmem>> -> memref<8x128xf32, #tpu.memory_space<vmem>>
      %dma_start3A_1951 = arith.constant 16 : i32
      %dma_start3A_1952 = tpu.memref_slice %arg3[%dma_start3A_1951, %multiple_of3A_1919] : memref<32x1000000xf32, #tpu.memory_space<hbm>> -> memref<8x128xf32, #tpu.memory_space<hbm>>
      %dma_start3A_1953 = arith.constant 16 : i32
      %dma_start3A_1954 = arith.constant 0 : i32
      %dma_start3A_1955 = tpu.memref_slice %arg6[%dma_start3A_1946, %dma_start3A_1953, %dma_start3A_1954] : memref<8x32x128xf32, #tpu.memory_space<vmem>> -> memref<1x8x128xf32, #tpu.memory_space<vmem>>
      %dma_start3A_1956 = tpu.memref_squeeze %dma_start3A_1955 : memref<1x8x128xf32, #tpu.memory_space<vmem>> -> memref<8x128xf32, #tpu.memory_space<vmem>>
      %dma_start3A_1957 = arith.constant 16 : i32
      %dma_start3A_1958 = tpu.memref_slice %arg3[%dma_start3A_1957, %multiple_of3A_1919] : memref<32x1000000xf32, #tpu.memory_space<hbm>> -> memref<8x128xf32, #tpu.memory_space<hbm>>
      tpu.enqueue_dma source(%dma_start3A_1958 : memref<8x128xf32, #tpu.memory_space<hbm>>) target(%dma_start3A_1956 : memref<8x128xf32, #tpu.memory_space<vmem>>) target_semaphore(%arg9 : memref<!tpu.dma_semaphore, #tpu.memory_space<semaphore_mem>>)
      %dma_start3A_1959 = arith.constant 6 : i32
      %dma_start3A_1960 = arith.constant 24 : i32
      %dma_start3A_1961 = arith.constant 0 : i32
      %dma_start3A_1962 = tpu.memref_slice %arg6[%dma_start3A_1959, %dma_start3A_1960, %dma_start3A_1961] : memref<8x32x128xf32, #tpu.memory_space<vmem>> -> memref<1x8x128xf32, #tpu.memory_space<vmem>>
      %dma_start3A_1963 = tpu.memref_squeeze %dma_start3A_1962 : memref<1x8x128xf32, #tpu.memory_space<vmem>> -> memref<8x128xf32, #tpu.memory_space<vmem>>
      %dma_start3A_1964 = arith.constant 24 : i32
      %dma_start3A_1965 = tpu.memref_slice %arg3[%dma_start3A_1964, %multiple_of3A_1919] : memref<32x1000000xf32, #tpu.memory_space<hbm>> -> memref<8x128xf32, #tpu.memory_space<hbm>>
      %dma_start3A_1966 = arith.constant 24 : i32
      %dma_start3A_1967 = arith.constant 0 : i32
      %dma_start3A_1968 = tpu.memref_slice %arg6[%dma_start3A_1959, %dma_start3A_1966, %dma_start3A_1967] : memref<8x32x128xf32, #tpu.memory_space<vmem>> -> memref<1x8x128xf32, #tpu.memory_space<vmem>>
      %dma_start3A_1969 = tpu.memref_squeeze %dma_start3A_1968 : memref<1x8x128xf32, #tpu.memory_space<vmem>> -> memref<8x128xf32, #tpu.memory_space<vmem>>
      %dma_start3A_1970 = arith.constant 24 : i32
      %dma_start3A_1971 = tpu.memref_slice %arg3[%dma_start3A_1970, %multiple_of3A_1919] : memref<32x1000000xf32, #tpu.memory_space<hbm>> -> memref<8x128xf32, #tpu.memory_space<hbm>>
      tpu.enqueue_dma source(%dma_start3A_1971 : memref<8x128xf32, #tpu.memory_space<hbm>>) target(%dma_start3A_1969 : memref<8x128xf32, #tpu.memory_space<vmem>>) target_semaphore(%arg9 : memref<!tpu.dma_semaphore, #tpu.memory_space<semaphore_mem>>)
      %slice3A_1972 = vector.extract_strided_slice %shift_left3A_1586 {offsets = [7], sizes = [1], strides = [1]} : vector<16xi32> to vector<1xi32>
      %squeeze3A_1973 = vector.extract %slice3A_1972[0] : i32 from vector<1xi32>
      %multiple_of3A_1974 = tpu.assume_multiple %squeeze3A_1973, 128 : i32
      %dma_start3A_1975 = arith.constant 7 : i32
      %dma_start3A_1976 = arith.constant 0 : i32
      %dma_start3A_1977 = arith.constant 0 : i32
      %dma_start3A_1978 = tpu.memref_slice %arg6[%dma_start3A_1975, %dma_start3A_1976, %dma_start3A_1977] : memref<8x32x128xf32, #tpu.memory_space<vmem>> -> memref<1x8x128xf32, #tpu.memory_space<vmem>>
      %dma_start3A_1979 = tpu.memref_squeeze %dma_start3A_1978 : memref<1x8x128xf32, #tpu.memory_space<vmem>> -> memref<8x128xf32, #tpu.memory_space<vmem>>
      %dma_start3A_1980 = arith.constant 0 : i32
      %dma_start3A_1981 = tpu.memref_slice %arg3[%dma_start3A_1980, %multiple_of3A_1974] : memref<32x1000000xf32, #tpu.memory_space<hbm>> -> memref<8x128xf32, #tpu.memory_space<hbm>>
      %dma_start3A_1982 = arith.constant 0 : i32
      %dma_start3A_1983 = arith.constant 0 : i32
      %dma_start3A_1984 = tpu.memref_slice %arg6[%dma_start3A_1975, %dma_start3A_1982, %dma_start3A_1983] : memref<8x32x128xf32, #tpu.memory_space<vmem>> -> memref<1x8x128xf32, #tpu.memory_space<vmem>>
      %dma_start3A_1985 = tpu.memref_squeeze %dma_start3A_1984 : memref<1x8x128xf32, #tpu.memory_space<vmem>> -> memref<8x128xf32, #tpu.memory_space<vmem>>
      %dma_start3A_1986 = arith.constant 0 : i32
      %dma_start3A_1987 = tpu.memref_slice %arg3[%dma_start3A_1986, %multiple_of3A_1974] : memref<32x1000000xf32, #tpu.memory_space<hbm>> -> memref<8x128xf32, #tpu.memory_space<hbm>>
      tpu.enqueue_dma source(%dma_start3A_1987 : memref<8x128xf32, #tpu.memory_space<hbm>>) target(%dma_start3A_1985 : memref<8x128xf32, #tpu.memory_space<vmem>>) target_semaphore(%arg9 : memref<!tpu.dma_semaphore, #tpu.memory_space<semaphore_mem>>)
      %dma_start3A_1988 = arith.constant 7 : i32
      %dma_start3A_1989 = arith.constant 8 : i32
      %dma_start3A_1990 = arith.constant 0 : i32
      %dma_start3A_1991 = tpu.memref_slice %arg6[%dma_start3A_1988, %dma_start3A_1989, %dma_start3A_1990] : memref<8x32x128xf32, #tpu.memory_space<vmem>> -> memref<1x8x128xf32, #tpu.memory_space<vmem>>
      %dma_start3A_1992 = tpu.memref_squeeze %dma_start3A_1991 : memref<1x8x128xf32, #tpu.memory_space<vmem>> -> memref<8x128xf32, #tpu.memory_space<vmem>>
      %dma_start3A_1993 = arith.constant 8 : i32
      %dma_start3A_1994 = tpu.memref_slice %arg3[%dma_start3A_1993, %multiple_of3A_1974] : memref<32x1000000xf32, #tpu.memory_space<hbm>> -> memref<8x128xf32, #tpu.memory_space<hbm>>
      %dma_start3A_1995 = arith.constant 8 : i32
      %dma_start3A_1996 = arith.constant 0 : i32
      %dma_start3A_1997 = tpu.memref_slice %arg6[%dma_start3A_1988, %dma_start3A_1995, %dma_start3A_1996] : memref<8x32x128xf32, #tpu.memory_space<vmem>> -> memref<1x8x128xf32, #tpu.memory_space<vmem>>
      %dma_start3A_1998 = tpu.memref_squeeze %dma_start3A_1997 : memref<1x8x128xf32, #tpu.memory_space<vmem>> -> memref<8x128xf32, #tpu.memory_space<vmem>>
      %dma_start3A_1999 = arith.constant 8 : i32
      %dma_start3A_2000 = tpu.memref_slice %arg3[%dma_start3A_1999, %multiple_of3A_1974] : memref<32x1000000xf32, #tpu.memory_space<hbm>> -> memref<8x128xf32, #tpu.memory_space<hbm>>
      tpu.enqueue_dma source(%dma_start3A_2000 : memref<8x128xf32, #tpu.memory_space<hbm>>) target(%dma_start3A_1998 : memref<8x128xf32, #tpu.memory_space<vmem>>) target_semaphore(%arg9 : memref<!tpu.dma_semaphore, #tpu.memory_space<semaphore_mem>>)
      %dma_start3A_2001 = arith.constant 7 : i32
      %dma_start3A_2002 = arith.constant 16 : i32
      %dma_start3A_2003 = arith.constant 0 : i32
      %dma_start3A_2004 = tpu.memref_slice %arg6[%dma_start3A_2001, %dma_start3A_2002, %dma_start3A_2003] : memref<8x32x128xf32, #tpu.memory_space<vmem>> -> memref<1x8x128xf32, #tpu.memory_space<vmem>>
      %dma_start3A_2005 = tpu.memref_squeeze %dma_start3A_2004 : memref<1x8x128xf32, #tpu.memory_space<vmem>> -> memref<8x128xf32, #tpu.memory_space<vmem>>
      %dma_start3A_2006 = arith.constant 16 : i32
      %dma_start3A_2007 = tpu.memref_slice %arg3[%dma_start3A_2006, %multiple_of3A_1974] : memref<32x1000000xf32, #tpu.memory_space<hbm>> -> memref<8x128xf32, #tpu.memory_space<hbm>>
      %dma_start3A_2008 = arith.constant 16 : i32
      %dma_start3A_2009 = arith.constant 0 : i32
      %dma_start3A_2010 = tpu.memref_slice %arg6[%dma_start3A_2001, %dma_start3A_2008, %dma_start3A_2009] : memref<8x32x128xf32, #tpu.memory_space<vmem>> -> memref<1x8x128xf32, #tpu.memory_space<vmem>>
      %dma_start3A_2011 = tpu.memref_squeeze %dma_start3A_2010 : memref<1x8x128xf32, #tpu.memory_space<vmem>> -> memref<8x128xf32, #tpu.memory_space<vmem>>
      %dma_start3A_2012 = arith.constant 16 : i32
      %dma_start3A_2013 = tpu.memref_slice %arg3[%dma_start3A_2012, %multiple_of3A_1974] : memref<32x1000000xf32, #tpu.memory_space<hbm>> -> memref<8x128xf32, #tpu.memory_space<hbm>>
      tpu.enqueue_dma source(%dma_start3A_2013 : memref<8x128xf32, #tpu.memory_space<hbm>>) target(%dma_start3A_2011 : memref<8x128xf32, #tpu.memory_space<vmem>>) target_semaphore(%arg9 : memref<!tpu.dma_semaphore, #tpu.memory_space<semaphore_mem>>)
      %dma_start3A_2014 = arith.constant 7 : i32
      %dma_start3A_2015 = arith.constant 24 : i32
      %dma_start3A_2016 = arith.constant 0 : i32
      %dma_start3A_2017 = tpu.memref_slice %arg6[%dma_start3A_2014, %dma_start3A_2015, %dma_start3A_2016] : memref<8x32x128xf32, #tpu.memory_space<vmem>> -> memref<1x8x128xf32, #tpu.memory_space<vmem>>
      %dma_start3A_2018 = tpu.memref_squeeze %dma_start3A_2017 : memref<1x8x128xf32, #tpu.memory_space<vmem>> -> memref<8x128xf32, #tpu.memory_space<vmem>>
      %dma_start3A_2019 = arith.constant 24 : i32
      %dma_start3A_2020 = tpu.memref_slice %arg3[%dma_start3A_2019, %multiple_of3A_1974] : memref<32x1000000xf32, #tpu.memory_space<hbm>> -> memref<8x128xf32, #tpu.memory_space<hbm>>
      %dma_start3A_2021 = arith.constant 24 : i32
      %dma_start3A_2022 = arith.constant 0 : i32
      %dma_start3A_2023 = tpu.memref_slice %arg6[%dma_start3A_2014, %dma_start3A_2021, %dma_start3A_2022] : memref<8x32x128xf32, #tpu.memory_space<vmem>> -> memref<1x8x128xf32, #tpu.memory_space<vmem>>
      %dma_start3A_2024 = tpu.memref_squeeze %dma_start3A_2023 : memref<1x8x128xf32, #tpu.memory_space<vmem>> -> memref<8x128xf32, #tpu.memory_space<vmem>>
      %dma_start3A_2025 = arith.constant 24 : i32
      %dma_start3A_2026 = tpu.memref_slice %arg3[%dma_start3A_2025, %multiple_of3A_1974] : memref<32x1000000xf32, #tpu.memory_space<hbm>> -> memref<8x128xf32, #tpu.memory_space<hbm>>
      tpu.enqueue_dma source(%dma_start3A_2026 : memref<8x128xf32, #tpu.memory_space<hbm>>) target(%dma_start3A_2024 : memref<8x128xf32, #tpu.memory_space<vmem>>) target_semaphore(%arg9 : memref<!tpu.dma_semaphore, #tpu.memory_space<semaphore_mem>>)
      %dma_wait3A_2027 = arith.constant 0 : i32
      %dma_wait3A_2028 = arith.constant 0 : i32
      %dma_wait3A_2029 = arith.constant 0 : i32
      %dma_wait3A_2030 = tpu.memref_slice %arg7[%dma_wait3A_2027, %dma_wait3A_2028, %dma_wait3A_2029] : memref<8x32x128xf32, #tpu.memory_space<vmem>> -> memref<1x32x128xf32, #tpu.memory_space<vmem>>
      %dma_wait3A_2031 = tpu.memref_squeeze %dma_wait3A_2030 : memref<1x32x128xf32, #tpu.memory_space<vmem>> -> memref<32x128xf32, #tpu.memory_space<vmem>>
      %dma_wait3A_2032 = arith.constant 0 : i32
      %dma_wait3A_2033 = arith.constant 0 : i32
      %dma_wait3A_2034 = tpu.memref_slice %arg3[%dma_wait3A_2032, %dma_wait3A_2033] : memref<32x1000000xf32, #tpu.memory_space<hbm>> -> memref<32x128xf32, #tpu.memory_space<hbm>>
      %dma_wait3A_2035 = arith.constant 0 : i32
      %dma_wait3A_2036 = arith.constant 0 : i32
      %dma_wait3A_2037 = tpu.memref_slice %arg7[%dma_wait3A_2027, %dma_wait3A_2035, %dma_wait3A_2036] : memref<8x32x128xf32, #tpu.memory_space<vmem>> -> memref<1x32x128xf32, #tpu.memory_space<vmem>>
      %dma_wait3A_2038 = tpu.memref_squeeze %dma_wait3A_2037 : memref<1x32x128xf32, #tpu.memory_space<vmem>> -> memref<32x128xf32, #tpu.memory_space<vmem>>
      %dma_wait3A_2039 = arith.constant 0 : i32
      %dma_wait3A_2040 = arith.constant 0 : i32
      %dma_wait3A_2041 = tpu.memref_slice %arg3[%dma_wait3A_2039, %dma_wait3A_2040] : memref<32x1000000xf32, #tpu.memory_space<hbm>> -> memref<32x128xf32, #tpu.memory_space<hbm>>
      tpu.wait_dma2 semaphore(%arg10 : memref<!tpu.dma_semaphore, #tpu.memory_space<semaphore_mem>>) src(%dma_wait3A_2041 : memref<32x128xf32, #tpu.memory_space<hbm>>) dst(%dma_wait3A_2038 : memref<32x128xf32, #tpu.memory_space<vmem>>)
      %dma_wait3A_2042 = arith.constant 1 : i32
      %dma_wait3A_2043 = arith.constant 0 : i32
      %dma_wait3A_2044 = arith.constant 0 : i32
      %dma_wait3A_2045 = tpu.memref_slice %arg7[%dma_wait3A_2042, %dma_wait3A_2043, %dma_wait3A_2044] : memref<8x32x128xf32, #tpu.memory_space<vmem>> -> memref<1x32x128xf32, #tpu.memory_space<vmem>>
      %dma_wait3A_2046 = tpu.memref_squeeze %dma_wait3A_2045 : memref<1x32x128xf32, #tpu.memory_space<vmem>> -> memref<32x128xf32, #tpu.memory_space<vmem>>
      %dma_wait3A_2047 = arith.constant 0 : i32
      %dma_wait3A_2048 = arith.constant 0 : i32
      %dma_wait3A_2049 = tpu.memref_slice %arg3[%dma_wait3A_2047, %dma_wait3A_2048] : memref<32x1000000xf32, #tpu.memory_space<hbm>> -> memref<32x128xf32, #tpu.memory_space<hbm>>
      %dma_wait3A_2050 = arith.constant 0 : i32
      %dma_wait3A_2051 = arith.constant 0 : i32
      %dma_wait3A_2052 = tpu.memref_slice %arg7[%dma_wait3A_2042, %dma_wait3A_2050, %dma_wait3A_2051] : memref<8x32x128xf32, #tpu.memory_space<vmem>> -> memref<1x32x128xf32, #tpu.memory_space<vmem>>
      %dma_wait3A_2053 = tpu.memref_squeeze %dma_wait3A_2052 : memref<1x32x128xf32, #tpu.memory_space<vmem>> -> memref<32x128xf32, #tpu.memory_space<vmem>>
      %dma_wait3A_2054 = arith.constant 0 : i32
      %dma_wait3A_2055 = arith.constant 0 : i32
      %dma_wait3A_2056 = tpu.memref_slice %arg3[%dma_wait3A_2054, %dma_wait3A_2055] : memref<32x1000000xf32, #tpu.memory_space<hbm>> -> memref<32x128xf32, #tpu.memory_space<hbm>>
      tpu.wait_dma2 semaphore(%arg10 : memref<!tpu.dma_semaphore, #tpu.memory_space<semaphore_mem>>) src(%dma_wait3A_2056 : memref<32x128xf32, #tpu.memory_space<hbm>>) dst(%dma_wait3A_2053 : memref<32x128xf32, #tpu.memory_space<vmem>>)
      %dma_wait3A_2057 = arith.constant 2 : i32
      %dma_wait3A_2058 = arith.constant 0 : i32
      %dma_wait3A_2059 = arith.constant 0 : i32
      %dma_wait3A_2060 = tpu.memref_slice %arg7[%dma_wait3A_2057, %dma_wait3A_2058, %dma_wait3A_2059] : memref<8x32x128xf32, #tpu.memory_space<vmem>> -> memref<1x32x128xf32, #tpu.memory_space<vmem>>
      %dma_wait3A_2061 = tpu.memref_squeeze %dma_wait3A_2060 : memref<1x32x128xf32, #tpu.memory_space<vmem>> -> memref<32x128xf32, #tpu.memory_space<vmem>>
      %dma_wait3A_2062 = arith.constant 0 : i32
      %dma_wait3A_2063 = arith.constant 0 : i32
      %dma_wait3A_2064 = tpu.memref_slice %arg3[%dma_wait3A_2062, %dma_wait3A_2063] : memref<32x1000000xf32, #tpu.memory_space<hbm>> -> memref<32x128xf32, #tpu.memory_space<hbm>>
      %dma_wait3A_2065 = arith.constant 0 : i32
      %dma_wait3A_2066 = arith.constant 0 : i32
      %dma_wait3A_2067 = tpu.memref_slice %arg7[%dma_wait3A_2057, %dma_wait3A_2065, %dma_wait3A_2066] : memref<8x32x128xf32, #tpu.memory_space<vmem>> -> memref<1x32x128xf32, #tpu.memory_space<vmem>>
      %dma_wait3A_2068 = tpu.memref_squeeze %dma_wait3A_2067 : memref<1x32x128xf32, #tpu.memory_space<vmem>> -> memref<32x128xf32, #tpu.memory_space<vmem>>
      %dma_wait3A_2069 = arith.constant 0 : i32
      %dma_wait3A_2070 = arith.constant 0 : i32
      %dma_wait3A_2071 = tpu.memref_slice %arg3[%dma_wait3A_2069, %dma_wait3A_2070] : memref<32x1000000xf32, #tpu.memory_space<hbm>> -> memref<32x128xf32, #tpu.memory_space<hbm>>
      tpu.wait_dma2 semaphore(%arg10 : memref<!tpu.dma_semaphore, #tpu.memory_space<semaphore_mem>>) src(%dma_wait3A_2071 : memref<32x128xf32, #tpu.memory_space<hbm>>) dst(%dma_wait3A_2068 : memref<32x128xf32, #tpu.memory_space<vmem>>)
      %dma_wait3A_2072 = arith.constant 3 : i32
      %dma_wait3A_2073 = arith.constant 0 : i32
      %dma_wait3A_2074 = arith.constant 0 : i32
      %dma_wait3A_2075 = tpu.memref_slice %arg7[%dma_wait3A_2072, %dma_wait3A_2073, %dma_wait3A_2074] : memref<8x32x128xf32, #tpu.memory_space<vmem>> -> memref<1x32x128xf32, #tpu.memory_space<vmem>>
      %dma_wait3A_2076 = tpu.memref_squeeze %dma_wait3A_2075 : memref<1x32x128xf32, #tpu.memory_space<vmem>> -> memref<32x128xf32, #tpu.memory_space<vmem>>
      %dma_wait3A_2077 = arith.constant 0 : i32
      %dma_wait3A_2078 = arith.constant 0 : i32
      %dma_wait3A_2079 = tpu.memref_slice %arg3[%dma_wait3A_2077, %dma_wait3A_2078] : memref<32x1000000xf32, #tpu.memory_space<hbm>> -> memref<32x128xf32, #tpu.memory_space<hbm>>
      %dma_wait3A_2080 = arith.constant 0 : i32
      %dma_wait3A_2081 = arith.constant 0 : i32
      %dma_wait3A_2082 = tpu.memref_slice %arg7[%dma_wait3A_2072, %dma_wait3A_2080, %dma_wait3A_2081] : memref<8x32x128xf32, #tpu.memory_space<vmem>> -> memref<1x32x128xf32, #tpu.memory_space<vmem>>
      %dma_wait3A_2083 = tpu.memref_squeeze %dma_wait3A_2082 : memref<1x32x128xf32, #tpu.memory_space<vmem>> -> memref<32x128xf32, #tpu.memory_space<vmem>>
      %dma_wait3A_2084 = arith.constant 0 : i32
      %dma_wait3A_2085 = arith.constant 0 : i32
      %dma_wait3A_2086 = tpu.memref_slice %arg3[%dma_wait3A_2084, %dma_wait3A_2085] : memref<32x1000000xf32, #tpu.memory_space<hbm>> -> memref<32x128xf32, #tpu.memory_space<hbm>>
      tpu.wait_dma2 semaphore(%arg10 : memref<!tpu.dma_semaphore, #tpu.memory_space<semaphore_mem>>) src(%dma_wait3A_2086 : memref<32x128xf32, #tpu.memory_space<hbm>>) dst(%dma_wait3A_2083 : memref<32x128xf32, #tpu.memory_space<vmem>>)
      %dma_wait3A_2087 = arith.constant 4 : i32
      %dma_wait3A_2088 = arith.constant 0 : i32
      %dma_wait3A_2089 = arith.constant 0 : i32
      %dma_wait3A_2090 = tpu.memref_slice %arg7[%dma_wait3A_2087, %dma_wait3A_2088, %dma_wait3A_2089] : memref<8x32x128xf32, #tpu.memory_space<vmem>> -> memref<1x32x128xf32, #tpu.memory_space<vmem>>
      %dma_wait3A_2091 = tpu.memref_squeeze %dma_wait3A_2090 : memref<1x32x128xf32, #tpu.memory_space<vmem>> -> memref<32x128xf32, #tpu.memory_space<vmem>>
      %dma_wait3A_2092 = arith.constant 0 : i32
      %dma_wait3A_2093 = arith.constant 0 : i32
      %dma_wait3A_2094 = tpu.memref_slice %arg3[%dma_wait3A_2092, %dma_wait3A_2093] : memref<32x1000000xf32, #tpu.memory_space<hbm>> -> memref<32x128xf32, #tpu.memory_space<hbm>>
      %dma_wait3A_2095 = arith.constant 0 : i32
      %dma_wait3A_2096 = arith.constant 0 : i32
      %dma_wait3A_2097 = tpu.memref_slice %arg7[%dma_wait3A_2087, %dma_wait3A_2095, %dma_wait3A_2096] : memref<8x32x128xf32, #tpu.memory_space<vmem>> -> memref<1x32x128xf32, #tpu.memory_space<vmem>>
      %dma_wait3A_2098 = tpu.memref_squeeze %dma_wait3A_2097 : memref<1x32x128xf32, #tpu.memory_space<vmem>> -> memref<32x128xf32, #tpu.memory_space<vmem>>
      %dma_wait3A_2099 = arith.constant 0 : i32
      %dma_wait3A_2100 = arith.constant 0 : i32
      %dma_wait3A_2101 = tpu.memref_slice %arg3[%dma_wait3A_2099, %dma_wait3A_2100] : memref<32x1000000xf32, #tpu.memory_space<hbm>> -> memref<32x128xf32, #tpu.memory_space<hbm>>
      tpu.wait_dma2 semaphore(%arg10 : memref<!tpu.dma_semaphore, #tpu.memory_space<semaphore_mem>>) src(%dma_wait3A_2101 : memref<32x128xf32, #tpu.memory_space<hbm>>) dst(%dma_wait3A_2098 : memref<32x128xf32, #tpu.memory_space<vmem>>)
      %dma_wait3A_2102 = arith.constant 5 : i32
      %dma_wait3A_2103 = arith.constant 0 : i32
      %dma_wait3A_2104 = arith.constant 0 : i32
      %dma_wait3A_2105 = tpu.memref_slice %arg7[%dma_wait3A_2102, %dma_wait3A_2103, %dma_wait3A_2104] : memref<8x32x128xf32, #tpu.memory_space<vmem>> -> memref<1x32x128xf32, #tpu.memory_space<vmem>>
      %dma_wait3A_2106 = tpu.memref_squeeze %dma_wait3A_2105 : memref<1x32x128xf32, #tpu.memory_space<vmem>> -> memref<32x128xf32, #tpu.memory_space<vmem>>
      %dma_wait3A_2107 = arith.constant 0 : i32
      %dma_wait3A_2108 = arith.constant 0 : i32
      %dma_wait3A_2109 = tpu.memref_slice %arg3[%dma_wait3A_2107, %dma_wait3A_2108] : memref<32x1000000xf32, #tpu.memory_space<hbm>> -> memref<32x128xf32, #tpu.memory_space<hbm>>
      %dma_wait3A_2110 = arith.constant 0 : i32
      %dma_wait3A_2111 = arith.constant 0 : i32
      %dma_wait3A_2112 = tpu.memref_slice %arg7[%dma_wait3A_2102, %dma_wait3A_2110, %dma_wait3A_2111] : memref<8x32x128xf32, #tpu.memory_space<vmem>> -> memref<1x32x128xf32, #tpu.memory_space<vmem>>
      %dma_wait3A_2113 = tpu.memref_squeeze %dma_wait3A_2112 : memref<1x32x128xf32, #tpu.memory_space<vmem>> -> memref<32x128xf32, #tpu.memory_space<vmem>>
      %dma_wait3A_2114 = arith.constant 0 : i32
      %dma_wait3A_2115 = arith.constant 0 : i32
      %dma_wait3A_2116 = tpu.memref_slice %arg3[%dma_wait3A_2114, %dma_wait3A_2115] : memref<32x1000000xf32, #tpu.memory_space<hbm>> -> memref<32x128xf32, #tpu.memory_space<hbm>>
      tpu.wait_dma2 semaphore(%arg10 : memref<!tpu.dma_semaphore, #tpu.memory_space<semaphore_mem>>) src(%dma_wait3A_2116 : memref<32x128xf32, #tpu.memory_space<hbm>>) dst(%dma_wait3A_2113 : memref<32x128xf32, #tpu.memory_space<vmem>>)
      %dma_wait3A_2117 = arith.constant 6 : i32
      %dma_wait3A_2118 = arith.constant 0 : i32
      %dma_wait3A_2119 = arith.constant 0 : i32
      %dma_wait3A_2120 = tpu.memref_slice %arg7[%dma_wait3A_2117, %dma_wait3A_2118, %dma_wait3A_2119] : memref<8x32x128xf32, #tpu.memory_space<vmem>> -> memref<1x32x128xf32, #tpu.memory_space<vmem>>
      %dma_wait3A_2121 = tpu.memref_squeeze %dma_wait3A_2120 : memref<1x32x128xf32, #tpu.memory_space<vmem>> -> memref<32x128xf32, #tpu.memory_space<vmem>>
      %dma_wait3A_2122 = arith.constant 0 : i32
      %dma_wait3A_2123 = arith.constant 0 : i32
      %dma_wait3A_2124 = tpu.memref_slice %arg3[%dma_wait3A_2122, %dma_wait3A_2123] : memref<32x1000000xf32, #tpu.memory_space<hbm>> -> memref<32x128xf32, #tpu.memory_space<hbm>>
      %dma_wait3A_2125 = arith.constant 0 : i32
      %dma_wait3A_2126 = arith.constant 0 : i32
      %dma_wait3A_2127 = tpu.memref_slice %arg7[%dma_wait3A_2117, %dma_wait3A_2125, %dma_wait3A_2126] : memref<8x32x128xf32, #tpu.memory_space<vmem>> -> memref<1x32x128xf32, #tpu.memory_space<vmem>>
      %dma_wait3A_2128 = tpu.memref_squeeze %dma_wait3A_2127 : memref<1x32x128xf32, #tpu.memory_space<vmem>> -> memref<32x128xf32, #tpu.memory_space<vmem>>
      %dma_wait3A_2129 = arith.constant 0 : i32
      %dma_wait3A_2130 = arith.constant 0 : i32
      %dma_wait3A_2131 = tpu.memref_slice %arg3[%dma_wait3A_2129, %dma_wait3A_2130] : memref<32x1000000xf32, #tpu.memory_space<hbm>> -> memref<32x128xf32, #tpu.memory_space<hbm>>
      tpu.wait_dma2 semaphore(%arg10 : memref<!tpu.dma_semaphore, #tpu.memory_space<semaphore_mem>>) src(%dma_wait3A_2131 : memref<32x128xf32, #tpu.memory_space<hbm>>) dst(%dma_wait3A_2128 : memref<32x128xf32, #tpu.memory_space<vmem>>)
      %dma_wait3A_2132 = arith.constant 7 : i32
      %dma_wait3A_2133 = arith.constant 0 : i32
      %dma_wait3A_2134 = arith.constant 0 : i32
      %dma_wait3A_2135 = tpu.memref_slice %arg7[%dma_wait3A_2132, %dma_wait3A_2133, %dma_wait3A_2134] : memref<8x32x128xf32, #tpu.memory_space<vmem>> -> memref<1x32x128xf32, #tpu.memory_space<vmem>>
      %dma_wait3A_2136 = tpu.memref_squeeze %dma_wait3A_2135 : memref<1x32x128xf32, #tpu.memory_space<vmem>> -> memref<32x128xf32, #tpu.memory_space<vmem>>
      %dma_wait3A_2137 = arith.constant 0 : i32
      %dma_wait3A_2138 = arith.constant 0 : i32
      %dma_wait3A_2139 = tpu.memref_slice %arg3[%dma_wait3A_2137, %dma_wait3A_2138] : memref<32x1000000xf32, #tpu.memory_space<hbm>> -> memref<32x128xf32, #tpu.memory_space<hbm>>
      %dma_wait3A_2140 = arith.constant 0 : i32
      %dma_wait3A_2141 = arith.constant 0 : i32
      %dma_wait3A_2142 = tpu.memref_slice %arg7[%dma_wait3A_2132, %dma_wait3A_2140, %dma_wait3A_2141] : memref<8x32x128xf32, #tpu.memory_space<vmem>> -> memref<1x32x128xf32, #tpu.memory_space<vmem>>
      %dma_wait3A_2143 = tpu.memref_squeeze %dma_wait3A_2142 : memref<1x32x128xf32, #tpu.memory_space<vmem>> -> memref<32x128xf32, #tpu.memory_space<vmem>>
      %dma_wait3A_2144 = arith.constant 0 : i32
      %dma_wait3A_2145 = arith.constant 0 : i32
      %dma_wait3A_2146 = tpu.memref_slice %arg3[%dma_wait3A_2144, %dma_wait3A_2145] : memref<32x1000000xf32, #tpu.memory_space<hbm>> -> memref<32x128xf32, #tpu.memory_space<hbm>>
      tpu.wait_dma2 semaphore(%arg10 : memref<!tpu.dma_semaphore, #tpu.memory_space<semaphore_mem>>) src(%dma_wait3A_2146 : memref<32x128xf32, #tpu.memory_space<hbm>>) dst(%dma_wait3A_2143 : memref<32x128xf32, #tpu.memory_space<vmem>>)
      %mul3A_2147 = arith.constant 2 : i32
      %mul3A_2148 = arith.muli %mul3A_2147, %scan3A_1345 : i32
      %add3A_2149 = arith.constant 1 : i32
      %add3A_2150 = arith.addi %mul3A_2148, %add3A_2149 : i32
      %mul3A_2151 = arith.constant 8 : i32
      %mul3A_2152 = arith.muli %add3A_2150, %mul3A_2151 : i32
      %get3A_2153 = arith.index_cast %mul3A_2152 : i32 to index
      %get3A_2154 = tpu.vector_load %arg5[%get3A_2153] {strides = array<i32>} : memref<528xi32, #tpu.memory_space<vmem>>, vector<16xi32>,
      %and3A_2155 = arith.constant 127 : i32
      %and3A_2156 = vector.broadcast %and3A_2155 : i32 to vector<16xi32>
      %and3A_2157 = arith.andi %get3A_2154, %and3A_2156 : vector<16xi32>
      %add3A_2158 = vector.broadcast %mul3A_2152 : i32 to vector<16xi32>
      %add3A_2159 = arith.addi %add3A_2158, %iota3A : vector<16xi32>
      %broadcast_in_dim3A_2160 = arith.constant 0 : i32
      %broadcast_in_dim3A_2161 = vector.broadcast %broadcast_in_dim3A_2160 : i32 to vector<16xi32>
      %gather3A_2162 = tpu.vector_load_idx %arg7[%and3A_4, %broadcast_in_dim3A_2161, %and3A_2157] : memref<8x32x128xf32, #tpu.memory_space<vmem>>[vector<16xi32>, vector<16xi32>, vector<16xi32>], vector<16xf32>,
      tpu.vector_store_idx %arg8[%broadcast_in_dim3A_2161, %add3A_2159], %gather3A_2162 masked %lt3A_6 : memref<32x512xf32, #tpu.memory_space<vmem>>[vector<16xi32>, vector<16xi32>], vector<16xf32>, vector<16xi1>
      %broadcast_in_dim3A_2163 = arith.constant 1 : i32
      %broadcast_in_dim3A_2164 = vector.broadcast %broadcast_in_dim3A_2163 : i32 to vector<16xi32>
      %gather3A_2165 = tpu.vector_load_idx %arg7[%and3A_4, %broadcast_in_dim3A_2164, %and3A_2157] : memref<8x32x128xf32, #tpu.memory_space<vmem>>[vector<16xi32>, vector<16xi32>, vector<16xi32>], vector<16xf32>,
      tpu.vector_store_idx %arg8[%broadcast_in_dim3A_2164, %add3A_2159], %gather3A_2165 masked %lt3A_6 : memref<32x512xf32, #tpu.memory_space<vmem>>[vector<16xi32>, vector<16xi32>], vector<16xf32>, vector<16xi1>
      %broadcast_in_dim3A_2166 = arith.constant 2 : i32
      %broadcast_in_dim3A_2167 = vector.broadcast %broadcast_in_dim3A_2166 : i32 to vector<16xi32>
      %gather3A_2168 = tpu.vector_load_idx %arg7[%and3A_4, %broadcast_in_dim3A_2167, %and3A_2157] : memref<8x32x128xf32, #tpu.memory_space<vmem>>[vector<16xi32>, vector<16xi32>, vector<16xi32>], vector<16xf32>,
      tpu.vector_store_idx %arg8[%broadcast_in_dim3A_2167, %add3A_2159], %gather3A_2168 masked %lt3A_6 : memref<32x512xf32, #tpu.memory_space<vmem>>[vector<16xi32>, vector<16xi32>], vector<16xf32>, vector<16xi1>
      %broadcast_in_dim3A_2169 = arith.constant 3 : i32
      %broadcast_in_dim3A_2170 = vector.broadcast %broadcast_in_dim3A_2169 : i32 to vector<16xi32>
      %gather3A_2171 = tpu.vector_load_idx %arg7[%and3A_4, %broadcast_in_dim3A_2170, %and3A_2157] : memref<8x32x128xf32, #tpu.memory_space<vmem>>[vector<16xi32>, vector<16xi32>, vector<16xi32>], vector<16xf32>,
      tpu.vector_store_idx %arg8[%broadcast_in_dim3A_2170, %add3A_2159], %gather3A_2171 masked %lt3A_6 : memref<32x512xf32, #tpu.memory_space<vmem>>[vector<16xi32>, vector<16xi32>], vector<16xf32>, vector<16xi1>
      %broadcast_in_dim3A_2172 = arith.constant 4 : i32
      %broadcast_in_dim3A_2173 = vector.broadcast %broadcast_in_dim3A_2172 : i32 to vector<16xi32>
      %gather3A_2174 = tpu.vector_load_idx %arg7[%and3A_4, %broadcast_in_dim3A_2173, %and3A_2157] : memref<8x32x128xf32, #tpu.memory_space<vmem>>[vector<16xi32>, vector<16xi32>, vector<16xi32>], vector<16xf32>,
      tpu.vector_store_idx %arg8[%broadcast_in_dim3A_2173, %add3A_2159], %gather3A_2174 masked %lt3A_6 : memref<32x512xf32, #tpu.memory_space<vmem>>[vector<16xi32>, vector<16xi32>], vector<16xf32>, vector<16xi1>
      %broadcast_in_dim3A_2175 = arith.constant 5 : i32
      %broadcast_in_dim3A_2176 = vector.broadcast %broadcast_in_dim3A_2175 : i32 to vector<16xi32>
      %gather3A_2177 = tpu.vector_load_idx %arg7[%and3A_4, %broadcast_in_dim3A_2176, %and3A_2157] : memref<8x32x128xf32, #tpu.memory_space<vmem>>[vector<16xi32>, vector<16xi32>, vector<16xi32>], vector<16xf32>,
      tpu.vector_store_idx %arg8[%broadcast_in_dim3A_2176, %add3A_2159], %gather3A_2177 masked %lt3A_6 : memref<32x512xf32, #tpu.memory_space<vmem>>[vector<16xi32>, vector<16xi32>], vector<16xf32>, vector<16xi1>
      %broadcast_in_dim3A_2178 = arith.constant 6 : i32
      %broadcast_in_dim3A_2179 = vector.broadcast %broadcast_in_dim3A_2178 : i32 to vector<16xi32>
      %gather3A_2180 = tpu.vector_load_idx %arg7[%and3A_4, %broadcast_in_dim3A_2179, %and3A_2157] : memref<8x32x128xf32, #tpu.memory_space<vmem>>[vector<16xi32>, vector<16xi32>, vector<16xi32>], vector<16xf32>,
      tpu.vector_store_idx %arg8[%broadcast_in_dim3A_2179, %add3A_2159], %gather3A_2180 masked %lt3A_6 : memref<32x512xf32, #tpu.memory_space<vmem>>[vector<16xi32>, vector<16xi32>], vector<16xf32>, vector<16xi1>
      %broadcast_in_dim3A_2181 = arith.constant 7 : i32
      %broadcast_in_dim3A_2182 = vector.broadcast %broadcast_in_dim3A_2181 : i32 to vector<16xi32>
      %gather3A_2183 = tpu.vector_load_idx %arg7[%and3A_4, %broadcast_in_dim3A_2182, %and3A_2157] : memref<8x32x128xf32, #tpu.memory_space<vmem>>[vector<16xi32>, vector<16xi32>, vector<16xi32>], vector<16xf32>,
      tpu.vector_store_idx %arg8[%broadcast_in_dim3A_2182, %add3A_2159], %gather3A_2183 masked %lt3A_6 : memref<32x512xf32, #tpu.memory_space<vmem>>[vector<16xi32>, vector<16xi32>], vector<16xf32>, vector<16xi1>
      %broadcast_in_dim3A_2184 = arith.constant 8 : i32
      %broadcast_in_dim3A_2185 = vector.broadcast %broadcast_in_dim3A_2184 : i32 to vector<16xi32>
      %gather3A_2186 = tpu.vector_load_idx %arg7[%and3A_4, %broadcast_in_dim3A_2185, %and3A_2157] : memref<8x32x128xf32, #tpu.memory_space<vmem>>[vector<16xi32>, vector<16xi32>, vector<16xi32>], vector<16xf32>,
      tpu.vector_store_idx %arg8[%broadcast_in_dim3A_2185, %add3A_2159], %gather3A_2186 masked %lt3A_6 : memref<32x512xf32, #tpu.memory_space<vmem>>[vector<16xi32>, vector<16xi32>], vector<16xf32>, vector<16xi1>
      %broadcast_in_dim3A_2187 = arith.constant 9 : i32
      %broadcast_in_dim3A_2188 = vector.broadcast %broadcast_in_dim3A_2187 : i32 to vector<16xi32>
      %gather3A_2189 = tpu.vector_load_idx %arg7[%and3A_4, %broadcast_in_dim3A_2188, %and3A_2157] : memref<8x32x128xf32, #tpu.memory_space<vmem>>[vector<16xi32>, vector<16xi32>, vector<16xi32>], vector<16xf32>,
      tpu.vector_store_idx %arg8[%broadcast_in_dim3A_2188, %add3A_2159], %gather3A_2189 masked %lt3A_6 : memref<32x512xf32, #tpu.memory_space<vmem>>[vector<16xi32>, vector<16xi32>], vector<16xf32>, vector<16xi1>
      %broadcast_in_dim3A_2190 = arith.constant 10 : i32
      %broadcast_in_dim3A_2191 = vector.broadcast %broadcast_in_dim3A_2190 : i32 to vector<16xi32>
      %gather3A_2192 = tpu.vector_load_idx %arg7[%and3A_4, %broadcast_in_dim3A_2191, %and3A_2157] : memref<8x32x128xf32, #tpu.memory_space<vmem>>[vector<16xi32>, vector<16xi32>, vector<16xi32>], vector<16xf32>,
      tpu.vector_store_idx %arg8[%broadcast_in_dim3A_2191, %add3A_2159], %gather3A_2192 masked %lt3A_6 : memref<32x512xf32, #tpu.memory_space<vmem>>[vector<16xi32>, vector<16xi32>], vector<16xf32>, vector<16xi1>
      %broadcast_in_dim3A_2193 = arith.constant 11 : i32
      %broadcast_in_dim3A_2194 = vector.broadcast %broadcast_in_dim3A_2193 : i32 to vector<16xi32>
      %gather3A_2195 = tpu.vector_load_idx %arg7[%and3A_4, %broadcast_in_dim3A_2194, %and3A_2157] : memref<8x32x128xf32, #tpu.memory_space<vmem>>[vector<16xi32>, vector<16xi32>, vector<16xi32>], vector<16xf32>,
      tpu.vector_store_idx %arg8[%broadcast_in_dim3A_2194, %add3A_2159], %gather3A_2195 masked %lt3A_6 : memref<32x512xf32, #tpu.memory_space<vmem>>[vector<16xi32>, vector<16xi32>], vector<16xf32>, vector<16xi1>
      %broadcast_in_dim3A_2196 = arith.constant 12 : i32
      %broadcast_in_dim3A_2197 = vector.broadcast %broadcast_in_dim3A_2196 : i32 to vector<16xi32>
      %gather3A_2198 = tpu.vector_load_idx %arg7[%and3A_4, %broadcast_in_dim3A_2197, %and3A_2157] : memref<8x32x128xf32, #tpu.memory_space<vmem>>[vector<16xi32>, vector<16xi32>, vector<16xi32>], vector<16xf32>,
      tpu.vector_store_idx %arg8[%broadcast_in_dim3A_2197, %add3A_2159], %gather3A_2198 masked %lt3A_6 : memref<32x512xf32, #tpu.memory_space<vmem>>[vector<16xi32>, vector<16xi32>], vector<16xf32>, vector<16xi1>
      %broadcast_in_dim3A_2199 = arith.constant 13 : i32
      %broadcast_in_dim3A_2200 = vector.broadcast %broadcast_in_dim3A_2199 : i32 to vector<16xi32>
      %gather3A_2201 = tpu.vector_load_idx %arg7[%and3A_4, %broadcast_in_dim3A_2200, %and3A_2157] : memref<8x32x128xf32, #tpu.memory_space<vmem>>[vector<16xi32>, vector<16xi32>, vector<16xi32>], vector<16xf32>,
      tpu.vector_store_idx %arg8[%broadcast_in_dim3A_2200, %add3A_2159], %gather3A_2201 masked %lt3A_6 : memref<32x512xf32, #tpu.memory_space<vmem>>[vector<16xi32>, vector<16xi32>], vector<16xf32>, vector<16xi1>
      %broadcast_in_dim3A_2202 = arith.constant 14 : i32
      %broadcast_in_dim3A_2203 = vector.broadcast %broadcast_in_dim3A_2202 : i32 to vector<16xi32>
      %gather3A_2204 = tpu.vector_load_idx %arg7[%and3A_4, %broadcast_in_dim3A_2203, %and3A_2157] : memref<8x32x128xf32, #tpu.memory_space<vmem>>[vector<16xi32>, vector<16xi32>, vector<16xi32>], vector<16xf32>,
      tpu.vector_store_idx %arg8[%broadcast_in_dim3A_2203, %add3A_2159], %gather3A_2204 masked %lt3A_6 : memref<32x512xf32, #tpu.memory_space<vmem>>[vector<16xi32>, vector<16xi32>], vector<16xf32>, vector<16xi1>
      %broadcast_in_dim3A_2205 = arith.constant 15 : i32
      %broadcast_in_dim3A_2206 = vector.broadcast %broadcast_in_dim3A_2205 : i32 to vector<16xi32>
      %gather3A_2207 = tpu.vector_load_idx %arg7[%and3A_4, %broadcast_in_dim3A_2206, %and3A_2157] : memref<8x32x128xf32, #tpu.memory_space<vmem>>[vector<16xi32>, vector<16xi32>, vector<16xi32>], vector<16xf32>,
      tpu.vector_store_idx %arg8[%broadcast_in_dim3A_2206, %add3A_2159], %gather3A_2207 masked %lt3A_6 : memref<32x512xf32, #tpu.memory_space<vmem>>[vector<16xi32>, vector<16xi32>], vector<16xf32>, vector<16xi1>
      %broadcast_in_dim3A_2208 = arith.constant 16 : i32
      %broadcast_in_dim3A_2209 = vector.broadcast %broadcast_in_dim3A_2208 : i32 to vector<16xi32>
      %gather3A_2210 = tpu.vector_load_idx %arg7[%and3A_4, %broadcast_in_dim3A_2209, %and3A_2157] : memref<8x32x128xf32, #tpu.memory_space<vmem>>[vector<16xi32>, vector<16xi32>, vector<16xi32>], vector<16xf32>,
      tpu.vector_store_idx %arg8[%broadcast_in_dim3A_2209, %add3A_2159], %gather3A_2210 masked %lt3A_6 : memref<32x512xf32, #tpu.memory_space<vmem>>[vector<16xi32>, vector<16xi32>], vector<16xf32>, vector<16xi1>
      %broadcast_in_dim3A_2211 = arith.constant 17 : i32
      %broadcast_in_dim3A_2212 = vector.broadcast %broadcast_in_dim3A_2211 : i32 to vector<16xi32>
      %gather3A_2213 = tpu.vector_load_idx %arg7[%and3A_4, %broadcast_in_dim3A_2212, %and3A_2157] : memref<8x32x128xf32, #tpu.memory_space<vmem>>[vector<16xi32>, vector<16xi32>, vector<16xi32>], vector<16xf32>,
      tpu.vector_store_idx %arg8[%broadcast_in_dim3A_2212, %add3A_2159], %gather3A_2213 masked %lt3A_6 : memref<32x512xf32, #tpu.memory_space<vmem>>[vector<16xi32>, vector<16xi32>], vector<16xf32>, vector<16xi1>
      %broadcast_in_dim3A_2214 = arith.constant 18 : i32
      %broadcast_in_dim3A_2215 = vector.broadcast %broadcast_in_dim3A_2214 : i32 to vector<16xi32>
      %gather3A_2216 = tpu.vector_load_idx %arg7[%and3A_4, %broadcast_in_dim3A_2215, %and3A_2157] : memref<8x32x128xf32, #tpu.memory_space<vmem>>[vector<16xi32>, vector<16xi32>, vector<16xi32>], vector<16xf32>,
      tpu.vector_store_idx %arg8[%broadcast_in_dim3A_2215, %add3A_2159], %gather3A_2216 masked %lt3A_6 : memref<32x512xf32, #tpu.memory_space<vmem>>[vector<16xi32>, vector<16xi32>], vector<16xf32>, vector<16xi1>
      %broadcast_in_dim3A_2217 = arith.constant 19 : i32
      %broadcast_in_dim3A_2218 = vector.broadcast %broadcast_in_dim3A_2217 : i32 to vector<16xi32>
      %gather3A_2219 = tpu.vector_load_idx %arg7[%and3A_4, %broadcast_in_dim3A_2218, %and3A_2157] : memref<8x32x128xf32, #tpu.memory_space<vmem>>[vector<16xi32>, vector<16xi32>, vector<16xi32>], vector<16xf32>,
      tpu.vector_store_idx %arg8[%broadcast_in_dim3A_2218, %add3A_2159], %gather3A_2219 masked %lt3A_6 : memref<32x512xf32, #tpu.memory_space<vmem>>[vector<16xi32>, vector<16xi32>], vector<16xf32>, vector<16xi1>
      %broadcast_in_dim3A_2220 = arith.constant 20 : i32
      %broadcast_in_dim3A_2221 = vector.broadcast %broadcast_in_dim3A_2220 : i32 to vector<16xi32>
      %gather3A_2222 = tpu.vector_load_idx %arg7[%and3A_4, %broadcast_in_dim3A_2221, %and3A_2157] : memref<8x32x128xf32, #tpu.memory_space<vmem>>[vector<16xi32>, vector<16xi32>, vector<16xi32>], vector<16xf32>,
      tpu.vector_store_idx %arg8[%broadcast_in_dim3A_2221, %add3A_2159], %gather3A_2222 masked %lt3A_6 : memref<32x512xf32, #tpu.memory_space<vmem>>[vector<16xi32>, vector<16xi32>], vector<16xf32>, vector<16xi1>
      %broadcast_in_dim3A_2223 = arith.constant 21 : i32
      %broadcast_in_dim3A_2224 = vector.broadcast %broadcast_in_dim3A_2223 : i32 to vector<16xi32>
      %gather3A_2225 = tpu.vector_load_idx %arg7[%and3A_4, %broadcast_in_dim3A_2224, %and3A_2157] : memref<8x32x128xf32, #tpu.memory_space<vmem>>[vector<16xi32>, vector<16xi32>, vector<16xi32>], vector<16xf32>,
      tpu.vector_store_idx %arg8[%broadcast_in_dim3A_2224, %add3A_2159], %gather3A_2225 masked %lt3A_6 : memref<32x512xf32, #tpu.memory_space<vmem>>[vector<16xi32>, vector<16xi32>], vector<16xf32>, vector<16xi1>
      %broadcast_in_dim3A_2226 = arith.constant 22 : i32
      %broadcast_in_dim3A_2227 = vector.broadcast %broadcast_in_dim3A_2226 : i32 to vector<16xi32>
      %gather3A_2228 = tpu.vector_load_idx %arg7[%and3A_4, %broadcast_in_dim3A_2227, %and3A_2157] : memref<8x32x128xf32, #tpu.memory_space<vmem>>[vector<16xi32>, vector<16xi32>, vector<16xi32>], vector<16xf32>,
      tpu.vector_store_idx %arg8[%broadcast_in_dim3A_2227, %add3A_2159], %gather3A_2228 masked %lt3A_6 : memref<32x512xf32, #tpu.memory_space<vmem>>[vector<16xi32>, vector<16xi32>], vector<16xf32>, vector<16xi1>
      %broadcast_in_dim3A_2229 = arith.constant 23 : i32
      %broadcast_in_dim3A_2230 = vector.broadcast %broadcast_in_dim3A_2229 : i32 to vector<16xi32>
      %gather3A_2231 = tpu.vector_load_idx %arg7[%and3A_4, %broadcast_in_dim3A_2230, %and3A_2157] : memref<8x32x128xf32, #tpu.memory_space<vmem>>[vector<16xi32>, vector<16xi32>, vector<16xi32>], vector<16xf32>,
      tpu.vector_store_idx %arg8[%broadcast_in_dim3A_2230, %add3A_2159], %gather3A_2231 masked %lt3A_6 : memref<32x512xf32, #tpu.memory_space<vmem>>[vector<16xi32>, vector<16xi32>], vector<16xf32>, vector<16xi1>
      %broadcast_in_dim3A_2232 = arith.constant 24 : i32
      %broadcast_in_dim3A_2233 = vector.broadcast %broadcast_in_dim3A_2232 : i32 to vector<16xi32>
      %gather3A_2234 = tpu.vector_load_idx %arg7[%and3A_4, %broadcast_in_dim3A_2233, %and3A_2157] : memref<8x32x128xf32, #tpu.memory_space<vmem>>[vector<16xi32>, vector<16xi32>, vector<16xi32>], vector<16xf32>,
      tpu.vector_store_idx %arg8[%broadcast_in_dim3A_2233, %add3A_2159], %gather3A_2234 masked %lt3A_6 : memref<32x512xf32, #tpu.memory_space<vmem>>[vector<16xi32>, vector<16xi32>], vector<16xf32>, vector<16xi1>
      %broadcast_in_dim3A_2235 = arith.constant 25 : i32
      %broadcast_in_dim3A_2236 = vector.broadcast %broadcast_in_dim3A_2235 : i32 to vector<16xi32>
      %gather3A_2237 = tpu.vector_load_idx %arg7[%and3A_4, %broadcast_in_dim3A_2236, %and3A_2157] : memref<8x32x128xf32, #tpu.memory_space<vmem>>[vector<16xi32>, vector<16xi32>, vector<16xi32>], vector<16xf32>,
      tpu.vector_store_idx %arg8[%broadcast_in_dim3A_2236, %add3A_2159], %gather3A_2237 masked %lt3A_6 : memref<32x512xf32, #tpu.memory_space<vmem>>[vector<16xi32>, vector<16xi32>], vector<16xf32>, vector<16xi1>
      %broadcast_in_dim3A_2238 = arith.constant 26 : i32
      %broadcast_in_dim3A_2239 = vector.broadcast %broadcast_in_dim3A_2238 : i32 to vector<16xi32>
      %gather3A_2240 = tpu.vector_load_idx %arg7[%and3A_4, %broadcast_in_dim3A_2239, %and3A_2157] : memref<8x32x128xf32, #tpu.memory_space<vmem>>[vector<16xi32>, vector<16xi32>, vector<16xi32>], vector<16xf32>,
      tpu.vector_store_idx %arg8[%broadcast_in_dim3A_2239, %add3A_2159], %gather3A_2240 masked %lt3A_6 : memref<32x512xf32, #tpu.memory_space<vmem>>[vector<16xi32>, vector<16xi32>], vector<16xf32>, vector<16xi1>
      %broadcast_in_dim3A_2241 = arith.constant 27 : i32
      %broadcast_in_dim3A_2242 = vector.broadcast %broadcast_in_dim3A_2241 : i32 to vector<16xi32>
      %gather3A_2243 = tpu.vector_load_idx %arg7[%and3A_4, %broadcast_in_dim3A_2242, %and3A_2157] : memref<8x32x128xf32, #tpu.memory_space<vmem>>[vector<16xi32>, vector<16xi32>, vector<16xi32>], vector<16xf32>,
      tpu.vector_store_idx %arg8[%broadcast_in_dim3A_2242, %add3A_2159], %gather3A_2243 masked %lt3A_6 : memref<32x512xf32, #tpu.memory_space<vmem>>[vector<16xi32>, vector<16xi32>], vector<16xf32>, vector<16xi1>
      %broadcast_in_dim3A_2244 = arith.constant 28 : i32
      %broadcast_in_dim3A_2245 = vector.broadcast %broadcast_in_dim3A_2244 : i32 to vector<16xi32>
      %gather3A_2246 = tpu.vector_load_idx %arg7[%and3A_4, %broadcast_in_dim3A_2245, %and3A_2157] : memref<8x32x128xf32, #tpu.memory_space<vmem>>[vector<16xi32>, vector<16xi32>, vector<16xi32>], vector<16xf32>,
      tpu.vector_store_idx %arg8[%broadcast_in_dim3A_2245, %add3A_2159], %gather3A_2246 masked %lt3A_6 : memref<32x512xf32, #tpu.memory_space<vmem>>[vector<16xi32>, vector<16xi32>], vector<16xf32>, vector<16xi1>
      %broadcast_in_dim3A_2247 = arith.constant 29 : i32
      %broadcast_in_dim3A_2248 = vector.broadcast %broadcast_in_dim3A_2247 : i32 to vector<16xi32>
      %gather3A_2249 = tpu.vector_load_idx %arg7[%and3A_4, %broadcast_in_dim3A_2248, %and3A_2157] : memref<8x32x128xf32, #tpu.memory_space<vmem>>[vector<16xi32>, vector<16xi32>, vector<16xi32>], vector<16xf32>,
      tpu.vector_store_idx %arg8[%broadcast_in_dim3A_2248, %add3A_2159], %gather3A_2249 masked %lt3A_6 : memref<32x512xf32, #tpu.memory_space<vmem>>[vector<16xi32>, vector<16xi32>], vector<16xf32>, vector<16xi1>
      %broadcast_in_dim3A_2250 = arith.constant 30 : i32
      %broadcast_in_dim3A_2251 = vector.broadcast %broadcast_in_dim3A_2250 : i32 to vector<16xi32>
      %gather3A_2252 = tpu.vector_load_idx %arg7[%and3A_4, %broadcast_in_dim3A_2251, %and3A_2157] : memref<8x32x128xf32, #tpu.memory_space<vmem>>[vector<16xi32>, vector<16xi32>, vector<16xi32>], vector<16xf32>,
      tpu.vector_store_idx %arg8[%broadcast_in_dim3A_2251, %add3A_2159], %gather3A_2252 masked %lt3A_6 : memref<32x512xf32, #tpu.memory_space<vmem>>[vector<16xi32>, vector<16xi32>], vector<16xf32>, vector<16xi1>
      %broadcast_in_dim3A_2253 = arith.constant 31 : i32
      %broadcast_in_dim3A_2254 = vector.broadcast %broadcast_in_dim3A_2253 : i32 to vector<16xi32>
      %gather3A_2255 = tpu.vector_load_idx %arg7[%and3A_4, %broadcast_in_dim3A_2254, %and3A_2157] : memref<8x32x128xf32, #tpu.memory_space<vmem>>[vector<16xi32>, vector<16xi32>, vector<16xi32>], vector<16xf32>,
      tpu.vector_store_idx %arg8[%broadcast_in_dim3A_2254, %add3A_2159], %gather3A_2255 masked %lt3A_6 : memref<32x512xf32, #tpu.memory_space<vmem>>[vector<16xi32>, vector<16xi32>], vector<16xf32>, vector<16xi1>
      %mul3A_2256 = arith.constant 2 : i32
      %mul3A_2257 = arith.muli %mul3A_2256, %scan3A_1345 : i32
      %add3A_2258 = arith.constant 3 : i32
      %add3A_2259 = arith.addi %mul3A_2257, %add3A_2258 : i32
      %mul3A_2260 = arith.constant 8 : i32
      %mul3A_2261 = arith.muli %add3A_2259, %mul3A_2260 : i32
      %get3A_2262 = arith.index_cast %mul3A_2261 : i32 to index
      %get3A_2263 = tpu.vector_load %arg5[%get3A_2262] {strides = array<i32>} : memref<528xi32, #tpu.memory_space<vmem>>, vector<16xi32>,
      %shift_right_arithmetic3A_2264 = arith.constant 7 : i32
      %shift_right_arithmetic3A_2265 = vector.broadcast %shift_right_arithmetic3A_2264 : i32 to vector<16xi32>
      %shift_right_arithmetic3A_2266 = arith.shrsi %get3A_2263, %shift_right_arithmetic3A_2265 : vector<16xi32>
      %shift_left3A_2267 = arith.constant 7 : i32
      %shift_left3A_2268 = vector.broadcast %shift_left3A_2267 : i32 to vector<16xi32>
      %shift_left3A_2269 = arith.shli %shift_right_arithmetic3A_2266, %shift_left3A_2268 : vector<16xi32>
      %slice3A_2270 = vector.extract_strided_slice %shift_left3A_2269 {offsets = [0], sizes = [1], strides = [1]} : vector<16xi32> to vector<1xi32>
      %squeeze3A_2271 = vector.extract %slice3A_2270[0] : i32 from vector<1xi32>
      %multiple_of3A_2272 = tpu.assume_multiple %squeeze3A_2271, 128 : i32
      %dma_start3A_2273 = arith.constant 0 : i32
      %dma_start3A_2274 = arith.constant 0 : i32
      %dma_start3A_2275 = arith.constant 0 : i32
      %dma_start3A_2276 = tpu.memref_slice %arg7[%dma_start3A_2273, %dma_start3A_2274, %dma_start3A_2275] : memref<8x32x128xf32, #tpu.memory_space<vmem>> -> memref<1x8x128xf32, #tpu.memory_space<vmem>>
      %dma_start3A_2277 = tpu.memref_squeeze %dma_start3A_2276 : memref<1x8x128xf32, #tpu.memory_space<vmem>> -> memref<8x128xf32, #tpu.memory_space<vmem>>
      %dma_start3A_2278 = arith.constant 0 : i32
      %dma_start3A_2279 = tpu.memref_slice %arg3[%dma_start3A_2278, %multiple_of3A_2272] : memref<32x1000000xf32, #tpu.memory_space<hbm>> -> memref<8x128xf32, #tpu.memory_space<hbm>>
      %dma_start3A_2280 = arith.constant 0 : i32
      %dma_start3A_2281 = arith.constant 0 : i32
      %dma_start3A_2282 = tpu.memref_slice %arg7[%dma_start3A_2273, %dma_start3A_2280, %dma_start3A_2281] : memref<8x32x128xf32, #tpu.memory_space<vmem>> -> memref<1x8x128xf32, #tpu.memory_space<vmem>>
      %dma_start3A_2283 = tpu.memref_squeeze %dma_start3A_2282 : memref<1x8x128xf32, #tpu.memory_space<vmem>> -> memref<8x128xf32, #tpu.memory_space<vmem>>
      %dma_start3A_2284 = arith.constant 0 : i32
      %dma_start3A_2285 = tpu.memref_slice %arg3[%dma_start3A_2284, %multiple_of3A_2272] : memref<32x1000000xf32, #tpu.memory_space<hbm>> -> memref<8x128xf32, #tpu.memory_space<hbm>>
      tpu.enqueue_dma source(%dma_start3A_2285 : memref<8x128xf32, #tpu.memory_space<hbm>>) target(%dma_start3A_2283 : memref<8x128xf32, #tpu.memory_space<vmem>>) target_semaphore(%arg10 : memref<!tpu.dma_semaphore, #tpu.memory_space<semaphore_mem>>)
      %dma_start3A_2286 = arith.constant 0 : i32
      %dma_start3A_2287 = arith.constant 8 : i32
      %dma_start3A_2288 = arith.constant 0 : i32
      %dma_start3A_2289 = tpu.memref_slice %arg7[%dma_start3A_2286, %dma_start3A_2287, %dma_start3A_2288] : memref<8x32x128xf32, #tpu.memory_space<vmem>> -> memref<1x8x128xf32, #tpu.memory_space<vmem>>
      %dma_start3A_2290 = tpu.memref_squeeze %dma_start3A_2289 : memref<1x8x128xf32, #tpu.memory_space<vmem>> -> memref<8x128xf32, #tpu.memory_space<vmem>>
      %dma_start3A_2291 = arith.constant 8 : i32
      %dma_start3A_2292 = tpu.memref_slice %arg3[%dma_start3A_2291, %multiple_of3A_2272] : memref<32x1000000xf32, #tpu.memory_space<hbm>> -> memref<8x128xf32, #tpu.memory_space<hbm>>
      %dma_start3A_2293 = arith.constant 8 : i32
      %dma_start3A_2294 = arith.constant 0 : i32
      %dma_start3A_2295 = tpu.memref_slice %arg7[%dma_start3A_2286, %dma_start3A_2293, %dma_start3A_2294] : memref<8x32x128xf32, #tpu.memory_space<vmem>> -> memref<1x8x128xf32, #tpu.memory_space<vmem>>
      %dma_start3A_2296 = tpu.memref_squeeze %dma_start3A_2295 : memref<1x8x128xf32, #tpu.memory_space<vmem>> -> memref<8x128xf32, #tpu.memory_space<vmem>>
      %dma_start3A_2297 = arith.constant 8 : i32
      %dma_start3A_2298 = tpu.memref_slice %arg3[%dma_start3A_2297, %multiple_of3A_2272] : memref<32x1000000xf32, #tpu.memory_space<hbm>> -> memref<8x128xf32, #tpu.memory_space<hbm>>
      tpu.enqueue_dma source(%dma_start3A_2298 : memref<8x128xf32, #tpu.memory_space<hbm>>) target(%dma_start3A_2296 : memref<8x128xf32, #tpu.memory_space<vmem>>) target_semaphore(%arg10 : memref<!tpu.dma_semaphore, #tpu.memory_space<semaphore_mem>>)
      %dma_start3A_2299 = arith.constant 0 : i32
      %dma_start3A_2300 = arith.constant 16 : i32
      %dma_start3A_2301 = arith.constant 0 : i32
      %dma_start3A_2302 = tpu.memref_slice %arg7[%dma_start3A_2299, %dma_start3A_2300, %dma_start3A_2301] : memref<8x32x128xf32, #tpu.memory_space<vmem>> -> memref<1x8x128xf32, #tpu.memory_space<vmem>>
      %dma_start3A_2303 = tpu.memref_squeeze %dma_start3A_2302 : memref<1x8x128xf32, #tpu.memory_space<vmem>> -> memref<8x128xf32, #tpu.memory_space<vmem>>
      %dma_start3A_2304 = arith.constant 16 : i32
      %dma_start3A_2305 = tpu.memref_slice %arg3[%dma_start3A_2304, %multiple_of3A_2272] : memref<32x1000000xf32, #tpu.memory_space<hbm>> -> memref<8x128xf32, #tpu.memory_space<hbm>>
      %dma_start3A_2306 = arith.constant 16 : i32
      %dma_start3A_2307 = arith.constant 0 : i32
      %dma_start3A_2308 = tpu.memref_slice %arg7[%dma_start3A_2299, %dma_start3A_2306, %dma_start3A_2307] : memref<8x32x128xf32, #tpu.memory_space<vmem>> -> memref<1x8x128xf32, #tpu.memory_space<vmem>>
      %dma_start3A_2309 = tpu.memref_squeeze %dma_start3A_2308 : memref<1x8x128xf32, #tpu.memory_space<vmem>> -> memref<8x128xf32, #tpu.memory_space<vmem>>
      %dma_start3A_2310 = arith.constant 16 : i32
      %dma_start3A_2311 = tpu.memref_slice %arg3[%dma_start3A_2310, %multiple_of3A_2272] : memref<32x1000000xf32, #tpu.memory_space<hbm>> -> memref<8x128xf32, #tpu.memory_space<hbm>>
      tpu.enqueue_dma source(%dma_start3A_2311 : memref<8x128xf32, #tpu.memory_space<hbm>>) target(%dma_start3A_2309 : memref<8x128xf32, #tpu.memory_space<vmem>>) target_semaphore(%arg10 : memref<!tpu.dma_semaphore, #tpu.memory_space<semaphore_mem>>)
      %dma_start3A_2312 = arith.constant 0 : i32
      %dma_start3A_2313 = arith.constant 24 : i32
      %dma_start3A_2314 = arith.constant 0 : i32
      %dma_start3A_2315 = tpu.memref_slice %arg7[%dma_start3A_2312, %dma_start3A_2313, %dma_start3A_2314] : memref<8x32x128xf32, #tpu.memory_space<vmem>> -> memref<1x8x128xf32, #tpu.memory_space<vmem>>
      %dma_start3A_2316 = tpu.memref_squeeze %dma_start3A_2315 : memref<1x8x128xf32, #tpu.memory_space<vmem>> -> memref<8x128xf32, #tpu.memory_space<vmem>>
      %dma_start3A_2317 = arith.constant 24 : i32
      %dma_start3A_2318 = tpu.memref_slice %arg3[%dma_start3A_2317, %multiple_of3A_2272] : memref<32x1000000xf32, #tpu.memory_space<hbm>> -> memref<8x128xf32, #tpu.memory_space<hbm>>
      %dma_start3A_2319 = arith.constant 24 : i32
      %dma_start3A_2320 = arith.constant 0 : i32
      %dma_start3A_2321 = tpu.memref_slice %arg7[%dma_start3A_2312, %dma_start3A_2319, %dma_start3A_2320] : memref<8x32x128xf32, #tpu.memory_space<vmem>> -> memref<1x8x128xf32, #tpu.memory_space<vmem>>
      %dma_start3A_2322 = tpu.memref_squeeze %dma_start3A_2321 : memref<1x8x128xf32, #tpu.memory_space<vmem>> -> memref<8x128xf32, #tpu.memory_space<vmem>>
      %dma_start3A_2323 = arith.constant 24 : i32
      %dma_start3A_2324 = tpu.memref_slice %arg3[%dma_start3A_2323, %multiple_of3A_2272] : memref<32x1000000xf32, #tpu.memory_space<hbm>> -> memref<8x128xf32, #tpu.memory_space<hbm>>
      tpu.enqueue_dma source(%dma_start3A_2324 : memref<8x128xf32, #tpu.memory_space<hbm>>) target(%dma_start3A_2322 : memref<8x128xf32, #tpu.memory_space<vmem>>) target_semaphore(%arg10 : memref<!tpu.dma_semaphore, #tpu.memory_space<semaphore_mem>>)
      %slice3A_2325 = vector.extract_strided_slice %shift_left3A_2269 {offsets = [1], sizes = [1], strides = [1]} : vector<16xi32> to vector<1xi32>
      %squeeze3A_2326 = vector.extract %slice3A_2325[0] : i32 from vector<1xi32>
      %multiple_of3A_2327 = tpu.assume_multiple %squeeze3A_2326, 128 : i32
      %dma_start3A_2328 = arith.constant 1 : i32
      %dma_start3A_2329 = arith.constant 0 : i32
      %dma_start3A_2330 = arith.constant 0 : i32
      %dma_start3A_2331 = tpu.memref_slice %arg7[%dma_start3A_2328, %dma_start3A_2329, %dma_start3A_2330] : memref<8x32x128xf32, #tpu.memory_space<vmem>> -> memref<1x8x128xf32, #tpu.memory_space<vmem>>
      %dma_start3A_2332 = tpu.memref_squeeze %dma_start3A_2331 : memref<1x8x128xf32, #tpu.memory_space<vmem>> -> memref<8x128xf32, #tpu.memory_space<vmem>>
      %dma_start3A_2333 = arith.constant 0 : i32
      %dma_start3A_2334 = tpu.memref_slice %arg3[%dma_start3A_2333, %multiple_of3A_2327] : memref<32x1000000xf32, #tpu.memory_space<hbm>> -> memref<8x128xf32, #tpu.memory_space<hbm>>
      %dma_start3A_2335 = arith.constant 0 : i32
      %dma_start3A_2336 = arith.constant 0 : i32
      %dma_start3A_2337 = tpu.memref_slice %arg7[%dma_start3A_2328, %dma_start3A_2335, %dma_start3A_2336] : memref<8x32x128xf32, #tpu.memory_space<vmem>> -> memref<1x8x128xf32, #tpu.memory_space<vmem>>
      %dma_start3A_2338 = tpu.memref_squeeze %dma_start3A_2337 : memref<1x8x128xf32, #tpu.memory_space<vmem>> -> memref<8x128xf32, #tpu.memory_space<vmem>>
      %dma_start3A_2339 = arith.constant 0 : i32
      %dma_start3A_2340 = tpu.memref_slice %arg3[%dma_start3A_2339, %multiple_of3A_2327] : memref<32x1000000xf32, #tpu.memory_space<hbm>> -> memref<8x128xf32, #tpu.memory_space<hbm>>
      tpu.enqueue_dma source(%dma_start3A_2340 : memref<8x128xf32, #tpu.memory_space<hbm>>) target(%dma_start3A_2338 : memref<8x128xf32, #tpu.memory_space<vmem>>) target_semaphore(%arg10 : memref<!tpu.dma_semaphore, #tpu.memory_space<semaphore_mem>>)
      %dma_start3A_2341 = arith.constant 1 : i32
      %dma_start3A_2342 = arith.constant 8 : i32
      %dma_start3A_2343 = arith.constant 0 : i32
      %dma_start3A_2344 = tpu.memref_slice %arg7[%dma_start3A_2341, %dma_start3A_2342, %dma_start3A_2343] : memref<8x32x128xf32, #tpu.memory_space<vmem>> -> memref<1x8x128xf32, #tpu.memory_space<vmem>>
      %dma_start3A_2345 = tpu.memref_squeeze %dma_start3A_2344 : memref<1x8x128xf32, #tpu.memory_space<vmem>> -> memref<8x128xf32, #tpu.memory_space<vmem>>
      %dma_start3A_2346 = arith.constant 8 : i32
      %dma_start3A_2347 = tpu.memref_slice %arg3[%dma_start3A_2346, %multiple_of3A_2327] : memref<32x1000000xf32, #tpu.memory_space<hbm>> -> memref<8x128xf32, #tpu.memory_space<hbm>>
      %dma_start3A_2348 = arith.constant 8 : i32
      %dma_start3A_2349 = arith.constant 0 : i32
      %dma_start3A_2350 = tpu.memref_slice %arg7[%dma_start3A_2341, %dma_start3A_2348, %dma_start3A_2349] : memref<8x32x128xf32, #tpu.memory_space<vmem>> -> memref<1x8x128xf32, #tpu.memory_space<vmem>>
      %dma_start3A_2351 = tpu.memref_squeeze %dma_start3A_2350 : memref<1x8x128xf32, #tpu.memory_space<vmem>> -> memref<8x128xf32, #tpu.memory_space<vmem>>
      %dma_start3A_2352 = arith.constant 8 : i32
      %dma_start3A_2353 = tpu.memref_slice %arg3[%dma_start3A_2352, %multiple_of3A_2327] : memref<32x1000000xf32, #tpu.memory_space<hbm>> -> memref<8x128xf32, #tpu.memory_space<hbm>>
      tpu.enqueue_dma source(%dma_start3A_2353 : memref<8x128xf32, #tpu.memory_space<hbm>>) target(%dma_start3A_2351 : memref<8x128xf32, #tpu.memory_space<vmem>>) target_semaphore(%arg10 : memref<!tpu.dma_semaphore, #tpu.memory_space<semaphore_mem>>)
      %dma_start3A_2354 = arith.constant 1 : i32
      %dma_start3A_2355 = arith.constant 16 : i32
      %dma_start3A_2356 = arith.constant 0 : i32
      %dma_start3A_2357 = tpu.memref_slice %arg7[%dma_start3A_2354, %dma_start3A_2355, %dma_start3A_2356] : memref<8x32x128xf32, #tpu.memory_space<vmem>> -> memref<1x8x128xf32, #tpu.memory_space<vmem>>
      %dma_start3A_2358 = tpu.memref_squeeze %dma_start3A_2357 : memref<1x8x128xf32, #tpu.memory_space<vmem>> -> memref<8x128xf32, #tpu.memory_space<vmem>>
      %dma_start3A_2359 = arith.constant 16 : i32
      %dma_start3A_2360 = tpu.memref_slice %arg3[%dma_start3A_2359, %multiple_of3A_2327] : memref<32x1000000xf32, #tpu.memory_space<hbm>> -> memref<8x128xf32, #tpu.memory_space<hbm>>
      %dma_start3A_2361 = arith.constant 16 : i32
      %dma_start3A_2362 = arith.constant 0 : i32
      %dma_start3A_2363 = tpu.memref_slice %arg7[%dma_start3A_2354, %dma_start3A_2361, %dma_start3A_2362] : memref<8x32x128xf32, #tpu.memory_space<vmem>> -> memref<1x8x128xf32, #tpu.memory_space<vmem>>
      %dma_start3A_2364 = tpu.memref_squeeze %dma_start3A_2363 : memref<1x8x128xf32, #tpu.memory_space<vmem>> -> memref<8x128xf32, #tpu.memory_space<vmem>>
      %dma_start3A_2365 = arith.constant 16 : i32
      %dma_start3A_2366 = tpu.memref_slice %arg3[%dma_start3A_2365, %multiple_of3A_2327] : memref<32x1000000xf32, #tpu.memory_space<hbm>> -> memref<8x128xf32, #tpu.memory_space<hbm>>
      tpu.enqueue_dma source(%dma_start3A_2366 : memref<8x128xf32, #tpu.memory_space<hbm>>) target(%dma_start3A_2364 : memref<8x128xf32, #tpu.memory_space<vmem>>) target_semaphore(%arg10 : memref<!tpu.dma_semaphore, #tpu.memory_space<semaphore_mem>>)
      %dma_start3A_2367 = arith.constant 1 : i32
      %dma_start3A_2368 = arith.constant 24 : i32
      %dma_start3A_2369 = arith.constant 0 : i32
      %dma_start3A_2370 = tpu.memref_slice %arg7[%dma_start3A_2367, %dma_start3A_2368, %dma_start3A_2369] : memref<8x32x128xf32, #tpu.memory_space<vmem>> -> memref<1x8x128xf32, #tpu.memory_space<vmem>>
      %dma_start3A_2371 = tpu.memref_squeeze %dma_start3A_2370 : memref<1x8x128xf32, #tpu.memory_space<vmem>> -> memref<8x128xf32, #tpu.memory_space<vmem>>
      %dma_start3A_2372 = arith.constant 24 : i32
      %dma_start3A_2373 = tpu.memref_slice %arg3[%dma_start3A_2372, %multiple_of3A_2327] : memref<32x1000000xf32, #tpu.memory_space<hbm>> -> memref<8x128xf32, #tpu.memory_space<hbm>>
      %dma_start3A_2374 = arith.constant 24 : i32
      %dma_start3A_2375 = arith.constant 0 : i32
      %dma_start3A_2376 = tpu.memref_slice %arg7[%dma_start3A_2367, %dma_start3A_2374, %dma_start3A_2375] : memref<8x32x128xf32, #tpu.memory_space<vmem>> -> memref<1x8x128xf32, #tpu.memory_space<vmem>>
      %dma_start3A_2377 = tpu.memref_squeeze %dma_start3A_2376 : memref<1x8x128xf32, #tpu.memory_space<vmem>> -> memref<8x128xf32, #tpu.memory_space<vmem>>
      %dma_start3A_2378 = arith.constant 24 : i32
      %dma_start3A_2379 = tpu.memref_slice %arg3[%dma_start3A_2378, %multiple_of3A_2327] : memref<32x1000000xf32, #tpu.memory_space<hbm>> -> memref<8x128xf32, #tpu.memory_space<hbm>>
      tpu.enqueue_dma source(%dma_start3A_2379 : memref<8x128xf32, #tpu.memory_space<hbm>>) target(%dma_start3A_2377 : memref<8x128xf32, #tpu.memory_space<vmem>>) target_semaphore(%arg10 : memref<!tpu.dma_semaphore, #tpu.memory_space<semaphore_mem>>)
      %slice3A_2380 = vector.extract_strided_slice %shift_left3A_2269 {offsets = [2], sizes = [1], strides = [1]} : vector<16xi32> to vector<1xi32>
      %squeeze3A_2381 = vector.extract %slice3A_2380[0] : i32 from vector<1xi32>
      %multiple_of3A_2382 = tpu.assume_multiple %squeeze3A_2381, 128 : i32
      %dma_start3A_2383 = arith.constant 2 : i32
      %dma_start3A_2384 = arith.constant 0 : i32
      %dma_start3A_2385 = arith.constant 0 : i32
      %dma_start3A_2386 = tpu.memref_slice %arg7[%dma_start3A_2383, %dma_start3A_2384, %dma_start3A_2385] : memref<8x32x128xf32, #tpu.memory_space<vmem>> -> memref<1x8x128xf32, #tpu.memory_space<vmem>>
      %dma_start3A_2387 = tpu.memref_squeeze %dma_start3A_2386 : memref<1x8x128xf32, #tpu.memory_space<vmem>> -> memref<8x128xf32, #tpu.memory_space<vmem>>
      %dma_start3A_2388 = arith.constant 0 : i32
      %dma_start3A_2389 = tpu.memref_slice %arg3[%dma_start3A_2388, %multiple_of3A_2382] : memref<32x1000000xf32, #tpu.memory_space<hbm>> -> memref<8x128xf32, #tpu.memory_space<hbm>>
      %dma_start3A_2390 = arith.constant 0 : i32
      %dma_start3A_2391 = arith.constant 0 : i32
      %dma_start3A_2392 = tpu.memref_slice %arg7[%dma_start3A_2383, %dma_start3A_2390, %dma_start3A_2391] : memref<8x32x128xf32, #tpu.memory_space<vmem>> -> memref<1x8x128xf32, #tpu.memory_space<vmem>>
      %dma_start3A_2393 = tpu.memref_squeeze %dma_start3A_2392 : memref<1x8x128xf32, #tpu.memory_space<vmem>> -> memref<8x128xf32, #tpu.memory_space<vmem>>
      %dma_start3A_2394 = arith.constant 0 : i32
      %dma_start3A_2395 = tpu.memref_slice %arg3[%dma_start3A_2394, %multiple_of3A_2382] : memref<32x1000000xf32, #tpu.memory_space<hbm>> -> memref<8x128xf32, #tpu.memory_space<hbm>>
      tpu.enqueue_dma source(%dma_start3A_2395 : memref<8x128xf32, #tpu.memory_space<hbm>>) target(%dma_start3A_2393 : memref<8x128xf32, #tpu.memory_space<vmem>>) target_semaphore(%arg10 : memref<!tpu.dma_semaphore, #tpu.memory_space<semaphore_mem>>)
      %dma_start3A_2396 = arith.constant 2 : i32
      %dma_start3A_2397 = arith.constant 8 : i32
      %dma_start3A_2398 = arith.constant 0 : i32
      %dma_start3A_2399 = tpu.memref_slice %arg7[%dma_start3A_2396, %dma_start3A_2397, %dma_start3A_2398] : memref<8x32x128xf32, #tpu.memory_space<vmem>> -> memref<1x8x128xf32, #tpu.memory_space<vmem>>
      %dma_start3A_2400 = tpu.memref_squeeze %dma_start3A_2399 : memref<1x8x128xf32, #tpu.memory_space<vmem>> -> memref<8x128xf32, #tpu.memory_space<vmem>>
      %dma_start3A_2401 = arith.constant 8 : i32
      %dma_start3A_2402 = tpu.memref_slice %arg3[%dma_start3A_2401, %multiple_of3A_2382] : memref<32x1000000xf32, #tpu.memory_space<hbm>> -> memref<8x128xf32, #tpu.memory_space<hbm>>
      %dma_start3A_2403 = arith.constant 8 : i32
      %dma_start3A_2404 = arith.constant 0 : i32
      %dma_start3A_2405 = tpu.memref_slice %arg7[%dma_start3A_2396, %dma_start3A_2403, %dma_start3A_2404] : memref<8x32x128xf32, #tpu.memory_space<vmem>> -> memref<1x8x128xf32, #tpu.memory_space<vmem>>
      %dma_start3A_2406 = tpu.memref_squeeze %dma_start3A_2405 : memref<1x8x128xf32, #tpu.memory_space<vmem>> -> memref<8x128xf32, #tpu.memory_space<vmem>>
      %dma_start3A_2407 = arith.constant 8 : i32
      %dma_start3A_2408 = tpu.memref_slice %arg3[%dma_start3A_2407, %multiple_of3A_2382] : memref<32x1000000xf32, #tpu.memory_space<hbm>> -> memref<8x128xf32, #tpu.memory_space<hbm>>
      tpu.enqueue_dma source(%dma_start3A_2408 : memref<8x128xf32, #tpu.memory_space<hbm>>) target(%dma_start3A_2406 : memref<8x128xf32, #tpu.memory_space<vmem>>) target_semaphore(%arg10 : memref<!tpu.dma_semaphore, #tpu.memory_space<semaphore_mem>>)
      %dma_start3A_2409 = arith.constant 2 : i32
      %dma_start3A_2410 = arith.constant 16 : i32
      %dma_start3A_2411 = arith.constant 0 : i32
      %dma_start3A_2412 = tpu.memref_slice %arg7[%dma_start3A_2409, %dma_start3A_2410, %dma_start3A_2411] : memref<8x32x128xf32, #tpu.memory_space<vmem>> -> memref<1x8x128xf32, #tpu.memory_space<vmem>>
      %dma_start3A_2413 = tpu.memref_squeeze %dma_start3A_2412 : memref<1x8x128xf32, #tpu.memory_space<vmem>> -> memref<8x128xf32, #tpu.memory_space<vmem>>
      %dma_start3A_2414 = arith.constant 16 : i32
      %dma_start3A_2415 = tpu.memref_slice %arg3[%dma_start3A_2414, %multiple_of3A_2382] : memref<32x1000000xf32, #tpu.memory_space<hbm>> -> memref<8x128xf32, #tpu.memory_space<hbm>>
      %dma_start3A_2416 = arith.constant 16 : i32
      %dma_start3A_2417 = arith.constant 0 : i32
      %dma_start3A_2418 = tpu.memref_slice %arg7[%dma_start3A_2409, %dma_start3A_2416, %dma_start3A_2417] : memref<8x32x128xf32, #tpu.memory_space<vmem>> -> memref<1x8x128xf32, #tpu.memory_space<vmem>>
      %dma_start3A_2419 = tpu.memref_squeeze %dma_start3A_2418 : memref<1x8x128xf32, #tpu.memory_space<vmem>> -> memref<8x128xf32, #tpu.memory_space<vmem>>
      %dma_start3A_2420 = arith.constant 16 : i32
      %dma_start3A_2421 = tpu.memref_slice %arg3[%dma_start3A_2420, %multiple_of3A_2382] : memref<32x1000000xf32, #tpu.memory_space<hbm>> -> memref<8x128xf32, #tpu.memory_space<hbm>>
      tpu.enqueue_dma source(%dma_start3A_2421 : memref<8x128xf32, #tpu.memory_space<hbm>>) target(%dma_start3A_2419 : memref<8x128xf32, #tpu.memory_space<vmem>>) target_semaphore(%arg10 : memref<!tpu.dma_semaphore, #tpu.memory_space<semaphore_mem>>)
      %dma_start3A_2422 = arith.constant 2 : i32
      %dma_start3A_2423 = arith.constant 24 : i32
      %dma_start3A_2424 = arith.constant 0 : i32
      %dma_start3A_2425 = tpu.memref_slice %arg7[%dma_start3A_2422, %dma_start3A_2423, %dma_start3A_2424] : memref<8x32x128xf32, #tpu.memory_space<vmem>> -> memref<1x8x128xf32, #tpu.memory_space<vmem>>
      %dma_start3A_2426 = tpu.memref_squeeze %dma_start3A_2425 : memref<1x8x128xf32, #tpu.memory_space<vmem>> -> memref<8x128xf32, #tpu.memory_space<vmem>>
      %dma_start3A_2427 = arith.constant 24 : i32
      %dma_start3A_2428 = tpu.memref_slice %arg3[%dma_start3A_2427, %multiple_of3A_2382] : memref<32x1000000xf32, #tpu.memory_space<hbm>> -> memref<8x128xf32, #tpu.memory_space<hbm>>
      %dma_start3A_2429 = arith.constant 24 : i32
      %dma_start3A_2430 = arith.constant 0 : i32
      %dma_start3A_2431 = tpu.memref_slice %arg7[%dma_start3A_2422, %dma_start3A_2429, %dma_start3A_2430] : memref<8x32x128xf32, #tpu.memory_space<vmem>> -> memref<1x8x128xf32, #tpu.memory_space<vmem>>
      %dma_start3A_2432 = tpu.memref_squeeze %dma_start3A_2431 : memref<1x8x128xf32, #tpu.memory_space<vmem>> -> memref<8x128xf32, #tpu.memory_space<vmem>>
      %dma_start3A_2433 = arith.constant 24 : i32
      %dma_start3A_2434 = tpu.memref_slice %arg3[%dma_start3A_2433, %multiple_of3A_2382] : memref<32x1000000xf32, #tpu.memory_space<hbm>> -> memref<8x128xf32, #tpu.memory_space<hbm>>
      tpu.enqueue_dma source(%dma_start3A_2434 : memref<8x128xf32, #tpu.memory_space<hbm>>) target(%dma_start3A_2432 : memref<8x128xf32, #tpu.memory_space<vmem>>) target_semaphore(%arg10 : memref<!tpu.dma_semaphore, #tpu.memory_space<semaphore_mem>>)
      %slice3A_2435 = vector.extract_strided_slice %shift_left3A_2269 {offsets = [3], sizes = [1], strides = [1]} : vector<16xi32> to vector<1xi32>
      %squeeze3A_2436 = vector.extract %slice3A_2435[0] : i32 from vector<1xi32>
      %multiple_of3A_2437 = tpu.assume_multiple %squeeze3A_2436, 128 : i32
      %dma_start3A_2438 = arith.constant 3 : i32
      %dma_start3A_2439 = arith.constant 0 : i32
      %dma_start3A_2440 = arith.constant 0 : i32
      %dma_start3A_2441 = tpu.memref_slice %arg7[%dma_start3A_2438, %dma_start3A_2439, %dma_start3A_2440] : memref<8x32x128xf32, #tpu.memory_space<vmem>> -> memref<1x8x128xf32, #tpu.memory_space<vmem>>
      %dma_start3A_2442 = tpu.memref_squeeze %dma_start3A_2441 : memref<1x8x128xf32, #tpu.memory_space<vmem>> -> memref<8x128xf32, #tpu.memory_space<vmem>>
      %dma_start3A_2443 = arith.constant 0 : i32
      %dma_start3A_2444 = tpu.memref_slice %arg3[%dma_start3A_2443, %multiple_of3A_2437] : memref<32x1000000xf32, #tpu.memory_space<hbm>> -> memref<8x128xf32, #tpu.memory_space<hbm>>
      %dma_start3A_2445 = arith.constant 0 : i32
      %dma_start3A_2446 = arith.constant 0 : i32
      %dma_start3A_2447 = tpu.memref_slice %arg7[%dma_start3A_2438, %dma_start3A_2445, %dma_start3A_2446] : memref<8x32x128xf32, #tpu.memory_space<vmem>> -> memref<1x8x128xf32, #tpu.memory_space<vmem>>
      %dma_start3A_2448 = tpu.memref_squeeze %dma_start3A_2447 : memref<1x8x128xf32, #tpu.memory_space<vmem>> -> memref<8x128xf32, #tpu.memory_space<vmem>>
      %dma_start3A_2449 = arith.constant 0 : i32
      %dma_start3A_2450 = tpu.memref_slice %arg3[%dma_start3A_2449, %multiple_of3A_2437] : memref<32x1000000xf32, #tpu.memory_space<hbm>> -> memref<8x128xf32, #tpu.memory_space<hbm>>
      tpu.enqueue_dma source(%dma_start3A_2450 : memref<8x128xf32, #tpu.memory_space<hbm>>) target(%dma_start3A_2448 : memref<8x128xf32, #tpu.memory_space<vmem>>) target_semaphore(%arg10 : memref<!tpu.dma_semaphore, #tpu.memory_space<semaphore_mem>>)
      %dma_start3A_2451 = arith.constant 3 : i32
      %dma_start3A_2452 = arith.constant 8 : i32
      %dma_start3A_2453 = arith.constant 0 : i32
      %dma_start3A_2454 = tpu.memref_slice %arg7[%dma_start3A_2451, %dma_start3A_2452, %dma_start3A_2453] : memref<8x32x128xf32, #tpu.memory_space<vmem>> -> memref<1x8x128xf32, #tpu.memory_space<vmem>>
      %dma_start3A_2455 = tpu.memref_squeeze %dma_start3A_2454 : memref<1x8x128xf32, #tpu.memory_space<vmem>> -> memref<8x128xf32, #tpu.memory_space<vmem>>
      %dma_start3A_2456 = arith.constant 8 : i32
      %dma_start3A_2457 = tpu.memref_slice %arg3[%dma_start3A_2456, %multiple_of3A_2437] : memref<32x1000000xf32, #tpu.memory_space<hbm>> -> memref<8x128xf32, #tpu.memory_space<hbm>>
      %dma_start3A_2458 = arith.constant 8 : i32
      %dma_start3A_2459 = arith.constant 0 : i32
      %dma_start3A_2460 = tpu.memref_slice %arg7[%dma_start3A_2451, %dma_start3A_2458, %dma_start3A_2459] : memref<8x32x128xf32, #tpu.memory_space<vmem>> -> memref<1x8x128xf32, #tpu.memory_space<vmem>>
      %dma_start3A_2461 = tpu.memref_squeeze %dma_start3A_2460 : memref<1x8x128xf32, #tpu.memory_space<vmem>> -> memref<8x128xf32, #tpu.memory_space<vmem>>
      %dma_start3A_2462 = arith.constant 8 : i32
      %dma_start3A_2463 = tpu.memref_slice %arg3[%dma_start3A_2462, %multiple_of3A_2437] : memref<32x1000000xf32, #tpu.memory_space<hbm>> -> memref<8x128xf32, #tpu.memory_space<hbm>>
      tpu.enqueue_dma source(%dma_start3A_2463 : memref<8x128xf32, #tpu.memory_space<hbm>>) target(%dma_start3A_2461 : memref<8x128xf32, #tpu.memory_space<vmem>>) target_semaphore(%arg10 : memref<!tpu.dma_semaphore, #tpu.memory_space<semaphore_mem>>)
      %dma_start3A_2464 = arith.constant 3 : i32
      %dma_start3A_2465 = arith.constant 16 : i32
      %dma_start3A_2466 = arith.constant 0 : i32
      %dma_start3A_2467 = tpu.memref_slice %arg7[%dma_start3A_2464, %dma_start3A_2465, %dma_start3A_2466] : memref<8x32x128xf32, #tpu.memory_space<vmem>> -> memref<1x8x128xf32, #tpu.memory_space<vmem>>
      %dma_start3A_2468 = tpu.memref_squeeze %dma_start3A_2467 : memref<1x8x128xf32, #tpu.memory_space<vmem>> -> memref<8x128xf32, #tpu.memory_space<vmem>>
      %dma_start3A_2469 = arith.constant 16 : i32
      %dma_start3A_2470 = tpu.memref_slice %arg3[%dma_start3A_2469, %multiple_of3A_2437] : memref<32x1000000xf32, #tpu.memory_space<hbm>> -> memref<8x128xf32, #tpu.memory_space<hbm>>
      %dma_start3A_2471 = arith.constant 16 : i32
      %dma_start3A_2472 = arith.constant 0 : i32
      %dma_start3A_2473 = tpu.memref_slice %arg7[%dma_start3A_2464, %dma_start3A_2471, %dma_start3A_2472] : memref<8x32x128xf32, #tpu.memory_space<vmem>> -> memref<1x8x128xf32, #tpu.memory_space<vmem>>
      %dma_start3A_2474 = tpu.memref_squeeze %dma_start3A_2473 : memref<1x8x128xf32, #tpu.memory_space<vmem>> -> memref<8x128xf32, #tpu.memory_space<vmem>>
      %dma_start3A_2475 = arith.constant 16 : i32
      %dma_start3A_2476 = tpu.memref_slice %arg3[%dma_start3A_2475, %multiple_of3A_2437] : memref<32x1000000xf32, #tpu.memory_space<hbm>> -> memref<8x128xf32, #tpu.memory_space<hbm>>
      tpu.enqueue_dma source(%dma_start3A_2476 : memref<8x128xf32, #tpu.memory_space<hbm>>) target(%dma_start3A_2474 : memref<8x128xf32, #tpu.memory_space<vmem>>) target_semaphore(%arg10 : memref<!tpu.dma_semaphore, #tpu.memory_space<semaphore_mem>>)
      %dma_start3A_2477 = arith.constant 3 : i32
      %dma_start3A_2478 = arith.constant 24 : i32
      %dma_start3A_2479 = arith.constant 0 : i32
      %dma_start3A_2480 = tpu.memref_slice %arg7[%dma_start3A_2477, %dma_start3A_2478, %dma_start3A_2479] : memref<8x32x128xf32, #tpu.memory_space<vmem>> -> memref<1x8x128xf32, #tpu.memory_space<vmem>>
      %dma_start3A_2481 = tpu.memref_squeeze %dma_start3A_2480 : memref<1x8x128xf32, #tpu.memory_space<vmem>> -> memref<8x128xf32, #tpu.memory_space<vmem>>
      %dma_start3A_2482 = arith.constant 24 : i32
      %dma_start3A_2483 = tpu.memref_slice %arg3[%dma_start3A_2482, %multiple_of3A_2437] : memref<32x1000000xf32, #tpu.memory_space<hbm>> -> memref<8x128xf32, #tpu.memory_space<hbm>>
      %dma_start3A_2484 = arith.constant 24 : i32
      %dma_start3A_2485 = arith.constant 0 : i32
      %dma_start3A_2486 = tpu.memref_slice %arg7[%dma_start3A_2477, %dma_start3A_2484, %dma_start3A_2485] : memref<8x32x128xf32, #tpu.memory_space<vmem>> -> memref<1x8x128xf32, #tpu.memory_space<vmem>>
      %dma_start3A_2487 = tpu.memref_squeeze %dma_start3A_2486 : memref<1x8x128xf32, #tpu.memory_space<vmem>> -> memref<8x128xf32, #tpu.memory_space<vmem>>
      %dma_start3A_2488 = arith.constant 24 : i32
      %dma_start3A_2489 = tpu.memref_slice %arg3[%dma_start3A_2488, %multiple_of3A_2437] : memref<32x1000000xf32, #tpu.memory_space<hbm>> -> memref<8x128xf32, #tpu.memory_space<hbm>>
      tpu.enqueue_dma source(%dma_start3A_2489 : memref<8x128xf32, #tpu.memory_space<hbm>>) target(%dma_start3A_2487 : memref<8x128xf32, #tpu.memory_space<vmem>>) target_semaphore(%arg10 : memref<!tpu.dma_semaphore, #tpu.memory_space<semaphore_mem>>)
      %slice3A_2490 = vector.extract_strided_slice %shift_left3A_2269 {offsets = [4], sizes = [1], strides = [1]} : vector<16xi32> to vector<1xi32>
      %squeeze3A_2491 = vector.extract %slice3A_2490[0] : i32 from vector<1xi32>
      %multiple_of3A_2492 = tpu.assume_multiple %squeeze3A_2491, 128 : i32
      %dma_start3A_2493 = arith.constant 4 : i32
      %dma_start3A_2494 = arith.constant 0 : i32
      %dma_start3A_2495 = arith.constant 0 : i32
      %dma_start3A_2496 = tpu.memref_slice %arg7[%dma_start3A_2493, %dma_start3A_2494, %dma_start3A_2495] : memref<8x32x128xf32, #tpu.memory_space<vmem>> -> memref<1x8x128xf32, #tpu.memory_space<vmem>>
      %dma_start3A_2497 = tpu.memref_squeeze %dma_start3A_2496 : memref<1x8x128xf32, #tpu.memory_space<vmem>> -> memref<8x128xf32, #tpu.memory_space<vmem>>
      %dma_start3A_2498 = arith.constant 0 : i32
      %dma_start3A_2499 = tpu.memref_slice %arg3[%dma_start3A_2498, %multiple_of3A_2492] : memref<32x1000000xf32, #tpu.memory_space<hbm>> -> memref<8x128xf32, #tpu.memory_space<hbm>>
      %dma_start3A_2500 = arith.constant 0 : i32
      %dma_start3A_2501 = arith.constant 0 : i32
      %dma_start3A_2502 = tpu.memref_slice %arg7[%dma_start3A_2493, %dma_start3A_2500, %dma_start3A_2501] : memref<8x32x128xf32, #tpu.memory_space<vmem>> -> memref<1x8x128xf32, #tpu.memory_space<vmem>>
      %dma_start3A_2503 = tpu.memref_squeeze %dma_start3A_2502 : memref<1x8x128xf32, #tpu.memory_space<vmem>> -> memref<8x128xf32, #tpu.memory_space<vmem>>
      %dma_start3A_2504 = arith.constant 0 : i32
      %dma_start3A_2505 = tpu.memref_slice %arg3[%dma_start3A_2504, %multiple_of3A_2492] : memref<32x1000000xf32, #tpu.memory_space<hbm>> -> memref<8x128xf32, #tpu.memory_space<hbm>>
      tpu.enqueue_dma source(%dma_start3A_2505 : memref<8x128xf32, #tpu.memory_space<hbm>>) target(%dma_start3A_2503 : memref<8x128xf32, #tpu.memory_space<vmem>>) target_semaphore(%arg10 : memref<!tpu.dma_semaphore, #tpu.memory_space<semaphore_mem>>)
      %dma_start3A_2506 = arith.constant 4 : i32
      %dma_start3A_2507 = arith.constant 8 : i32
      %dma_start3A_2508 = arith.constant 0 : i32
      %dma_start3A_2509 = tpu.memref_slice %arg7[%dma_start3A_2506, %dma_start3A_2507, %dma_start3A_2508] : memref<8x32x128xf32, #tpu.memory_space<vmem>> -> memref<1x8x128xf32, #tpu.memory_space<vmem>>
      %dma_start3A_2510 = tpu.memref_squeeze %dma_start3A_2509 : memref<1x8x128xf32, #tpu.memory_space<vmem>> -> memref<8x128xf32, #tpu.memory_space<vmem>>
      %dma_start3A_2511 = arith.constant 8 : i32
      %dma_start3A_2512 = tpu.memref_slice %arg3[%dma_start3A_2511, %multiple_of3A_2492] : memref<32x1000000xf32, #tpu.memory_space<hbm>> -> memref<8x128xf32, #tpu.memory_space<hbm>>
      %dma_start3A_2513 = arith.constant 8 : i32
      %dma_start3A_2514 = arith.constant 0 : i32
      %dma_start3A_2515 = tpu.memref_slice %arg7[%dma_start3A_2506, %dma_start3A_2513, %dma_start3A_2514] : memref<8x32x128xf32, #tpu.memory_space<vmem>> -> memref<1x8x128xf32, #tpu.memory_space<vmem>>
      %dma_start3A_2516 = tpu.memref_squeeze %dma_start3A_2515 : memref<1x8x128xf32, #tpu.memory_space<vmem>> -> memref<8x128xf32, #tpu.memory_space<vmem>>
      %dma_start3A_2517 = arith.constant 8 : i32
      %dma_start3A_2518 = tpu.memref_slice %arg3[%dma_start3A_2517, %multiple_of3A_2492] : memref<32x1000000xf32, #tpu.memory_space<hbm>> -> memref<8x128xf32, #tpu.memory_space<hbm>>
      tpu.enqueue_dma source(%dma_start3A_2518 : memref<8x128xf32, #tpu.memory_space<hbm>>) target(%dma_start3A_2516 : memref<8x128xf32, #tpu.memory_space<vmem>>) target_semaphore(%arg10 : memref<!tpu.dma_semaphore, #tpu.memory_space<semaphore_mem>>)
      %dma_start3A_2519 = arith.constant 4 : i32
      %dma_start3A_2520 = arith.constant 16 : i32
      %dma_start3A_2521 = arith.constant 0 : i32
      %dma_start3A_2522 = tpu.memref_slice %arg7[%dma_start3A_2519, %dma_start3A_2520, %dma_start3A_2521] : memref<8x32x128xf32, #tpu.memory_space<vmem>> -> memref<1x8x128xf32, #tpu.memory_space<vmem>>
      %dma_start3A_2523 = tpu.memref_squeeze %dma_start3A_2522 : memref<1x8x128xf32, #tpu.memory_space<vmem>> -> memref<8x128xf32, #tpu.memory_space<vmem>>
      %dma_start3A_2524 = arith.constant 16 : i32
      %dma_start3A_2525 = tpu.memref_slice %arg3[%dma_start3A_2524, %multiple_of3A_2492] : memref<32x1000000xf32, #tpu.memory_space<hbm>> -> memref<8x128xf32, #tpu.memory_space<hbm>>
      %dma_start3A_2526 = arith.constant 16 : i32
      %dma_start3A_2527 = arith.constant 0 : i32
      %dma_start3A_2528 = tpu.memref_slice %arg7[%dma_start3A_2519, %dma_start3A_2526, %dma_start3A_2527] : memref<8x32x128xf32, #tpu.memory_space<vmem>> -> memref<1x8x128xf32, #tpu.memory_space<vmem>>
      %dma_start3A_2529 = tpu.memref_squeeze %dma_start3A_2528 : memref<1x8x128xf32, #tpu.memory_space<vmem>> -> memref<8x128xf32, #tpu.memory_space<vmem>>
      %dma_start3A_2530 = arith.constant 16 : i32
      %dma_start3A_2531 = tpu.memref_slice %arg3[%dma_start3A_2530, %multiple_of3A_2492] : memref<32x1000000xf32, #tpu.memory_space<hbm>> -> memref<8x128xf32, #tpu.memory_space<hbm>>
      tpu.enqueue_dma source(%dma_start3A_2531 : memref<8x128xf32, #tpu.memory_space<hbm>>) target(%dma_start3A_2529 : memref<8x128xf32, #tpu.memory_space<vmem>>) target_semaphore(%arg10 : memref<!tpu.dma_semaphore, #tpu.memory_space<semaphore_mem>>)
      %dma_start3A_2532 = arith.constant 4 : i32
      %dma_start3A_2533 = arith.constant 24 : i32
      %dma_start3A_2534 = arith.constant 0 : i32
      %dma_start3A_2535 = tpu.memref_slice %arg7[%dma_start3A_2532, %dma_start3A_2533, %dma_start3A_2534] : memref<8x32x128xf32, #tpu.memory_space<vmem>> -> memref<1x8x128xf32, #tpu.memory_space<vmem>>
      %dma_start3A_2536 = tpu.memref_squeeze %dma_start3A_2535 : memref<1x8x128xf32, #tpu.memory_space<vmem>> -> memref<8x128xf32, #tpu.memory_space<vmem>>
      %dma_start3A_2537 = arith.constant 24 : i32
      %dma_start3A_2538 = tpu.memref_slice %arg3[%dma_start3A_2537, %multiple_of3A_2492] : memref<32x1000000xf32, #tpu.memory_space<hbm>> -> memref<8x128xf32, #tpu.memory_space<hbm>>
      %dma_start3A_2539 = arith.constant 24 : i32
      %dma_start3A_2540 = arith.constant 0 : i32
      %dma_start3A_2541 = tpu.memref_slice %arg7[%dma_start3A_2532, %dma_start3A_2539, %dma_start3A_2540] : memref<8x32x128xf32, #tpu.memory_space<vmem>> -> memref<1x8x128xf32, #tpu.memory_space<vmem>>
      %dma_start3A_2542 = tpu.memref_squeeze %dma_start3A_2541 : memref<1x8x128xf32, #tpu.memory_space<vmem>> -> memref<8x128xf32, #tpu.memory_space<vmem>>
      %dma_start3A_2543 = arith.constant 24 : i32
      %dma_start3A_2544 = tpu.memref_slice %arg3[%dma_start3A_2543, %multiple_of3A_2492] : memref<32x1000000xf32, #tpu.memory_space<hbm>> -> memref<8x128xf32, #tpu.memory_space<hbm>>
      tpu.enqueue_dma source(%dma_start3A_2544 : memref<8x128xf32, #tpu.memory_space<hbm>>) target(%dma_start3A_2542 : memref<8x128xf32, #tpu.memory_space<vmem>>) target_semaphore(%arg10 : memref<!tpu.dma_semaphore, #tpu.memory_space<semaphore_mem>>)
      %slice3A_2545 = vector.extract_strided_slice %shift_left3A_2269 {offsets = [5], sizes = [1], strides = [1]} : vector<16xi32> to vector<1xi32>
      %squeeze3A_2546 = vector.extract %slice3A_2545[0] : i32 from vector<1xi32>
      %multiple_of3A_2547 = tpu.assume_multiple %squeeze3A_2546, 128 : i32
      %dma_start3A_2548 = arith.constant 5 : i32
      %dma_start3A_2549 = arith.constant 0 : i32
      %dma_start3A_2550 = arith.constant 0 : i32
      %dma_start3A_2551 = tpu.memref_slice %arg7[%dma_start3A_2548, %dma_start3A_2549, %dma_start3A_2550] : memref<8x32x128xf32, #tpu.memory_space<vmem>> -> memref<1x8x128xf32, #tpu.memory_space<vmem>>
      %dma_start3A_2552 = tpu.memref_squeeze %dma_start3A_2551 : memref<1x8x128xf32, #tpu.memory_space<vmem>> -> memref<8x128xf32, #tpu.memory_space<vmem>>
      %dma_start3A_2553 = arith.constant 0 : i32
      %dma_start3A_2554 = tpu.memref_slice %arg3[%dma_start3A_2553, %multiple_of3A_2547] : memref<32x1000000xf32, #tpu.memory_space<hbm>> -> memref<8x128xf32, #tpu.memory_space<hbm>>
      %dma_start3A_2555 = arith.constant 0 : i32
      %dma_start3A_2556 = arith.constant 0 : i32
      %dma_start3A_2557 = tpu.memref_slice %arg7[%dma_start3A_2548, %dma_start3A_2555, %dma_start3A_2556] : memref<8x32x128xf32, #tpu.memory_space<vmem>> -> memref<1x8x128xf32, #tpu.memory_space<vmem>>
      %dma_start3A_2558 = tpu.memref_squeeze %dma_start3A_2557 : memref<1x8x128xf32, #tpu.memory_space<vmem>> -> memref<8x128xf32, #tpu.memory_space<vmem>>
      %dma_start3A_2559 = arith.constant 0 : i32
      %dma_start3A_2560 = tpu.memref_slice %arg3[%dma_start3A_2559, %multiple_of3A_2547] : memref<32x1000000xf32, #tpu.memory_space<hbm>> -> memref<8x128xf32, #tpu.memory_space<hbm>>
      tpu.enqueue_dma source(%dma_start3A_2560 : memref<8x128xf32, #tpu.memory_space<hbm>>) target(%dma_start3A_2558 : memref<8x128xf32, #tpu.memory_space<vmem>>) target_semaphore(%arg10 : memref<!tpu.dma_semaphore, #tpu.memory_space<semaphore_mem>>)
      %dma_start3A_2561 = arith.constant 5 : i32
      %dma_start3A_2562 = arith.constant 8 : i32
      %dma_start3A_2563 = arith.constant 0 : i32
      %dma_start3A_2564 = tpu.memref_slice %arg7[%dma_start3A_2561, %dma_start3A_2562, %dma_start3A_2563] : memref<8x32x128xf32, #tpu.memory_space<vmem>> -> memref<1x8x128xf32, #tpu.memory_space<vmem>>
      %dma_start3A_2565 = tpu.memref_squeeze %dma_start3A_2564 : memref<1x8x128xf32, #tpu.memory_space<vmem>> -> memref<8x128xf32, #tpu.memory_space<vmem>>
      %dma_start3A_2566 = arith.constant 8 : i32
      %dma_start3A_2567 = tpu.memref_slice %arg3[%dma_start3A_2566, %multiple_of3A_2547] : memref<32x1000000xf32, #tpu.memory_space<hbm>> -> memref<8x128xf32, #tpu.memory_space<hbm>>
      %dma_start3A_2568 = arith.constant 8 : i32
      %dma_start3A_2569 = arith.constant 0 : i32
      %dma_start3A_2570 = tpu.memref_slice %arg7[%dma_start3A_2561, %dma_start3A_2568, %dma_start3A_2569] : memref<8x32x128xf32, #tpu.memory_space<vmem>> -> memref<1x8x128xf32, #tpu.memory_space<vmem>>
      %dma_start3A_2571 = tpu.memref_squeeze %dma_start3A_2570 : memref<1x8x128xf32, #tpu.memory_space<vmem>> -> memref<8x128xf32, #tpu.memory_space<vmem>>
      %dma_start3A_2572 = arith.constant 8 : i32
      %dma_start3A_2573 = tpu.memref_slice %arg3[%dma_start3A_2572, %multiple_of3A_2547] : memref<32x1000000xf32, #tpu.memory_space<hbm>> -> memref<8x128xf32, #tpu.memory_space<hbm>>
      tpu.enqueue_dma source(%dma_start3A_2573 : memref<8x128xf32, #tpu.memory_space<hbm>>) target(%dma_start3A_2571 : memref<8x128xf32, #tpu.memory_space<vmem>>) target_semaphore(%arg10 : memref<!tpu.dma_semaphore, #tpu.memory_space<semaphore_mem>>)
      %dma_start3A_2574 = arith.constant 5 : i32
      %dma_start3A_2575 = arith.constant 16 : i32
      %dma_start3A_2576 = arith.constant 0 : i32
      %dma_start3A_2577 = tpu.memref_slice %arg7[%dma_start3A_2574, %dma_start3A_2575, %dma_start3A_2576] : memref<8x32x128xf32, #tpu.memory_space<vmem>> -> memref<1x8x128xf32, #tpu.memory_space<vmem>>
      %dma_start3A_2578 = tpu.memref_squeeze %dma_start3A_2577 : memref<1x8x128xf32, #tpu.memory_space<vmem>> -> memref<8x128xf32, #tpu.memory_space<vmem>>
      %dma_start3A_2579 = arith.constant 16 : i32
      %dma_start3A_2580 = tpu.memref_slice %arg3[%dma_start3A_2579, %multiple_of3A_2547] : memref<32x1000000xf32, #tpu.memory_space<hbm>> -> memref<8x128xf32, #tpu.memory_space<hbm>>
      %dma_start3A_2581 = arith.constant 16 : i32
      %dma_start3A_2582 = arith.constant 0 : i32
      %dma_start3A_2583 = tpu.memref_slice %arg7[%dma_start3A_2574, %dma_start3A_2581, %dma_start3A_2582] : memref<8x32x128xf32, #tpu.memory_space<vmem>> -> memref<1x8x128xf32, #tpu.memory_space<vmem>>
      %dma_start3A_2584 = tpu.memref_squeeze %dma_start3A_2583 : memref<1x8x128xf32, #tpu.memory_space<vmem>> -> memref<8x128xf32, #tpu.memory_space<vmem>>
      %dma_start3A_2585 = arith.constant 16 : i32
      %dma_start3A_2586 = tpu.memref_slice %arg3[%dma_start3A_2585, %multiple_of3A_2547] : memref<32x1000000xf32, #tpu.memory_space<hbm>> -> memref<8x128xf32, #tpu.memory_space<hbm>>
      tpu.enqueue_dma source(%dma_start3A_2586 : memref<8x128xf32, #tpu.memory_space<hbm>>) target(%dma_start3A_2584 : memref<8x128xf32, #tpu.memory_space<vmem>>) target_semaphore(%arg10 : memref<!tpu.dma_semaphore, #tpu.memory_space<semaphore_mem>>)
      %dma_start3A_2587 = arith.constant 5 : i32
      %dma_start3A_2588 = arith.constant 24 : i32
      %dma_start3A_2589 = arith.constant 0 : i32
      %dma_start3A_2590 = tpu.memref_slice %arg7[%dma_start3A_2587, %dma_start3A_2588, %dma_start3A_2589] : memref<8x32x128xf32, #tpu.memory_space<vmem>> -> memref<1x8x128xf32, #tpu.memory_space<vmem>>
      %dma_start3A_2591 = tpu.memref_squeeze %dma_start3A_2590 : memref<1x8x128xf32, #tpu.memory_space<vmem>> -> memref<8x128xf32, #tpu.memory_space<vmem>>
      %dma_start3A_2592 = arith.constant 24 : i32
      %dma_start3A_2593 = tpu.memref_slice %arg3[%dma_start3A_2592, %multiple_of3A_2547] : memref<32x1000000xf32, #tpu.memory_space<hbm>> -> memref<8x128xf32, #tpu.memory_space<hbm>>
      %dma_start3A_2594 = arith.constant 24 : i32
      %dma_start3A_2595 = arith.constant 0 : i32
      %dma_start3A_2596 = tpu.memref_slice %arg7[%dma_start3A_2587, %dma_start3A_2594, %dma_start3A_2595] : memref<8x32x128xf32, #tpu.memory_space<vmem>> -> memref<1x8x128xf32, #tpu.memory_space<vmem>>
      %dma_start3A_2597 = tpu.memref_squeeze %dma_start3A_2596 : memref<1x8x128xf32, #tpu.memory_space<vmem>> -> memref<8x128xf32, #tpu.memory_space<vmem>>
      %dma_start3A_2598 = arith.constant 24 : i32
      %dma_start3A_2599 = tpu.memref_slice %arg3[%dma_start3A_2598, %multiple_of3A_2547] : memref<32x1000000xf32, #tpu.memory_space<hbm>> -> memref<8x128xf32, #tpu.memory_space<hbm>>
      tpu.enqueue_dma source(%dma_start3A_2599 : memref<8x128xf32, #tpu.memory_space<hbm>>) target(%dma_start3A_2597 : memref<8x128xf32, #tpu.memory_space<vmem>>) target_semaphore(%arg10 : memref<!tpu.dma_semaphore, #tpu.memory_space<semaphore_mem>>)
      %slice3A_2600 = vector.extract_strided_slice %shift_left3A_2269 {offsets = [6], sizes = [1], strides = [1]} : vector<16xi32> to vector<1xi32>
      %squeeze3A_2601 = vector.extract %slice3A_2600[0] : i32 from vector<1xi32>
      %multiple_of3A_2602 = tpu.assume_multiple %squeeze3A_2601, 128 : i32
      %dma_start3A_2603 = arith.constant 6 : i32
      %dma_start3A_2604 = arith.constant 0 : i32
      %dma_start3A_2605 = arith.constant 0 : i32
      %dma_start3A_2606 = tpu.memref_slice %arg7[%dma_start3A_2603, %dma_start3A_2604, %dma_start3A_2605] : memref<8x32x128xf32, #tpu.memory_space<vmem>> -> memref<1x8x128xf32, #tpu.memory_space<vmem>>
      %dma_start3A_2607 = tpu.memref_squeeze %dma_start3A_2606 : memref<1x8x128xf32, #tpu.memory_space<vmem>> -> memref<8x128xf32, #tpu.memory_space<vmem>>
      %dma_start3A_2608 = arith.constant 0 : i32
      %dma_start3A_2609 = tpu.memref_slice %arg3[%dma_start3A_2608, %multiple_of3A_2602] : memref<32x1000000xf32, #tpu.memory_space<hbm>> -> memref<8x128xf32, #tpu.memory_space<hbm>>
      %dma_start3A_2610 = arith.constant 0 : i32
      %dma_start3A_2611 = arith.constant 0 : i32
      %dma_start3A_2612 = tpu.memref_slice %arg7[%dma_start3A_2603, %dma_start3A_2610, %dma_start3A_2611] : memref<8x32x128xf32, #tpu.memory_space<vmem>> -> memref<1x8x128xf32, #tpu.memory_space<vmem>>
      %dma_start3A_2613 = tpu.memref_squeeze %dma_start3A_2612 : memref<1x8x128xf32, #tpu.memory_space<vmem>> -> memref<8x128xf32, #tpu.memory_space<vmem>>
      %dma_start3A_2614 = arith.constant 0 : i32
      %dma_start3A_2615 = tpu.memref_slice %arg3[%dma_start3A_2614, %multiple_of3A_2602] : memref<32x1000000xf32, #tpu.memory_space<hbm>> -> memref<8x128xf32, #tpu.memory_space<hbm>>
      tpu.enqueue_dma source(%dma_start3A_2615 : memref<8x128xf32, #tpu.memory_space<hbm>>) target(%dma_start3A_2613 : memref<8x128xf32, #tpu.memory_space<vmem>>) target_semaphore(%arg10 : memref<!tpu.dma_semaphore, #tpu.memory_space<semaphore_mem>>)
      %dma_start3A_2616 = arith.constant 6 : i32
      %dma_start3A_2617 = arith.constant 8 : i32
      %dma_start3A_2618 = arith.constant 0 : i32
      %dma_start3A_2619 = tpu.memref_slice %arg7[%dma_start3A_2616, %dma_start3A_2617, %dma_start3A_2618] : memref<8x32x128xf32, #tpu.memory_space<vmem>> -> memref<1x8x128xf32, #tpu.memory_space<vmem>>
      %dma_start3A_2620 = tpu.memref_squeeze %dma_start3A_2619 : memref<1x8x128xf32, #tpu.memory_space<vmem>> -> memref<8x128xf32, #tpu.memory_space<vmem>>
      %dma_start3A_2621 = arith.constant 8 : i32
      %dma_start3A_2622 = tpu.memref_slice %arg3[%dma_start3A_2621, %multiple_of3A_2602] : memref<32x1000000xf32, #tpu.memory_space<hbm>> -> memref<8x128xf32, #tpu.memory_space<hbm>>
      %dma_start3A_2623 = arith.constant 8 : i32
      %dma_start3A_2624 = arith.constant 0 : i32
      %dma_start3A_2625 = tpu.memref_slice %arg7[%dma_start3A_2616, %dma_start3A_2623, %dma_start3A_2624] : memref<8x32x128xf32, #tpu.memory_space<vmem>> -> memref<1x8x128xf32, #tpu.memory_space<vmem>>
      %dma_start3A_2626 = tpu.memref_squeeze %dma_start3A_2625 : memref<1x8x128xf32, #tpu.memory_space<vmem>> -> memref<8x128xf32, #tpu.memory_space<vmem>>
      %dma_start3A_2627 = arith.constant 8 : i32
      %dma_start3A_2628 = tpu.memref_slice %arg3[%dma_start3A_2627, %multiple_of3A_2602] : memref<32x1000000xf32, #tpu.memory_space<hbm>> -> memref<8x128xf32, #tpu.memory_space<hbm>>
      tpu.enqueue_dma source(%dma_start3A_2628 : memref<8x128xf32, #tpu.memory_space<hbm>>) target(%dma_start3A_2626 : memref<8x128xf32, #tpu.memory_space<vmem>>) target_semaphore(%arg10 : memref<!tpu.dma_semaphore, #tpu.memory_space<semaphore_mem>>)
      %dma_start3A_2629 = arith.constant 6 : i32
      %dma_start3A_2630 = arith.constant 16 : i32
      %dma_start3A_2631 = arith.constant 0 : i32
      %dma_start3A_2632 = tpu.memref_slice %arg7[%dma_start3A_2629, %dma_start3A_2630, %dma_start3A_2631] : memref<8x32x128xf32, #tpu.memory_space<vmem>> -> memref<1x8x128xf32, #tpu.memory_space<vmem>>
      %dma_start3A_2633 = tpu.memref_squeeze %dma_start3A_2632 : memref<1x8x128xf32, #tpu.memory_space<vmem>> -> memref<8x128xf32, #tpu.memory_space<vmem>>
      %dma_start3A_2634 = arith.constant 16 : i32
      %dma_start3A_2635 = tpu.memref_slice %arg3[%dma_start3A_2634, %multiple_of3A_2602] : memref<32x1000000xf32, #tpu.memory_space<hbm>> -> memref<8x128xf32, #tpu.memory_space<hbm>>
      %dma_start3A_2636 = arith.constant 16 : i32
      %dma_start3A_2637 = arith.constant 0 : i32
      %dma_start3A_2638 = tpu.memref_slice %arg7[%dma_start3A_2629, %dma_start3A_2636, %dma_start3A_2637] : memref<8x32x128xf32, #tpu.memory_space<vmem>> -> memref<1x8x128xf32, #tpu.memory_space<vmem>>
      %dma_start3A_2639 = tpu.memref_squeeze %dma_start3A_2638 : memref<1x8x128xf32, #tpu.memory_space<vmem>> -> memref<8x128xf32, #tpu.memory_space<vmem>>
      %dma_start3A_2640 = arith.constant 16 : i32
      %dma_start3A_2641 = tpu.memref_slice %arg3[%dma_start3A_2640, %multiple_of3A_2602] : memref<32x1000000xf32, #tpu.memory_space<hbm>> -> memref<8x128xf32, #tpu.memory_space<hbm>>
      tpu.enqueue_dma source(%dma_start3A_2641 : memref<8x128xf32, #tpu.memory_space<hbm>>) target(%dma_start3A_2639 : memref<8x128xf32, #tpu.memory_space<vmem>>) target_semaphore(%arg10 : memref<!tpu.dma_semaphore, #tpu.memory_space<semaphore_mem>>)
      %dma_start3A_2642 = arith.constant 6 : i32
      %dma_start3A_2643 = arith.constant 24 : i32
      %dma_start3A_2644 = arith.constant 0 : i32
      %dma_start3A_2645 = tpu.memref_slice %arg7[%dma_start3A_2642, %dma_start3A_2643, %dma_start3A_2644] : memref<8x32x128xf32, #tpu.memory_space<vmem>> -> memref<1x8x128xf32, #tpu.memory_space<vmem>>
      %dma_start3A_2646 = tpu.memref_squeeze %dma_start3A_2645 : memref<1x8x128xf32, #tpu.memory_space<vmem>> -> memref<8x128xf32, #tpu.memory_space<vmem>>
      %dma_start3A_2647 = arith.constant 24 : i32
      %dma_start3A_2648 = tpu.memref_slice %arg3[%dma_start3A_2647, %multiple_of3A_2602] : memref<32x1000000xf32, #tpu.memory_space<hbm>> -> memref<8x128xf32, #tpu.memory_space<hbm>>
      %dma_start3A_2649 = arith.constant 24 : i32
      %dma_start3A_2650 = arith.constant 0 : i32
      %dma_start3A_2651 = tpu.memref_slice %arg7[%dma_start3A_2642, %dma_start3A_2649, %dma_start3A_2650] : memref<8x32x128xf32, #tpu.memory_space<vmem>> -> memref<1x8x128xf32, #tpu.memory_space<vmem>>
      %dma_start3A_2652 = tpu.memref_squeeze %dma_start3A_2651 : memref<1x8x128xf32, #tpu.memory_space<vmem>> -> memref<8x128xf32, #tpu.memory_space<vmem>>
      %dma_start3A_2653 = arith.constant 24 : i32
      %dma_start3A_2654 = tpu.memref_slice %arg3[%dma_start3A_2653, %multiple_of3A_2602] : memref<32x1000000xf32, #tpu.memory_space<hbm>> -> memref<8x128xf32, #tpu.memory_space<hbm>>
      tpu.enqueue_dma source(%dma_start3A_2654 : memref<8x128xf32, #tpu.memory_space<hbm>>) target(%dma_start3A_2652 : memref<8x128xf32, #tpu.memory_space<vmem>>) target_semaphore(%arg10 : memref<!tpu.dma_semaphore, #tpu.memory_space<semaphore_mem>>)
      %slice3A_2655 = vector.extract_strided_slice %shift_left3A_2269 {offsets = [7], sizes = [1], strides = [1]} : vector<16xi32> to vector<1xi32>
      %squeeze3A_2656 = vector.extract %slice3A_2655[0] : i32 from vector<1xi32>
      %multiple_of3A_2657 = tpu.assume_multiple %squeeze3A_2656, 128 : i32
      %dma_start3A_2658 = arith.constant 7 : i32
      %dma_start3A_2659 = arith.constant 0 : i32
      %dma_start3A_2660 = arith.constant 0 : i32
      %dma_start3A_2661 = tpu.memref_slice %arg7[%dma_start3A_2658, %dma_start3A_2659, %dma_start3A_2660] : memref<8x32x128xf32, #tpu.memory_space<vmem>> -> memref<1x8x128xf32, #tpu.memory_space<vmem>>
      %dma_start3A_2662 = tpu.memref_squeeze %dma_start3A_2661 : memref<1x8x128xf32, #tpu.memory_space<vmem>> -> memref<8x128xf32, #tpu.memory_space<vmem>>
      %dma_start3A_2663 = arith.constant 0 : i32
      %dma_start3A_2664 = tpu.memref_slice %arg3[%dma_start3A_2663, %multiple_of3A_2657] : memref<32x1000000xf32, #tpu.memory_space<hbm>> -> memref<8x128xf32, #tpu.memory_space<hbm>>
      %dma_start3A_2665 = arith.constant 0 : i32
      %dma_start3A_2666 = arith.constant 0 : i32
      %dma_start3A_2667 = tpu.memref_slice %arg7[%dma_start3A_2658, %dma_start3A_2665, %dma_start3A_2666] : memref<8x32x128xf32, #tpu.memory_space<vmem>> -> memref<1x8x128xf32, #tpu.memory_space<vmem>>
      %dma_start3A_2668 = tpu.memref_squeeze %dma_start3A_2667 : memref<1x8x128xf32, #tpu.memory_space<vmem>> -> memref<8x128xf32, #tpu.memory_space<vmem>>
      %dma_start3A_2669 = arith.constant 0 : i32
      %dma_start3A_2670 = tpu.memref_slice %arg3[%dma_start3A_2669, %multiple_of3A_2657] : memref<32x1000000xf32, #tpu.memory_space<hbm>> -> memref<8x128xf32, #tpu.memory_space<hbm>>
      tpu.enqueue_dma source(%dma_start3A_2670 : memref<8x128xf32, #tpu.memory_space<hbm>>) target(%dma_start3A_2668 : memref<8x128xf32, #tpu.memory_space<vmem>>) target_semaphore(%arg10 : memref<!tpu.dma_semaphore, #tpu.memory_space<semaphore_mem>>)
      %dma_start3A_2671 = arith.constant 7 : i32
      %dma_start3A_2672 = arith.constant 8 : i32
      %dma_start3A_2673 = arith.constant 0 : i32
      %dma_start3A_2674 = tpu.memref_slice %arg7[%dma_start3A_2671, %dma_start3A_2672, %dma_start3A_2673] : memref<8x32x128xf32, #tpu.memory_space<vmem>> -> memref<1x8x128xf32, #tpu.memory_space<vmem>>
      %dma_start3A_2675 = tpu.memref_squeeze %dma_start3A_2674 : memref<1x8x128xf32, #tpu.memory_space<vmem>> -> memref<8x128xf32, #tpu.memory_space<vmem>>
      %dma_start3A_2676 = arith.constant 8 : i32
      %dma_start3A_2677 = tpu.memref_slice %arg3[%dma_start3A_2676, %multiple_of3A_2657] : memref<32x1000000xf32, #tpu.memory_space<hbm>> -> memref<8x128xf32, #tpu.memory_space<hbm>>
      %dma_start3A_2678 = arith.constant 8 : i32
      %dma_start3A_2679 = arith.constant 0 : i32
      %dma_start3A_2680 = tpu.memref_slice %arg7[%dma_start3A_2671, %dma_start3A_2678, %dma_start3A_2679] : memref<8x32x128xf32, #tpu.memory_space<vmem>> -> memref<1x8x128xf32, #tpu.memory_space<vmem>>
      %dma_start3A_2681 = tpu.memref_squeeze %dma_start3A_2680 : memref<1x8x128xf32, #tpu.memory_space<vmem>> -> memref<8x128xf32, #tpu.memory_space<vmem>>
      %dma_start3A_2682 = arith.constant 8 : i32
      %dma_start3A_2683 = tpu.memref_slice %arg3[%dma_start3A_2682, %multiple_of3A_2657] : memref<32x1000000xf32, #tpu.memory_space<hbm>> -> memref<8x128xf32, #tpu.memory_space<hbm>>
      tpu.enqueue_dma source(%dma_start3A_2683 : memref<8x128xf32, #tpu.memory_space<hbm>>) target(%dma_start3A_2681 : memref<8x128xf32, #tpu.memory_space<vmem>>) target_semaphore(%arg10 : memref<!tpu.dma_semaphore, #tpu.memory_space<semaphore_mem>>)
      %dma_start3A_2684 = arith.constant 7 : i32
      %dma_start3A_2685 = arith.constant 16 : i32
      %dma_start3A_2686 = arith.constant 0 : i32
      %dma_start3A_2687 = tpu.memref_slice %arg7[%dma_start3A_2684, %dma_start3A_2685, %dma_start3A_2686] : memref<8x32x128xf32, #tpu.memory_space<vmem>> -> memref<1x8x128xf32, #tpu.memory_space<vmem>>
      %dma_start3A_2688 = tpu.memref_squeeze %dma_start3A_2687 : memref<1x8x128xf32, #tpu.memory_space<vmem>> -> memref<8x128xf32, #tpu.memory_space<vmem>>
      %dma_start3A_2689 = arith.constant 16 : i32
      %dma_start3A_2690 = tpu.memref_slice %arg3[%dma_start3A_2689, %multiple_of3A_2657] : memref<32x1000000xf32, #tpu.memory_space<hbm>> -> memref<8x128xf32, #tpu.memory_space<hbm>>
      %dma_start3A_2691 = arith.constant 16 : i32
      %dma_start3A_2692 = arith.constant 0 : i32
      %dma_start3A_2693 = tpu.memref_slice %arg7[%dma_start3A_2684, %dma_start3A_2691, %dma_start3A_2692] : memref<8x32x128xf32, #tpu.memory_space<vmem>> -> memref<1x8x128xf32, #tpu.memory_space<vmem>>
      %dma_start3A_2694 = tpu.memref_squeeze %dma_start3A_2693 : memref<1x8x128xf32, #tpu.memory_space<vmem>> -> memref<8x128xf32, #tpu.memory_space<vmem>>
      %dma_start3A_2695 = arith.constant 16 : i32
      %dma_start3A_2696 = tpu.memref_slice %arg3[%dma_start3A_2695, %multiple_of3A_2657] : memref<32x1000000xf32, #tpu.memory_space<hbm>> -> memref<8x128xf32, #tpu.memory_space<hbm>>
      tpu.enqueue_dma source(%dma_start3A_2696 : memref<8x128xf32, #tpu.memory_space<hbm>>) target(%dma_start3A_2694 : memref<8x128xf32, #tpu.memory_space<vmem>>) target_semaphore(%arg10 : memref<!tpu.dma_semaphore, #tpu.memory_space<semaphore_mem>>)
      %dma_start3A_2697 = arith.constant 7 : i32
      %dma_start3A_2698 = arith.constant 24 : i32
      %dma_start3A_2699 = arith.constant 0 : i32
      %dma_start3A_2700 = tpu.memref_slice %arg7[%dma_start3A_2697, %dma_start3A_2698, %dma_start3A_2699] : memref<8x32x128xf32, #tpu.memory_space<vmem>> -> memref<1x8x128xf32, #tpu.memory_space<vmem>>
      %dma_start3A_2701 = tpu.memref_squeeze %dma_start3A_2700 : memref<1x8x128xf32, #tpu.memory_space<vmem>> -> memref<8x128xf32, #tpu.memory_space<vmem>>
      %dma_start3A_2702 = arith.constant 24 : i32
      %dma_start3A_2703 = tpu.memref_slice %arg3[%dma_start3A_2702, %multiple_of3A_2657] : memref<32x1000000xf32, #tpu.memory_space<hbm>> -> memref<8x128xf32, #tpu.memory_space<hbm>>
      %dma_start3A_2704 = arith.constant 24 : i32
      %dma_start3A_2705 = arith.constant 0 : i32
      %dma_start3A_2706 = tpu.memref_slice %arg7[%dma_start3A_2697, %dma_start3A_2704, %dma_start3A_2705] : memref<8x32x128xf32, #tpu.memory_space<vmem>> -> memref<1x8x128xf32, #tpu.memory_space<vmem>>
      %dma_start3A_2707 = tpu.memref_squeeze %dma_start3A_2706 : memref<1x8x128xf32, #tpu.memory_space<vmem>> -> memref<8x128xf32, #tpu.memory_space<vmem>>
      %dma_start3A_2708 = arith.constant 24 : i32
      %dma_start3A_2709 = tpu.memref_slice %arg3[%dma_start3A_2708, %multiple_of3A_2657] : memref<32x1000000xf32, #tpu.memory_space<hbm>> -> memref<8x128xf32, #tpu.memory_space<hbm>>
      tpu.enqueue_dma source(%dma_start3A_2709 : memref<8x128xf32, #tpu.memory_space<hbm>>) target(%dma_start3A_2707 : memref<8x128xf32, #tpu.memory_space<vmem>>) target_semaphore(%arg10 : memref<!tpu.dma_semaphore, #tpu.memory_space<semaphore_mem>>)
    }
    %scan3A_899 = arith.constant 31 : i32
    %dma_wait3A = arith.constant 0 : i32
    %dma_wait3A_900 = arith.constant 0 : i32
    %dma_wait3A_901 = arith.constant 0 : i32
    %dma_wait3A_902 = tpu.memref_slice %arg6[%dma_wait3A, %dma_wait3A_900, %dma_wait3A_901] : memref<8x32x128xf32, #tpu.memory_space<vmem>> -> memref<1x32x128xf32, #tpu.memory_space<vmem>>
    %dma_wait3A_903 = tpu.memref_squeeze %dma_wait3A_902 : memref<1x32x128xf32, #tpu.memory_space<vmem>> -> memref<32x128xf32, #tpu.memory_space<vmem>>
    %dma_wait3A_904 = arith.constant 0 : i32
    %dma_wait3A_905 = arith.constant 0 : i32
    %dma_wait3A_906 = tpu.memref_slice %arg3[%dma_wait3A_904, %dma_wait3A_905] : memref<32x1000000xf32, #tpu.memory_space<hbm>> -> memref<32x128xf32, #tpu.memory_space<hbm>>
    %dma_wait3A_907 = arith.constant 0 : i32
    %dma_wait3A_908 = arith.constant 0 : i32
    %dma_wait3A_909 = tpu.memref_slice %arg6[%dma_wait3A, %dma_wait3A_907, %dma_wait3A_908] : memref<8x32x128xf32, #tpu.memory_space<vmem>> -> memref<1x32x128xf32, #tpu.memory_space<vmem>>
    %dma_wait3A_910 = tpu.memref_squeeze %dma_wait3A_909 : memref<1x32x128xf32, #tpu.memory_space<vmem>> -> memref<32x128xf32, #tpu.memory_space<vmem>>
    %dma_wait3A_911 = arith.constant 0 : i32
    %dma_wait3A_912 = arith.constant 0 : i32
    %dma_wait3A_913 = tpu.memref_slice %arg3[%dma_wait3A_911, %dma_wait3A_912] : memref<32x1000000xf32, #tpu.memory_space<hbm>> -> memref<32x128xf32, #tpu.memory_space<hbm>>
    tpu.wait_dma2 semaphore(%arg9 : memref<!tpu.dma_semaphore, #tpu.memory_space<semaphore_mem>>) src(%dma_wait3A_913 : memref<32x128xf32, #tpu.memory_space<hbm>>) dst(%dma_wait3A_910 : memref<32x128xf32, #tpu.memory_space<vmem>>)
    %dma_wait3A_914 = arith.constant 1 : i32
    %dma_wait3A_915 = arith.constant 0 : i32
    %dma_wait3A_916 = arith.constant 0 : i32
    %dma_wait3A_917 = tpu.memref_slice %arg6[%dma_wait3A_914, %dma_wait3A_915, %dma_wait3A_916] : memref<8x32x128xf32, #tpu.memory_space<vmem>> -> memref<1x32x128xf32, #tpu.memory_space<vmem>>
    %dma_wait3A_918 = tpu.memref_squeeze %dma_wait3A_917 : memref<1x32x128xf32, #tpu.memory_space<vmem>> -> memref<32x128xf32, #tpu.memory_space<vmem>>
    %dma_wait3A_919 = arith.constant 0 : i32
    %dma_wait3A_920 = arith.constant 0 : i32
    %dma_wait3A_921 = tpu.memref_slice %arg3[%dma_wait3A_919, %dma_wait3A_920] : memref<32x1000000xf32, #tpu.memory_space<hbm>> -> memref<32x128xf32, #tpu.memory_space<hbm>>
    %dma_wait3A_922 = arith.constant 0 : i32
    %dma_wait3A_923 = arith.constant 0 : i32
    %dma_wait3A_924 = tpu.memref_slice %arg6[%dma_wait3A_914, %dma_wait3A_922, %dma_wait3A_923] : memref<8x32x128xf32, #tpu.memory_space<vmem>> -> memref<1x32x128xf32, #tpu.memory_space<vmem>>
    %dma_wait3A_925 = tpu.memref_squeeze %dma_wait3A_924 : memref<1x32x128xf32, #tpu.memory_space<vmem>> -> memref<32x128xf32, #tpu.memory_space<vmem>>
    %dma_wait3A_926 = arith.constant 0 : i32
    %dma_wait3A_927 = arith.constant 0 : i32
    %dma_wait3A_928 = tpu.memref_slice %arg3[%dma_wait3A_926, %dma_wait3A_927] : memref<32x1000000xf32, #tpu.memory_space<hbm>> -> memref<32x128xf32, #tpu.memory_space<hbm>>
    tpu.wait_dma2 semaphore(%arg9 : memref<!tpu.dma_semaphore, #tpu.memory_space<semaphore_mem>>) src(%dma_wait3A_928 : memref<32x128xf32, #tpu.memory_space<hbm>>) dst(%dma_wait3A_925 : memref<32x128xf32, #tpu.memory_space<vmem>>)
    %dma_wait3A_929 = arith.constant 2 : i32
    %dma_wait3A_930 = arith.constant 0 : i32
    %dma_wait3A_931 = arith.constant 0 : i32
    %dma_wait3A_932 = tpu.memref_slice %arg6[%dma_wait3A_929, %dma_wait3A_930, %dma_wait3A_931] : memref<8x32x128xf32, #tpu.memory_space<vmem>> -> memref<1x32x128xf32, #tpu.memory_space<vmem>>
    %dma_wait3A_933 = tpu.memref_squeeze %dma_wait3A_932 : memref<1x32x128xf32, #tpu.memory_space<vmem>> -> memref<32x128xf32, #tpu.memory_space<vmem>>
    %dma_wait3A_934 = arith.constant 0 : i32
    %dma_wait3A_935 = arith.constant 0 : i32
    %dma_wait3A_936 = tpu.memref_slice %arg3[%dma_wait3A_934, %dma_wait3A_935] : memref<32x1000000xf32, #tpu.memory_space<hbm>> -> memref<32x128xf32, #tpu.memory_space<hbm>>
    %dma_wait3A_937 = arith.constant 0 : i32
    %dma_wait3A_938 = arith.constant 0 : i32
    %dma_wait3A_939 = tpu.memref_slice %arg6[%dma_wait3A_929, %dma_wait3A_937, %dma_wait3A_938] : memref<8x32x128xf32, #tpu.memory_space<vmem>> -> memref<1x32x128xf32, #tpu.memory_space<vmem>>
    %dma_wait3A_940 = tpu.memref_squeeze %dma_wait3A_939 : memref<1x32x128xf32, #tpu.memory_space<vmem>> -> memref<32x128xf32, #tpu.memory_space<vmem>>
    %dma_wait3A_941 = arith.constant 0 : i32
    %dma_wait3A_942 = arith.constant 0 : i32
    %dma_wait3A_943 = tpu.memref_slice %arg3[%dma_wait3A_941, %dma_wait3A_942] : memref<32x1000000xf32, #tpu.memory_space<hbm>> -> memref<32x128xf32, #tpu.memory_space<hbm>>
    tpu.wait_dma2 semaphore(%arg9 : memref<!tpu.dma_semaphore, #tpu.memory_space<semaphore_mem>>) src(%dma_wait3A_943 : memref<32x128xf32, #tpu.memory_space<hbm>>) dst(%dma_wait3A_940 : memref<32x128xf32, #tpu.memory_space<vmem>>)
    %dma_wait3A_944 = arith.constant 3 : i32
    %dma_wait3A_945 = arith.constant 0 : i32
    %dma_wait3A_946 = arith.constant 0 : i32
    %dma_wait3A_947 = tpu.memref_slice %arg6[%dma_wait3A_944, %dma_wait3A_945, %dma_wait3A_946] : memref<8x32x128xf32, #tpu.memory_space<vmem>> -> memref<1x32x128xf32, #tpu.memory_space<vmem>>
    %dma_wait3A_948 = tpu.memref_squeeze %dma_wait3A_947 : memref<1x32x128xf32, #tpu.memory_space<vmem>> -> memref<32x128xf32, #tpu.memory_space<vmem>>
    %dma_wait3A_949 = arith.constant 0 : i32
    %dma_wait3A_950 = arith.constant 0 : i32
    %dma_wait3A_951 = tpu.memref_slice %arg3[%dma_wait3A_949, %dma_wait3A_950] : memref<32x1000000xf32, #tpu.memory_space<hbm>> -> memref<32x128xf32, #tpu.memory_space<hbm>>
    %dma_wait3A_952 = arith.constant 0 : i32
    %dma_wait3A_953 = arith.constant 0 : i32
    %dma_wait3A_954 = tpu.memref_slice %arg6[%dma_wait3A_944, %dma_wait3A_952, %dma_wait3A_953] : memref<8x32x128xf32, #tpu.memory_space<vmem>> -> memref<1x32x128xf32, #tpu.memory_space<vmem>>
    %dma_wait3A_955 = tpu.memref_squeeze %dma_wait3A_954 : memref<1x32x128xf32, #tpu.memory_space<vmem>> -> memref<32x128xf32, #tpu.memory_space<vmem>>
    %dma_wait3A_956 = arith.constant 0 : i32
    %dma_wait3A_957 = arith.constant 0 : i32
    %dma_wait3A_958 = tpu.memref_slice %arg3[%dma_wait3A_956, %dma_wait3A_957] : memref<32x1000000xf32, #tpu.memory_space<hbm>> -> memref<32x128xf32, #tpu.memory_space<hbm>>
    tpu.wait_dma2 semaphore(%arg9 : memref<!tpu.dma_semaphore, #tpu.memory_space<semaphore_mem>>) src(%dma_wait3A_958 : memref<32x128xf32, #tpu.memory_space<hbm>>) dst(%dma_wait3A_955 : memref<32x128xf32, #tpu.memory_space<vmem>>)
    %dma_wait3A_959 = arith.constant 4 : i32
    %dma_wait3A_960 = arith.constant 0 : i32
    %dma_wait3A_961 = arith.constant 0 : i32
    %dma_wait3A_962 = tpu.memref_slice %arg6[%dma_wait3A_959, %dma_wait3A_960, %dma_wait3A_961] : memref<8x32x128xf32, #tpu.memory_space<vmem>> -> memref<1x32x128xf32, #tpu.memory_space<vmem>>
    %dma_wait3A_963 = tpu.memref_squeeze %dma_wait3A_962 : memref<1x32x128xf32, #tpu.memory_space<vmem>> -> memref<32x128xf32, #tpu.memory_space<vmem>>
    %dma_wait3A_964 = arith.constant 0 : i32
    %dma_wait3A_965 = arith.constant 0 : i32
    %dma_wait3A_966 = tpu.memref_slice %arg3[%dma_wait3A_964, %dma_wait3A_965] : memref<32x1000000xf32, #tpu.memory_space<hbm>> -> memref<32x128xf32, #tpu.memory_space<hbm>>
    %dma_wait3A_967 = arith.constant 0 : i32
    %dma_wait3A_968 = arith.constant 0 : i32
    %dma_wait3A_969 = tpu.memref_slice %arg6[%dma_wait3A_959, %dma_wait3A_967, %dma_wait3A_968] : memref<8x32x128xf32, #tpu.memory_space<vmem>> -> memref<1x32x128xf32, #tpu.memory_space<vmem>>
    %dma_wait3A_970 = tpu.memref_squeeze %dma_wait3A_969 : memref<1x32x128xf32, #tpu.memory_space<vmem>> -> memref<32x128xf32, #tpu.memory_space<vmem>>
    %dma_wait3A_971 = arith.constant 0 : i32
    %dma_wait3A_972 = arith.constant 0 : i32
    %dma_wait3A_973 = tpu.memref_slice %arg3[%dma_wait3A_971, %dma_wait3A_972] : memref<32x1000000xf32, #tpu.memory_space<hbm>> -> memref<32x128xf32, #tpu.memory_space<hbm>>
    tpu.wait_dma2 semaphore(%arg9 : memref<!tpu.dma_semaphore, #tpu.memory_space<semaphore_mem>>) src(%dma_wait3A_973 : memref<32x128xf32, #tpu.memory_space<hbm>>) dst(%dma_wait3A_970 : memref<32x128xf32, #tpu.memory_space<vmem>>)
    %dma_wait3A_974 = arith.constant 5 : i32
    %dma_wait3A_975 = arith.constant 0 : i32
    %dma_wait3A_976 = arith.constant 0 : i32
    %dma_wait3A_977 = tpu.memref_slice %arg6[%dma_wait3A_974, %dma_wait3A_975, %dma_wait3A_976] : memref<8x32x128xf32, #tpu.memory_space<vmem>> -> memref<1x32x128xf32, #tpu.memory_space<vmem>>
    %dma_wait3A_978 = tpu.memref_squeeze %dma_wait3A_977 : memref<1x32x128xf32, #tpu.memory_space<vmem>> -> memref<32x128xf32, #tpu.memory_space<vmem>>
    %dma_wait3A_979 = arith.constant 0 : i32
    %dma_wait3A_980 = arith.constant 0 : i32
    %dma_wait3A_981 = tpu.memref_slice %arg3[%dma_wait3A_979, %dma_wait3A_980] : memref<32x1000000xf32, #tpu.memory_space<hbm>> -> memref<32x128xf32, #tpu.memory_space<hbm>>
    %dma_wait3A_982 = arith.constant 0 : i32
    %dma_wait3A_983 = arith.constant 0 : i32
    %dma_wait3A_984 = tpu.memref_slice %arg6[%dma_wait3A_974, %dma_wait3A_982, %dma_wait3A_983] : memref<8x32x128xf32, #tpu.memory_space<vmem>> -> memref<1x32x128xf32, #tpu.memory_space<vmem>>
    %dma_wait3A_985 = tpu.memref_squeeze %dma_wait3A_984 : memref<1x32x128xf32, #tpu.memory_space<vmem>> -> memref<32x128xf32, #tpu.memory_space<vmem>>
    %dma_wait3A_986 = arith.constant 0 : i32
    %dma_wait3A_987 = arith.constant 0 : i32
    %dma_wait3A_988 = tpu.memref_slice %arg3[%dma_wait3A_986, %dma_wait3A_987] : memref<32x1000000xf32, #tpu.memory_space<hbm>> -> memref<32x128xf32, #tpu.memory_space<hbm>>
    tpu.wait_dma2 semaphore(%arg9 : memref<!tpu.dma_semaphore, #tpu.memory_space<semaphore_mem>>) src(%dma_wait3A_988 : memref<32x128xf32, #tpu.memory_space<hbm>>) dst(%dma_wait3A_985 : memref<32x128xf32, #tpu.memory_space<vmem>>)
    %dma_wait3A_989 = arith.constant 6 : i32
    %dma_wait3A_990 = arith.constant 0 : i32
    %dma_wait3A_991 = arith.constant 0 : i32
    %dma_wait3A_992 = tpu.memref_slice %arg6[%dma_wait3A_989, %dma_wait3A_990, %dma_wait3A_991] : memref<8x32x128xf32, #tpu.memory_space<vmem>> -> memref<1x32x128xf32, #tpu.memory_space<vmem>>
    %dma_wait3A_993 = tpu.memref_squeeze %dma_wait3A_992 : memref<1x32x128xf32, #tpu.memory_space<vmem>> -> memref<32x128xf32, #tpu.memory_space<vmem>>
    %dma_wait3A_994 = arith.constant 0 : i32
    %dma_wait3A_995 = arith.constant 0 : i32
    %dma_wait3A_996 = tpu.memref_slice %arg3[%dma_wait3A_994, %dma_wait3A_995] : memref<32x1000000xf32, #tpu.memory_space<hbm>> -> memref<32x128xf32, #tpu.memory_space<hbm>>
    %dma_wait3A_997 = arith.constant 0 : i32
    %dma_wait3A_998 = arith.constant 0 : i32
    %dma_wait3A_999 = tpu.memref_slice %arg6[%dma_wait3A_989, %dma_wait3A_997, %dma_wait3A_998] : memref<8x32x128xf32, #tpu.memory_space<vmem>> -> memref<1x32x128xf32, #tpu.memory_space<vmem>>
    %dma_wait3A_1000 = tpu.memref_squeeze %dma_wait3A_999 : memref<1x32x128xf32, #tpu.memory_space<vmem>> -> memref<32x128xf32, #tpu.memory_space<vmem>>
    %dma_wait3A_1001 = arith.constant 0 : i32
    %dma_wait3A_1002 = arith.constant 0 : i32
    %dma_wait3A_1003 = tpu.memref_slice %arg3[%dma_wait3A_1001, %dma_wait3A_1002] : memref<32x1000000xf32, #tpu.memory_space<hbm>> -> memref<32x128xf32, #tpu.memory_space<hbm>>
    tpu.wait_dma2 semaphore(%arg9 : memref<!tpu.dma_semaphore, #tpu.memory_space<semaphore_mem>>) src(%dma_wait3A_1003 : memref<32x128xf32, #tpu.memory_space<hbm>>) dst(%dma_wait3A_1000 : memref<32x128xf32, #tpu.memory_space<vmem>>)
    %dma_wait3A_1004 = arith.constant 7 : i32
    %dma_wait3A_1005 = arith.constant 0 : i32
    %dma_wait3A_1006 = arith.constant 0 : i32
    %dma_wait3A_1007 = tpu.memref_slice %arg6[%dma_wait3A_1004, %dma_wait3A_1005, %dma_wait3A_1006] : memref<8x32x128xf32, #tpu.memory_space<vmem>> -> memref<1x32x128xf32, #tpu.memory_space<vmem>>
    %dma_wait3A_1008 = tpu.memref_squeeze %dma_wait3A_1007 : memref<1x32x128xf32, #tpu.memory_space<vmem>> -> memref<32x128xf32, #tpu.memory_space<vmem>>
    %dma_wait3A_1009 = arith.constant 0 : i32
    %dma_wait3A_1010 = arith.constant 0 : i32
    %dma_wait3A_1011 = tpu.memref_slice %arg3[%dma_wait3A_1009, %dma_wait3A_1010] : memref<32x1000000xf32, #tpu.memory_space<hbm>> -> memref<32x128xf32, #tpu.memory_space<hbm>>
    %dma_wait3A_1012 = arith.constant 0 : i32
    %dma_wait3A_1013 = arith.constant 0 : i32
    %dma_wait3A_1014 = tpu.memref_slice %arg6[%dma_wait3A_1004, %dma_wait3A_1012, %dma_wait3A_1013] : memref<8x32x128xf32, #tpu.memory_space<vmem>> -> memref<1x32x128xf32, #tpu.memory_space<vmem>>
    %dma_wait3A_1015 = tpu.memref_squeeze %dma_wait3A_1014 : memref<1x32x128xf32, #tpu.memory_space<vmem>> -> memref<32x128xf32, #tpu.memory_space<vmem>>
    %dma_wait3A_1016 = arith.constant 0 : i32
    %dma_wait3A_1017 = arith.constant 0 : i32
    %dma_wait3A_1018 = tpu.memref_slice %arg3[%dma_wait3A_1016, %dma_wait3A_1017] : memref<32x1000000xf32, #tpu.memory_space<hbm>> -> memref<32x128xf32, #tpu.memory_space<hbm>>
    tpu.wait_dma2 semaphore(%arg9 : memref<!tpu.dma_semaphore, #tpu.memory_space<semaphore_mem>>) src(%dma_wait3A_1018 : memref<32x128xf32, #tpu.memory_space<hbm>>) dst(%dma_wait3A_1015 : memref<32x128xf32, #tpu.memory_space<vmem>>)
    %get3A_1019 = arith.constant 496 : index
    %get3A_1020 = tpu.vector_load %arg5[%get3A_1019] {strides = array<i32>} : memref<528xi32, #tpu.memory_space<vmem>>, vector<16xi32>,
    %and3A_1021 = arith.constant 127 : i32
    %and3A_1022 = vector.broadcast %and3A_1021 : i32 to vector<16xi32>
    %and3A_1023 = arith.andi %get3A_1020, %and3A_1022 : vector<16xi32>
    %add3A_1024 = arith.constant 496 : i32
    %add3A_1025 = vector.broadcast %add3A_1024 : i32 to vector<16xi32>
    %add3A_1026 = arith.addi %add3A_1025, %iota3A : vector<16xi32>
    %broadcast_in_dim3A = arith.constant 0 : i32
    %broadcast_in_dim3A_1027 = vector.broadcast %broadcast_in_dim3A : i32 to vector<16xi32>
    %gather3A = tpu.vector_load_idx %arg6[%and3A_4, %broadcast_in_dim3A_1027, %and3A_1023] : memref<8x32x128xf32, #tpu.memory_space<vmem>>[vector<16xi32>, vector<16xi32>, vector<16xi32>], vector<16xf32>,
    tpu.vector_store_idx %arg8[%broadcast_in_dim3A_1027, %add3A_1026], %gather3A masked %lt3A_6 : memref<32x512xf32, #tpu.memory_space<vmem>>[vector<16xi32>, vector<16xi32>], vector<16xf32>, vector<16xi1>
    %broadcast_in_dim3A_1028 = arith.constant 1 : i32
    %broadcast_in_dim3A_1029 = vector.broadcast %broadcast_in_dim3A_1028 : i32 to vector<16xi32>
    %gather3A_1030 = tpu.vector_load_idx %arg6[%and3A_4, %broadcast_in_dim3A_1029, %and3A_1023] : memref<8x32x128xf32, #tpu.memory_space<vmem>>[vector<16xi32>, vector<16xi32>, vector<16xi32>], vector<16xf32>,
    tpu.vector_store_idx %arg8[%broadcast_in_dim3A_1029, %add3A_1026], %gather3A_1030 masked %lt3A_6 : memref<32x512xf32, #tpu.memory_space<vmem>>[vector<16xi32>, vector<16xi32>], vector<16xf32>, vector<16xi1>
    %broadcast_in_dim3A_1031 = arith.constant 2 : i32
    %broadcast_in_dim3A_1032 = vector.broadcast %broadcast_in_dim3A_1031 : i32 to vector<16xi32>
    %gather3A_1033 = tpu.vector_load_idx %arg6[%and3A_4, %broadcast_in_dim3A_1032, %and3A_1023] : memref<8x32x128xf32, #tpu.memory_space<vmem>>[vector<16xi32>, vector<16xi32>, vector<16xi32>], vector<16xf32>,
    tpu.vector_store_idx %arg8[%broadcast_in_dim3A_1032, %add3A_1026], %gather3A_1033 masked %lt3A_6 : memref<32x512xf32, #tpu.memory_space<vmem>>[vector<16xi32>, vector<16xi32>], vector<16xf32>, vector<16xi1>
    %broadcast_in_dim3A_1034 = arith.constant 3 : i32
    %broadcast_in_dim3A_1035 = vector.broadcast %broadcast_in_dim3A_1034 : i32 to vector<16xi32>
    %gather3A_1036 = tpu.vector_load_idx %arg6[%and3A_4, %broadcast_in_dim3A_1035, %and3A_1023] : memref<8x32x128xf32, #tpu.memory_space<vmem>>[vector<16xi32>, vector<16xi32>, vector<16xi32>], vector<16xf32>,
    tpu.vector_store_idx %arg8[%broadcast_in_dim3A_1035, %add3A_1026], %gather3A_1036 masked %lt3A_6 : memref<32x512xf32, #tpu.memory_space<vmem>>[vector<16xi32>, vector<16xi32>], vector<16xf32>, vector<16xi1>
    %broadcast_in_dim3A_1037 = arith.constant 4 : i32
    %broadcast_in_dim3A_1038 = vector.broadcast %broadcast_in_dim3A_1037 : i32 to vector<16xi32>
    %gather3A_1039 = tpu.vector_load_idx %arg6[%and3A_4, %broadcast_in_dim3A_1038, %and3A_1023] : memref<8x32x128xf32, #tpu.memory_space<vmem>>[vector<16xi32>, vector<16xi32>, vector<16xi32>], vector<16xf32>,
    tpu.vector_store_idx %arg8[%broadcast_in_dim3A_1038, %add3A_1026], %gather3A_1039 masked %lt3A_6 : memref<32x512xf32, #tpu.memory_space<vmem>>[vector<16xi32>, vector<16xi32>], vector<16xf32>, vector<16xi1>
    %broadcast_in_dim3A_1040 = arith.constant 5 : i32
    %broadcast_in_dim3A_1041 = vector.broadcast %broadcast_in_dim3A_1040 : i32 to vector<16xi32>
    %gather3A_1042 = tpu.vector_load_idx %arg6[%and3A_4, %broadcast_in_dim3A_1041, %and3A_1023] : memref<8x32x128xf32, #tpu.memory_space<vmem>>[vector<16xi32>, vector<16xi32>, vector<16xi32>], vector<16xf32>,
    tpu.vector_store_idx %arg8[%broadcast_in_dim3A_1041, %add3A_1026], %gather3A_1042 masked %lt3A_6 : memref<32x512xf32, #tpu.memory_space<vmem>>[vector<16xi32>, vector<16xi32>], vector<16xf32>, vector<16xi1>
    %broadcast_in_dim3A_1043 = arith.constant 6 : i32
    %broadcast_in_dim3A_1044 = vector.broadcast %broadcast_in_dim3A_1043 : i32 to vector<16xi32>
    %gather3A_1045 = tpu.vector_load_idx %arg6[%and3A_4, %broadcast_in_dim3A_1044, %and3A_1023] : memref<8x32x128xf32, #tpu.memory_space<vmem>>[vector<16xi32>, vector<16xi32>, vector<16xi32>], vector<16xf32>,
    tpu.vector_store_idx %arg8[%broadcast_in_dim3A_1044, %add3A_1026], %gather3A_1045 masked %lt3A_6 : memref<32x512xf32, #tpu.memory_space<vmem>>[vector<16xi32>, vector<16xi32>], vector<16xf32>, vector<16xi1>
    %broadcast_in_dim3A_1046 = arith.constant 7 : i32
    %broadcast_in_dim3A_1047 = vector.broadcast %broadcast_in_dim3A_1046 : i32 to vector<16xi32>
    %gather3A_1048 = tpu.vector_load_idx %arg6[%and3A_4, %broadcast_in_dim3A_1047, %and3A_1023] : memref<8x32x128xf32, #tpu.memory_space<vmem>>[vector<16xi32>, vector<16xi32>, vector<16xi32>], vector<16xf32>,
    tpu.vector_store_idx %arg8[%broadcast_in_dim3A_1047, %add3A_1026], %gather3A_1048 masked %lt3A_6 : memref<32x512xf32, #tpu.memory_space<vmem>>[vector<16xi32>, vector<16xi32>], vector<16xf32>, vector<16xi1>
    %broadcast_in_dim3A_1049 = arith.constant 8 : i32
    %broadcast_in_dim3A_1050 = vector.broadcast %broadcast_in_dim3A_1049 : i32 to vector<16xi32>
    %gather3A_1051 = tpu.vector_load_idx %arg6[%and3A_4, %broadcast_in_dim3A_1050, %and3A_1023] : memref<8x32x128xf32, #tpu.memory_space<vmem>>[vector<16xi32>, vector<16xi32>, vector<16xi32>], vector<16xf32>,
    tpu.vector_store_idx %arg8[%broadcast_in_dim3A_1050, %add3A_1026], %gather3A_1051 masked %lt3A_6 : memref<32x512xf32, #tpu.memory_space<vmem>>[vector<16xi32>, vector<16xi32>], vector<16xf32>, vector<16xi1>
    %broadcast_in_dim3A_1052 = arith.constant 9 : i32
    %broadcast_in_dim3A_1053 = vector.broadcast %broadcast_in_dim3A_1052 : i32 to vector<16xi32>
    %gather3A_1054 = tpu.vector_load_idx %arg6[%and3A_4, %broadcast_in_dim3A_1053, %and3A_1023] : memref<8x32x128xf32, #tpu.memory_space<vmem>>[vector<16xi32>, vector<16xi32>, vector<16xi32>], vector<16xf32>,
    tpu.vector_store_idx %arg8[%broadcast_in_dim3A_1053, %add3A_1026], %gather3A_1054 masked %lt3A_6 : memref<32x512xf32, #tpu.memory_space<vmem>>[vector<16xi32>, vector<16xi32>], vector<16xf32>, vector<16xi1>
    %broadcast_in_dim3A_1055 = arith.constant 10 : i32
    %broadcast_in_dim3A_1056 = vector.broadcast %broadcast_in_dim3A_1055 : i32 to vector<16xi32>
    %gather3A_1057 = tpu.vector_load_idx %arg6[%and3A_4, %broadcast_in_dim3A_1056, %and3A_1023] : memref<8x32x128xf32, #tpu.memory_space<vmem>>[vector<16xi32>, vector<16xi32>, vector<16xi32>], vector<16xf32>,
    tpu.vector_store_idx %arg8[%broadcast_in_dim3A_1056, %add3A_1026], %gather3A_1057 masked %lt3A_6 : memref<32x512xf32, #tpu.memory_space<vmem>>[vector<16xi32>, vector<16xi32>], vector<16xf32>, vector<16xi1>
    %broadcast_in_dim3A_1058 = arith.constant 11 : i32
    %broadcast_in_dim3A_1059 = vector.broadcast %broadcast_in_dim3A_1058 : i32 to vector<16xi32>
    %gather3A_1060 = tpu.vector_load_idx %arg6[%and3A_4, %broadcast_in_dim3A_1059, %and3A_1023] : memref<8x32x128xf32, #tpu.memory_space<vmem>>[vector<16xi32>, vector<16xi32>, vector<16xi32>], vector<16xf32>,
    tpu.vector_store_idx %arg8[%broadcast_in_dim3A_1059, %add3A_1026], %gather3A_1060 masked %lt3A_6 : memref<32x512xf32, #tpu.memory_space<vmem>>[vector<16xi32>, vector<16xi32>], vector<16xf32>, vector<16xi1>
    %broadcast_in_dim3A_1061 = arith.constant 12 : i32
    %broadcast_in_dim3A_1062 = vector.broadcast %broadcast_in_dim3A_1061 : i32 to vector<16xi32>
    %gather3A_1063 = tpu.vector_load_idx %arg6[%and3A_4, %broadcast_in_dim3A_1062, %and3A_1023] : memref<8x32x128xf32, #tpu.memory_space<vmem>>[vector<16xi32>, vector<16xi32>, vector<16xi32>], vector<16xf32>,
    tpu.vector_store_idx %arg8[%broadcast_in_dim3A_1062, %add3A_1026], %gather3A_1063 masked %lt3A_6 : memref<32x512xf32, #tpu.memory_space<vmem>>[vector<16xi32>, vector<16xi32>], vector<16xf32>, vector<16xi1>
    %broadcast_in_dim3A_1064 = arith.constant 13 : i32
    %broadcast_in_dim3A_1065 = vector.broadcast %broadcast_in_dim3A_1064 : i32 to vector<16xi32>
    %gather3A_1066 = tpu.vector_load_idx %arg6[%and3A_4, %broadcast_in_dim3A_1065, %and3A_1023] : memref<8x32x128xf32, #tpu.memory_space<vmem>>[vector<16xi32>, vector<16xi32>, vector<16xi32>], vector<16xf32>,
    tpu.vector_store_idx %arg8[%broadcast_in_dim3A_1065, %add3A_1026], %gather3A_1066 masked %lt3A_6 : memref<32x512xf32, #tpu.memory_space<vmem>>[vector<16xi32>, vector<16xi32>], vector<16xf32>, vector<16xi1>
    %broadcast_in_dim3A_1067 = arith.constant 14 : i32
    %broadcast_in_dim3A_1068 = vector.broadcast %broadcast_in_dim3A_1067 : i32 to vector<16xi32>
    %gather3A_1069 = tpu.vector_load_idx %arg6[%and3A_4, %broadcast_in_dim3A_1068, %and3A_1023] : memref<8x32x128xf32, #tpu.memory_space<vmem>>[vector<16xi32>, vector<16xi32>, vector<16xi32>], vector<16xf32>,
    tpu.vector_store_idx %arg8[%broadcast_in_dim3A_1068, %add3A_1026], %gather3A_1069 masked %lt3A_6 : memref<32x512xf32, #tpu.memory_space<vmem>>[vector<16xi32>, vector<16xi32>], vector<16xf32>, vector<16xi1>
    %broadcast_in_dim3A_1070 = arith.constant 15 : i32
    %broadcast_in_dim3A_1071 = vector.broadcast %broadcast_in_dim3A_1070 : i32 to vector<16xi32>
    %gather3A_1072 = tpu.vector_load_idx %arg6[%and3A_4, %broadcast_in_dim3A_1071, %and3A_1023] : memref<8x32x128xf32, #tpu.memory_space<vmem>>[vector<16xi32>, vector<16xi32>, vector<16xi32>], vector<16xf32>,
    tpu.vector_store_idx %arg8[%broadcast_in_dim3A_1071, %add3A_1026], %gather3A_1072 masked %lt3A_6 : memref<32x512xf32, #tpu.memory_space<vmem>>[vector<16xi32>, vector<16xi32>], vector<16xf32>, vector<16xi1>
    %broadcast_in_dim3A_1073 = arith.constant 16 : i32
    %broadcast_in_dim3A_1074 = vector.broadcast %broadcast_in_dim3A_1073 : i32 to vector<16xi32>
    %gather3A_1075 = tpu.vector_load_idx %arg6[%and3A_4, %broadcast_in_dim3A_1074, %and3A_1023] : memref<8x32x128xf32, #tpu.memory_space<vmem>>[vector<16xi32>, vector<16xi32>, vector<16xi32>], vector<16xf32>,
    tpu.vector_store_idx %arg8[%broadcast_in_dim3A_1074, %add3A_1026], %gather3A_1075 masked %lt3A_6 : memref<32x512xf32, #tpu.memory_space<vmem>>[vector<16xi32>, vector<16xi32>], vector<16xf32>, vector<16xi1>
    %broadcast_in_dim3A_1076 = arith.constant 17 : i32
    %broadcast_in_dim3A_1077 = vector.broadcast %broadcast_in_dim3A_1076 : i32 to vector<16xi32>
    %gather3A_1078 = tpu.vector_load_idx %arg6[%and3A_4, %broadcast_in_dim3A_1077, %and3A_1023] : memref<8x32x128xf32, #tpu.memory_space<vmem>>[vector<16xi32>, vector<16xi32>, vector<16xi32>], vector<16xf32>,
    tpu.vector_store_idx %arg8[%broadcast_in_dim3A_1077, %add3A_1026], %gather3A_1078 masked %lt3A_6 : memref<32x512xf32, #tpu.memory_space<vmem>>[vector<16xi32>, vector<16xi32>], vector<16xf32>, vector<16xi1>
    %broadcast_in_dim3A_1079 = arith.constant 18 : i32
    %broadcast_in_dim3A_1080 = vector.broadcast %broadcast_in_dim3A_1079 : i32 to vector<16xi32>
    %gather3A_1081 = tpu.vector_load_idx %arg6[%and3A_4, %broadcast_in_dim3A_1080, %and3A_1023] : memref<8x32x128xf32, #tpu.memory_space<vmem>>[vector<16xi32>, vector<16xi32>, vector<16xi32>], vector<16xf32>,
    tpu.vector_store_idx %arg8[%broadcast_in_dim3A_1080, %add3A_1026], %gather3A_1081 masked %lt3A_6 : memref<32x512xf32, #tpu.memory_space<vmem>>[vector<16xi32>, vector<16xi32>], vector<16xf32>, vector<16xi1>
    %broadcast_in_dim3A_1082 = arith.constant 19 : i32
    %broadcast_in_dim3A_1083 = vector.broadcast %broadcast_in_dim3A_1082 : i32 to vector<16xi32>
    %gather3A_1084 = tpu.vector_load_idx %arg6[%and3A_4, %broadcast_in_dim3A_1083, %and3A_1023] : memref<8x32x128xf32, #tpu.memory_space<vmem>>[vector<16xi32>, vector<16xi32>, vector<16xi32>], vector<16xf32>,
    tpu.vector_store_idx %arg8[%broadcast_in_dim3A_1083, %add3A_1026], %gather3A_1084 masked %lt3A_6 : memref<32x512xf32, #tpu.memory_space<vmem>>[vector<16xi32>, vector<16xi32>], vector<16xf32>, vector<16xi1>
    %broadcast_in_dim3A_1085 = arith.constant 20 : i32
    %broadcast_in_dim3A_1086 = vector.broadcast %broadcast_in_dim3A_1085 : i32 to vector<16xi32>
    %gather3A_1087 = tpu.vector_load_idx %arg6[%and3A_4, %broadcast_in_dim3A_1086, %and3A_1023] : memref<8x32x128xf32, #tpu.memory_space<vmem>>[vector<16xi32>, vector<16xi32>, vector<16xi32>], vector<16xf32>,
    tpu.vector_store_idx %arg8[%broadcast_in_dim3A_1086, %add3A_1026], %gather3A_1087 masked %lt3A_6 : memref<32x512xf32, #tpu.memory_space<vmem>>[vector<16xi32>, vector<16xi32>], vector<16xf32>, vector<16xi1>
    %broadcast_in_dim3A_1088 = arith.constant 21 : i32
    %broadcast_in_dim3A_1089 = vector.broadcast %broadcast_in_dim3A_1088 : i32 to vector<16xi32>
    %gather3A_1090 = tpu.vector_load_idx %arg6[%and3A_4, %broadcast_in_dim3A_1089, %and3A_1023] : memref<8x32x128xf32, #tpu.memory_space<vmem>>[vector<16xi32>, vector<16xi32>, vector<16xi32>], vector<16xf32>,
    tpu.vector_store_idx %arg8[%broadcast_in_dim3A_1089, %add3A_1026], %gather3A_1090 masked %lt3A_6 : memref<32x512xf32, #tpu.memory_space<vmem>>[vector<16xi32>, vector<16xi32>], vector<16xf32>, vector<16xi1>
    %broadcast_in_dim3A_1091 = arith.constant 22 : i32
    %broadcast_in_dim3A_1092 = vector.broadcast %broadcast_in_dim3A_1091 : i32 to vector<16xi32>
    %gather3A_1093 = tpu.vector_load_idx %arg6[%and3A_4, %broadcast_in_dim3A_1092, %and3A_1023] : memref<8x32x128xf32, #tpu.memory_space<vmem>>[vector<16xi32>, vector<16xi32>, vector<16xi32>], vector<16xf32>,
    tpu.vector_store_idx %arg8[%broadcast_in_dim3A_1092, %add3A_1026], %gather3A_1093 masked %lt3A_6 : memref<32x512xf32, #tpu.memory_space<vmem>>[vector<16xi32>, vector<16xi32>], vector<16xf32>, vector<16xi1>
    %broadcast_in_dim3A_1094 = arith.constant 23 : i32
    %broadcast_in_dim3A_1095 = vector.broadcast %broadcast_in_dim3A_1094 : i32 to vector<16xi32>
    %gather3A_1096 = tpu.vector_load_idx %arg6[%and3A_4, %broadcast_in_dim3A_1095, %and3A_1023] : memref<8x32x128xf32, #tpu.memory_space<vmem>>[vector<16xi32>, vector<16xi32>, vector<16xi32>], vector<16xf32>,
    tpu.vector_store_idx %arg8[%broadcast_in_dim3A_1095, %add3A_1026], %gather3A_1096 masked %lt3A_6 : memref<32x512xf32, #tpu.memory_space<vmem>>[vector<16xi32>, vector<16xi32>], vector<16xf32>, vector<16xi1>
    %broadcast_in_dim3A_1097 = arith.constant 24 : i32
    %broadcast_in_dim3A_1098 = vector.broadcast %broadcast_in_dim3A_1097 : i32 to vector<16xi32>
    %gather3A_1099 = tpu.vector_load_idx %arg6[%and3A_4, %broadcast_in_dim3A_1098, %and3A_1023] : memref<8x32x128xf32, #tpu.memory_space<vmem>>[vector<16xi32>, vector<16xi32>, vector<16xi32>], vector<16xf32>,
    tpu.vector_store_idx %arg8[%broadcast_in_dim3A_1098, %add3A_1026], %gather3A_1099 masked %lt3A_6 : memref<32x512xf32, #tpu.memory_space<vmem>>[vector<16xi32>, vector<16xi32>], vector<16xf32>, vector<16xi1>
    %broadcast_in_dim3A_1100 = arith.constant 25 : i32
    %broadcast_in_dim3A_1101 = vector.broadcast %broadcast_in_dim3A_1100 : i32 to vector<16xi32>
    %gather3A_1102 = tpu.vector_load_idx %arg6[%and3A_4, %broadcast_in_dim3A_1101, %and3A_1023] : memref<8x32x128xf32, #tpu.memory_space<vmem>>[vector<16xi32>, vector<16xi32>, vector<16xi32>], vector<16xf32>,
    tpu.vector_store_idx %arg8[%broadcast_in_dim3A_1101, %add3A_1026], %gather3A_1102 masked %lt3A_6 : memref<32x512xf32, #tpu.memory_space<vmem>>[vector<16xi32>, vector<16xi32>], vector<16xf32>, vector<16xi1>
    %broadcast_in_dim3A_1103 = arith.constant 26 : i32
    %broadcast_in_dim3A_1104 = vector.broadcast %broadcast_in_dim3A_1103 : i32 to vector<16xi32>
    %gather3A_1105 = tpu.vector_load_idx %arg6[%and3A_4, %broadcast_in_dim3A_1104, %and3A_1023] : memref<8x32x128xf32, #tpu.memory_space<vmem>>[vector<16xi32>, vector<16xi32>, vector<16xi32>], vector<16xf32>,
    tpu.vector_store_idx %arg8[%broadcast_in_dim3A_1104, %add3A_1026], %gather3A_1105 masked %lt3A_6 : memref<32x512xf32, #tpu.memory_space<vmem>>[vector<16xi32>, vector<16xi32>], vector<16xf32>, vector<16xi1>
    %broadcast_in_dim3A_1106 = arith.constant 27 : i32
    %broadcast_in_dim3A_1107 = vector.broadcast %broadcast_in_dim3A_1106 : i32 to vector<16xi32>
    %gather3A_1108 = tpu.vector_load_idx %arg6[%and3A_4, %broadcast_in_dim3A_1107, %and3A_1023] : memref<8x32x128xf32, #tpu.memory_space<vmem>>[vector<16xi32>, vector<16xi32>, vector<16xi32>], vector<16xf32>,
    tpu.vector_store_idx %arg8[%broadcast_in_dim3A_1107, %add3A_1026], %gather3A_1108 masked %lt3A_6 : memref<32x512xf32, #tpu.memory_space<vmem>>[vector<16xi32>, vector<16xi32>], vector<16xf32>, vector<16xi1>
    %broadcast_in_dim3A_1109 = arith.constant 28 : i32
    %broadcast_in_dim3A_1110 = vector.broadcast %broadcast_in_dim3A_1109 : i32 to vector<16xi32>
    %gather3A_1111 = tpu.vector_load_idx %arg6[%and3A_4, %broadcast_in_dim3A_1110, %and3A_1023] : memref<8x32x128xf32, #tpu.memory_space<vmem>>[vector<16xi32>, vector<16xi32>, vector<16xi32>], vector<16xf32>,
    tpu.vector_store_idx %arg8[%broadcast_in_dim3A_1110, %add3A_1026], %gather3A_1111 masked %lt3A_6 : memref<32x512xf32, #tpu.memory_space<vmem>>[vector<16xi32>, vector<16xi32>], vector<16xf32>, vector<16xi1>
    %broadcast_in_dim3A_1112 = arith.constant 29 : i32
    %broadcast_in_dim3A_1113 = vector.broadcast %broadcast_in_dim3A_1112 : i32 to vector<16xi32>
    %gather3A_1114 = tpu.vector_load_idx %arg6[%and3A_4, %broadcast_in_dim3A_1113, %and3A_1023] : memref<8x32x128xf32, #tpu.memory_space<vmem>>[vector<16xi32>, vector<16xi32>, vector<16xi32>], vector<16xf32>,
    tpu.vector_store_idx %arg8[%broadcast_in_dim3A_1113, %add3A_1026], %gather3A_1114 masked %lt3A_6 : memref<32x512xf32, #tpu.memory_space<vmem>>[vector<16xi32>, vector<16xi32>], vector<16xf32>, vector<16xi1>
    %broadcast_in_dim3A_1115 = arith.constant 30 : i32
    %broadcast_in_dim3A_1116 = vector.broadcast %broadcast_in_dim3A_1115 : i32 to vector<16xi32>
    %gather3A_1117 = tpu.vector_load_idx %arg6[%and3A_4, %broadcast_in_dim3A_1116, %and3A_1023] : memref<8x32x128xf32, #tpu.memory_space<vmem>>[vector<16xi32>, vector<16xi32>, vector<16xi32>], vector<16xf32>,
    tpu.vector_store_idx %arg8[%broadcast_in_dim3A_1116, %add3A_1026], %gather3A_1117 masked %lt3A_6 : memref<32x512xf32, #tpu.memory_space<vmem>>[vector<16xi32>, vector<16xi32>], vector<16xf32>, vector<16xi1>
    %broadcast_in_dim3A_1118 = arith.constant 31 : i32
    %broadcast_in_dim3A_1119 = vector.broadcast %broadcast_in_dim3A_1118 : i32 to vector<16xi32>
    %gather3A_1120 = tpu.vector_load_idx %arg6[%and3A_4, %broadcast_in_dim3A_1119, %and3A_1023] : memref<8x32x128xf32, #tpu.memory_space<vmem>>[vector<16xi32>, vector<16xi32>, vector<16xi32>], vector<16xf32>,
    tpu.vector_store_idx %arg8[%broadcast_in_dim3A_1119, %add3A_1026], %gather3A_1120 masked %lt3A_6 : memref<32x512xf32, #tpu.memory_space<vmem>>[vector<16xi32>, vector<16xi32>], vector<16xf32>, vector<16xi1>
    %dma_wait3A_1121 = arith.constant 0 : i32
    %dma_wait3A_1122 = arith.constant 0 : i32
    %dma_wait3A_1123 = arith.constant 0 : i32
    %dma_wait3A_1124 = tpu.memref_slice %arg7[%dma_wait3A_1121, %dma_wait3A_1122, %dma_wait3A_1123] : memref<8x32x128xf32, #tpu.memory_space<vmem>> -> memref<1x32x128xf32, #tpu.memory_space<vmem>>
    %dma_wait3A_1125 = tpu.memref_squeeze %dma_wait3A_1124 : memref<1x32x128xf32, #tpu.memory_space<vmem>> -> memref<32x128xf32, #tpu.memory_space<vmem>>
    %dma_wait3A_1126 = arith.constant 0 : i32
    %dma_wait3A_1127 = arith.constant 0 : i32
    %dma_wait3A_1128 = tpu.memref_slice %arg3[%dma_wait3A_1126, %dma_wait3A_1127] : memref<32x1000000xf32, #tpu.memory_space<hbm>> -> memref<32x128xf32, #tpu.memory_space<hbm>>
    %dma_wait3A_1129 = arith.constant 0 : i32
    %dma_wait3A_1130 = arith.constant 0 : i32
    %dma_wait3A_1131 = tpu.memref_slice %arg7[%dma_wait3A_1121, %dma_wait3A_1129, %dma_wait3A_1130] : memref<8x32x128xf32, #tpu.memory_space<vmem>> -> memref<1x32x128xf32, #tpu.memory_space<vmem>>
    %dma_wait3A_1132 = tpu.memref_squeeze %dma_wait3A_1131 : memref<1x32x128xf32, #tpu.memory_space<vmem>> -> memref<32x128xf32, #tpu.memory_space<vmem>>
    %dma_wait3A_1133 = arith.constant 0 : i32
    %dma_wait3A_1134 = arith.constant 0 : i32
    %dma_wait3A_1135 = tpu.memref_slice %arg3[%dma_wait3A_1133, %dma_wait3A_1134] : memref<32x1000000xf32, #tpu.memory_space<hbm>> -> memref<32x128xf32, #tpu.memory_space<hbm>>
    tpu.wait_dma2 semaphore(%arg10 : memref<!tpu.dma_semaphore, #tpu.memory_space<semaphore_mem>>) src(%dma_wait3A_1135 : memref<32x128xf32, #tpu.memory_space<hbm>>) dst(%dma_wait3A_1132 : memref<32x128xf32, #tpu.memory_space<vmem>>)
    %dma_wait3A_1136 = arith.constant 1 : i32
    %dma_wait3A_1137 = arith.constant 0 : i32
    %dma_wait3A_1138 = arith.constant 0 : i32
    %dma_wait3A_1139 = tpu.memref_slice %arg7[%dma_wait3A_1136, %dma_wait3A_1137, %dma_wait3A_1138] : memref<8x32x128xf32, #tpu.memory_space<vmem>> -> memref<1x32x128xf32, #tpu.memory_space<vmem>>
    %dma_wait3A_1140 = tpu.memref_squeeze %dma_wait3A_1139 : memref<1x32x128xf32, #tpu.memory_space<vmem>> -> memref<32x128xf32, #tpu.memory_space<vmem>>
    %dma_wait3A_1141 = arith.constant 0 : i32
    %dma_wait3A_1142 = arith.constant 0 : i32
    %dma_wait3A_1143 = tpu.memref_slice %arg3[%dma_wait3A_1141, %dma_wait3A_1142] : memref<32x1000000xf32, #tpu.memory_space<hbm>> -> memref<32x128xf32, #tpu.memory_space<hbm>>
    %dma_wait3A_1144 = arith.constant 0 : i32
    %dma_wait3A_1145 = arith.constant 0 : i32
    %dma_wait3A_1146 = tpu.memref_slice %arg7[%dma_wait3A_1136, %dma_wait3A_1144, %dma_wait3A_1145] : memref<8x32x128xf32, #tpu.memory_space<vmem>> -> memref<1x32x128xf32, #tpu.memory_space<vmem>>
    %dma_wait3A_1147 = tpu.memref_squeeze %dma_wait3A_1146 : memref<1x32x128xf32, #tpu.memory_space<vmem>> -> memref<32x128xf32, #tpu.memory_space<vmem>>
    %dma_wait3A_1148 = arith.constant 0 : i32
    %dma_wait3A_1149 = arith.constant 0 : i32
    %dma_wait3A_1150 = tpu.memref_slice %arg3[%dma_wait3A_1148, %dma_wait3A_1149] : memref<32x1000000xf32, #tpu.memory_space<hbm>> -> memref<32x128xf32, #tpu.memory_space<hbm>>
    tpu.wait_dma2 semaphore(%arg10 : memref<!tpu.dma_semaphore, #tpu.memory_space<semaphore_mem>>) src(%dma_wait3A_1150 : memref<32x128xf32, #tpu.memory_space<hbm>>) dst(%dma_wait3A_1147 : memref<32x128xf32, #tpu.memory_space<vmem>>)
    %dma_wait3A_1151 = arith.constant 2 : i32
    %dma_wait3A_1152 = arith.constant 0 : i32
    %dma_wait3A_1153 = arith.constant 0 : i32
    %dma_wait3A_1154 = tpu.memref_slice %arg7[%dma_wait3A_1151, %dma_wait3A_1152, %dma_wait3A_1153] : memref<8x32x128xf32, #tpu.memory_space<vmem>> -> memref<1x32x128xf32, #tpu.memory_space<vmem>>
    %dma_wait3A_1155 = tpu.memref_squeeze %dma_wait3A_1154 : memref<1x32x128xf32, #tpu.memory_space<vmem>> -> memref<32x128xf32, #tpu.memory_space<vmem>>
    %dma_wait3A_1156 = arith.constant 0 : i32
    %dma_wait3A_1157 = arith.constant 0 : i32
    %dma_wait3A_1158 = tpu.memref_slice %arg3[%dma_wait3A_1156, %dma_wait3A_1157] : memref<32x1000000xf32, #tpu.memory_space<hbm>> -> memref<32x128xf32, #tpu.memory_space<hbm>>
    %dma_wait3A_1159 = arith.constant 0 : i32
    %dma_wait3A_1160 = arith.constant 0 : i32
    %dma_wait3A_1161 = tpu.memref_slice %arg7[%dma_wait3A_1151, %dma_wait3A_1159, %dma_wait3A_1160] : memref<8x32x128xf32, #tpu.memory_space<vmem>> -> memref<1x32x128xf32, #tpu.memory_space<vmem>>
    %dma_wait3A_1162 = tpu.memref_squeeze %dma_wait3A_1161 : memref<1x32x128xf32, #tpu.memory_space<vmem>> -> memref<32x128xf32, #tpu.memory_space<vmem>>
    %dma_wait3A_1163 = arith.constant 0 : i32
    %dma_wait3A_1164 = arith.constant 0 : i32
    %dma_wait3A_1165 = tpu.memref_slice %arg3[%dma_wait3A_1163, %dma_wait3A_1164] : memref<32x1000000xf32, #tpu.memory_space<hbm>> -> memref<32x128xf32, #tpu.memory_space<hbm>>
    tpu.wait_dma2 semaphore(%arg10 : memref<!tpu.dma_semaphore, #tpu.memory_space<semaphore_mem>>) src(%dma_wait3A_1165 : memref<32x128xf32, #tpu.memory_space<hbm>>) dst(%dma_wait3A_1162 : memref<32x128xf32, #tpu.memory_space<vmem>>)
    %dma_wait3A_1166 = arith.constant 3 : i32
    %dma_wait3A_1167 = arith.constant 0 : i32
    %dma_wait3A_1168 = arith.constant 0 : i32
    %dma_wait3A_1169 = tpu.memref_slice %arg7[%dma_wait3A_1166, %dma_wait3A_1167, %dma_wait3A_1168] : memref<8x32x128xf32, #tpu.memory_space<vmem>> -> memref<1x32x128xf32, #tpu.memory_space<vmem>>
    %dma_wait3A_1170 = tpu.memref_squeeze %dma_wait3A_1169 : memref<1x32x128xf32, #tpu.memory_space<vmem>> -> memref<32x128xf32, #tpu.memory_space<vmem>>
    %dma_wait3A_1171 = arith.constant 0 : i32
    %dma_wait3A_1172 = arith.constant 0 : i32
    %dma_wait3A_1173 = tpu.memref_slice %arg3[%dma_wait3A_1171, %dma_wait3A_1172] : memref<32x1000000xf32, #tpu.memory_space<hbm>> -> memref<32x128xf32, #tpu.memory_space<hbm>>
    %dma_wait3A_1174 = arith.constant 0 : i32
    %dma_wait3A_1175 = arith.constant 0 : i32
    %dma_wait3A_1176 = tpu.memref_slice %arg7[%dma_wait3A_1166, %dma_wait3A_1174, %dma_wait3A_1175] : memref<8x32x128xf32, #tpu.memory_space<vmem>> -> memref<1x32x128xf32, #tpu.memory_space<vmem>>
    %dma_wait3A_1177 = tpu.memref_squeeze %dma_wait3A_1176 : memref<1x32x128xf32, #tpu.memory_space<vmem>> -> memref<32x128xf32, #tpu.memory_space<vmem>>
    %dma_wait3A_1178 = arith.constant 0 : i32
    %dma_wait3A_1179 = arith.constant 0 : i32
    %dma_wait3A_1180 = tpu.memref_slice %arg3[%dma_wait3A_1178, %dma_wait3A_1179] : memref<32x1000000xf32, #tpu.memory_space<hbm>> -> memref<32x128xf32, #tpu.memory_space<hbm>>
    tpu.wait_dma2 semaphore(%arg10 : memref<!tpu.dma_semaphore, #tpu.memory_space<semaphore_mem>>) src(%dma_wait3A_1180 : memref<32x128xf32, #tpu.memory_space<hbm>>) dst(%dma_wait3A_1177 : memref<32x128xf32, #tpu.memory_space<vmem>>)
    %dma_wait3A_1181 = arith.constant 4 : i32
    %dma_wait3A_1182 = arith.constant 0 : i32
    %dma_wait3A_1183 = arith.constant 0 : i32
    %dma_wait3A_1184 = tpu.memref_slice %arg7[%dma_wait3A_1181, %dma_wait3A_1182, %dma_wait3A_1183] : memref<8x32x128xf32, #tpu.memory_space<vmem>> -> memref<1x32x128xf32, #tpu.memory_space<vmem>>
    %dma_wait3A_1185 = tpu.memref_squeeze %dma_wait3A_1184 : memref<1x32x128xf32, #tpu.memory_space<vmem>> -> memref<32x128xf32, #tpu.memory_space<vmem>>
    %dma_wait3A_1186 = arith.constant 0 : i32
    %dma_wait3A_1187 = arith.constant 0 : i32
    %dma_wait3A_1188 = tpu.memref_slice %arg3[%dma_wait3A_1186, %dma_wait3A_1187] : memref<32x1000000xf32, #tpu.memory_space<hbm>> -> memref<32x128xf32, #tpu.memory_space<hbm>>
    %dma_wait3A_1189 = arith.constant 0 : i32
    %dma_wait3A_1190 = arith.constant 0 : i32
    %dma_wait3A_1191 = tpu.memref_slice %arg7[%dma_wait3A_1181, %dma_wait3A_1189, %dma_wait3A_1190] : memref<8x32x128xf32, #tpu.memory_space<vmem>> -> memref<1x32x128xf32, #tpu.memory_space<vmem>>
    %dma_wait3A_1192 = tpu.memref_squeeze %dma_wait3A_1191 : memref<1x32x128xf32, #tpu.memory_space<vmem>> -> memref<32x128xf32, #tpu.memory_space<vmem>>
    %dma_wait3A_1193 = arith.constant 0 : i32
    %dma_wait3A_1194 = arith.constant 0 : i32
    %dma_wait3A_1195 = tpu.memref_slice %arg3[%dma_wait3A_1193, %dma_wait3A_1194] : memref<32x1000000xf32, #tpu.memory_space<hbm>> -> memref<32x128xf32, #tpu.memory_space<hbm>>
    tpu.wait_dma2 semaphore(%arg10 : memref<!tpu.dma_semaphore, #tpu.memory_space<semaphore_mem>>) src(%dma_wait3A_1195 : memref<32x128xf32, #tpu.memory_space<hbm>>) dst(%dma_wait3A_1192 : memref<32x128xf32, #tpu.memory_space<vmem>>)
    %dma_wait3A_1196 = arith.constant 5 : i32
    %dma_wait3A_1197 = arith.constant 0 : i32
    %dma_wait3A_1198 = arith.constant 0 : i32
    %dma_wait3A_1199 = tpu.memref_slice %arg7[%dma_wait3A_1196, %dma_wait3A_1197, %dma_wait3A_1198] : memref<8x32x128xf32, #tpu.memory_space<vmem>> -> memref<1x32x128xf32, #tpu.memory_space<vmem>>
    %dma_wait3A_1200 = tpu.memref_squeeze %dma_wait3A_1199 : memref<1x32x128xf32, #tpu.memory_space<vmem>> -> memref<32x128xf32, #tpu.memory_space<vmem>>
    %dma_wait3A_1201 = arith.constant 0 : i32
    %dma_wait3A_1202 = arith.constant 0 : i32
    %dma_wait3A_1203 = tpu.memref_slice %arg3[%dma_wait3A_1201, %dma_wait3A_1202] : memref<32x1000000xf32, #tpu.memory_space<hbm>> -> memref<32x128xf32, #tpu.memory_space<hbm>>
    %dma_wait3A_1204 = arith.constant 0 : i32
    %dma_wait3A_1205 = arith.constant 0 : i32
    %dma_wait3A_1206 = tpu.memref_slice %arg7[%dma_wait3A_1196, %dma_wait3A_1204, %dma_wait3A_1205] : memref<8x32x128xf32, #tpu.memory_space<vmem>> -> memref<1x32x128xf32, #tpu.memory_space<vmem>>
    %dma_wait3A_1207 = tpu.memref_squeeze %dma_wait3A_1206 : memref<1x32x128xf32, #tpu.memory_space<vmem>> -> memref<32x128xf32, #tpu.memory_space<vmem>>
    %dma_wait3A_1208 = arith.constant 0 : i32
    %dma_wait3A_1209 = arith.constant 0 : i32
    %dma_wait3A_1210 = tpu.memref_slice %arg3[%dma_wait3A_1208, %dma_wait3A_1209] : memref<32x1000000xf32, #tpu.memory_space<hbm>> -> memref<32x128xf32, #tpu.memory_space<hbm>>
    tpu.wait_dma2 semaphore(%arg10 : memref<!tpu.dma_semaphore, #tpu.memory_space<semaphore_mem>>) src(%dma_wait3A_1210 : memref<32x128xf32, #tpu.memory_space<hbm>>) dst(%dma_wait3A_1207 : memref<32x128xf32, #tpu.memory_space<vmem>>)
    %dma_wait3A_1211 = arith.constant 6 : i32
    %dma_wait3A_1212 = arith.constant 0 : i32
    %dma_wait3A_1213 = arith.constant 0 : i32
    %dma_wait3A_1214 = tpu.memref_slice %arg7[%dma_wait3A_1211, %dma_wait3A_1212, %dma_wait3A_1213] : memref<8x32x128xf32, #tpu.memory_space<vmem>> -> memref<1x32x128xf32, #tpu.memory_space<vmem>>
    %dma_wait3A_1215 = tpu.memref_squeeze %dma_wait3A_1214 : memref<1x32x128xf32, #tpu.memory_space<vmem>> -> memref<32x128xf32, #tpu.memory_space<vmem>>
    %dma_wait3A_1216 = arith.constant 0 : i32
    %dma_wait3A_1217 = arith.constant 0 : i32
    %dma_wait3A_1218 = tpu.memref_slice %arg3[%dma_wait3A_1216, %dma_wait3A_1217] : memref<32x1000000xf32, #tpu.memory_space<hbm>> -> memref<32x128xf32, #tpu.memory_space<hbm>>
    %dma_wait3A_1219 = arith.constant 0 : i32
    %dma_wait3A_1220 = arith.constant 0 : i32
    %dma_wait3A_1221 = tpu.memref_slice %arg7[%dma_wait3A_1211, %dma_wait3A_1219, %dma_wait3A_1220] : memref<8x32x128xf32, #tpu.memory_space<vmem>> -> memref<1x32x128xf32, #tpu.memory_space<vmem>>
    %dma_wait3A_1222 = tpu.memref_squeeze %dma_wait3A_1221 : memref<1x32x128xf32, #tpu.memory_space<vmem>> -> memref<32x128xf32, #tpu.memory_space<vmem>>
    %dma_wait3A_1223 = arith.constant 0 : i32
    %dma_wait3A_1224 = arith.constant 0 : i32
    %dma_wait3A_1225 = tpu.memref_slice %arg3[%dma_wait3A_1223, %dma_wait3A_1224] : memref<32x1000000xf32, #tpu.memory_space<hbm>> -> memref<32x128xf32, #tpu.memory_space<hbm>>
    tpu.wait_dma2 semaphore(%arg10 : memref<!tpu.dma_semaphore, #tpu.memory_space<semaphore_mem>>) src(%dma_wait3A_1225 : memref<32x128xf32, #tpu.memory_space<hbm>>) dst(%dma_wait3A_1222 : memref<32x128xf32, #tpu.memory_space<vmem>>)
    %dma_wait3A_1226 = arith.constant 7 : i32
    %dma_wait3A_1227 = arith.constant 0 : i32
    %dma_wait3A_1228 = arith.constant 0 : i32
    %dma_wait3A_1229 = tpu.memref_slice %arg7[%dma_wait3A_1226, %dma_wait3A_1227, %dma_wait3A_1228] : memref<8x32x128xf32, #tpu.memory_space<vmem>> -> memref<1x32x128xf32, #tpu.memory_space<vmem>>
    %dma_wait3A_1230 = tpu.memref_squeeze %dma_wait3A_1229 : memref<1x32x128xf32, #tpu.memory_space<vmem>> -> memref<32x128xf32, #tpu.memory_space<vmem>>
    %dma_wait3A_1231 = arith.constant 0 : i32
    %dma_wait3A_1232 = arith.constant 0 : i32
    %dma_wait3A_1233 = tpu.memref_slice %arg3[%dma_wait3A_1231, %dma_wait3A_1232] : memref<32x1000000xf32, #tpu.memory_space<hbm>> -> memref<32x128xf32, #tpu.memory_space<hbm>>
    %dma_wait3A_1234 = arith.constant 0 : i32
    %dma_wait3A_1235 = arith.constant 0 : i32
    %dma_wait3A_1236 = tpu.memref_slice %arg7[%dma_wait3A_1226, %dma_wait3A_1234, %dma_wait3A_1235] : memref<8x32x128xf32, #tpu.memory_space<vmem>> -> memref<1x32x128xf32, #tpu.memory_space<vmem>>
    %dma_wait3A_1237 = tpu.memref_squeeze %dma_wait3A_1236 : memref<1x32x128xf32, #tpu.memory_space<vmem>> -> memref<32x128xf32, #tpu.memory_space<vmem>>
    %dma_wait3A_1238 = arith.constant 0 : i32
    %dma_wait3A_1239 = arith.constant 0 : i32
    %dma_wait3A_1240 = tpu.memref_slice %arg3[%dma_wait3A_1238, %dma_wait3A_1239] : memref<32x1000000xf32, #tpu.memory_space<hbm>> -> memref<32x128xf32, #tpu.memory_space<hbm>>
    tpu.wait_dma2 semaphore(%arg10 : memref<!tpu.dma_semaphore, #tpu.memory_space<semaphore_mem>>) src(%dma_wait3A_1240 : memref<32x128xf32, #tpu.memory_space<hbm>>) dst(%dma_wait3A_1237 : memref<32x128xf32, #tpu.memory_space<vmem>>)
    %get3A_1241 = arith.constant 504 : index
    %get3A_1242 = tpu.vector_load %arg5[%get3A_1241] {strides = array<i32>} : memref<528xi32, #tpu.memory_space<vmem>>, vector<16xi32>,
    %and3A_1243 = arith.constant 127 : i32
    %and3A_1244 = vector.broadcast %and3A_1243 : i32 to vector<16xi32>
    %and3A_1245 = arith.andi %get3A_1242, %and3A_1244 : vector<16xi32>
    %add3A_1246 = arith.constant 504 : i32
    %add3A_1247 = vector.broadcast %add3A_1246 : i32 to vector<16xi32>
    %add3A_1248 = arith.addi %add3A_1247, %iota3A : vector<16xi32>
    %broadcast_in_dim3A_1249 = arith.constant 0 : i32
    %broadcast_in_dim3A_1250 = vector.broadcast %broadcast_in_dim3A_1249 : i32 to vector<16xi32>
    %gather3A_1251 = tpu.vector_load_idx %arg7[%and3A_4, %broadcast_in_dim3A_1250, %and3A_1245] : memref<8x32x128xf32, #tpu.memory_space<vmem>>[vector<16xi32>, vector<16xi32>, vector<16xi32>], vector<16xf32>,
    tpu.vector_store_idx %arg8[%broadcast_in_dim3A_1250, %add3A_1248], %gather3A_1251 masked %lt3A_6 : memref<32x512xf32, #tpu.memory_space<vmem>>[vector<16xi32>, vector<16xi32>], vector<16xf32>, vector<16xi1>
    %broadcast_in_dim3A_1252 = arith.constant 1 : i32
    %broadcast_in_dim3A_1253 = vector.broadcast %broadcast_in_dim3A_1252 : i32 to vector<16xi32>
    %gather3A_1254 = tpu.vector_load_idx %arg7[%and3A_4, %broadcast_in_dim3A_1253, %and3A_1245] : memref<8x32x128xf32, #tpu.memory_space<vmem>>[vector<16xi32>, vector<16xi32>, vector<16xi32>], vector<16xf32>,
    tpu.vector_store_idx %arg8[%broadcast_in_dim3A_1253, %add3A_1248], %gather3A_1254 masked %lt3A_6 : memref<32x512xf32, #tpu.memory_space<vmem>>[vector<16xi32>, vector<16xi32>], vector<16xf32>, vector<16xi1>
    %broadcast_in_dim3A_1255 = arith.constant 2 : i32
    %broadcast_in_dim3A_1256 = vector.broadcast %broadcast_in_dim3A_1255 : i32 to vector<16xi32>
    %gather3A_1257 = tpu.vector_load_idx %arg7[%and3A_4, %broadcast_in_dim3A_1256, %and3A_1245] : memref<8x32x128xf32, #tpu.memory_space<vmem>>[vector<16xi32>, vector<16xi32>, vector<16xi32>], vector<16xf32>,
    tpu.vector_store_idx %arg8[%broadcast_in_dim3A_1256, %add3A_1248], %gather3A_1257 masked %lt3A_6 : memref<32x512xf32, #tpu.memory_space<vmem>>[vector<16xi32>, vector<16xi32>], vector<16xf32>, vector<16xi1>
    %broadcast_in_dim3A_1258 = arith.constant 3 : i32
    %broadcast_in_dim3A_1259 = vector.broadcast %broadcast_in_dim3A_1258 : i32 to vector<16xi32>
    %gather3A_1260 = tpu.vector_load_idx %arg7[%and3A_4, %broadcast_in_dim3A_1259, %and3A_1245] : memref<8x32x128xf32, #tpu.memory_space<vmem>>[vector<16xi32>, vector<16xi32>, vector<16xi32>], vector<16xf32>,
    tpu.vector_store_idx %arg8[%broadcast_in_dim3A_1259, %add3A_1248], %gather3A_1260 masked %lt3A_6 : memref<32x512xf32, #tpu.memory_space<vmem>>[vector<16xi32>, vector<16xi32>], vector<16xf32>, vector<16xi1>
    %broadcast_in_dim3A_1261 = arith.constant 4 : i32
    %broadcast_in_dim3A_1262 = vector.broadcast %broadcast_in_dim3A_1261 : i32 to vector<16xi32>
    %gather3A_1263 = tpu.vector_load_idx %arg7[%and3A_4, %broadcast_in_dim3A_1262, %and3A_1245] : memref<8x32x128xf32, #tpu.memory_space<vmem>>[vector<16xi32>, vector<16xi32>, vector<16xi32>], vector<16xf32>,
    tpu.vector_store_idx %arg8[%broadcast_in_dim3A_1262, %add3A_1248], %gather3A_1263 masked %lt3A_6 : memref<32x512xf32, #tpu.memory_space<vmem>>[vector<16xi32>, vector<16xi32>], vector<16xf32>, vector<16xi1>
    %broadcast_in_dim3A_1264 = arith.constant 5 : i32
    %broadcast_in_dim3A_1265 = vector.broadcast %broadcast_in_dim3A_1264 : i32 to vector<16xi32>
    %gather3A_1266 = tpu.vector_load_idx %arg7[%and3A_4, %broadcast_in_dim3A_1265, %and3A_1245] : memref<8x32x128xf32, #tpu.memory_space<vmem>>[vector<16xi32>, vector<16xi32>, vector<16xi32>], vector<16xf32>,
    tpu.vector_store_idx %arg8[%broadcast_in_dim3A_1265, %add3A_1248], %gather3A_1266 masked %lt3A_6 : memref<32x512xf32, #tpu.memory_space<vmem>>[vector<16xi32>, vector<16xi32>], vector<16xf32>, vector<16xi1>
    %broadcast_in_dim3A_1267 = arith.constant 6 : i32
    %broadcast_in_dim3A_1268 = vector.broadcast %broadcast_in_dim3A_1267 : i32 to vector<16xi32>
    %gather3A_1269 = tpu.vector_load_idx %arg7[%and3A_4, %broadcast_in_dim3A_1268, %and3A_1245] : memref<8x32x128xf32, #tpu.memory_space<vmem>>[vector<16xi32>, vector<16xi32>, vector<16xi32>], vector<16xf32>,
    tpu.vector_store_idx %arg8[%broadcast_in_dim3A_1268, %add3A_1248], %gather3A_1269 masked %lt3A_6 : memref<32x512xf32, #tpu.memory_space<vmem>>[vector<16xi32>, vector<16xi32>], vector<16xf32>, vector<16xi1>
    %broadcast_in_dim3A_1270 = arith.constant 7 : i32
    %broadcast_in_dim3A_1271 = vector.broadcast %broadcast_in_dim3A_1270 : i32 to vector<16xi32>
    %gather3A_1272 = tpu.vector_load_idx %arg7[%and3A_4, %broadcast_in_dim3A_1271, %and3A_1245] : memref<8x32x128xf32, #tpu.memory_space<vmem>>[vector<16xi32>, vector<16xi32>, vector<16xi32>], vector<16xf32>,
    tpu.vector_store_idx %arg8[%broadcast_in_dim3A_1271, %add3A_1248], %gather3A_1272 masked %lt3A_6 : memref<32x512xf32, #tpu.memory_space<vmem>>[vector<16xi32>, vector<16xi32>], vector<16xf32>, vector<16xi1>
    %broadcast_in_dim3A_1273 = arith.constant 8 : i32
    %broadcast_in_dim3A_1274 = vector.broadcast %broadcast_in_dim3A_1273 : i32 to vector<16xi32>
    %gather3A_1275 = tpu.vector_load_idx %arg7[%and3A_4, %broadcast_in_dim3A_1274, %and3A_1245] : memref<8x32x128xf32, #tpu.memory_space<vmem>>[vector<16xi32>, vector<16xi32>, vector<16xi32>], vector<16xf32>,
    tpu.vector_store_idx %arg8[%broadcast_in_dim3A_1274, %add3A_1248], %gather3A_1275 masked %lt3A_6 : memref<32x512xf32, #tpu.memory_space<vmem>>[vector<16xi32>, vector<16xi32>], vector<16xf32>, vector<16xi1>
    %broadcast_in_dim3A_1276 = arith.constant 9 : i32
    %broadcast_in_dim3A_1277 = vector.broadcast %broadcast_in_dim3A_1276 : i32 to vector<16xi32>
    %gather3A_1278 = tpu.vector_load_idx %arg7[%and3A_4, %broadcast_in_dim3A_1277, %and3A_1245] : memref<8x32x128xf32, #tpu.memory_space<vmem>>[vector<16xi32>, vector<16xi32>, vector<16xi32>], vector<16xf32>,
    tpu.vector_store_idx %arg8[%broadcast_in_dim3A_1277, %add3A_1248], %gather3A_1278 masked %lt3A_6 : memref<32x512xf32, #tpu.memory_space<vmem>>[vector<16xi32>, vector<16xi32>], vector<16xf32>, vector<16xi1>
    %broadcast_in_dim3A_1279 = arith.constant 10 : i32
    %broadcast_in_dim3A_1280 = vector.broadcast %broadcast_in_dim3A_1279 : i32 to vector<16xi32>
    %gather3A_1281 = tpu.vector_load_idx %arg7[%and3A_4, %broadcast_in_dim3A_1280, %and3A_1245] : memref<8x32x128xf32, #tpu.memory_space<vmem>>[vector<16xi32>, vector<16xi32>, vector<16xi32>], vector<16xf32>,
    tpu.vector_store_idx %arg8[%broadcast_in_dim3A_1280, %add3A_1248], %gather3A_1281 masked %lt3A_6 : memref<32x512xf32, #tpu.memory_space<vmem>>[vector<16xi32>, vector<16xi32>], vector<16xf32>, vector<16xi1>
    %broadcast_in_dim3A_1282 = arith.constant 11 : i32
    %broadcast_in_dim3A_1283 = vector.broadcast %broadcast_in_dim3A_1282 : i32 to vector<16xi32>
    %gather3A_1284 = tpu.vector_load_idx %arg7[%and3A_4, %broadcast_in_dim3A_1283, %and3A_1245] : memref<8x32x128xf32, #tpu.memory_space<vmem>>[vector<16xi32>, vector<16xi32>, vector<16xi32>], vector<16xf32>,
    tpu.vector_store_idx %arg8[%broadcast_in_dim3A_1283, %add3A_1248], %gather3A_1284 masked %lt3A_6 : memref<32x512xf32, #tpu.memory_space<vmem>>[vector<16xi32>, vector<16xi32>], vector<16xf32>, vector<16xi1>
    %broadcast_in_dim3A_1285 = arith.constant 12 : i32
    %broadcast_in_dim3A_1286 = vector.broadcast %broadcast_in_dim3A_1285 : i32 to vector<16xi32>
    %gather3A_1287 = tpu.vector_load_idx %arg7[%and3A_4, %broadcast_in_dim3A_1286, %and3A_1245] : memref<8x32x128xf32, #tpu.memory_space<vmem>>[vector<16xi32>, vector<16xi32>, vector<16xi32>], vector<16xf32>,
    tpu.vector_store_idx %arg8[%broadcast_in_dim3A_1286, %add3A_1248], %gather3A_1287 masked %lt3A_6 : memref<32x512xf32, #tpu.memory_space<vmem>>[vector<16xi32>, vector<16xi32>], vector<16xf32>, vector<16xi1>
    %broadcast_in_dim3A_1288 = arith.constant 13 : i32
    %broadcast_in_dim3A_1289 = vector.broadcast %broadcast_in_dim3A_1288 : i32 to vector<16xi32>
    %gather3A_1290 = tpu.vector_load_idx %arg7[%and3A_4, %broadcast_in_dim3A_1289, %and3A_1245] : memref<8x32x128xf32, #tpu.memory_space<vmem>>[vector<16xi32>, vector<16xi32>, vector<16xi32>], vector<16xf32>,
    tpu.vector_store_idx %arg8[%broadcast_in_dim3A_1289, %add3A_1248], %gather3A_1290 masked %lt3A_6 : memref<32x512xf32, #tpu.memory_space<vmem>>[vector<16xi32>, vector<16xi32>], vector<16xf32>, vector<16xi1>
    %broadcast_in_dim3A_1291 = arith.constant 14 : i32
    %broadcast_in_dim3A_1292 = vector.broadcast %broadcast_in_dim3A_1291 : i32 to vector<16xi32>
    %gather3A_1293 = tpu.vector_load_idx %arg7[%and3A_4, %broadcast_in_dim3A_1292, %and3A_1245] : memref<8x32x128xf32, #tpu.memory_space<vmem>>[vector<16xi32>, vector<16xi32>, vector<16xi32>], vector<16xf32>,
    tpu.vector_store_idx %arg8[%broadcast_in_dim3A_1292, %add3A_1248], %gather3A_1293 masked %lt3A_6 : memref<32x512xf32, #tpu.memory_space<vmem>>[vector<16xi32>, vector<16xi32>], vector<16xf32>, vector<16xi1>
    %broadcast_in_dim3A_1294 = arith.constant 15 : i32
    %broadcast_in_dim3A_1295 = vector.broadcast %broadcast_in_dim3A_1294 : i32 to vector<16xi32>
    %gather3A_1296 = tpu.vector_load_idx %arg7[%and3A_4, %broadcast_in_dim3A_1295, %and3A_1245] : memref<8x32x128xf32, #tpu.memory_space<vmem>>[vector<16xi32>, vector<16xi32>, vector<16xi32>], vector<16xf32>,
    tpu.vector_store_idx %arg8[%broadcast_in_dim3A_1295, %add3A_1248], %gather3A_1296 masked %lt3A_6 : memref<32x512xf32, #tpu.memory_space<vmem>>[vector<16xi32>, vector<16xi32>], vector<16xf32>, vector<16xi1>
    %broadcast_in_dim3A_1297 = arith.constant 16 : i32
    %broadcast_in_dim3A_1298 = vector.broadcast %broadcast_in_dim3A_1297 : i32 to vector<16xi32>
    %gather3A_1299 = tpu.vector_load_idx %arg7[%and3A_4, %broadcast_in_dim3A_1298, %and3A_1245] : memref<8x32x128xf32, #tpu.memory_space<vmem>>[vector<16xi32>, vector<16xi32>, vector<16xi32>], vector<16xf32>,
    tpu.vector_store_idx %arg8[%broadcast_in_dim3A_1298, %add3A_1248], %gather3A_1299 masked %lt3A_6 : memref<32x512xf32, #tpu.memory_space<vmem>>[vector<16xi32>, vector<16xi32>], vector<16xf32>, vector<16xi1>
    %broadcast_in_dim3A_1300 = arith.constant 17 : i32
    %broadcast_in_dim3A_1301 = vector.broadcast %broadcast_in_dim3A_1300 : i32 to vector<16xi32>
    %gather3A_1302 = tpu.vector_load_idx %arg7[%and3A_4, %broadcast_in_dim3A_1301, %and3A_1245] : memref<8x32x128xf32, #tpu.memory_space<vmem>>[vector<16xi32>, vector<16xi32>, vector<16xi32>], vector<16xf32>,
    tpu.vector_store_idx %arg8[%broadcast_in_dim3A_1301, %add3A_1248], %gather3A_1302 masked %lt3A_6 : memref<32x512xf32, #tpu.memory_space<vmem>>[vector<16xi32>, vector<16xi32>], vector<16xf32>, vector<16xi1>
    %broadcast_in_dim3A_1303 = arith.constant 18 : i32
    %broadcast_in_dim3A_1304 = vector.broadcast %broadcast_in_dim3A_1303 : i32 to vector<16xi32>
    %gather3A_1305 = tpu.vector_load_idx %arg7[%and3A_4, %broadcast_in_dim3A_1304, %and3A_1245] : memref<8x32x128xf32, #tpu.memory_space<vmem>>[vector<16xi32>, vector<16xi32>, vector<16xi32>], vector<16xf32>,
    tpu.vector_store_idx %arg8[%broadcast_in_dim3A_1304, %add3A_1248], %gather3A_1305 masked %lt3A_6 : memref<32x512xf32, #tpu.memory_space<vmem>>[vector<16xi32>, vector<16xi32>], vector<16xf32>, vector<16xi1>
    %broadcast_in_dim3A_1306 = arith.constant 19 : i32
    %broadcast_in_dim3A_1307 = vector.broadcast %broadcast_in_dim3A_1306 : i32 to vector<16xi32>
    %gather3A_1308 = tpu.vector_load_idx %arg7[%and3A_4, %broadcast_in_dim3A_1307, %and3A_1245] : memref<8x32x128xf32, #tpu.memory_space<vmem>>[vector<16xi32>, vector<16xi32>, vector<16xi32>], vector<16xf32>,
    tpu.vector_store_idx %arg8[%broadcast_in_dim3A_1307, %add3A_1248], %gather3A_1308 masked %lt3A_6 : memref<32x512xf32, #tpu.memory_space<vmem>>[vector<16xi32>, vector<16xi32>], vector<16xf32>, vector<16xi1>
    %broadcast_in_dim3A_1309 = arith.constant 20 : i32
    %broadcast_in_dim3A_1310 = vector.broadcast %broadcast_in_dim3A_1309 : i32 to vector<16xi32>
    %gather3A_1311 = tpu.vector_load_idx %arg7[%and3A_4, %broadcast_in_dim3A_1310, %and3A_1245] : memref<8x32x128xf32, #tpu.memory_space<vmem>>[vector<16xi32>, vector<16xi32>, vector<16xi32>], vector<16xf32>,
    tpu.vector_store_idx %arg8[%broadcast_in_dim3A_1310, %add3A_1248], %gather3A_1311 masked %lt3A_6 : memref<32x512xf32, #tpu.memory_space<vmem>>[vector<16xi32>, vector<16xi32>], vector<16xf32>, vector<16xi1>
    %broadcast_in_dim3A_1312 = arith.constant 21 : i32
    %broadcast_in_dim3A_1313 = vector.broadcast %broadcast_in_dim3A_1312 : i32 to vector<16xi32>
    %gather3A_1314 = tpu.vector_load_idx %arg7[%and3A_4, %broadcast_in_dim3A_1313, %and3A_1245] : memref<8x32x128xf32, #tpu.memory_space<vmem>>[vector<16xi32>, vector<16xi32>, vector<16xi32>], vector<16xf32>,
    tpu.vector_store_idx %arg8[%broadcast_in_dim3A_1313, %add3A_1248], %gather3A_1314 masked %lt3A_6 : memref<32x512xf32, #tpu.memory_space<vmem>>[vector<16xi32>, vector<16xi32>], vector<16xf32>, vector<16xi1>
    %broadcast_in_dim3A_1315 = arith.constant 22 : i32
    %broadcast_in_dim3A_1316 = vector.broadcast %broadcast_in_dim3A_1315 : i32 to vector<16xi32>
    %gather3A_1317 = tpu.vector_load_idx %arg7[%and3A_4, %broadcast_in_dim3A_1316, %and3A_1245] : memref<8x32x128xf32, #tpu.memory_space<vmem>>[vector<16xi32>, vector<16xi32>, vector<16xi32>], vector<16xf32>,
    tpu.vector_store_idx %arg8[%broadcast_in_dim3A_1316, %add3A_1248], %gather3A_1317 masked %lt3A_6 : memref<32x512xf32, #tpu.memory_space<vmem>>[vector<16xi32>, vector<16xi32>], vector<16xf32>, vector<16xi1>
    %broadcast_in_dim3A_1318 = arith.constant 23 : i32
    %broadcast_in_dim3A_1319 = vector.broadcast %broadcast_in_dim3A_1318 : i32 to vector<16xi32>
    %gather3A_1320 = tpu.vector_load_idx %arg7[%and3A_4, %broadcast_in_dim3A_1319, %and3A_1245] : memref<8x32x128xf32, #tpu.memory_space<vmem>>[vector<16xi32>, vector<16xi32>, vector<16xi32>], vector<16xf32>,
    tpu.vector_store_idx %arg8[%broadcast_in_dim3A_1319, %add3A_1248], %gather3A_1320 masked %lt3A_6 : memref<32x512xf32, #tpu.memory_space<vmem>>[vector<16xi32>, vector<16xi32>], vector<16xf32>, vector<16xi1>
    %broadcast_in_dim3A_1321 = arith.constant 24 : i32
    %broadcast_in_dim3A_1322 = vector.broadcast %broadcast_in_dim3A_1321 : i32 to vector<16xi32>
    %gather3A_1323 = tpu.vector_load_idx %arg7[%and3A_4, %broadcast_in_dim3A_1322, %and3A_1245] : memref<8x32x128xf32, #tpu.memory_space<vmem>>[vector<16xi32>, vector<16xi32>, vector<16xi32>], vector<16xf32>,
    tpu.vector_store_idx %arg8[%broadcast_in_dim3A_1322, %add3A_1248], %gather3A_1323 masked %lt3A_6 : memref<32x512xf32, #tpu.memory_space<vmem>>[vector<16xi32>, vector<16xi32>], vector<16xf32>, vector<16xi1>
    %broadcast_in_dim3A_1324 = arith.constant 25 : i32
    %broadcast_in_dim3A_1325 = vector.broadcast %broadcast_in_dim3A_1324 : i32 to vector<16xi32>
    %gather3A_1326 = tpu.vector_load_idx %arg7[%and3A_4, %broadcast_in_dim3A_1325, %and3A_1245] : memref<8x32x128xf32, #tpu.memory_space<vmem>>[vector<16xi32>, vector<16xi32>, vector<16xi32>], vector<16xf32>,
    tpu.vector_store_idx %arg8[%broadcast_in_dim3A_1325, %add3A_1248], %gather3A_1326 masked %lt3A_6 : memref<32x512xf32, #tpu.memory_space<vmem>>[vector<16xi32>, vector<16xi32>], vector<16xf32>, vector<16xi1>
    %broadcast_in_dim3A_1327 = arith.constant 26 : i32
    %broadcast_in_dim3A_1328 = vector.broadcast %broadcast_in_dim3A_1327 : i32 to vector<16xi32>
    %gather3A_1329 = tpu.vector_load_idx %arg7[%and3A_4, %broadcast_in_dim3A_1328, %and3A_1245] : memref<8x32x128xf32, #tpu.memory_space<vmem>>[vector<16xi32>, vector<16xi32>, vector<16xi32>], vector<16xf32>,
    tpu.vector_store_idx %arg8[%broadcast_in_dim3A_1328, %add3A_1248], %gather3A_1329 masked %lt3A_6 : memref<32x512xf32, #tpu.memory_space<vmem>>[vector<16xi32>, vector<16xi32>], vector<16xf32>, vector<16xi1>
    %broadcast_in_dim3A_1330 = arith.constant 27 : i32
    %broadcast_in_dim3A_1331 = vector.broadcast %broadcast_in_dim3A_1330 : i32 to vector<16xi32>
    %gather3A_1332 = tpu.vector_load_idx %arg7[%and3A_4, %broadcast_in_dim3A_1331, %and3A_1245] : memref<8x32x128xf32, #tpu.memory_space<vmem>>[vector<16xi32>, vector<16xi32>, vector<16xi32>], vector<16xf32>,
    tpu.vector_store_idx %arg8[%broadcast_in_dim3A_1331, %add3A_1248], %gather3A_1332 masked %lt3A_6 : memref<32x512xf32, #tpu.memory_space<vmem>>[vector<16xi32>, vector<16xi32>], vector<16xf32>, vector<16xi1>
    %broadcast_in_dim3A_1333 = arith.constant 28 : i32
    %broadcast_in_dim3A_1334 = vector.broadcast %broadcast_in_dim3A_1333 : i32 to vector<16xi32>
    %gather3A_1335 = tpu.vector_load_idx %arg7[%and3A_4, %broadcast_in_dim3A_1334, %and3A_1245] : memref<8x32x128xf32, #tpu.memory_space<vmem>>[vector<16xi32>, vector<16xi32>, vector<16xi32>], vector<16xf32>,
    tpu.vector_store_idx %arg8[%broadcast_in_dim3A_1334, %add3A_1248], %gather3A_1335 masked %lt3A_6 : memref<32x512xf32, #tpu.memory_space<vmem>>[vector<16xi32>, vector<16xi32>], vector<16xf32>, vector<16xi1>
    %broadcast_in_dim3A_1336 = arith.constant 29 : i32
    %broadcast_in_dim3A_1337 = vector.broadcast %broadcast_in_dim3A_1336 : i32 to vector<16xi32>
    %gather3A_1338 = tpu.vector_load_idx %arg7[%and3A_4, %broadcast_in_dim3A_1337, %and3A_1245] : memref<8x32x128xf32, #tpu.memory_space<vmem>>[vector<16xi32>, vector<16xi32>, vector<16xi32>], vector<16xf32>,
    tpu.vector_store_idx %arg8[%broadcast_in_dim3A_1337, %add3A_1248], %gather3A_1338 masked %lt3A_6 : memref<32x512xf32, #tpu.memory_space<vmem>>[vector<16xi32>, vector<16xi32>], vector<16xf32>, vector<16xi1>
    %broadcast_in_dim3A_1339 = arith.constant 30 : i32
    %broadcast_in_dim3A_1340 = vector.broadcast %broadcast_in_dim3A_1339 : i32 to vector<16xi32>
    %gather3A_1341 = tpu.vector_load_idx %arg7[%and3A_4, %broadcast_in_dim3A_1340, %and3A_1245] : memref<8x32x128xf32, #tpu.memory_space<vmem>>[vector<16xi32>, vector<16xi32>, vector<16xi32>], vector<16xf32>,
    tpu.vector_store_idx %arg8[%broadcast_in_dim3A_1340, %add3A_1248], %gather3A_1341 masked %lt3A_6 : memref<32x512xf32, #tpu.memory_space<vmem>>[vector<16xi32>, vector<16xi32>], vector<16xf32>, vector<16xi1>
    %broadcast_in_dim3A_1342 = arith.constant 31 : i32
    %broadcast_in_dim3A_1343 = vector.broadcast %broadcast_in_dim3A_1342 : i32 to vector<16xi32>
    %gather3A_1344 = tpu.vector_load_idx %arg7[%and3A_4, %broadcast_in_dim3A_1343, %and3A_1245] : memref<8x32x128xf32, #tpu.memory_space<vmem>>[vector<16xi32>, vector<16xi32>, vector<16xi32>], vector<16xf32>,
    tpu.vector_store_idx %arg8[%broadcast_in_dim3A_1343, %add3A_1248], %gather3A_1344 masked %lt3A_6 : memref<32x512xf32, #tpu.memory_space<vmem>>[vector<16xi32>, vector<16xi32>], vector<16xf32>, vector<16xi1>
    "tpu.region"() ({
      %run_scoped3A = tpu.sem_alloc : memref<!tpu.dma_semaphore, #tpu.memory_space<semaphore_mem>>
      %dma_start3A_1345 = arith.constant 0 : i32
      %dma_start3A_1346 = tpu.memref_slice %arg4[%dma_start3A_1345, %mul3A_2] : memref<32x16384xf32, #tpu.memory_space<hbm>> -> memref<32x512xf32, #tpu.memory_space<hbm>>
      %dma_start3A_1347 = arith.constant 0 : i32
      %dma_start3A_1348 = tpu.memref_slice %arg4[%dma_start3A_1347, %mul3A_2] : memref<32x16384xf32, #tpu.memory_space<hbm>> -> memref<32x512xf32, #tpu.memory_space<hbm>>
      tpu.enqueue_dma source(%arg8 : memref<32x512xf32, #tpu.memory_space<vmem>>) target(%dma_start3A_1348 : memref<32x512xf32, #tpu.memory_space<hbm>>) target_semaphore(%run_scoped3A : memref<!tpu.dma_semaphore, #tpu.memory_space<semaphore_mem>>)
      %dma_wait3A_1349 = arith.constant 0 : i32
      %dma_wait3A_1350 = tpu.memref_slice %arg4[%dma_wait3A_1349, %mul3A_2] : memref<32x16384xf32, #tpu.memory_space<hbm>> -> memref<32x512xf32, #tpu.memory_space<hbm>>
      %dma_wait3A_1351 = arith.constant 0 : i32
      %dma_wait3A_1352 = tpu.memref_slice %arg4[%dma_wait3A_1351, %mul3A_2] : memref<32x16384xf32, #tpu.memory_space<hbm>> -> memref<32x512xf32, #tpu.memory_space<hbm>>
      tpu.wait_dma2 semaphore(%run_scoped3A : memref<!tpu.dma_semaphore, #tpu.memory_space<semaphore_mem>>) src(%arg8 : memref<32x512xf32, #tpu.memory_space<vmem>>) dst(%dma_wait3A_1352 : memref<32x512xf32, #tpu.memory_space<hbm>>)
      tpu.yield
    }) : () -> ()
    return
  }
}

</mosaic_0001>

<sc_bundles>
// kernel: kernel.3.cloned.1.call-start
scs
__scs_entry_jumppad:
0x0: {  	(pc) =	sbr.rel $0x88, $3  }
0x1: {  	(tag) =	ssettag $0x0;
	lr =	simm.s32 $0x1  }
0x2: {  	[smem:$0x3F9F] =	sst lr;
	_ =	strace $0xD0000000  }
0x3: {  	_ = 	snop  }
0x4: {  	_ = 	snop  }
0x5: {  	_ = 	snop  }
0x6: {  	_ = 	snop  }
0x7: {  	_ = 	snop  }
__scs_overlays_trampoline_lowered:
0x8: {  	[smem:$0x3FAE] =	sst s0  }
0x9: {  	[smem:$0x3FAF] =	sst s1  }
0xa: {  	[smem:$0x3FB0] =	sst s2  }
0xb: {  	[smem:$0x3FB1] =	sst s3  }
0xc: {  	[smem:$0x3FB2] =	sst s4  }
0xd: {  	[smem:$0x3FB3] =	sst s5  }
0xe: {  	[smem:$0x3FB4] =	sst s6  }
0xf: {  	[smem:$0x3FB5] =	sst s7  }
0x10: {  	[smem:$0x3FB6] =	sst s8  }
0x11: {  	[smem:$0x3FB7] =	sst s9;
	s0 =	simm.s32 @!p0 $0x0  }
0x12: {  	s1 =	sld [smem:$0x3F9D];
	s0 =	simm.s32 @p0 $0x1  }
0x13: {  	[smem:$0x3FB8] =	sst s0;
	s0 =	simm.s32 @!p1 $0x0  }
0x14: {  	s2 =	sld [smem:$0x3F9C];
	s0 =	simm.s32 @p1 $0x1  }
0x15: {  	[smem:$0x3FB9] =	sst s0;
	s0 =	simm.s32 @!p2 $0x0  }
0x16: {  	s3 =	sld [smem:$0x3FDB];
	s0 =	simm.s32 @p2 $0x1  }
0x17: {  	s4 =	simm.s32 $0x1BF5;
	[smem:$0x3FBB] =	sst s0  }
0x18: {  	s0 =	sld [smem:$0x3F9E];
	_ =	swait.ge [sflag:s4], $0x0  }
0x19: {  	s7 =	sld [smem:$0x3F9F]  }
0x1a: {  	s8 =	sadd.s32 $0xFFFFE003, lr  }
0x1b: {  	s9 =	sadd.s32 $0xFFFFFEF7, lr;
	s5 =	simm.s32 $0xFFFFFFFF;
	p2 =	slt.u32 s8, $0xFFFFF086  }
0x1c: {  	p1 =	slt.u32 s9, $0xF7A;
	s5 =	simm.s32 @!p2 $0x0  }
0x1d: {  	s5 =	simm.s32 @p1 $0x1;
	p0 =	seq.s32 s7, s2  }
0x1e: {  	s7 =	smul.u32 @!p0 $0xF7A, s2;
	p2 =	seq.s32 @!p0 s5, $0x0  }
0x1f: {  	s9 =	smul.u32 $0xF7A, s1;
	s8 =	simm.s32 @!p0 $0x1BF5;
	p2 =	por !p2, p0  }
0x20: {  	[sflag:s8] =	ssyncset.s32 @!p0 $0xFFFFF086;
	s6 =	sadd.s32 @!p0 s3, s7;
	s7 =	simm.s32 @!p0 $0x108  }
0x21: {  	s3 =	sadd.s32 s3, s9;
	s6 =	sadd.s32 @!p0 $0x88, s6;
	s7 =	simm.s32 @p2 $0x1082  }
0x22: {  	[simem:s7], [sflag:s8] =	dma.local @!p0 [hbm:s6], $0xF7A  }
0x23: {  	s9 =	sor.u32 $0xD0000000, s2;
	s6 =	simm.s32 $0x108;
	_ =	swait.ge @!p0 [sflag:s8], $0x0  }
0x24: {  	s3 =	sadd.s32 $0x88, s3;
	s6 =	simm.s32 @!p1 $0x1082;
	[sflag:s4] =	ssyncset.s32 $0xFFFFF086  }
0x25: {  	[simem:s6], [sflag:s4] =	dma.local [hbm:s3], $0xF7A  }
0x26: {  	[smem:$0x3F9F] =	sst s1;
	(tag) =	ssettag s2;
	_ =	strace s9  }
0x27: {  	s1 =	sld [smem:$0x3FAF]  }
0x28: {  	s2 =	sld [smem:$0x3FB0]  }
0x29: {  	s4 =	sld [smem:$0x3FB2]  }
0x2a: {  	p0 =	seq.s32 s5, $0x0;
	s5 =	sld [smem:$0x3FB3]  }
0x2b: {  	s6 =	sld [smem:$0x3FB4]  }
0x2c: {  	s7 =	sld [smem:$0x3FB5]  }
0x2d: {  	s3 =	simm.s32 $0x108;
	s8 =	sld [smem:$0x3FB6]  }
0x2e: {  	s3 =	simm.s32 @!p0 $0x1082;
	s9 =	sld [smem:$0x3FB7]  }
0x2f: {  	lr =	sadd.s32 s0, s3;
	s0 =	sld [smem:$0x3FAE]  }
0x30: {  	s3 =	sld [smem:$0x3FB1]  }
0x31: {  	[smem:$0x3FBA] =	sst s10  }
0x32: {  	s10 =	sld [smem:$0x3FB8];
	_ =	sdelay $0x3  }
0x33: {  	p0 =	seq.s32 s10, $0x1;
	s10 =	sld [smem:$0x3FBA];
	_ =	sdelay $0x3  }
0x34: {  	[smem:$0x3FBA] =	sst s10  }
0x35: {  	s10 =	sld [smem:$0x3FB9];
	_ =	sdelay $0x3  }
0x36: {  	p1 =	seq.s32 s10, $0x1;
	s10 =	sld [smem:$0x3FBA];
	_ =	sdelay $0x3  }
0x37: {  	[smem:$0x3FBA] =	sst s10  }
0x38: {  	s10 =	sld [smem:$0x3FBB]  }
0x39: {  	_ = 	snop;
	(pc) =	sbr.ind lr, $3  }
0x3a: {  	_ = 	snop  }
0x3b: {  	_ = 	snop  }
0x3c: {  	p2 =	seq.s32 s10, $0x1;
	s10 =	sld [smem:$0x3FBA]  }
0x3d: {  	_ =	shalt  }
0x3e: {  	_ =	shalt  }
0x3f: {  	_ =	shalt  }
0x40: {  	_ =	shalt  }
0x41: {  	_ =	shalt  }
0x42: {  	_ =	shalt  }
0x43: {  	_ =	shalt  }
0x44: {  	_ =	shalt  }
0x45: {  	_ =	shalt  }
0x46: {  	_ =	shalt  }
0x47: {  	_ =	shalt  }
0x48: {  	_ =	shalt  }
0x49: {  	_ =	shalt  }
0x4a: {  	_ =	shalt  }
0x4b: {  	_ =	shalt  }
0x4c: {  	_ =	shalt  }
0x4d: {  	_ =	shalt  }
0x4e: {  	_ =	shalt  }
0x4f: {  	_ =	shalt  }
0x50: {  	_ =	shalt  }
0x51: {  	_ =	shalt  }
0x52: {  	_ =	shalt  }
0x53: {  	_ =	shalt  }
0x54: {  	_ =	shalt  }
0x55: {  	_ =	shalt  }
0x56: {  	_ =	shalt  }
0x57: {  	_ =	shalt  }
0x58: {  	_ =	shalt  }
0x59: {  	_ =	shalt  }
0x5a: {  	_ =	shalt  }
0x5b: {  	_ =	shalt  }
0x5c: {  	_ =	shalt  }
0x5d: {  	_ =	shalt  }
0x5e: {  	_ =	shalt  }
0x5f: {  	_ =	shalt  }
0x60: {  	_ =	shalt  }
0x61: {  	_ =	shalt  }
0x62: {  	_ =	shalt  }
0x63: {  	_ =	shalt  }
0x64: {  	_ =	shalt  }
0x65: {  	_ =	shalt  }
0x66: {  	_ =	shalt  }
0x67: {  	_ =	shalt  }
0x68: {  	_ =	shalt  }
0x69: {  	_ =	shalt  }
0x6a: {  	_ =	shalt  }
0x6b: {  	_ =	shalt  }
0x6c: {  	_ =	shalt  }
0x6d: {  	_ =	shalt  }
0x6e: {  	_ =	shalt  }
0x6f: {  	_ =	shalt  }
0x70: {  	_ =	shalt  }
0x71: {  	_ =	shalt  }
0x72: {  	_ =	shalt  }
0x73: {  	_ =	shalt  }
0x74: {  	_ =	shalt  }
0x75: {  	_ =	shalt  }
0x76: {  	_ =	shalt  }
0x77: {  	_ =	shalt  }
0x78: {  	_ =	shalt  }
0x79: {  	_ =	shalt  }
0x7a: {  	_ =	shalt  }
0x7b: {  	_ =	shalt  }
0x7c: {  	_ =	shalt  }
0x7d: {  	_ =	shalt  }
0x7e: {  	_ =	shalt  }
0x7f: {  	_ =	shalt  }
0x80: {  	_ =	shalt  }
0x81: {  	_ =	shalt  }
0x82: {  	_ =	shalt  }
0x83: {  	_ =	shalt  }
0x84: {  	_ =	shalt  }
0x85: {  	_ =	shalt  }
0x86: {  	_ =	shalt  }
0x87: {  	_ =	shalt  }
.Lfunc_end0:
.L_simem_size_0:
called_computation_lowered:
.L_overlay_start_0:
0x88: {  	s2 =	sld [smem:$0x3FD9]  }
0x89: {  	s3 =	sld [smem:$0x3FFE];
	_ =	sdelay $0x1  }
0x8a: {  	s1 =	srdreg.scid  }
0x8b: {  	s0 =	sand.u32 $0x1, s1  }
0x8c: {  	s18 =	sshll.u32 s0, $0xA;
	s2 =	sadd.s32 s3, s2  }
0x8d: {  	s2 =	sadd.s32 s2, s18  }
0x8e: {  	[smem:$0x3FC6] =	sst s2  }
0x8f: {  	_ = 	snop  }
0x90: {  	s2 =	sld [smem:$0x3FC9]  }
0x91: {  	s19 =	sld [smem:$0x3FC8]  }
0x92: {  	s4 =	sld [smem:$0x3FD0];
	(tm) =	ssettm $0x1  }
0x93: {  	s5 =	sld [smem:$0x3FFB];
	_ =	sdelay $0x3  }
0x94: {  	_ =	strace s5  }
0x95: {  	s5 =	sld [smem:$0x3FFC];
	_ =	sdelay $0x3  }
0x96: {  	_ =	strace s5  }
0x97: {  	s5 =	sld [smem:$0x3FFD];
	_ =	sdelay $0x3  }
0x98: {  	_ =	strace s5  }
0x99: {  	_ =	strace $0x8FFFFFFF  }
0x9a: {  	s20 =	sld [smem:$0x3FDB];
	_ =	sdelay $0x1  }
0x9b: {  	s6 =	simm.s32 $_scs_section_size  }
0x9c: {  	s7 =	simm.s32 $_size__tile_overlayer_lowered;
	s8 =	simm.s32 $_tile_overlayer_lowered  }
0x9d: {  	s23 =	simm.s32 $0x1BFF;
	s22 =	sshll.u32 s8, $0x1;
	s5 =	sadd.s32 s6, s20  }
0x9e: {  	s9 =	simm.s32 $0x0;
	s21 =	sshll.u32 s7, $0x1;
	s7 =	sadd.s32 s22, s5  }
0x9f: {  	[timem:s9], [sflag:s23] =	dma.local [hbm:s7], s21  }
0xa0: {  	_ =	swait.ge [sflag:s23], s21  }
0xa1: {  	s6 =	ssub.s32 $0x0, s21;
	[sflag:s23] =	ssyncset.done $0x0  }
0xa2: {  	[sflag:s23] =	ssyncadd.s32 s6;
	_ =	sdelay $0x1  }
0xa3: {  	s24 =	simm.s32 $0x1B8B  }
0xa4: {  	_ =	swait.ge [sflag:s24], $0x1  }
0xa5: {  	[sflag:s24] =	ssyncset.done $0x0  }
0xa6: {  	s25 =	simm.s32 $0x1B8E;
	[sflag:s24] =	ssyncadd.s32 $0xFFFFFFFF  }
0xa7: {  	s26 =	simm.s32 $execute0_lowered;
	[smem:$0x3FD2] =	sst s25  }
0xa8: {  	s6 =	sshll.u32 s26, $0x1;
	_ =	strace $0x80000046;
	[dreg:$0x1] =	wrdreg $0xFFFFFFFF  }
0xa9: {  	s28 =	simm.s32 $_size_execute0_lowered;
	s5 =	sadd.s32 s5, s6;
	[dreg:$0x0] =	wrdreg $0x0  }
0xaa: {  	s6 =	sshll.u32 s28, $0x1;
	[dreg:$0x2] =	wrdreg s5  }
0xab: {  	[dreg:$0x3] =	wrdreg s6  }
0xac: {  	[dreg:$0x4] =	wrdreg $0xC0  }
0xad: {  	_ =	task [dreg:s9], $0x5FFFF  }
0xae: {  	[dreg:$0x1] =	wrdreg $0xFFFFFFFF  }
0xaf: {  	[dreg:$0x0] =	wrdreg $0x60  }
0xb0: {  	[dreg:$0x2] =	wrdreg s2  }
0xb1: {  	[dreg:$0x3] =	wrdreg s19  }
0xb2: {  	[dreg:$0x4] =	wrdreg s4  }
0xb3: {  	[dreg:$0x5] =	wrdreg $0x9  }
0xb4: {  	_ =	task.clear_ibuf [dreg:s9], $0x6FFFF;
	_ =	strace $0x90000046  }
0xb5: {  	s29 =	simm.s32 $0x9;
	_ =	strace $0x80000048  }
0xb6: {  	_ =	swait.ge [sflag:s29], $0x1  }
0xb7: {  	[sflag:s29] =	ssyncadd.s32 $0xFFFFFFFF  }
0xb8: {  	_ =	strace $0x90000048  }
0xb9: {  	_ =	sfence  }
0xba: {  	s30 =	sld [smem:$0x0];
	_ =	sdelay $0x2  }
0xbb: {  	s31 =	sshll.u32 s1, $0xD;
	s1 =	sshrl.u32 s1, $0x2  }
0xbc: {  	s3 =	sand.u32 $0x4000, s31;
	s1 =	sadd.s32 s1, s30  }
0xbd: {  	s0 =	sor.u32 s3, s0;
	s1 =	sshll.u32 s1, $0x11  }
0xbe: {  	s0 =	sor.u32 s1, s0  }
0xbf: {  	s0 =	sadd.s32 $0x8F2B, s0  }
0xc0: {  	[sflag:s0] =	ssyncadd.remote.s32 $0x1  }
0xc1: {  	_ =	sfence.sel $0xFFFF  }
0xc2: {  	[dreg:$0x0] =	wrdreg $0xFFFFFFFF;
	(pc) =	sbr.abs _section_cstart, $3  }
0xc3: {  	[dreg:$0x1] =	wrdreg $0xFFFFFFFF  }
0xc4: {  	_ =	task.clear_ibuf [dreg:s9], $0x2FFFF;
	_ =	strace $0x9FFFFFFF  }
0xc5: {  	(tm) =	ssettm $0x7FFFFFFF  }
tec
execute0_lowered:
.L_overlay_start_1:
0x0: {  	(tag) =	ssettag $0x1  }
0x1: {  	v0 =	vlaneseq.u32  }
0x2: {  	v31 =	vimm.s32 $0x1007;
	vm14 =	vcmask $0x300;
	vm13 =	vcmask $0x704  }
0x3: {  	v32 =	vimm.s32 $0x1087;
	vm12 =	vcmask $0xB08;
	vm11 =	vcmask $0xF0C  }
0x4: {  	vm10 =	vcmask $0x1310;
	vm9 =	vcmask $0x1714;
	vm8 =	vcmask $0x1B18  }
0x5: {  	vm7 =	vcmask $0x1F1C;
	vm6 =	vcmask $0x2320;
	vm5 =	vcmask $0x2724  }
0x6: {  	vm4 =	vcmask $0x2B28;
	vm3 =	vcmask $0x2F2C;
	vm2 =	vcmask $0x3330  }
0x7: {  	vm1 =	vcmask $0x3734;
	vm0 =	vcmask $0x3B38;
	v43 =	vimm.s32 $0x1107  }
0x8: {  	v44 =	vimm.s32 $0x1187;
	v34 =	vimm.s32 $0x1207;
	v47 =	vimm.s32 $0x1287  }
0x9: {  	v48 =	vimm.s32 $0x1307;
	v49 =	vimm.s32 $0x1387;
	v52 =	vimm.s32 $0x2007  }
0xa: {  	v53 =	vimm.s32 $0x2087;
	v54 =	vimm.s32 $0x2107;
	v57 =	vimm.s32 $0x2187  }
0xb: {  	v58 =	vimm.s32 $0x2207;
	v59 =	vimm.s32 $0x2287;
	v62 =	vimm.s32 $0x2307  }
0xc: {  	v63 =	vimm.s32 $0x2387;
	v36 =	vimm.s32 $0x3007;
	v39 =	vimm.s32 $0x3087  }
0xd: {  	v40 =	vimm.s32 $0x3107;
	v41 =	vimm.s32 $0x3187;
	v1 =	vand.u32 $0x7, v0  }
0xe: {  	v31 =	vsel vm14, $0xC78, v31;
	v32 =	vsel vm14, $0xCF8, v32;
	v34 =	vsel vm14, $0xE78, v34  }
0xf: {  	v35 =	vor.u32 $0xD70, v0;
	v1 =	vmul.u32 $0x1000, v1;
	v31 =	vsel vm13, $0xC79, v31  }
0x10: {  	v32 =	vsel vm13, $0xCF9, v32;
	v34 =	vsel vm13, $0xE79, v34;
	v31 =	vsel vm12, $0xC7A, v31  }
0x11: {  	v32 =	vsel vm12, $0xCFA, v32;
	v34 =	vsel vm12, $0xE7A, v34;
	v2 =	vor.u32 $0x80, v1  }
0x12: {  	v3 =	vor.u32 $0x100, v1;
	v4 =	vor.u32 $0x180, v1;
	v5 =	vor.u32 $0x200, v1  }
0x13: {  	v6 =	vor.u32 $0x280, v1;
	v7 =	vor.u32 $0x300, v1;
	v8 =	vor.u32 $0x380, v1  }
0x14: {  	v9 =	vor.u32 $0x400, v1;
	v10 =	vor.u32 $0x480, v1;
	v11 =	vor.u32 $0x500, v1  }
0x15: {  	v12 =	vor.u32 $0x580, v1;
	v13 =	vor.u32 $0x600, v1;
	v14 =	vor.u32 $0x680, v1  }
0x16: {  	v15 =	vor.u32 $0x700, v1;
	v16 =	vor.u32 $0x780, v1;
	v17 =	vor.u32 $0x800, v1  }
0x17: {  	v18 =	vor.u32 $0x880, v1;
	v19 =	vor.u32 $0x900, v1;
	v20 =	vor.u32 $0x980, v1  }
0x18: {  	v21 =	vor.u32 $0xA00, v1;
	v22 =	vor.u32 $0xA80, v1;
	v23 =	vor.u32 $0xB00, v1  }
0x19: {  	v24 =	vor.u32 $0xB80, v1;
	v25 =	vor.u32 $0xC00, v1;
	v32 =	vsel vm11, $0xCFB, v32  }
0x1a: {  	v26 =	vor.u32 $0xC80, v1;
	v27 =	vor.u32 $0xD00, v1;
	v32 =	vsel vm10, $0xCFC, v32  }
0x1b: {  	v28 =	vor.u32 $0xD80, v1;
	v29 =	vor.u32 $0xE00, v1;
	v32 =	vsel vm9, $0xCFD, v32  }
0x1c: {  	v30 =	vor.u32 $0xE80, v1;
	v31 =	vsel vm11, $0xC7B, v31;
	v32 =	vsel vm8, $0xCFE, v32  }
0x1d: {  	v34 =	vsel vm11, $0xE7B, v34;
	v31 =	vsel vm10, $0xC7C, v31;
	v32 =	vsel vm7, $0xCFF, v32  }
0x1e: {  	v34 =	vsel vm10, $0xE7C, v34;
	v31 =	vsel vm9, $0xC7D, v31;
	v32 =	vsel vm6, $0x1080, v32  }
0x1f: {  	v34 =	vsel vm9, $0xE7D, v34;
	v31 =	vsel vm8, $0xC7E, v31;
	v32 =	vsel vm5, $0x1081, v32  }
0x20: {  	v34 =	vsel vm8, $0xE7E, v34;
	v31 =	vsel vm7, $0xC7F, v31;
	v32 =	vsel vm4, $0x1082, v32  }
0x21: {  	v34 =	vsel vm7, $0xE7F, v34;
	v31 =	vsel vm6, $0x1000, v31;
	v32 =	vsel vm3, $0x1083, v32  }
0x22: {  	v34 =	vsel vm6, $0x1200, v34;
	v31 =	vsel vm5, $0x1001, v31;
	v32 =	vsel vm2, $0x1084, v32  }
0x23: {  	v34 =	vsel vm5, $0x1201, v34;
	v31 =	vsel vm4, $0x1002, v31;
	v32 =	vsel vm1, $0x1085, v32  }
0x24: {  	v34 =	vsel vm4, $0x1202, v34;
	v31 =	vsel vm3, $0x1003, v31;
	v32 =	vsel vm0, $0x1086, v32  }
0x25: {  	v34 =	vsel vm3, $0x1203, v34;
	v31 =	vsel vm2, $0x1004, v31;
	[tilespmem:$0x1FE60] =	vst v32;
	v32 =	vsel vm14, $0xD78, v43  }
0x26: {  	v34 =	vsel vm2, $0x1204, v34;
	v33 =	vsel vm1, $0x1005, v31;
	v32 =	vsel vm13, $0xD79, v32  }
0x27: {  	v31 =	vor.u32 $0xF00, v1;
	v46 =	vsel vm1, $0x1205, v34;
	v32 =	vsel vm12, $0xD7A, v32  }
0x28: {  	v34 =	vsel vm14, $0xFF8, v49;
	v49 =	vimm.s32 $0x3387;
	v32 =	vsel vm11, $0xD7B, v32  }
0x29: {  	v33 =	vsel vm0, $0x1006, v33;
	v34 =	vsel vm13, $0xFF9, v34;
	v32 =	vsel vm10, $0xD7C, v32  }
0x2a: {  	[tilespmem:$0x1FE50] =	vst v33;
	v33 =	vsel vm14, $0xDF8, v44;
	v34 =	vsel vm12, $0xFFA, v34;
	v32 =	vsel vm9, $0xD7D, v32  }
0x2b: {  	v44 =	vimm.s32 $0x3207;
	v33 =	vsel vm13, $0xDF9, v33;
	v32 =	vsel vm8, $0xD7E, v32  }
0x2c: {  	v34 =	vsel vm11, $0xFFB, v34;
	v33 =	vsel vm12, $0xDFA, v33;
	v32 =	vsel vm7, $0xD7F, v32  }
0x2d: {  	v34 =	vsel vm10, $0xFFC, v34;
	v33 =	vsel vm11, $0xDFB, v33;
	v32 =	vsel vm6, $0x1100, v32  }
0x2e: {  	v34 =	vsel vm9, $0xFFD, v34;
	v33 =	vsel vm10, $0xDFC, v33;
	v32 =	vsel vm5, $0x1101, v32  }
0x2f: {  	v34 =	vsel vm8, $0xFFE, v34;
	v33 =	vsel vm9, $0xDFD, v33;
	v32 =	vsel vm4, $0x1102, v32  }
0x30: {  	v34 =	vsel vm7, $0xFFF, v34;
	v33 =	vsel vm8, $0xDFE, v33;
	v32 =	vsel vm3, $0x1103, v32  }
0x31: {  	v34 =	vsel vm6, $0x1380, v34;
	v33 =	vsel vm7, $0xDFF, v33;
	v32 =	vsel vm2, $0x1104, v32  }
0x32: {  	v34 =	vsel vm5, $0x1381, v34;
	v33 =	vsel vm6, $0x1180, v33;
	v32 =	vsel vm1, $0x1105, v32  }
0x33: {  	v34 =	vsel vm4, $0x1382, v34;
	v33 =	vsel vm5, $0x1181, v33;
	v32 =	vsel vm0, $0x1106, v32  }
0x34: {  	v34 =	vsel vm3, $0x1383, v34;
	v33 =	vsel vm4, $0x1182, v33;
	[tilespmem:$0x1FE70] =	vst v32;
	v32 =	vsel vm0, $0x1206, v46  }
0x35: {  	v34 =	vsel vm2, $0x1384, v34;
	v33 =	vsel vm3, $0x1183, v33;
	[tilespmem:$0x1FE90] =	vst v32;
	v32 =	vsel vm14, $0xEF8, v47  }
0x36: {  	v51 =	vsel vm1, $0x1385, v34;
	v34 =	vsel vm14, $0x1D78, v54;
	v32 =	vsel vm13, $0xEF9, v32  }
0x37: {  	v54 =	vimm.s32 $0x4107;
	v33 =	vsel vm2, $0x1184, v33;
	v32 =	vsel vm12, $0xEFA, v32  }
0x38: {  	v34 =	vsel vm13, $0x1D79, v34;
	v33 =	vsel vm1, $0x1185, v33;
	v32 =	vsel vm11, $0xEFB, v32  }
0x39: {  	v34 =	vsel vm12, $0x1D7A, v34;
	v45 =	vsel vm0, $0x1186, v33;
	v32 =	vsel vm10, $0xEFC, v32  }
0x3a: {  	v33 =	vsel vm14, $0xF78, v48;
	v34 =	vsel vm11, $0x1D7B, v34;
	v32 =	vsel vm9, $0xEFD, v32  }
0x3b: {  	v33 =	vsel vm13, $0xF79, v33;
	v34 =	vsel vm10, $0x1D7C, v34;
	v32 =	vsel vm8, $0xEFE, v32  }
0x3c: {  	[tilespmem:$0x1FE80] =	vst v45;
	v45 =	vimm.s32 $0x3287;
	v46 =	vimm.s32 $0x3307;
	v32 =	vsel vm7, $0xEFF, v32  }
0x3d: {  	v33 =	vsel vm12, $0xF7A, v33;
	v34 =	vsel vm9, $0x1D7D, v34;
	v32 =	vsel vm6, $0x1280, v32  }
0x3e: {  	v33 =	vsel vm11, $0xF7B, v33;
	v34 =	vsel vm8, $0x1D7E, v34;
	v32 =	vsel vm5, $0x1281, v32  }
0x3f: {  	v33 =	vsel vm10, $0xF7C, v33;
	v34 =	vsel vm7, $0x1D7F, v34;
	v32 =	vsel vm4, $0x1282, v32  }
0x40: {  	v33 =	vsel vm9, $0xF7D, v33;
	v34 =	vsel vm6, $0x2100, v34;
	v32 =	vsel vm3, $0x1283, v32  }
0x41: {  	v33 =	vsel vm8, $0xF7E, v33;
	v34 =	vsel vm5, $0x2101, v34;
	v32 =	vsel vm2, $0x1284, v32  }
0x42: {  	v33 =	vsel vm7, $0xF7F, v33;
	v34 =	vsel vm4, $0x2102, v34;
	v32 =	vsel vm1, $0x1285, v32  }
0x43: {  	v33 =	vsel vm6, $0x1300, v33;
	v34 =	vsel vm3, $0x2103, v34;
	v32 =	vsel vm0, $0x1286, v32  }
0x44: {  	v33 =	vsel vm5, $0x1301, v33;
	v34 =	vsel vm2, $0x2104, v34;
	[tilespmem:$0x1FEA0] =	vst v32;
	v32 =	vsel vm0, $0x1386, v51  }
0x45: {  	v33 =	vsel vm4, $0x1302, v33;
	v56 =	vsel vm1, $0x2105, v34;
	[tilespmem:$0x1FEC0] =	vst v32;
	v32 =	vsel vm14, $0x1C78, v52  }
0x46: {  	v34 =	vsel vm14, $0x1EF8, v59;
	v33 =	vsel vm3, $0x1303, v33;
	v32 =	vsel vm13, $0x1C79, v32  }
0x47: {  	v34 =	vsel vm13, $0x1EF9, v34;
	v33 =	vsel vm2, $0x1304, v33;
	v32 =	vsel vm12, $0x1C7A, v32  }
0x48: {  	v34 =	vsel vm12, $0x1EFA, v34;
	v33 =	vsel vm1, $0x1305, v33;
	v32 =	vsel vm11, $0x1C7B, v32  }
0x49: {  	v34 =	vsel vm11, $0x1EFB, v34;
	v50 =	vsel vm0, $0x1306, v33;
	v32 =	vsel vm10, $0x1C7C, v32  }
0x4a: {  	v33 =	vsel vm14, $0x1CF8, v53;
	v34 =	vsel vm10, $0x1EFC, v34;
	v32 =	vsel vm9, $0x1C7D, v32  }
0x4b: {  	v33 =	vsel vm13, $0x1CF9, v33;
	v34 =	vsel vm9, $0x1EFD, v34;
	v32 =	vsel vm8, $0x1C7E, v32  }
0x4c: {  	[tilespmem:$0x1FEB0] =	vst v50;
	v50 =	vimm.s32 $0x4007;
	v33 =	vsel vm12, $0x1CFA, v33;
	v32 =	vsel vm7, $0x1C7F, v32  }
0x4d: {  	v34 =	vsel vm8, $0x1EFE, v34;
	v33 =	vsel vm11, $0x1CFB, v33;
	v32 =	vsel vm6, $0x2000, v32  }
0x4e: {  	v34 =	vsel vm7, $0x1EFF, v34;
	v51 =	vimm.s32 $0x4087;
	v32 =	vsel vm5, $0x2001, v32  }
0x4f: {  	v33 =	vsel vm10, $0x1CFC, v33;
	v34 =	vsel vm6, $0x2280, v34;
	v32 =	vsel vm4, $0x2002, v32  }
0x50: {  	v33 =	vsel vm9, $0x1CFD, v33;
	v34 =	vsel vm5, $0x2281, v34;
	v32 =	vsel vm3, $0x2003, v32  }
0x51: {  	v33 =	vsel vm8, $0x1CFE, v33;
	v34 =	vsel vm4, $0x2282, v34;
	v32 =	vsel vm2, $0x2004, v32  }
0x52: {  	v33 =	vsel vm7, $0x1CFF, v33;
	v34 =	vsel vm3, $0x2283, v34;
	v32 =	vsel vm1, $0x2005, v32  }
0x53: {  	v33 =	vsel vm6, $0x2080, v33;
	v34 =	vsel vm2, $0x2284, v34;
	v32 =	vsel vm0, $0x2006, v32  }
0x54: {  	v33 =	vsel vm5, $0x2081, v33;
	v61 =	vsel vm1, $0x2285, v34;
	[tilespmem:$0x1FED0] =	vst v32;
	v32 =	vsel vm0, $0x2106, v56  }
0x55: {  	v34 =	vsel vm14, $0x2C78, v36;
	v36 =	vor.u32 $0xDF0, v0;
	[tilespmem:$0x1FEF0] =	vst v32;
	v32 =	vsel vm14, $0x1DF8, v57  }
0x56: {  	v33 =	vsel vm4, $0x2082, v33;
	v34 =	vsel vm13, $0x2C79, v34;
	v32 =	vsel vm13, $0x1DF9, v32  }
0x57: {  	v33 =	vsel vm3, $0x2083, v33;
	v34 =	vsel vm12, $0x2C7A, v34;
	v32 =	vsel vm12, $0x1DFA, v32  }
0x58: {  	v33 =	vsel vm2, $0x2084, v33;
	v34 =	vsel vm11, $0x2C7B, v34;
	v32 =	vsel vm11, $0x1DFB, v32  }
0x59: {  	v33 =	vsel vm1, $0x2085, v33;
	v34 =	vsel vm10, $0x2C7C, v34;
	v32 =	vsel vm10, $0x1DFC, v32  }
0x5a: {  	v55 =	vsel vm0, $0x2086, v33;
	v33 =	vsel vm14, $0x1E78, v58;
	v32 =	vsel vm9, $0x1DFD, v32  }
0x5b: {  	v34 =	vsel vm9, $0x2C7D, v34;
	v58 =	vimm.s32 $0x4287;
	v32 =	vsel vm8, $0x1DFE, v32  }
0x5c: {  	v33 =	vsel vm13, $0x1E79, v33;
	v34 =	vsel vm8, $0x2C7E, v34;
	v32 =	vsel vm7, $0x1DFF, v32  }
0x5d: {  	[tilespmem:$0x1FEE0] =	vst v55;
	v55 =	vimm.s32 $0x4187;
	v33 =	vsel vm12, $0x1E7A, v33;
	v32 =	vsel vm6, $0x2180, v32  }
0x5e: {  	v34 =	vsel vm7, $0x2C7F, v34;
	v33 =	vsel vm11, $0x1E7B, v33;
	v32 =	vsel vm5, $0x2181, v32  }
0x5f: {  	v34 =	vsel vm6, $0x3000, v34;
	v33 =	vsel vm10, $0x1E7C, v33;
	v32 =	vsel vm4, $0x2182, v32  }
0x60: {  	v34 =	vsel vm5, $0x3001, v34;
	v33 =	vsel vm9, $0x1E7D, v33;
	v32 =	vsel vm3, $0x2183, v32  }
0x61: {  	v34 =	vsel vm4, $0x3002, v34;
	v56 =	vimm.s32 $0x4207;
	v32 =	vsel vm2, $0x2184, v32  }
0x62: {  	v33 =	vsel vm8, $0x1E7E, v33;
	v34 =	vsel vm3, $0x3003, v34;
	v32 =	vsel vm1, $0x2185, v32  }
0x63: {  	v33 =	vsel vm7, $0x1E7F, v33;
	v34 =	vsel vm2, $0x3004, v34;
	v32 =	vsel vm0, $0x2186, v32  }
0x64: {  	v33 =	vsel vm6, $0x2200, v33;
	v38 =	vsel vm1, $0x3005, v34;
	[tilespmem:$0x1FF00] =	vst v32;
	v32 =	vsel vm0, $0x2286, v61  }
0x65: {  	v34 =	vsel vm14, $0x2DF8, v41;
	v41 =	vor.u32 $0x1C70, v0;
	[tilespmem:$0x1FF20] =	vst v32;
	v32 =	vsel vm14, $0x1F78, v62  }
0x66: {  	v33 =	vsel vm5, $0x2201, v33;
	v34 =	vsel vm13, $0x2DF9, v34;
	v32 =	vsel vm13, $0x1F79, v32  }
0x67: {  	v33 =	vsel vm4, $0x2202, v33;
	v34 =	vsel vm12, $0x2DFA, v34;
	v32 =	vsel vm12, $0x1F7A, v32  }
0x68: {  	v33 =	vsel vm3, $0x2203, v33;
	v34 =	vsel vm11, $0x2DFB, v34;
	v32 =	vsel vm11, $0x1F7B, v32  }
0x69: {  	v33 =	vsel vm2, $0x2204, v33;
	v34 =	vsel vm10, $0x2DFC, v34;
	v32 =	vsel vm10, $0x1F7C, v32  }
0x6a: {  	v33 =	vsel vm1, $0x2205, v33;
	v34 =	vsel vm9, $0x2DFD, v34;
	v32 =	vsel vm9, $0x1F7D, v32  }
0x6b: {  	v60 =	vsel vm0, $0x2206, v33;
	v33 =	vsel vm14, $0x1FF8, v63;
	v32 =	vsel vm8, $0x1F7E, v32  }
0x6c: {  	v34 =	vsel vm8, $0x2DFE, v34;
	v33 =	vsel vm13, $0x1FF9, v33;
	v32 =	vsel vm7, $0x1F7F, v32  }
0x6d: {  	v34 =	vsel vm7, $0x2DFF, v34;
	v33 =	vsel vm12, $0x1FFA, v33;
	v32 =	vsel vm6, $0x2300, v32  }
0x6e: {  	v34 =	vsel vm6, $0x3180, v34;
	v33 =	vsel vm11, $0x1FFB, v33;
	v32 =	vsel vm5, $0x2301, v32  }
0x6f: {  	v34 =	vsel vm5, $0x3181, v34;
	v33 =	vsel vm10, $0x1FFC, v33;
	v32 =	vsel vm4, $0x2302, v32  }
0x70: {  	v34 =	vsel vm4, $0x3182, v34;
	v33 =	vsel vm9, $0x1FFD, v33;
	v32 =	vsel vm3, $0x2303, v32  }
0x71: {  	v34 =	vsel vm3, $0x3183, v34;
	v33 =	vsel vm8, $0x1FFE, v33;
	v32 =	vsel vm2, $0x2304, v32  }
0x72: {  	v34 =	vsel vm2, $0x3184, v34;
	v33 =	vsel vm7, $0x1FFF, v33;
	v32 =	vsel vm1, $0x2305, v32  }
0x73: {  	v43 =	vsel vm1, $0x3185, v34;
	v34 =	vsel vm14, $0x2F78, v46;
	v32 =	vsel vm0, $0x2306, v32  }
0x74: {  	v61 =	vimm.s32 $0x4307;
	v46 =	vor.u32 $0x1EF0, v0;
	[tilespmem:$0x1FF30] =	vst v32;
	v32 =	vsel vm0, $0x3006, v38  }
0x75: {  	v33 =	vsel vm6, $0x2380, v33;
	v34 =	vsel vm13, $0x2F79, v34;
	[tilespmem:$0x1FF50] =	vst v32;
	v32 =	vsel vm14, $0x2CF8, v39  }
0x76: {  	v62 =	vimm.s32 $0x4387;
	v33 =	vsel vm5, $0x2381, v33;
	v32 =	vsel vm13, $0x2CF9, v32  }
0x77: {  	v34 =	vsel vm12, $0x2F7A, v34;
	v33 =	vsel vm4, $0x2382, v33;
	v32 =	vsel vm12, $0x2CFA, v32  }
0x78: {  	v34 =	vsel vm11, $0x2F7B, v34;
	v33 =	vsel vm3, $0x2383, v33;
	v32 =	vsel vm11, $0x2CFB, v32  }
0x79: {  	v34 =	vsel vm10, $0x2F7C, v34;
	v33 =	vsel vm2, $0x2384, v33;
	v32 =	vsel vm10, $0x2CFC, v32  }
0x7a: {  	v34 =	vsel vm9, $0x2F7D, v34;
	v33 =	vsel vm1, $0x2385, v33;
	v32 =	vsel vm9, $0x2CFD, v32  }
0x7b: {  	v37 =	vsel vm0, $0x2386, v33;
	v33 =	vsel vm14, $0x2D78, v40;
	v32 =	vsel vm8, $0x2CFE, v32  }
0x7c: {  	v34 =	vsel vm8, $0x2F7E, v34;
	v33 =	vsel vm13, $0x2D79, v33;
	v32 =	vsel vm7, $0x2CFF, v32  }
0x7d: {  	v34 =	vsel vm7, $0x2F7F, v34;
	v33 =	vsel vm12, $0x2D7A, v33;
	v32 =	vsel vm6, $0x3080, v32  }
0x7e: {  	v40 =	vor.u32 $0xFF0, v0;
	v33 =	vsel vm11, $0x2D7B, v33;
	v32 =	vsel vm5, $0x3081, v32  }
0x7f: {  	v34 =	vsel vm6, $0x3300, v34;
	v33 =	vsel vm10, $0x2D7C, v33;
	v32 =	vsel vm4, $0x3082, v32  }
0x80: {  	[tilespmem:$0x1FF40] =	vst v37;
	v37 =	vor.u32 $0xE70, v0;
	v33 =	vsel vm9, $0x2D7D, v33;
	v32 =	vsel vm3, $0x3083, v32  }
0x81: {  	v34 =	vsel vm5, $0x3301, v34;
	v33 =	vsel vm8, $0x2D7E, v33;
	v32 =	vsel vm2, $0x3084, v32  }
0x82: {  	v34 =	vsel vm4, $0x3302, v34;
	v33 =	vsel vm7, $0x2D7F, v33;
	v32 =	vsel vm1, $0x3085, v32  }
0x83: {  	v34 =	vsel vm3, $0x3303, v34;
	v33 =	vsel vm6, $0x3100, v33;
	v32 =	vsel vm0, $0x3086, v32  }
0x84: {  	v34 =	vsel vm2, $0x3304, v34;
	v33 =	vsel vm5, $0x3101, v33;
	[tilespmem:$0x1FF60] =	vst v32;
	v32 =	vsel vm0, $0x3186, v43  }
0x85: {  	v48 =	vsel vm1, $0x3305, v34;
	v33 =	vsel vm4, $0x3102, v33;
	[tilespmem:$0x1FF80] =	vst v32;
	v32 =	vsel vm14, $0x2E78, v44  }
0x86: {  	v34 =	vsel vm14, $0x3CF8, v51;
	v33 =	vsel vm3, $0x3103, v33;
	v32 =	vsel vm13, $0x2E79, v32  }
0x87: {  	v51 =	vor.u32 $0x2D70, v0;
	v33 =	vsel vm2, $0x3104, v33;
	v32 =	vsel vm12, $0x2E7A, v32  }
0x88: {  	v34 =	vsel vm13, $0x3CF9, v34;
	v33 =	vsel vm1, $0x3105, v33;
	v32 =	vsel vm11, $0x2E7B, v32  }
0x89: {  	v42 =	vsel vm0, $0x3106, v33;
	v33 =	vsel vm14, $0x2EF8, v45;
	v32 =	vsel vm10, $0x2E7C, v32  }
0x8a: {  	v34 =	vsel vm12, $0x3CFA, v34;
	v33 =	vsel vm13, $0x2EF9, v33;
	v32 =	vsel vm9, $0x2E7D, v32  }
0x8b: {  	v34 =	vsel vm11, $0x3CFB, v34;
	v33 =	vsel vm12, $0x2EFA, v33;
	v32 =	vsel vm8, $0x2E7E, v32  }
0x8c: {  	v38 =	vor.u32 $0xEF0, v0;
	v33 =	vsel vm11, $0x2EFB, v33;
	v32 =	vsel vm7, $0x2E7F, v32  }
0x8d: {  	v34 =	vsel vm10, $0x3CFC, v34;
	v33 =	vsel vm10, $0x2EFC, v33;
	v32 =	vsel vm6, $0x3200, v32  }
0x8e: {  	v39 =	vor.u32 $0xF70, v0;
	v33 =	vsel vm9, $0x2EFD, v33;
	v32 =	vsel vm5, $0x3201, v32  }
0x8f: {  	v34 =	vsel vm9, $0x3CFD, v34;
	v33 =	vsel vm8, $0x2EFE, v33;
	v32 =	vsel vm4, $0x3202, v32  }
0x90: {  	v34 =	vsel vm8, $0x3CFE, v34;
	v33 =	vsel vm7, $0x2EFF, v33;
	v32 =	vsel vm3, $0x3203, v32  }
0x91: {  	v34 =	vsel vm7, $0x3CFF, v34;
	v33 =	vsel vm6, $0x3280, v33;
	v32 =	vsel vm2, $0x3204, v32  }
0x92: {  	v34 =	vsel vm6, $0x4080, v34;
	v33 =	vsel vm5, $0x3281, v33;
	v32 =	vsel vm1, $0x3205, v32  }
0x93: {  	v45 =	vor.u32 $0x1E70, v0;
	[tilespmem:$0x1FF70] =	vst v42;
	v33 =	vsel vm4, $0x3282, v33;
	v32 =	vsel vm0, $0x3206, v32  }
0x94: {  	v34 =	vsel vm5, $0x4081, v34;
	v33 =	vsel vm3, $0x3283, v33;
	[tilespmem:$0x1FF90] =	vst v32;
	v32 =	vsel vm0, $0x3306, v48  }
0x95: {  	v42 =	vor.u32 $0x1CF0, v0;
	v33 =	vsel vm2, $0x3284, v33;
	[tilespmem:$0x1FFB0] =	vst v32;
	v32 =	vsel vm14, $0x2FF8, v49  }
0x96: {  	v34 =	vsel vm4, $0x4082, v34;
	v33 =	vsel vm1, $0x3285, v33;
	v32 =	vsel vm13, $0x2FF9, v32  }
0x97: {  	v47 =	vsel vm0, $0x3286, v33;
	v33 =	vsel vm14, $0x3C78, v50;
	v32 =	vsel vm12, $0x2FFA, v32  }
0x98: {  	v34 =	vsel vm3, $0x4083, v34;
	v33 =	vsel vm13, $0x3C79, v33;
	v32 =	vsel vm11, $0x2FFB, v32  }
0x99: {  	v34 =	vsel vm2, $0x4084, v34;
	v33 =	vsel vm12, $0x3C7A, v33;
	v32 =	vsel vm10, $0x2FFC, v32  }
0x9a: {  	v53 =	vsel vm1, $0x4085, v34;
	v33 =	vsel vm11, $0x3C7B, v33;
	v32 =	vsel vm9, $0x2FFD, v32  }
0x9b: {  	v34 =	vsel vm14, $0x3E78, v56;
	v33 =	vsel vm10, $0x3C7C, v33;
	v32 =	vsel vm8, $0x2FFE, v32  }
0x9c: {  	v34 =	vsel vm13, $0x3E79, v34;
	v33 =	vsel vm9, $0x3C7D, v33;
	v32 =	vsel vm7, $0x2FFF, v32  }
0x9d: {  	v34 =	vsel vm12, $0x3E7A, v34;
	v33 =	vsel vm8, $0x3C7E, v33;
	v32 =	vsel vm6, $0x3380, v32  }
0x9e: {  	v34 =	vsel vm11, $0x3E7B, v34;
	v33 =	vsel vm7, $0x3C7F, v33;
	v32 =	vsel vm5, $0x3381, v32  }
0x9f: {  	v34 =	vsel vm10, $0x3E7C, v34;
	v33 =	vsel vm6, $0x4000, v33;
	v32 =	vsel vm4, $0x3382, v32  }
0xa0: {  	v34 =	vsel vm9, $0x3E7D, v34;
	v33 =	vsel vm5, $0x4001, v33;
	v32 =	vsel vm3, $0x3383, v32  }
0xa1: {  	v34 =	vsel vm8, $0x3E7E, v34;
	v33 =	vsel vm4, $0x4002, v33;
	v32 =	vsel vm2, $0x3384, v32  }
0xa2: {  	v43 =	vor.u32 $0x1D70, v0;
	v33 =	vsel vm3, $0x4003, v33;
	v32 =	vsel vm1, $0x3385, v32  }
0xa3: {  	v34 =	vsel vm7, $0x3E7F, v34;
	v33 =	vsel vm2, $0x4004, v33;
	v32 =	vsel vm0, $0x3386, v32  }
0xa4: {  	v44 =	vor.u32 $0x1DF0, v0;
	v33 =	vsel vm1, $0x4005, v33;
	[tilespmem:$0x1FFC0] =	vst v32;
	v32 =	vsel vm0, $0x4086, v53  }
0xa5: {  	v52 =	vsel vm0, $0x4006, v33;
	v33 =	vsel vm14, $0x3DF8, v55;
	[tilespmem:$0x1FFE0] =	vst v32;
	v32 =	vsel vm14, $0x3D78, v54  }
0xa6: {  	v34 =	vsel vm6, $0x4200, v34;
	v33 =	vsel vm13, $0x3DF9, v33;
	v32 =	vsel vm13, $0x3D79, v32  }
0xa7: {  	v34 =	vsel vm5, $0x4201, v34;
	v33 =	vsel vm12, $0x3DFA, v33;
	v32 =	vsel vm12, $0x3D7A, v32  }
0xa8: {  	v50 =	vor.u32 $0x2CF0, v0;
	v33 =	vsel vm11, $0x3DFB, v33;
	v32 =	vsel vm11, $0x3D7B, v32  }
0xa9: {  	v34 =	vsel vm4, $0x4202, v34;
	v33 =	vsel vm10, $0x3DFC, v33;
	v32 =	vsel vm10, $0x3D7C, v32  }
0xaa: {  	[tilespmem:$0x1FFA0] =	vst v47;
	v47 =	vor.u32 $0x1F70, v0;
	v33 =	vsel vm9, $0x3DFD, v33;
	v32 =	vsel vm9, $0x3D7D, v32  }
0xab: {  	v34 =	vsel vm3, $0x4203, v34;
	v33 =	vsel vm8, $0x3DFE, v33;
	v32 =	vsel vm8, $0x3D7E, v32  }
0xac: {  	v34 =	vsel vm2, $0x4204, v34;
	v33 =	vsel vm7, $0x3DFF, v33;
	v32 =	vsel vm7, $0x3D7F, v32  }
0xad: {  	v57 =	vsel vm1, $0x4205, v34;
	v33 =	vsel vm6, $0x4180, v33;
	v32 =	vsel vm6, $0x4100, v32  }
0xae: {  	v34 =	vsel vm14, $0x3FF8, v62;
	v33 =	vsel vm5, $0x4181, v33;
	v32 =	vsel vm5, $0x4101, v32  }
0xaf: {  	[tilespmem:$0x1FF10] =	vst v60;
	v60 =	vsel vm0, $0x4206, v57;
	v33 =	vsel vm4, $0x4182, v33;
	v32 =	vsel vm4, $0x4102, v32  }
0xb0: {  	v34 =	vsel vm13, $0x3FF9, v34;
	v33 =	vsel vm3, $0x4183, v33;
	v32 =	vsel vm3, $0x4103, v32  }
0xb1: {  	s1 =	rddreg [dreg:$0x0];
	s3 =	srdreg.scid;
	v34 =	vsel vm12, $0x3FFA, v34;
	v33 =	vsel vm2, $0x4184, v33;
	v32 =	vsel vm2, $0x4104, v32  }
0xb2: {  	s0 =	rddreg [dreg:$0x1];
	s4 =	sand.u32 $0x1, s3;
	s3 =	simm.s32 $0x0;
	v34 =	vsel vm11, $0x3FFB, v34;
	v33 =	vsel vm1, $0x4185, v33;
	v32 =	vsel vm1, $0x4105, v32  }
0xb3: {  	[smem:$0x7FF] =	sst s3;
	[tilespmem:$0x1FFD0] =	vst v52;
	v59 =	vsel vm0, $0x4186, v33;
	v33 =	vsel vm14, $0x3F78, v61;
	v32 =	vsel vm0, $0x4106, v32  }
0xb4: {  	s2 =	rddreg [dreg:$0x2];
	v34 =	vsel vm10, $0x3FFC, v34;
	v33 =	vsel vm13, $0x3F79, v33;
	_ =	strace $0x80000047;
	[tilespmem:$0x1FFF0] =	vst v32;
	v32 =	vsel vm14, $0x3EF8, v58  }
0xb5: {  	v34 =	vsel vm9, $0x3FFD, v34;
	v33 =	vsel vm12, $0x3F7A, v33;
	v32 =	vsel vm13, $0x3EF9, v32  }
0xb6: {  	s5 =	stileid.u32;
	s11 =	simm.s32 $0x280;
	s18 =	simm.s32 $0x8280;
	v34 =	vsel vm8, $0x3FFE, v34;
	v33 =	vsel vm11, $0x3F7B, v33;
	v32 =	vsel vm12, $0x3EFA, v32  }
0xb7: {  	s28 =	simm.s32 $0x10280;
	s29 =	simm.s32 $0x2;
	s21 =	simm.s32 $0xC280;
	v34 =	vsel vm7, $0x3FFF, v34;
	v33 =	vsel vm10, $0x3F7C, v33;
	v32 =	vsel vm11, $0x3EFB, v32  }
0xb8: {  	s22 =	simm.s32 $0xC680;
	s23 =	simm.s32 $0xCA80;
	s24 =	simm.s32 $0xCE80;
	v34 =	vsel vm6, $0x4380, v34;
	v33 =	vsel vm9, $0x3F7D, v33;
	v32 =	vsel vm10, $0x3EFC, v32  }
0xb9: {  	s25 =	simm.s32 $0xD280;
	s9 =	simm.s32 $0xDE80;
	s10 =	simm.s32 $0xE280;
	v34 =	vsel vm5, $0x4381, v34;
	v33 =	vsel vm8, $0x3F7E, v33;
	v32 =	vsel vm9, $0x3EFD, v32  }
0xba: {  	s12 =	simm.s32 $0xE680;
	s13 =	simm.s32 $0xEA80;
	s14 =	simm.s32 $0xEE80;
	v48 =	vor.u32 $0x1FF0, v0;
	v33 =	vsel vm7, $0x3F7F, v33;
	v32 =	vsel vm8, $0x3EFE, v32  }
0xbb: {  	s15 =	simm.s32 $0xF280;
	s16 =	simm.s32 $0xF680;
	s17 =	simm.s32 $0xFA80;
	v34 =	vsel vm4, $0x4382, v34;
	v33 =	vsel vm6, $0x4300, v33;
	v32 =	vsel vm7, $0x3EFF, v32  }
0xbc: {  	s19 =	simm.s32 $0xFE80;
	s5 =	sshll.u32 s5, $0xA;
	s6 =	sshll.u32 s4, $0x9;
	v49 =	vor.u32 $0x2C70, v0;
	v33 =	vsel vm5, $0x4301, v33;
	v32 =	vsel vm6, $0x4280, v32  }
0xbd: {  	s7 =	sadd.s32 $0x2DC780, s0;
	s4 =	ssub.s32 $0x2, s4;
	s8 =	sor.u32 s6, s5;
	v34 =	vsel vm3, $0x4383, v34;
	v33 =	vsel vm4, $0x4302, v33;
	v32 =	vsel vm5, $0x4281, v32  }
0xbe: {  	s26 =	sshrl.u32 s4, $0x1;
	s5 =	sadd.s32 $0x1E8500, s0;
	s6 =	sshrl.u32 s8, $0x3;
	v34 =	vsel vm2, $0x4384, v34;
	v33 =	vsel vm3, $0x4303, v33;
	v32 =	vsel vm4, $0x4282, v32  }
0xbf: {  	s4 =	ssub.s32 s4, s26;
	s30 =	sadd.s32 s2, s8;
	s1 =	sadd.s32 s1, s6;
	v63 =	vsel vm1, $0x4385, v34;
	v33 =	vsel vm2, $0x4304, v33;
	v32 =	vsel vm3, $0x4283, v32  }
0xc0: {  	s2 =	simm.s32 $0x3;
	s26 =	simm.s32 $0x1;
	v34 =	vor.u32 $0xCF0, v0;
	[dreg:$0x4] =	wrdreg s1;
	v33 =	vsel vm1, $0x4305, v33;
	v32 =	vsel vm2, $0x4284, v32  }
0xc1: {  	s8 =	simm.s32 $0xDA80;
	s31 =	smax.u32 s4, $0x1;
	v63 =	vsel vm0, $0x4386, v63;
	[dreg:$0x5] =	wrdreg s30;
	v62 =	vsel vm0, $0x4306, v33;
	v32 =	vsel vm1, $0x4285, v32  }
0xc2: {  	s6 =	sadd.s32 $0xF4280, s0;
	s4 =	simm.s32 $0x0;
	[dreg:$0x6] =	wrdreg s31;
	v33 =	vor.u32 $0xC70, v0;
	v61 =	vsel vm0, $0x4286, v32;
	v32 =	vor.u32 $0xF80, v1  }
.LBB2_1:
0xc3: {  	[dreg:$0x7] =	wrdreg s4  }
0xc4: {  	s1 =	rddreg [dreg:$0x4]  }
0xc5: {  	[tilespmem:s3], [sflag:$0x3] =	stream.linear.gather [hbm4b:s1+s3], $0x200, $0x38;
	[tilespmem:$0x14280] =	vst v63  }
0xc6: {  	_ =	swait.ge [sflag:s2], $0x200  }
0xc7: {  	[sflag:s2] =	ssyncset.done $0x0  }
0xc8: {  	[sflag:s2] =	ssyncadd.s32 $0xFFFFFE00  }
0xc9: {  	v52 =	vld [tilespmem:$0x0];
	_ =	sdelay $0x4  }
0xca: {  	v52 =	vand.u32 $0xFFFFFF80, v52  }
0xcb: {  	(v2sf) =	vpush v52, $0x0;
	_ =	sdelay $0x8  }
0xcc: {  	(v2sf) =	vpush v52, $0x1;
	_ =	sdelay $0x5  }
0xcd: {  	s30 =	spop (v2sf)  }
0xce: {  	s31 =	sadd.s32 s0, s30  }
0xcf: {  	[tilespmem:s11], [sflag:$0x1] =	stream.linear.gather [hbm4b:s31+s3], $0x400, $0x38;
	[tilespmem:$0x14280] =	vst v63  }
0xd0: {  	s20 =	simm.s32 $0x680;
	(v2sf) =	vpush v52, $0x2;
	s31 =	sadd.s32 s30, s6  }
0xd1: {  	[tilespmem:s20], [sflag:$0x1] =	stream.linear.gather [hbm4b:s31+s3], $0x400, $0x38;
	[tilespmem:$0x14280] =	vst v63  }
0xd2: {  	s2 =	simm.s32 $0xA80;
	s31 =	sadd.s32 s30, s5  }
0xd3: {  	[tilespmem:s2], [sflag:$0x1] =	stream.linear.gather [hbm4b:s31+s3], $0x400, $0x38;
	[tilespmem:$0x14280] =	vst v63  }
0xd4: {  	s4 =	simm.s32 $0xE80;
	s30 =	sadd.s32 s30, s7  }
0xd5: {  	[tilespmem:s4], [sflag:$0x1] =	stream.linear.gather [hbm4b:s30+s3], $0x400, $0x38;
	[tilespmem:$0x14280] =	vst v63  }
0xd6: {  	s30 =	spop (v2sf)  }
0xd7: {  	s20 =	simm.s32 $0x1280;
	s31 =	sadd.s32 s0, s30  }
0xd8: {  	[tilespmem:s20], [sflag:$0x1] =	stream.linear.gather [hbm4b:s31+s3], $0x400, $0x38;
	[tilespmem:$0x14280] =	vst v63  }
0xd9: {  	s2 =	simm.s32 $0x1680;
	(v2sf) =	vpush v52, $0x3;
	s31 =	sadd.s32 s30, s6  }
0xda: {  	[tilespmem:s2], [sflag:$0x1] =	stream.linear.gather [hbm4b:s31+s3], $0x400, $0x38;
	[tilespmem:$0x14280] =	vst v63  }
0xdb: {  	s4 =	simm.s32 $0x1A80;
	s31 =	sadd.s32 s30, s5  }
0xdc: {  	[tilespmem:s4], [sflag:$0x1] =	stream.linear.gather [hbm4b:s31+s3], $0x400, $0x38;
	[tilespmem:$0x14280] =	vst v63  }
0xdd: {  	s20 =	simm.s32 $0x1E80;
	s30 =	sadd.s32 s30, s7  }
0xde: {  	[tilespmem:s20], [sflag:$0x1] =	stream.linear.gather [hbm4b:s30+s3], $0x400, $0x38;
	[tilespmem:$0x14280] =	vst v63  }
0xdf: {  	s30 =	spop (v2sf)  }
0xe0: {  	s2 =	simm.s32 $0x2280;
	s31 =	sadd.s32 s0, s30  }
0xe1: {  	[tilespmem:s2], [sflag:$0x1] =	stream.linear.gather [hbm4b:s31+s3], $0x400, $0x38;
	[tilespmem:$0x14280] =	vst v63  }
0xe2: {  	s4 =	simm.s32 $0x2680;
	(v2sf) =	vpush v52, $0x4;
	s31 =	sadd.s32 s30, s6  }
0xe3: {  	[tilespmem:s4], [sflag:$0x1] =	stream.linear.gather [hbm4b:s31+s3], $0x400, $0x38;
	[tilespmem:$0x14280] =	vst v63  }
0xe4: {  	s20 =	simm.s32 $0x2A80;
	s31 =	sadd.s32 s30, s5  }
0xe5: {  	[tilespmem:s20], [sflag:$0x1] =	stream.linear.gather [hbm4b:s31+s3], $0x400, $0x38;
	[tilespmem:$0x14280] =	vst v63  }
0xe6: {  	s2 =	simm.s32 $0x2E80;
	s30 =	sadd.s32 s30, s7  }
0xe7: {  	[tilespmem:s2], [sflag:$0x1] =	stream.linear.gather [hbm4b:s30+s3], $0x400, $0x38;
	[tilespmem:$0x14280] =	vst v63  }
0xe8: {  	s30 =	spop (v2sf)  }
0xe9: {  	s4 =	simm.s32 $0x3280;
	s31 =	sadd.s32 s0, s30  }
0xea: {  	[tilespmem:s4], [sflag:$0x1] =	stream.linear.gather [hbm4b:s31+s3], $0x400, $0x38;
	[tilespmem:$0x14280] =	vst v63  }
0xeb: {  	s20 =	simm.s32 $0x3680;
	(v2sf) =	vpush v52, $0x5;
	s31 =	sadd.s32 s30, s6  }
0xec: {  	[tilespmem:s20], [sflag:$0x1] =	stream.linear.gather [hbm4b:s31+s3], $0x400, $0x38;
	[tilespmem:$0x14280] =	vst v63  }
0xed: {  	s2 =	simm.s32 $0x3A80;
	s31 =	sadd.s32 s30, s5  }
0xee: {  	[tilespmem:s2], [sflag:$0x1] =	stream.linear.gather [hbm4b:s31+s3], $0x400, $0x38;
	[tilespmem:$0x14280] =	vst v63  }
0xef: {  	s4 =	simm.s32 $0x3E80;
	s30 =	sadd.s32 s30, s7  }
0xf0: {  	[tilespmem:s4], [sflag:$0x1] =	stream.linear.gather [hbm4b:s30+s3], $0x400, $0x38;
	[tilespmem:$0x14280] =	vst v63  }
0xf1: {  	s30 =	spop (v2sf)  }
0xf2: {  	s20 =	simm.s32 $0x4280;
	s31 =	sadd.s32 s0, s30  }
0xf3: {  	[tilespmem:s20], [sflag:$0x1] =	stream.linear.gather [hbm4b:s31+s3], $0x400, $0x38;
	[tilespmem:$0x14280] =	vst v63  }
0xf4: {  	s2 =	simm.s32 $0x4680;
	(v2sf) =	vpush v52, $0x6;
	s31 =	sadd.s32 s30, s6  }
0xf5: {  	[tilespmem:s2], [sflag:$0x1] =	stream.linear.gather [hbm4b:s31+s3], $0x400, $0x38;
	[tilespmem:$0x14280] =	vst v63  }
0xf6: {  	s4 =	simm.s32 $0x4A80;
	s31 =	sadd.s32 s30, s5  }
0xf7: {  	[tilespmem:s4], [sflag:$0x1] =	stream.linear.gather [hbm4b:s31+s3], $0x400, $0x38;
	[tilespmem:$0x14280] =	vst v63  }
0xf8: {  	s20 =	simm.s32 $0x4E80;
	s30 =	sadd.s32 s30, s7  }
0xf9: {  	[tilespmem:s20], [sflag:$0x1] =	stream.linear.gather [hbm4b:s30+s3], $0x400, $0x38;
	[tilespmem:$0x14280] =	vst v63  }
0xfa: {  	s30 =	spop (v2sf)  }
0xfb: {  	s2 =	simm.s32 $0x5280;
	s31 =	sadd.s32 s0, s30  }
0xfc: {  	[tilespmem:s2], [sflag:$0x1] =	stream.linear.gather [hbm4b:s31+s3], $0x400, $0x38;
	[tilespmem:$0x14280] =	vst v63  }
0xfd: {  	s4 =	simm.s32 $0x5680;
	(v2sf) =	vpush v52, $0x7;
	s31 =	sadd.s32 s30, s6  }
0xfe: {  	[tilespmem:s4], [sflag:$0x1] =	stream.linear.gather [hbm4b:s31+s3], $0x400, $0x38;
	[tilespmem:$0x14280] =	vst v63  }
0xff: {  	s20 =	simm.s32 $0x5A80;
	s31 =	sadd.s32 s30, s5  }
0x100: {  	[tilespmem:s20], [sflag:$0x1] =	stream.linear.gather [hbm4b:s31+s3], $0x400, $0x38;
	[tilespmem:$0x14280] =	vst v63  }
0x101: {  	s2 =	simm.s32 $0x5E80;
	s30 =	sadd.s32 s30, s7  }
0x102: {  	[tilespmem:s2], [sflag:$0x1] =	stream.linear.gather [hbm4b:s30+s3], $0x400, $0x38;
	[tilespmem:$0x14280] =	vst v63  }
0x103: {  	s30 =	spop (v2sf)  }
0x104: {  	s4 =	simm.s32 $0x6280;
	s31 =	sadd.s32 s0, s30  }
0x105: {  	[tilespmem:s4], [sflag:$0x1] =	stream.linear.gather [hbm4b:s31+s3], $0x400, $0x38;
	[tilespmem:$0x14280] =	vst v63  }
0x106: {  	s20 =	simm.s32 $0x6680;
	s31 =	sadd.s32 s30, s6  }
0x107: {  	[tilespmem:s20], [sflag:$0x1] =	stream.linear.gather [hbm4b:s31+s3], $0x400, $0x38;
	[tilespmem:$0x14280] =	vst v63  }
0x108: {  	s2 =	simm.s32 $0x6A80;
	s31 =	sadd.s32 s30, s5  }
0x109: {  	[tilespmem:s2], [sflag:$0x1] =	stream.linear.gather [hbm4b:s31+s3], $0x400, $0x38;
	[tilespmem:$0x14280] =	vst v63  }
0x10a: {  	s4 =	simm.s32 $0x6E80;
	s30 =	sadd.s32 s30, s7  }
0x10b: {  	[tilespmem:s4], [sflag:$0x1] =	stream.linear.gather [hbm4b:s30+s3], $0x400, $0x38;
	[tilespmem:$0x14280] =	vst v63  }
0x10c: {  	s30 =	spop (v2sf)  }
0x10d: {  	s20 =	simm.s32 $0x7280;
	s31 =	sadd.s32 s0, s30  }
0x10e: {  	[tilespmem:s20], [sflag:$0x1] =	stream.linear.gather [hbm4b:s31+s3], $0x400, $0x38;
	[tilespmem:$0x14280] =	vst v63  }
0x10f: {  	s2 =	simm.s32 $0x7680;
	s31 =	sadd.s32 s30, s6  }
0x110: {  	[tilespmem:s2], [sflag:$0x1] =	stream.linear.gather [hbm4b:s31+s3], $0x400, $0x38;
	[tilespmem:$0x14280] =	vst v63  }
0x111: {  	s4 =	simm.s32 $0x7A80;
	s31 =	sadd.s32 s30, s5  }
0x112: {  	[tilespmem:s4], [sflag:$0x1] =	stream.linear.gather [hbm4b:s31+s3], $0x400, $0x38;
	[tilespmem:$0x14280] =	vst v63  }
0x113: {  	s20 =	simm.s32 $0x7E80;
	s30 =	sadd.s32 s30, s7  }
0x114: {  	[tilespmem:s20], [sflag:$0x1] =	stream.linear.gather [hbm4b:s30+s3], $0x400, $0x38;
	[tilespmem:$0x14280] =	vst v63  }
0x115: {  	v58 =	vld [tilespmem:$0x8];
	_ =	sdelay $0x4  }
0x116: {  	v52 =	vand.u32 $0xFFFFFF80, v58  }
0x117: {  	(v2sf) =	vpush v52, $0x0;
	_ =	sdelay $0x8  }
0x118: {  	(v2sf) =	vpush v52, $0x1;
	_ =	sdelay $0x5  }
0x119: {  	s30 =	spop (v2sf)  }
0x11a: {  	s31 =	sadd.s32 s0, s30  }
0x11b: {  	[tilespmem:s18], [sflag:$0x2] =	stream.linear.gather [hbm4b:s31+s3], $0x400, $0x38;
	[tilespmem:$0x14280] =	vst v63  }
0x11c: {  	s2 =	simm.s32 $0x8680;
	(v2sf) =	vpush v52, $0x2;
	s31 =	sadd.s32 s30, s6  }
0x11d: {  	[tilespmem:s2], [sflag:$0x2] =	stream.linear.gather [hbm4b:s31+s3], $0x400, $0x38;
	[tilespmem:$0x14280] =	vst v63  }
0x11e: {  	s4 =	simm.s32 $0x8A80;
	s31 =	sadd.s32 s30, s5  }
0x11f: {  	[tilespmem:s4], [sflag:$0x2] =	stream.linear.gather [hbm4b:s31+s3], $0x400, $0x38;
	[tilespmem:$0x14280] =	vst v63  }
0x120: {  	s20 =	simm.s32 $0x8E80;
	s30 =	sadd.s32 s30, s7  }
0x121: {  	[tilespmem:s20], [sflag:$0x2] =	stream.linear.gather [hbm4b:s30+s3], $0x400, $0x38;
	[tilespmem:$0x14280] =	vst v63  }
0x122: {  	s30 =	spop (v2sf)  }
0x123: {  	s2 =	simm.s32 $0x9280;
	s31 =	sadd.s32 s0, s30  }
0x124: {  	[tilespmem:s2], [sflag:$0x2] =	stream.linear.gather [hbm4b:s31+s3], $0x400, $0x38;
	[tilespmem:$0x14280] =	vst v63  }
0x125: {  	s4 =	simm.s32 $0x9680;
	(v2sf) =	vpush v52, $0x3;
	s31 =	sadd.s32 s30, s6  }
0x126: {  	[tilespmem:s4], [sflag:$0x2] =	stream.linear.gather [hbm4b:s31+s3], $0x400, $0x38;
	[tilespmem:$0x14280] =	vst v63  }
0x127: {  	s20 =	simm.s32 $0x9A80;
	s31 =	sadd.s32 s30, s5  }
0x128: {  	[tilespmem:s20], [sflag:$0x2] =	stream.linear.gather [hbm4b:s31+s3], $0x400, $0x38;
	[tilespmem:$0x14280] =	vst v63  }
0x129: {  	s2 =	simm.s32 $0x9E80;
	s30 =	sadd.s32 s30, s7  }
0x12a: {  	[tilespmem:s2], [sflag:$0x2] =	stream.linear.gather [hbm4b:s30+s3], $0x400, $0x38;
	[tilespmem:$0x14280] =	vst v63  }
0x12b: {  	s30 =	spop (v2sf)  }
0x12c: {  	s4 =	simm.s32 $0xA280;
	s31 =	sadd.s32 s0, s30  }
0x12d: {  	[tilespmem:s4], [sflag:$0x2] =	stream.linear.gather [hbm4b:s31+s3], $0x400, $0x38;
	[tilespmem:$0x14280] =	vst v63  }
0x12e: {  	s20 =	simm.s32 $0xA680;
	(v2sf) =	vpush v52, $0x4;
	s31 =	sadd.s32 s30, s6  }
0x12f: {  	[tilespmem:s20], [sflag:$0x2] =	stream.linear.gather [hbm4b:s31+s3], $0x400, $0x38;
	[tilespmem:$0x14280] =	vst v63  }
0x130: {  	s2 =	simm.s32 $0xAA80;
	s31 =	sadd.s32 s30, s5  }
0x131: {  	[tilespmem:s2], [sflag:$0x2] =	stream.linear.gather [hbm4b:s31+s3], $0x400, $0x38;
	[tilespmem:$0x14280] =	vst v63  }
0x132: {  	s4 =	simm.s32 $0xAE80;
	s30 =	sadd.s32 s30, s7  }
0x133: {  	[tilespmem:s4], [sflag:$0x2] =	stream.linear.gather [hbm4b:s30+s3], $0x400, $0x38;
	[tilespmem:$0x14280] =	vst v63  }
0x134: {  	s30 =	spop (v2sf)  }
0x135: {  	s20 =	simm.s32 $0xB280;
	s31 =	sadd.s32 s0, s30  }
0x136: {  	[tilespmem:s20], [sflag:$0x2] =	stream.linear.gather [hbm4b:s31+s3], $0x400, $0x38;
	[tilespmem:$0x14280] =	vst v63  }
0x137: {  	s2 =	simm.s32 $0xB680;
	(v2sf) =	vpush v52, $0x5;
	s31 =	sadd.s32 s30, s6  }
0x138: {  	[tilespmem:s2], [sflag:$0x2] =	stream.linear.gather [hbm4b:s31+s3], $0x400, $0x38;
	[tilespmem:$0x14280] =	vst v63  }
0x139: {  	s4 =	simm.s32 $0xBA80;
	s31 =	sadd.s32 s30, s5  }
0x13a: {  	[tilespmem:s4], [sflag:$0x2] =	stream.linear.gather [hbm4b:s31+s3], $0x400, $0x38;
	[tilespmem:$0x14280] =	vst v63  }
0x13b: {  	s20 =	simm.s32 $0xBE80;
	s30 =	sadd.s32 s30, s7  }
0x13c: {  	[tilespmem:s20], [sflag:$0x2] =	stream.linear.gather [hbm4b:s30+s3], $0x400, $0x38;
	[tilespmem:$0x14280] =	vst v63  }
0x13d: {  	s30 =	spop (v2sf)  }
0x13e: {  	(v2sf) =	vpush v52, $0x6;
	s31 =	sadd.s32 s0, s30  }
0x13f: {  	[tilespmem:s21], [sflag:$0x2] =	stream.linear.gather [hbm4b:s31+s3], $0x400, $0x38;
	[tilespmem:$0x14280] =	vst v63  }
0x140: {  	s31 =	sadd.s32 s30, s6  }
0x141: {  	[tilespmem:s22], [sflag:$0x2] =	stream.linear.gather [hbm4b:s31+s3], $0x400, $0x38;
	[tilespmem:$0x14280] =	vst v63  }
0x142: {  	s31 =	sadd.s32 s30, s5  }
0x143: {  	[tilespmem:s23], [sflag:$0x2] =	stream.linear.gather [hbm4b:s31+s3], $0x400, $0x38;
	[tilespmem:$0x14280] =	vst v63  }
0x144: {  	s30 =	sadd.s32 s30, s7  }
0x145: {  	[tilespmem:s24], [sflag:$0x2] =	stream.linear.gather [hbm4b:s30+s3], $0x400, $0x38;
	[tilespmem:$0x14280] =	vst v63  }
0x146: {  	s30 =	spop (v2sf)  }
0x147: {  	s31 =	sadd.s32 s0, s30  }
0x148: {  	(v2sf) =	vpush v52, $0x7;
	[tilespmem:s25], [sflag:$0x2] =	stream.linear.gather [hbm4b:s31+s3], $0x400, $0x38;
	[tilespmem:$0x14280] =	vst v63  }
0x149: {  	s4 =	simm.s32 $0xD680;
	s31 =	sadd.s32 s30, s6  }
0x14a: {  	[tilespmem:s4], [sflag:$0x2] =	stream.linear.gather [hbm4b:s31+s3], $0x400, $0x38;
	[tilespmem:$0x14280] =	vst v63  }
0x14b: {  	s31 =	sadd.s32 s30, s5  }
0x14c: {  	[tilespmem:s8], [sflag:$0x2] =	stream.linear.gather [hbm4b:s31+s3], $0x400, $0x38;
	[tilespmem:$0x14280] =	vst v63  }
0x14d: {  	s30 =	sadd.s32 s30, s7;
	s31 =	spop (v2sf)  }
0x14e: {  	[tilespmem:s9], [sflag:$0x2] =	stream.linear.gather [hbm4b:s30+s3], $0x400, $0x38;
	[tilespmem:$0x14280] =	vst v63  }
0x14f: {  	s30 =	sadd.s32 s0, s31  }
0x150: {  	[tilespmem:s10], [sflag:$0x2] =	stream.linear.gather [hbm4b:s30+s3], $0x400, $0x38;
	[tilespmem:$0x14280] =	vst v63  }
0x151: {  	s30 =	sadd.s32 s31, s6  }
0x152: {  	[tilespmem:s12], [sflag:$0x2] =	stream.linear.gather [hbm4b:s30+s3], $0x400, $0x38;
	[tilespmem:$0x14280] =	vst v63  }
0x153: {  	s30 =	sadd.s32 s31, s5  }
0x154: {  	[tilespmem:s13], [sflag:$0x2] =	stream.linear.gather [hbm4b:s30+s3], $0x400, $0x38;
	[tilespmem:$0x14280] =	vst v63  }
0x155: {  	s30 =	sadd.s32 s31, s7  }
0x156: {  	[tilespmem:s14], [sflag:$0x2] =	stream.linear.gather [hbm4b:s30+s3], $0x400, $0x38;
	[tilespmem:$0x14280] =	vst v63  }
0x157: {  	s30 =	spop (v2sf)  }
0x158: {  	s31 =	sadd.s32 s0, s30  }
0x159: {  	[tilespmem:s15], [sflag:$0x2] =	stream.linear.gather [hbm4b:s31+s3], $0x400, $0x38;
	[tilespmem:$0x14280] =	vst v63  }
0x15a: {  	s31 =	sadd.s32 s30, s6  }
0x15b: {  	[tilespmem:s16], [sflag:$0x2] =	stream.linear.gather [hbm4b:s31+s3], $0x400, $0x38;
	[tilespmem:$0x14280] =	vst v63  }
0x15c: {  	s31 =	sadd.s32 s30, s5  }
0x15d: {  	[tilespmem:s17], [sflag:$0x2] =	stream.linear.gather [hbm4b:s31+s3], $0x400, $0x38;
	[tilespmem:$0x14280] =	vst v63  }
0x15e: {  	s30 =	sadd.s32 s30, s7  }
0x15f: {  	[tilespmem:s19], [sflag:$0x2] =	stream.linear.gather [hbm4b:s30+s3], $0x400, $0x38;
	[tilespmem:$0x14280] =	vst v63  }
0x160: {  	s31 =	simm.s32 $0x10;
	s30 =	simm.s32 $0x8  }
.LBB2_2:
0x161: {  	_ =	swait.ge [sflag:s26], $0x1000  }
0x162: {  	[sflag:s26] =	ssyncset.done $0x0  }
0x163: {  	[sflag:s26] =	ssyncadd.s32 $0xFFFFF000  }
0x164: {  	_ =	swait.ge [sflag:s26], $0x1000  }
0x165: {  	[sflag:s26] =	ssyncset.done $0x0  }
0x166: {  	[sflag:s26] =	ssyncadd.s32 $0xFFFFF000  }
0x167: {  	_ =	swait.ge [sflag:s26], $0x1000  }
0x168: {  	[sflag:s26] =	ssyncset.done $0x0  }
0x169: {  	[sflag:s26] =	ssyncadd.s32 $0xFFFFF000  }
0x16a: {  	_ =	swait.ge [sflag:s26], $0x1000  }
0x16b: {  	[sflag:s26] =	ssyncset.done $0x0  }
0x16c: {  	[sflag:s26] =	ssyncadd.s32 $0xFFFFF000  }
0x16d: {  	_ =	swait.ge [sflag:s26], $0x1000  }
0x16e: {  	[sflag:s26] =	ssyncset.done $0x0  }
0x16f: {  	[sflag:s26] =	ssyncadd.s32 $0xFFFFF000  }
0x170: {  	_ =	swait.ge [sflag:s26], $0x1000  }
0x171: {  	[sflag:s26] =	ssyncset.done $0x0  }
0x172: {  	[sflag:s26] =	ssyncadd.s32 $0xFFFFF000  }
0x173: {  	_ =	swait.ge [sflag:s26], $0x1000  }
0x174: {  	[sflag:s26] =	ssyncset.done $0x0  }
0x175: {  	[sflag:s26] =	ssyncadd.s32 $0xFFFFF000  }
0x176: {  	_ =	swait.ge [sflag:s26], $0x1000  }
0x177: {  	[sflag:s26] =	ssyncset.done $0x0  }
0x178: {  	[sflag:s26] =	ssyncadd.s32 $0xFFFFF000  }
0x179: {  	v52 =	vld [tilespmem:s31+$0xFFFFFFF0];
	_ =	sdelay $0x4  }
0x17a: {  	v52 =	vand.u32 $0x7F, v52  }
0x17b: {  	v53 =	vor.u32 v1, v52  }
0x17c: {  	s1 =	sadd.s32 $0xFFFFFFF8, s30  }
0x17d: {  	v54 =	vmov s1  }
0x17e: {  	v55 =	vor.u32 s1, v0;
	v54 =	vshll.u32 v54, $0x3  }
0x17f: {  	v55 =	vand.u32 $0x7F, v55;
	v56 =	vand.u32 $0xC00, v54  }
0x180: {  	v56 =	vor.u32 v55, v56;
	v53 =	vld.idx.msk [tilespmem:v53+s11+$0x0], $0xffff  }
0x181: {  	v57 =	vor.u32 v2, v52;
	_ =	sdelay $0x3  }
0x182: {  	[tilespmem:v56+s28+$0x0] =	vst.idx.msk $0xff, v53  }
0x183: {  	v53 =	vld.idx.msk [tilespmem:v57+s11+$0x0], $0xffff;
	v57 =	vor.u32 $0x80, v56  }
0x184: {  	v58 =	vor.u32 v3, v52;
	_ =	sdelay $0x3  }
0x185: {  	[tilespmem:v57+s28+$0x0] =	vst.idx.msk $0xff, v53  }
0x186: {  	v57 =	vor.u32 $0x100, v56;
	v53 =	vld.idx.msk [tilespmem:v58+s11+$0x0], $0xffff  }
0x187: {  	v58 =	vor.u32 v4, v52;
	_ =	sdelay $0x3  }
0x188: {  	[tilespmem:v57+s28+$0x0] =	vst.idx.msk $0xff, v53  }
0x189: {  	v57 =	vor.u32 $0x180, v56;
	v53 =	vld.idx.msk [tilespmem:v58+s11+$0x0], $0xffff  }
0x18a: {  	v58 =	vor.u32 v5, v52;
	_ =	sdelay $0x3  }
0x18b: {  	[tilespmem:v57+s28+$0x0] =	vst.idx.msk $0xff, v53  }
0x18c: {  	v57 =	vor.u32 $0x200, v56;
	v53 =	vld.idx.msk [tilespmem:v58+s11+$0x0], $0xffff  }
0x18d: {  	v58 =	vor.u32 v6, v52;
	_ =	sdelay $0x3  }
0x18e: {  	[tilespmem:v57+s28+$0x0] =	vst.idx.msk $0xff, v53  }
0x18f: {  	v57 =	vor.u32 $0x280, v56;
	v53 =	vld.idx.msk [tilespmem:v58+s11+$0x0], $0xffff  }
0x190: {  	v58 =	vor.u32 v7, v52;
	_ =	sdelay $0x3  }
0x191: {  	[tilespmem:v57+s28+$0x0] =	vst.idx.msk $0xff, v53  }
0x192: {  	v57 =	vor.u32 $0x300, v56;
	v53 =	vld.idx.msk [tilespmem:v58+s11+$0x0], $0xffff  }
0x193: {  	v58 =	vor.u32 v8, v52;
	_ =	sdelay $0x3  }
0x194: {  	[tilespmem:v57+s28+$0x0] =	vst.idx.msk $0xff, v53;
	v53 =	vor.u32 v54, v55  }
0x195: {  	v54 =	vld.idx.msk [tilespmem:v58+s11+$0x0], $0xffff;
	v55 =	vor.u32 $0x380, v53  }
0x196: {  	v57 =	vor.u32 v9, v52;
	_ =	sdelay $0x3  }
0x197: {  	[tilespmem:v55+s28+$0x0] =	vst.idx.msk $0xff, v54  }
0x198: {  	v55 =	vor.u32 $0x1000, v56;
	v54 =	vld.idx.msk [tilespmem:v57+s11+$0x0], $0xffff  }
0x199: {  	v57 =	vor.u32 v10, v52;
	_ =	sdelay $0x3  }
0x19a: {  	[tilespmem:v55+s28+$0x0] =	vst.idx.msk $0xff, v54  }
0x19b: {  	v55 =	vor.u32 $0x1080, v56;
	v54 =	vld.idx.msk [tilespmem:v57+s11+$0x0], $0xffff  }
0x19c: {  	v57 =	vor.u32 v11, v52;
	_ =	sdelay $0x3  }
0x19d: {  	[tilespmem:v55+s28+$0x0] =	vst.idx.msk $0xff, v54  }
0x19e: {  	v55 =	vor.u32 $0x1100, v56;
	v54 =	vld.idx.msk [tilespmem:v57+s11+$0x0], $0xffff  }
0x19f: {  	v57 =	vor.u32 v12, v52;
	_ =	sdelay $0x3  }
0x1a0: {  	[tilespmem:v55+s28+$0x0] =	vst.idx.msk $0xff, v54  }
0x1a1: {  	v55 =	vor.u32 $0x1180, v56;
	v54 =	vld.idx.msk [tilespmem:v57+s11+$0x0], $0xffff  }
0x1a2: {  	v57 =	vor.u32 v13, v52;
	_ =	sdelay $0x3  }
0x1a3: {  	[tilespmem:v55+s28+$0x0] =	vst.idx.msk $0xff, v54  }
0x1a4: {  	v55 =	vor.u32 $0x1200, v56;
	v54 =	vld.idx.msk [tilespmem:v57+s11+$0x0], $0xffff  }
0x1a5: {  	v57 =	vor.u32 v14, v52;
	_ =	sdelay $0x3  }
0x1a6: {  	[tilespmem:v55+s28+$0x0] =	vst.idx.msk $0xff, v54  }
0x1a7: {  	v55 =	vor.u32 $0x1280, v56;
	v54 =	vld.idx.msk [tilespmem:v57+s11+$0x0], $0xffff  }
0x1a8: {  	v57 =	vor.u32 v15, v52;
	_ =	sdelay $0x3  }
0x1a9: {  	[tilespmem:v55+s28+$0x0] =	vst.idx.msk $0xff, v54  }
0x1aa: {  	v55 =	vor.u32 $0x1300, v56;
	v54 =	vld.idx.msk [tilespmem:v57+s11+$0x0], $0xffff  }
0x1ab: {  	v57 =	vor.u32 v16, v52;
	_ =	sdelay $0x3  }
0x1ac: {  	[tilespmem:v55+s28+$0x0] =	vst.idx.msk $0xff, v54  }
0x1ad: {  	v55 =	vor.u32 $0x1380, v53;
	v54 =	vld.idx.msk [tilespmem:v57+s11+$0x0], $0xffff  }
0x1ae: {  	v57 =	vor.u32 v17, v52;
	_ =	sdelay $0x3  }
0x1af: {  	[tilespmem:v55+s28+$0x0] =	vst.idx.msk $0xff, v54  }
0x1b0: {  	v55 =	vor.u32 $0x2000, v56;
	v54 =	vld.idx.msk [tilespmem:v57+s11+$0x0], $0xffff  }
0x1b1: {  	v57 =	vor.u32 v18, v52;
	_ =	sdelay $0x3  }
0x1b2: {  	[tilespmem:v55+s28+$0x0] =	vst.idx.msk $0xff, v54  }
0x1b3: {  	v55 =	vor.u32 $0x2080, v56;
	v54 =	vld.idx.msk [tilespmem:v57+s11+$0x0], $0xffff  }
0x1b4: {  	v57 =	vor.u32 v19, v52;
	_ =	sdelay $0x3  }
0x1b5: {  	[tilespmem:v55+s28+$0x0] =	vst.idx.msk $0xff, v54  }
0x1b6: {  	v55 =	vor.u32 $0x2100, v56;
	v54 =	vld.idx.msk [tilespmem:v57+s11+$0x0], $0xffff  }
0x1b7: {  	v57 =	vor.u32 v20, v52;
	_ =	sdelay $0x3  }
0x1b8: {  	[tilespmem:v55+s28+$0x0] =	vst.idx.msk $0xff, v54  }
0x1b9: {  	v55 =	vor.u32 $0x2180, v56;
	v54 =	vld.idx.msk [tilespmem:v57+s11+$0x0], $0xffff  }
0x1ba: {  	v57 =	vor.u32 v21, v52;
	_ =	sdelay $0x3  }
0x1bb: {  	[tilespmem:v55+s28+$0x0] =	vst.idx.msk $0xff, v54  }
0x1bc: {  	v55 =	vor.u32 $0x2200, v56;
	v54 =	vld.idx.msk [tilespmem:v57+s11+$0x0], $0xffff  }
0x1bd: {  	v57 =	vor.u32 v22, v52;
	_ =	sdelay $0x3  }
0x1be: {  	[tilespmem:v55+s28+$0x0] =	vst.idx.msk $0xff, v54  }
0x1bf: {  	v55 =	vor.u32 $0x2280, v56;
	v54 =	vld.idx.msk [tilespmem:v57+s11+$0x0], $0xffff  }
0x1c0: {  	v57 =	vor.u32 v23, v52;
	_ =	sdelay $0x3  }
0x1c1: {  	[tilespmem:v55+s28+$0x0] =	vst.idx.msk $0xff, v54  }
0x1c2: {  	v55 =	vor.u32 $0x2300, v56;
	v54 =	vld.idx.msk [tilespmem:v57+s11+$0x0], $0xffff  }
0x1c3: {  	v57 =	vor.u32 v24, v52;
	_ =	sdelay $0x3  }
0x1c4: {  	[tilespmem:v55+s28+$0x0] =	vst.idx.msk $0xff, v54  }
0x1c5: {  	v55 =	vor.u32 $0x2380, v53;
	v54 =	vld.idx.msk [tilespmem:v57+s11+$0x0], $0xffff  }
0x1c6: {  	v57 =	vor.u32 v25, v52;
	_ =	sdelay $0x3  }
0x1c7: {  	[tilespmem:v55+s28+$0x0] =	vst.idx.msk $0xff, v54  }
0x1c8: {  	v55 =	vor.u32 $0x3000, v56;
	v54 =	vld.idx.msk [tilespmem:v57+s11+$0x0], $0xffff  }
0x1c9: {  	v57 =	vor.u32 v26, v52;
	_ =	sdelay $0x3  }
0x1ca: {  	[tilespmem:v55+s28+$0x0] =	vst.idx.msk $0xff, v54  }
0x1cb: {  	v55 =	vor.u32 $0x3080, v56;
	v54 =	vld.idx.msk [tilespmem:v57+s11+$0x0], $0xffff  }
0x1cc: {  	v57 =	vor.u32 v27, v52;
	_ =	sdelay $0x3  }
0x1cd: {  	[tilespmem:v55+s28+$0x0] =	vst.idx.msk $0xff, v54  }
0x1ce: {  	v55 =	vor.u32 $0x3100, v56;
	v54 =	vld.idx.msk [tilespmem:v57+s11+$0x0], $0xffff  }
0x1cf: {  	v57 =	vor.u32 v28, v52;
	_ =	sdelay $0x3  }
0x1d0: {  	[tilespmem:v55+s28+$0x0] =	vst.idx.msk $0xff, v54  }
0x1d1: {  	v55 =	vor.u32 $0x3180, v56;
	v54 =	vld.idx.msk [tilespmem:v57+s11+$0x0], $0xffff  }
0x1d2: {  	v57 =	vor.u32 v29, v52;
	_ =	sdelay $0x3  }
0x1d3: {  	[tilespmem:v55+s28+$0x0] =	vst.idx.msk $0xff, v54  }
0x1d4: {  	v55 =	vor.u32 $0x3200, v56;
	v54 =	vld.idx.msk [tilespmem:v57+s11+$0x0], $0xffff  }
0x1d5: {  	v57 =	vor.u32 v30, v52;
	_ =	sdelay $0x3  }
0x1d6: {  	[tilespmem:v55+s28+$0x0] =	vst.idx.msk $0xff, v54  }
0x1d7: {  	v55 =	vor.u32 $0x3280, v56;
	v54 =	vld.idx.msk [tilespmem:v57+s11+$0x0], $0xffff  }
0x1d8: {  	v57 =	vor.u32 v31, v52;
	_ =	sdelay $0x3  }
0x1d9: {  	[tilespmem:v55+s28+$0x0] =	vst.idx.msk $0xff, v54  }
0x1da: {  	v58 =	vor.u32 $0x3300, v56;
	v54 =	vld.idx.msk [tilespmem:v57+s11+$0x0], $0xffff  }
0x1db: {  	v52 =	vor.u32 v32, v52;
	_ =	sdelay $0x3  }
0x1dc: {  	[tilespmem:v58+s28+$0x0] =	vst.idx.msk $0xff, v54  }
0x1dd: {  	v53 =	vor.u32 $0x3380, v53;
	v52 =	vld.idx.msk [tilespmem:v52+s11+$0x0], $0xffff;
	_ =	sdelay $0x4  }
0x1de: {  	[tilespmem:v53+s28+$0x0] =	vst.idx.msk $0xff, v52  }
0x1df: {  	v52 =	vld [tilespmem:s31+$0x0];
	_ =	sdelay $0x4  }
0x1e0: {  	v52 =	vand.u32 $0xFFFFFF80, v52  }
0x1e1: {  	(v2sf) =	vpush v52, $0x0;
	_ =	sdelay $0x8  }
0x1e2: {  	(v2sf) =	vpush v52, $0x1;
	_ =	sdelay $0x5  }
0x1e3: {  	s1 =	spop (v2sf)  }
0x1e4: {  	s2 =	sadd.s32 s0, s1  }
0x1e5: {  	[tilespmem:s11], [sflag:$0x1] =	stream.linear.gather [hbm4b:s2+s3], $0x400, $0x38;
	[tilespmem:$0x14280] =	vst v63  }
0x1e6: {  	s20 =	simm.s32 $0x680;
	(v2sf) =	vpush v52, $0x2;
	s2 =	sadd.s32 s1, s6  }
0x1e7: {  	[tilespmem:s20], [sflag:$0x1] =	stream.linear.gather [hbm4b:s2+s3], $0x400, $0x38;
	[tilespmem:$0x14280] =	vst v63  }
0x1e8: {  	s2 =	sadd.s32 s1, s5;
	s20 =	simm.s32 $0xA80  }
0x1e9: {  	[tilespmem:s20], [sflag:$0x1] =	stream.linear.gather [hbm4b:s2+s3], $0x400, $0x38;
	[tilespmem:$0x14280] =	vst v63  }
0x1ea: {  	s1 =	sadd.s32 s1, s7;
	s20 =	simm.s32 $0xE80  }
0x1eb: {  	[tilespmem:s20], [sflag:$0x1] =	stream.linear.gather [hbm4b:s1+s3], $0x400, $0x38;
	[tilespmem:$0x14280] =	vst v63  }
0x1ec: {  	s1 =	spop (v2sf)  }
0x1ed: {  	s20 =	simm.s32 $0x1280;
	s2 =	sadd.s32 s0, s1  }
0x1ee: {  	[tilespmem:s20], [sflag:$0x1] =	stream.linear.gather [hbm4b:s2+s3], $0x400, $0x38;
	[tilespmem:$0x14280] =	vst v63  }
0x1ef: {  	(v2sf) =	vpush v52, $0x3;
	s2 =	sadd.s32 s1, s6;
	s20 =	simm.s32 $0x1680  }
0x1f0: {  	[tilespmem:s20], [sflag:$0x1] =	stream.linear.gather [hbm4b:s2+s3], $0x400, $0x38;
	[tilespmem:$0x14280] =	vst v63  }
0x1f1: {  	s2 =	sadd.s32 s1, s5;
	s20 =	simm.s32 $0x1A80  }
0x1f2: {  	[tilespmem:s20], [sflag:$0x1] =	stream.linear.gather [hbm4b:s2+s3], $0x400, $0x38;
	[tilespmem:$0x14280] =	vst v63  }
0x1f3: {  	s1 =	sadd.s32 s1, s7;
	s20 =	simm.s32 $0x1E80  }
0x1f4: {  	[tilespmem:s20], [sflag:$0x1] =	stream.linear.gather [hbm4b:s1+s3], $0x400, $0x38;
	[tilespmem:$0x14280] =	vst v63  }
0x1f5: {  	s1 =	spop (v2sf)  }
0x1f6: {  	s20 =	simm.s32 $0x2280;
	s2 =	sadd.s32 s0, s1  }
0x1f7: {  	[tilespmem:s20], [sflag:$0x1] =	stream.linear.gather [hbm4b:s2+s3], $0x400, $0x38;
	[tilespmem:$0x14280] =	vst v63  }
0x1f8: {  	(v2sf) =	vpush v52, $0x4;
	s2 =	sadd.s32 s1, s6;
	s20 =	simm.s32 $0x2680  }
0x1f9: {  	[tilespmem:s20], [sflag:$0x1] =	stream.linear.gather [hbm4b:s2+s3], $0x400, $0x38;
	[tilespmem:$0x14280] =	vst v63  }
0x1fa: {  	s2 =	sadd.s32 s1, s5;
	s20 =	simm.s32 $0x2A80  }
0x1fb: {  	[tilespmem:s20], [sflag:$0x1] =	stream.linear.gather [hbm4b:s2+s3], $0x400, $0x38;
	[tilespmem:$0x14280] =	vst v63  }
0x1fc: {  	s1 =	sadd.s32 s1, s7;
	s20 =	simm.s32 $0x2E80  }
0x1fd: {  	[tilespmem:s20], [sflag:$0x1] =	stream.linear.gather [hbm4b:s1+s3], $0x400, $0x38;
	[tilespmem:$0x14280] =	vst v63  }
0x1fe: {  	s1 =	spop (v2sf)  }
0x1ff: {  	s20 =	simm.s32 $0x3280;
	s2 =	sadd.s32 s0, s1  }
0x200: {  	[tilespmem:s20], [sflag:$0x1] =	stream.linear.gather [hbm4b:s2+s3], $0x400, $0x38;
	[tilespmem:$0x14280] =	vst v63  }
0x201: {  	(v2sf) =	vpush v52, $0x5;
	s2 =	sadd.s32 s1, s6;
	s20 =	simm.s32 $0x3680  }
0x202: {  	[tilespmem:s20], [sflag:$0x1] =	stream.linear.gather [hbm4b:s2+s3], $0x400, $0x38;
	[tilespmem:$0x14280] =	vst v63  }
0x203: {  	s2 =	sadd.s32 s1, s5;
	s20 =	simm.s32 $0x3A80  }
0x204: {  	[tilespmem:s20], [sflag:$0x1] =	stream.linear.gather [hbm4b:s2+s3], $0x400, $0x38;
	[tilespmem:$0x14280] =	vst v63  }
0x205: {  	s1 =	sadd.s32 s1, s7;
	s20 =	simm.s32 $0x3E80  }
0x206: {  	[tilespmem:s20], [sflag:$0x1] =	stream.linear.gather [hbm4b:s1+s3], $0x400, $0x38;
	[tilespmem:$0x14280] =	vst v63  }
0x207: {  	s1 =	spop (v2sf)  }
0x208: {  	s20 =	simm.s32 $0x4280;
	s2 =	sadd.s32 s0, s1  }
0x209: {  	[tilespmem:s20], [sflag:$0x1] =	stream.linear.gather [hbm4b:s2+s3], $0x400, $0x38;
	[tilespmem:$0x14280] =	vst v63  }
0x20a: {  	(v2sf) =	vpush v52, $0x6;
	s2 =	sadd.s32 s1, s6;
	s20 =	simm.s32 $0x4680  }
0x20b: {  	[tilespmem:s20], [sflag:$0x1] =	stream.linear.gather [hbm4b:s2+s3], $0x400, $0x38;
	[tilespmem:$0x14280] =	vst v63  }
0x20c: {  	s2 =	sadd.s32 s1, s5;
	s20 =	simm.s32 $0x4A80  }
0x20d: {  	[tilespmem:s20], [sflag:$0x1] =	stream.linear.gather [hbm4b:s2+s3], $0x400, $0x38;
	[tilespmem:$0x14280] =	vst v63  }
0x20e: {  	s1 =	sadd.s32 s1, s7;
	s20 =	simm.s32 $0x4E80  }
0x20f: {  	[tilespmem:s20], [sflag:$0x1] =	stream.linear.gather [hbm4b:s1+s3], $0x400, $0x38;
	[tilespmem:$0x14280] =	vst v63  }
0x210: {  	s1 =	spop (v2sf)  }
0x211: {  	s20 =	simm.s32 $0x5280;
	s2 =	sadd.s32 s0, s1  }
0x212: {  	[tilespmem:s20], [sflag:$0x1] =	stream.linear.gather [hbm4b:s2+s3], $0x400, $0x38;
	[tilespmem:$0x14280] =	vst v63  }
0x213: {  	(v2sf) =	vpush v52, $0x7;
	s2 =	sadd.s32 s1, s6;
	s20 =	simm.s32 $0x5680  }
0x214: {  	[tilespmem:s20], [sflag:$0x1] =	stream.linear.gather [hbm4b:s2+s3], $0x400, $0x38;
	[tilespmem:$0x14280] =	vst v63  }
0x215: {  	s2 =	sadd.s32 s1, s5;
	s20 =	simm.s32 $0x5A80  }
0x216: {  	[tilespmem:s20], [sflag:$0x1] =	stream.linear.gather [hbm4b:s2+s3], $0x400, $0x38;
	[tilespmem:$0x14280] =	vst v63  }
0x217: {  	s1 =	sadd.s32 s1, s7;
	s20 =	simm.s32 $0x5E80  }
0x218: {  	[tilespmem:s20], [sflag:$0x1] =	stream.linear.gather [hbm4b:s1+s3], $0x400, $0x38;
	[tilespmem:$0x14280] =	vst v63  }
0x219: {  	s1 =	spop (v2sf)  }
0x21a: {  	s20 =	simm.s32 $0x6280;
	s2 =	sadd.s32 s0, s1  }
0x21b: {  	[tilespmem:s20], [sflag:$0x1] =	stream.linear.gather [hbm4b:s2+s3], $0x400, $0x38;
	[tilespmem:$0x14280] =	vst v63  }
0x21c: {  	s2 =	sadd.s32 s1, s6;
	s20 =	simm.s32 $0x6680  }
0x21d: {  	[tilespmem:s20], [sflag:$0x1] =	stream.linear.gather [hbm4b:s2+s3], $0x400, $0x38;
	[tilespmem:$0x14280] =	vst v63  }
0x21e: {  	s2 =	sadd.s32 s1, s5;
	s20 =	simm.s32 $0x6A80  }
0x21f: {  	[tilespmem:s20], [sflag:$0x1] =	stream.linear.gather [hbm4b:s2+s3], $0x400, $0x38;
	[tilespmem:$0x14280] =	vst v63  }
0x220: {  	s1 =	sadd.s32 s1, s7;
	s20 =	simm.s32 $0x6E80  }
0x221: {  	[tilespmem:s20], [sflag:$0x1] =	stream.linear.gather [hbm4b:s1+s3], $0x400, $0x38;
	[tilespmem:$0x14280] =	vst v63  }
0x222: {  	s1 =	spop (v2sf)  }
0x223: {  	s20 =	simm.s32 $0x7280;
	s2 =	sadd.s32 s0, s1  }
0x224: {  	[tilespmem:s20], [sflag:$0x1] =	stream.linear.gather [hbm4b:s2+s3], $0x400, $0x38;
	[tilespmem:$0x14280] =	vst v63  }
0x225: {  	s2 =	sadd.s32 s1, s6;
	s20 =	simm.s32 $0x7680  }
0x226: {  	[tilespmem:s20], [sflag:$0x1] =	stream.linear.gather [hbm4b:s2+s3], $0x400, $0x38;
	[tilespmem:$0x14280] =	vst v63  }
0x227: {  	s2 =	sadd.s32 s1, s5;
	s20 =	simm.s32 $0x7A80  }
0x228: {  	[tilespmem:s20], [sflag:$0x1] =	stream.linear.gather [hbm4b:s2+s3], $0x400, $0x38;
	[tilespmem:$0x14280] =	vst v63  }
0x229: {  	s1 =	sadd.s32 s1, s7;
	s20 =	simm.s32 $0x7E80  }
0x22a: {  	[tilespmem:s20], [sflag:$0x1] =	stream.linear.gather [hbm4b:s1+s3], $0x400, $0x38;
	[tilespmem:$0x14280] =	vst v63  }
0x22b: {  	_ =	swait.ge [sflag:s29], $0x1000  }
0x22c: {  	[sflag:s29] =	ssyncset.done $0x0  }
0x22d: {  	[sflag:s29] =	ssyncadd.s32 $0xFFFFF000  }
0x22e: {  	_ =	swait.ge [sflag:s29], $0x1000  }
0x22f: {  	[sflag:s29] =	ssyncset.done $0x0  }
0x230: {  	[sflag:s29] =	ssyncadd.s32 $0xFFFFF000  }
0x231: {  	_ =	swait.ge [sflag:s29], $0x1000  }
0x232: {  	[sflag:s29] =	ssyncset.done $0x0  }
0x233: {  	[sflag:s29] =	ssyncadd.s32 $0xFFFFF000  }
0x234: {  	_ =	swait.ge [sflag:s29], $0x1000  }
0x235: {  	[sflag:s29] =	ssyncset.done $0x0  }
0x236: {  	[sflag:s29] =	ssyncadd.s32 $0xFFFFF000  }
0x237: {  	_ =	swait.ge [sflag:s29], $0x1000  }
0x238: {  	[sflag:s29] =	ssyncset.done $0x0  }
0x239: {  	[sflag:s29] =	ssyncadd.s32 $0xFFFFF000  }
0x23a: {  	_ =	swait.ge [sflag:s29], $0x1000  }
0x23b: {  	[sflag:s29] =	ssyncset.done $0x0  }
0x23c: {  	[sflag:s29] =	ssyncadd.s32 $0xFFFFF000  }
0x23d: {  	_ =	swait.ge [sflag:s29], $0x1000  }
0x23e: {  	[sflag:s29] =	ssyncset.done $0x0  }
0x23f: {  	[sflag:s29] =	ssyncadd.s32 $0xFFFFF000  }
0x240: {  	_ =	swait.ge [sflag:s29], $0x1000  }
0x241: {  	[sflag:s29] =	ssyncset.done $0x0  }
0x242: {  	[sflag:s29] =	ssyncadd.s32 $0xFFFFF000  }
0x243: {  	v57 =	vld [tilespmem:s31+$0xFFFFFFF8];
	_ =	sdelay $0x4  }
0x244: {  	v52 =	vand.u32 $0x7F, v57  }
0x245: {  	v53 =	vor.u32 v1, v52;
	_ =	sdelay $0x1  }
0x246: {  	v58 =	vadd.s32 s30, v0  }
0x247: {  	v57 =	vshll.u32 v58, $0x3  }
0x248: {  	v54 =	vand.u32 $0x7F, v58;
	v55 =	vand.u32 $0x7FFFFC00, v57  }
0x249: {  	v54 =	vor.u32 v54, v55;
	v53 =	vld.idx.msk [tilespmem:v53+s18+$0x0], $0xffff  }
0x24a: {  	v58 =	vor.u32 v2, v52;
	_ =	sdelay $0x3  }
0x24b: {  	[tilespmem:v54+s28+$0x0] =	vst.idx.msk $0xff, v53  }
0x24c: {  	v55 =	vor.u32 $0x80, v54;
	v53 =	vld.idx.msk [tilespmem:v58+s18+$0x0], $0xffff  }
0x24d: {  	v56 =	vor.u32 v3, v52;
	_ =	sdelay $0x3  }
0x24e: {  	[tilespmem:v55+s28+$0x0] =	vst.idx.msk $0xff, v53  }
0x24f: {  	v55 =	vor.u32 $0x100, v54;
	v53 =	vld.idx.msk [tilespmem:v56+s18+$0x0], $0xffff  }
0x250: {  	v56 =	vor.u32 v4, v52;
	_ =	sdelay $0x3  }
0x251: {  	[tilespmem:v55+s28+$0x0] =	vst.idx.msk $0xff, v53  }
0x252: {  	v55 =	vor.u32 $0x180, v54;
	v53 =	vld.idx.msk [tilespmem:v56+s18+$0x0], $0xffff  }
0x253: {  	v56 =	vor.u32 v5, v52;
	_ =	sdelay $0x3  }
0x254: {  	[tilespmem:v55+s28+$0x0] =	vst.idx.msk $0xff, v53  }
0x255: {  	v55 =	vor.u32 $0x200, v54;
	v53 =	vld.idx.msk [tilespmem:v56+s18+$0x0], $0xffff  }
0x256: {  	v56 =	vor.u32 v6, v52;
	_ =	sdelay $0x3  }
0x257: {  	[tilespmem:v55+s28+$0x0] =	vst.idx.msk $0xff, v53  }
0x258: {  	v55 =	vor.u32 $0x280, v54;
	v53 =	vld.idx.msk [tilespmem:v56+s18+$0x0], $0xffff  }
0x259: {  	v56 =	vor.u32 v7, v52;
	_ =	sdelay $0x3  }
0x25a: {  	[tilespmem:v55+s28+$0x0] =	vst.idx.msk $0xff, v53  }
0x25b: {  	v55 =	vor.u32 $0x300, v54;
	v53 =	vld.idx.msk [tilespmem:v56+s18+$0x0], $0xffff  }
0x25c: {  	v56 =	vor.u32 v8, v52;
	_ =	sdelay $0x3  }
0x25d: {  	[tilespmem:v55+s28+$0x0] =	vst.idx.msk $0xff, v53  }
0x25e: {  	v55 =	vor.u32 $0x380, v54;
	v53 =	vld.idx.msk [tilespmem:v56+s18+$0x0], $0xffff  }
0x25f: {  	v56 =	vor.u32 v9, v52;
	_ =	sdelay $0x3  }
0x260: {  	[tilespmem:v55+s28+$0x0] =	vst.idx.msk $0xff, v53  }
0x261: {  	v55 =	vadd.s32 $0x1000, v54;
	v53 =	vld.idx.msk [tilespmem:v56+s18+$0x0], $0xffff  }
0x262: {  	v56 =	vor.u32 v10, v52;
	_ =	sdelay $0x3  }
0x263: {  	[tilespmem:v55+s28+$0x0] =	vst.idx.msk $0xff, v53  }
0x264: {  	v55 =	vadd.s32 $0x1080, v54;
	v53 =	vld.idx.msk [tilespmem:v56+s18+$0x0], $0xffff  }
0x265: {  	v56 =	vor.u32 v11, v52;
	_ =	sdelay $0x3  }
0x266: {  	[tilespmem:v55+s28+$0x0] =	vst.idx.msk $0xff, v53  }
0x267: {  	v55 =	vadd.s32 $0x1100, v54;
	v53 =	vld.idx.msk [tilespmem:v56+s18+$0x0], $0xffff  }
0x268: {  	v56 =	vor.u32 v12, v52;
	_ =	sdelay $0x3  }
0x269: {  	[tilespmem:v55+s28+$0x0] =	vst.idx.msk $0xff, v53  }
0x26a: {  	v55 =	vadd.s32 $0x1180, v54;
	v53 =	vld.idx.msk [tilespmem:v56+s18+$0x0], $0xffff  }
0x26b: {  	v56 =	vor.u32 v13, v52;
	_ =	sdelay $0x3  }
0x26c: {  	[tilespmem:v55+s28+$0x0] =	vst.idx.msk $0xff, v53  }
0x26d: {  	v55 =	vadd.s32 $0x1200, v54;
	v53 =	vld.idx.msk [tilespmem:v56+s18+$0x0], $0xffff  }
0x26e: {  	v56 =	vor.u32 v14, v52;
	_ =	sdelay $0x3  }
0x26f: {  	[tilespmem:v55+s28+$0x0] =	vst.idx.msk $0xff, v53  }
0x270: {  	v55 =	vadd.s32 $0x1280, v54;
	v53 =	vld.idx.msk [tilespmem:v56+s18+$0x0], $0xffff  }
0x271: {  	v56 =	vor.u32 v15, v52;
	_ =	sdelay $0x3  }
0x272: {  	[tilespmem:v55+s28+$0x0] =	vst.idx.msk $0xff, v53  }
0x273: {  	v55 =	vadd.s32 $0x1300, v54;
	v53 =	vld.idx.msk [tilespmem:v56+s18+$0x0], $0xffff  }
0x274: {  	v56 =	vor.u32 v16, v52;
	_ =	sdelay $0x3  }
0x275: {  	[tilespmem:v55+s28+$0x0] =	vst.idx.msk $0xff, v53  }
0x276: {  	v55 =	vadd.s32 $0x1380, v54;
	v53 =	vld.idx.msk [tilespmem:v56+s18+$0x0], $0xffff  }
0x277: {  	v56 =	vor.u32 v17, v52;
	_ =	sdelay $0x3  }
0x278: {  	[tilespmem:v55+s28+$0x0] =	vst.idx.msk $0xff, v53  }
0x279: {  	v55 =	vadd.s32 $0x2000, v54;
	v53 =	vld.idx.msk [tilespmem:v56+s18+$0x0], $0xffff  }
0x27a: {  	v56 =	vor.u32 v18, v52;
	_ =	sdelay $0x3  }
0x27b: {  	[tilespmem:v55+s28+$0x0] =	vst.idx.msk $0xff, v53  }
0x27c: {  	v55 =	vadd.s32 $0x2080, v54;
	v53 =	vld.idx.msk [tilespmem:v56+s18+$0x0], $0xffff  }
0x27d: {  	v56 =	vor.u32 v19, v52;
	_ =	sdelay $0x3  }
0x27e: {  	[tilespmem:v55+s28+$0x0] =	vst.idx.msk $0xff, v53  }
0x27f: {  	v55 =	vadd.s32 $0x2100, v54;
	v53 =	vld.idx.msk [tilespmem:v56+s18+$0x0], $0xffff  }
0x280: {  	v56 =	vor.u32 v20, v52;
	_ =	sdelay $0x3  }
0x281: {  	[tilespmem:v55+s28+$0x0] =	vst.idx.msk $0xff, v53  }
0x282: {  	v55 =	vadd.s32 $0x2180, v54;
	v53 =	vld.idx.msk [tilespmem:v56+s18+$0x0], $0xffff  }
0x283: {  	v56 =	vor.u32 v21, v52;
	_ =	sdelay $0x3  }
0x284: {  	[tilespmem:v55+s28+$0x0] =	vst.idx.msk $0xff, v53  }
0x285: {  	v55 =	vadd.s32 $0x2200, v54;
	v53 =	vld.idx.msk [tilespmem:v56+s18+$0x0], $0xffff  }
0x286: {  	v56 =	vor.u32 v22, v52;
	_ =	sdelay $0x3  }
0x287: {  	[tilespmem:v55+s28+$0x0] =	vst.idx.msk $0xff, v53  }
0x288: {  	v55 =	vadd.s32 $0x2280, v54;
	v53 =	vld.idx.msk [tilespmem:v56+s18+$0x0], $0xffff  }
0x289: {  	v56 =	vor.u32 v23, v52;
	_ =	sdelay $0x3  }
0x28a: {  	[tilespmem:v55+s28+$0x0] =	vst.idx.msk $0xff, v53  }
0x28b: {  	v55 =	vadd.s32 $0x2300, v54;
	v53 =	vld.idx.msk [tilespmem:v56+s18+$0x0], $0xffff  }
0x28c: {  	v56 =	vor.u32 v24, v52;
	_ =	sdelay $0x3  }
0x28d: {  	[tilespmem:v55+s28+$0x0] =	vst.idx.msk $0xff, v53  }
0x28e: {  	v55 =	vadd.s32 $0x2380, v54;
	v53 =	vld.idx.msk [tilespmem:v56+s18+$0x0], $0xffff  }
0x28f: {  	v56 =	vor.u32 v25, v52;
	_ =	sdelay $0x3  }
0x290: {  	[tilespmem:v55+s28+$0x0] =	vst.idx.msk $0xff, v53  }
0x291: {  	v55 =	vadd.s32 $0x3000, v54;
	v53 =	vld.idx.msk [tilespmem:v56+s18+$0x0], $0xffff  }
0x292: {  	v56 =	vor.u32 v26, v52;
	_ =	sdelay $0x3  }
0x293: {  	[tilespmem:v55+s28+$0x0] =	vst.idx.msk $0xff, v53  }
0x294: {  	v55 =	vadd.s32 $0x3080, v54;
	v53 =	vld.idx.msk [tilespmem:v56+s18+$0x0], $0xffff  }
0x295: {  	v56 =	vor.u32 v27, v52;
	_ =	sdelay $0x3  }
0x296: {  	[tilespmem:v55+s28+$0x0] =	vst.idx.msk $0xff, v53  }
0x297: {  	v55 =	vadd.s32 $0x3100, v54;
	v53 =	vld.idx.msk [tilespmem:v56+s18+$0x0], $0xffff  }
0x298: {  	v56 =	vor.u32 v28, v52;
	_ =	sdelay $0x3  }
0x299: {  	[tilespmem:v55+s28+$0x0] =	vst.idx.msk $0xff, v53  }
0x29a: {  	v55 =	vadd.s32 $0x3180, v54;
	v53 =	vld.idx.msk [tilespmem:v56+s18+$0x0], $0xffff  }
0x29b: {  	v56 =	vor.u32 v29, v52;
	_ =	sdelay $0x3  }
0x29c: {  	[tilespmem:v55+s28+$0x0] =	vst.idx.msk $0xff, v53  }
0x29d: {  	v55 =	vadd.s32 $0x3200, v54;
	v53 =	vld.idx.msk [tilespmem:v56+s18+$0x0], $0xffff  }
0x29e: {  	v56 =	vor.u32 v30, v52;
	_ =	sdelay $0x3  }
0x29f: {  	[tilespmem:v55+s28+$0x0] =	vst.idx.msk $0xff, v53  }
0x2a0: {  	v55 =	vadd.s32 $0x3280, v54;
	v53 =	vld.idx.msk [tilespmem:v56+s18+$0x0], $0xffff  }
0x2a1: {  	v56 =	vor.u32 v31, v52;
	_ =	sdelay $0x3  }
0x2a2: {  	[tilespmem:v55+s28+$0x0] =	vst.idx.msk $0xff, v53  }
0x2a3: {  	v57 =	vadd.s32 $0x3300, v54;
	v53 =	vld.idx.msk [tilespmem:v56+s18+$0x0], $0xffff  }
0x2a4: {  	v52 =	vor.u32 v32, v52;
	_ =	sdelay $0x3  }
0x2a5: {  	[tilespmem:v57+s28+$0x0] =	vst.idx.msk $0xff, v53  }
0x2a6: {  	v58 =	vadd.s32 $0x3380, v54;
	v52 =	vld.idx.msk [tilespmem:v52+s18+$0x0], $0xffff;
	_ =	sdelay $0x4  }
0x2a7: {  	[tilespmem:v58+s28+$0x0] =	vst.idx.msk $0xff, v52  }
0x2a8: {  	v52 =	vld [tilespmem:s31+$0x8];
	_ =	sdelay $0x4  }
0x2a9: {  	v52 =	vand.u32 $0xFFFFFF80, v52  }
0x2aa: {  	(v2sf) =	vpush v52, $0x0;
	_ =	sdelay $0x8  }
0x2ab: {  	(v2sf) =	vpush v52, $0x1;
	_ =	sdelay $0x5  }
0x2ac: {  	s1 =	spop (v2sf)  }
0x2ad: {  	s20 =	sadd.s32 s0, s1  }
0x2ae: {  	[tilespmem:s18], [sflag:$0x2] =	stream.linear.gather [hbm4b:s20+s3], $0x400, $0x38;
	[tilespmem:$0x14280] =	vst v63  }
0x2af: {  	(v2sf) =	vpush v52, $0x2;
	s2 =	sadd.s32 s1, s6;
	s20 =	simm.s32 $0x8680  }
0x2b0: {  	[tilespmem:s20], [sflag:$0x2] =	stream.linear.gather [hbm4b:s2+s3], $0x400, $0x38;
	[tilespmem:$0x14280] =	vst v63  }
0x2b1: {  	s2 =	sadd.s32 s1, s5;
	s20 =	simm.s32 $0x8A80  }
0x2b2: {  	[tilespmem:s20], [sflag:$0x2] =	stream.linear.gather [hbm4b:s2+s3], $0x400, $0x38;
	[tilespmem:$0x14280] =	vst v63  }
0x2b3: {  	s1 =	sadd.s32 s1, s7;
	s20 =	simm.s32 $0x8E80  }
0x2b4: {  	[tilespmem:s20], [sflag:$0x2] =	stream.linear.gather [hbm4b:s1+s3], $0x400, $0x38;
	[tilespmem:$0x14280] =	vst v63  }
0x2b5: {  	s1 =	spop (v2sf)  }
0x2b6: {  	s20 =	simm.s32 $0x9280;
	s2 =	sadd.s32 s0, s1  }
0x2b7: {  	[tilespmem:s20], [sflag:$0x2] =	stream.linear.gather [hbm4b:s2+s3], $0x400, $0x38;
	[tilespmem:$0x14280] =	vst v63  }
0x2b8: {  	(v2sf) =	vpush v52, $0x3;
	s2 =	sadd.s32 s1, s6;
	s20 =	simm.s32 $0x9680  }
0x2b9: {  	[tilespmem:s20], [sflag:$0x2] =	stream.linear.gather [hbm4b:s2+s3], $0x400, $0x38;
	[tilespmem:$0x14280] =	vst v63  }
0x2ba: {  	s2 =	sadd.s32 s1, s5;
	s20 =	simm.s32 $0x9A80  }
0x2bb: {  	[tilespmem:s20], [sflag:$0x2] =	stream.linear.gather [hbm4b:s2+s3], $0x400, $0x38;
	[tilespmem:$0x14280] =	vst v63  }
0x2bc: {  	s1 =	sadd.s32 s1, s7;
	s20 =	simm.s32 $0x9E80  }
0x2bd: {  	[tilespmem:s20], [sflag:$0x2] =	stream.linear.gather [hbm4b:s1+s3], $0x400, $0x38;
	[tilespmem:$0x14280] =	vst v63  }
0x2be: {  	s1 =	spop (v2sf)  }
0x2bf: {  	s20 =	simm.s32 $0xA280;
	s2 =	sadd.s32 s0, s1  }
0x2c0: {  	[tilespmem:s20], [sflag:$0x2] =	stream.linear.gather [hbm4b:s2+s3], $0x400, $0x38;
	[tilespmem:$0x14280] =	vst v63  }
0x2c1: {  	(v2sf) =	vpush v52, $0x4;
	s2 =	sadd.s32 s1, s6;
	s20 =	simm.s32 $0xA680  }
0x2c2: {  	[tilespmem:s20], [sflag:$0x2] =	stream.linear.gather [hbm4b:s2+s3], $0x400, $0x38;
	[tilespmem:$0x14280] =	vst v63  }
0x2c3: {  	s2 =	sadd.s32 s1, s5;
	s20 =	simm.s32 $0xAA80  }
0x2c4: {  	[tilespmem:s20], [sflag:$0x2] =	stream.linear.gather [hbm4b:s2+s3], $0x400, $0x38;
	[tilespmem:$0x14280] =	vst v63  }
0x2c5: {  	s1 =	sadd.s32 s1, s7;
	s20 =	simm.s32 $0xAE80  }
0x2c6: {  	[tilespmem:s20], [sflag:$0x2] =	stream.linear.gather [hbm4b:s1+s3], $0x400, $0x38;
	[tilespmem:$0x14280] =	vst v63  }
0x2c7: {  	s1 =	spop (v2sf)  }
0x2c8: {  	s20 =	simm.s32 $0xB280;
	s2 =	sadd.s32 s0, s1  }
0x2c9: {  	[tilespmem:s20], [sflag:$0x2] =	stream.linear.gather [hbm4b:s2+s3], $0x400, $0x38;
	[tilespmem:$0x14280] =	vst v63  }
0x2ca: {  	(v2sf) =	vpush v52, $0x5;
	s2 =	sadd.s32 s1, s6;
	s20 =	simm.s32 $0xB680  }
0x2cb: {  	[tilespmem:s20], [sflag:$0x2] =	stream.linear.gather [hbm4b:s2+s3], $0x400, $0x38;
	[tilespmem:$0x14280] =	vst v63  }
0x2cc: {  	s2 =	sadd.s32 s1, s5;
	s20 =	simm.s32 $0xBA80  }
0x2cd: {  	[tilespmem:s20], [sflag:$0x2] =	stream.linear.gather [hbm4b:s2+s3], $0x400, $0x38;
	[tilespmem:$0x14280] =	vst v63  }
0x2ce: {  	s1 =	sadd.s32 s1, s7;
	s20 =	simm.s32 $0xBE80  }
0x2cf: {  	[tilespmem:s20], [sflag:$0x2] =	stream.linear.gather [hbm4b:s1+s3], $0x400, $0x38;
	[tilespmem:$0x14280] =	vst v63  }
0x2d0: {  	s1 =	spop (v2sf)  }
0x2d1: {  	(v2sf) =	vpush v52, $0x6;
	s20 =	sadd.s32 s0, s1  }
0x2d2: {  	[tilespmem:s21], [sflag:$0x2] =	stream.linear.gather [hbm4b:s20+s3], $0x400, $0x38;
	[tilespmem:$0x14280] =	vst v63  }
0x2d3: {  	s20 =	sadd.s32 s1, s6  }
0x2d4: {  	[tilespmem:s22], [sflag:$0x2] =	stream.linear.gather [hbm4b:s20+s3], $0x400, $0x38;
	[tilespmem:$0x14280] =	vst v63  }
0x2d5: {  	s20 =	sadd.s32 s1, s5  }
0x2d6: {  	[tilespmem:s23], [sflag:$0x2] =	stream.linear.gather [hbm4b:s20+s3], $0x400, $0x38;
	[tilespmem:$0x14280] =	vst v63  }
0x2d7: {  	s1 =	sadd.s32 s1, s7  }
0x2d8: {  	[tilespmem:s24], [sflag:$0x2] =	stream.linear.gather [hbm4b:s1+s3], $0x400, $0x38;
	[tilespmem:$0x14280] =	vst v63  }
0x2d9: {  	s1 =	spop (v2sf);
	(v2sf) =	vpush v52, $0x7  }
0x2da: {  	s20 =	sadd.s32 s0, s1  }
0x2db: {  	[tilespmem:s25], [sflag:$0x2] =	stream.linear.gather [hbm4b:s20+s3], $0x400, $0x38;
	[tilespmem:$0x14280] =	vst v63  }
0x2dc: {  	s20 =	sadd.s32 s1, s6  }
0x2dd: {  	[tilespmem:s4], [sflag:$0x2] =	stream.linear.gather [hbm4b:s20+s3], $0x400, $0x38;
	[tilespmem:$0x14280] =	vst v63  }
0x2de: {  	s20 =	sadd.s32 s1, s5  }
0x2df: {  	[tilespmem:s8], [sflag:$0x2] =	stream.linear.gather [hbm4b:s20+s3], $0x400, $0x38;
	[tilespmem:$0x14280] =	vst v63  }
0x2e0: {  	s1 =	sadd.s32 s1, s7;
	s2 =	spop (v2sf)  }
0x2e1: {  	[tilespmem:s9], [sflag:$0x2] =	stream.linear.gather [hbm4b:s1+s3], $0x400, $0x38;
	[tilespmem:$0x14280] =	vst v63  }
0x2e2: {  	s20 =	sadd.s32 s0, s2  }
0x2e3: {  	[tilespmem:s10], [sflag:$0x2] =	stream.linear.gather [hbm4b:s20+s3], $0x400, $0x38;
	[tilespmem:$0x14280] =	vst v63  }
0x2e4: {  	s20 =	sadd.s32 s2, s6  }
0x2e5: {  	[tilespmem:s12], [sflag:$0x2] =	stream.linear.gather [hbm4b:s20+s3], $0x400, $0x38;
	[tilespmem:$0x14280] =	vst v63  }
0x2e6: {  	s20 =	sadd.s32 s2, s5  }
0x2e7: {  	[tilespmem:s13], [sflag:$0x2] =	stream.linear.gather [hbm4b:s20+s3], $0x400, $0x38;
	[tilespmem:$0x14280] =	vst v63  }
0x2e8: {  	s2 =	sadd.s32 s2, s7;
	s1 =	spop (v2sf)  }
0x2e9: {  	[tilespmem:s14], [sflag:$0x2] =	stream.linear.gather [hbm4b:s2+s3], $0x400, $0x38;
	[tilespmem:$0x14280] =	vst v63  }
0x2ea: {  	s20 =	sadd.s32 s0, s1  }
0x2eb: {  	[tilespmem:s15], [sflag:$0x2] =	stream.linear.gather [hbm4b:s20+s3], $0x400, $0x38;
	[tilespmem:$0x14280] =	vst v63  }
0x2ec: {  	p0 =	sne.s32 s30, $0x1E8;
	s20 =	sadd.s32 s1, s6  }
0x2ed: {  	[tilespmem:s16], [sflag:$0x2] =	stream.linear.gather [hbm4b:s20+s3], $0x400, $0x38;
	[tilespmem:$0x14280] =	vst v63  }
.Ltmp0:
0x2ee: {  	_ = 	snop;
	(pc) =	sbr.rel @p0 .LBB2_2-.Ltmp0, $4  }
0x2ef: {  	s20 =	sadd.s32 s1, s5  }
0x2f0: {  	[tilespmem:s17], [sflag:$0x2] =	stream.linear.gather [hbm4b:s20+s3], $0x400, $0x38;
	[tilespmem:$0x14280] =	vst v63  }
0x2f1: {  	s30 =	sadd.s32 $0x10, s30;
	s31 =	sadd.s32 $0x10, s31;
	s1 =	sadd.s32 s1, s7  }
0x2f2: {  	[tilespmem:s19], [sflag:$0x2] =	stream.linear.gather [hbm4b:s1+s3], $0x400, $0x38;
	[tilespmem:$0x14280] =	vst v63  }
0x2f3: {  	_ =	swait.ge [sflag:s26], $0x1000  }
0x2f4: {  	[sflag:s26] =	ssyncset.done $0x0  }
0x2f5: {  	[sflag:s26] =	ssyncadd.s32 $0xFFFFF000  }
0x2f6: {  	_ =	swait.ge [sflag:s26], $0x1000  }
0x2f7: {  	[sflag:s26] =	ssyncset.done $0x0  }
0x2f8: {  	[sflag:s26] =	ssyncadd.s32 $0xFFFFF000  }
0x2f9: {  	_ =	swait.ge [sflag:s26], $0x1000  }
0x2fa: {  	[sflag:s26] =	ssyncset.done $0x0  }
0x2fb: {  	[sflag:s26] =	ssyncadd.s32 $0xFFFFF000  }
0x2fc: {  	_ =	swait.ge [sflag:s26], $0x1000  }
0x2fd: {  	[sflag:s26] =	ssyncset.done $0x0  }
0x2fe: {  	[sflag:s26] =	ssyncadd.s32 $0xFFFFF000  }
0x2ff: {  	_ =	swait.ge [sflag:s26], $0x1000  }
0x300: {  	[sflag:s26] =	ssyncset.done $0x0  }
0x301: {  	[sflag:s26] =	ssyncadd.s32 $0xFFFFF000  }
0x302: {  	_ =	swait.ge [sflag:s26], $0x1000  }
0x303: {  	[sflag:s26] =	ssyncset.done $0x0  }
0x304: {  	[sflag:s26] =	ssyncadd.s32 $0xFFFFF000  }
0x305: {  	_ =	swait.ge [sflag:s26], $0x1000  }
0x306: {  	[sflag:s26] =	ssyncset.done $0x0  }
0x307: {  	[sflag:s26] =	ssyncadd.s32 $0xFFFFF000  }
0x308: {  	_ =	swait.ge [sflag:s26], $0x1000  }
0x309: {  	[sflag:s26] =	ssyncset.done $0x0  }
0x30a: {  	[sflag:s26] =	ssyncadd.s32 $0xFFFFF000  }
0x30b: {  	v52 =	vld [tilespmem:$0x1F0];
	_ =	sdelay $0x4  }
0x30c: {  	v52 =	vand.u32 $0x7F, v52  }
0x30d: {  	v53 =	vor.u32 v1, v52;
	_ =	sdelay $0x4  }
0x30e: {  	v53 =	vld.idx.msk [tilespmem:v53+s11+$0x0], $0xffff  }
0x30f: {  	v54 =	vor.u32 v2, v52;
	_ =	sdelay $0x3  }
0x310: {  	[tilespmem:v33+s28+$0x0] =	vst.idx.msk $0xff, v53  }
0x311: {  	v53 =	vld.idx.msk [tilespmem:v54+s11+$0x0], $0xffff  }
0x312: {  	v58 =	vor.u32 v3, v52;
	_ =	sdelay $0x3  }
0x313: {  	[tilespmem:v34+s28+$0x0] =	vst.idx.msk $0xff, v53  }
0x314: {  	v53 =	vld.idx.msk [tilespmem:v58+s11+$0x0], $0xffff  }
0x315: {  	v57 =	vor.u32 v4, v52;
	_ =	sdelay $0x3  }
0x316: {  	[tilespmem:v35+s28+$0x0] =	vst.idx.msk $0xff, v53  }
0x317: {  	v53 =	vld.idx.msk [tilespmem:v57+s11+$0x0], $0xffff  }
0x318: {  	v58 =	vor.u32 v5, v52;
	_ =	sdelay $0x3  }
0x319: {  	[tilespmem:v36+s28+$0x0] =	vst.idx.msk $0xff, v53  }
0x31a: {  	v53 =	vld.idx.msk [tilespmem:v58+s11+$0x0], $0xffff  }
0x31b: {  	v57 =	vor.u32 v6, v52;
	_ =	sdelay $0x3  }
0x31c: {  	[tilespmem:v37+s28+$0x0] =	vst.idx.msk $0xff, v53  }
0x31d: {  	v53 =	vld.idx.msk [tilespmem:v57+s11+$0x0], $0xffff  }
0x31e: {  	v58 =	vor.u32 v7, v52;
	_ =	sdelay $0x3  }
0x31f: {  	[tilespmem:v38+s28+$0x0] =	vst.idx.msk $0xff, v53  }
0x320: {  	v53 =	vld.idx.msk [tilespmem:v58+s11+$0x0], $0xffff  }
0x321: {  	v57 =	vor.u32 v8, v52;
	_ =	sdelay $0x3  }
0x322: {  	[tilespmem:v39+s28+$0x0] =	vst.idx.msk $0xff, v53  }
0x323: {  	v53 =	vld.idx.msk [tilespmem:v57+s11+$0x0], $0xffff  }
0x324: {  	v58 =	vor.u32 v9, v52;
	_ =	sdelay $0x3  }
0x325: {  	[tilespmem:v40+s28+$0x0] =	vst.idx.msk $0xff, v53  }
0x326: {  	v53 =	vld.idx.msk [tilespmem:v58+s11+$0x0], $0xffff  }
0x327: {  	v57 =	vor.u32 v10, v52;
	_ =	sdelay $0x3  }
0x328: {  	[tilespmem:v41+s28+$0x0] =	vst.idx.msk $0xff, v53  }
0x329: {  	v53 =	vld.idx.msk [tilespmem:v57+s11+$0x0], $0xffff  }
0x32a: {  	v58 =	vor.u32 v11, v52;
	_ =	sdelay $0x3  }
0x32b: {  	[tilespmem:v42+s28+$0x0] =	vst.idx.msk $0xff, v53  }
0x32c: {  	v53 =	vld.idx.msk [tilespmem:v58+s11+$0x0], $0xffff  }
0x32d: {  	v57 =	vor.u32 v12, v52;
	_ =	sdelay $0x3  }
0x32e: {  	[tilespmem:v43+s28+$0x0] =	vst.idx.msk $0xff, v53  }
0x32f: {  	v53 =	vld.idx.msk [tilespmem:v57+s11+$0x0], $0xffff  }
0x330: {  	v58 =	vor.u32 v13, v52;
	_ =	sdelay $0x3  }
0x331: {  	[tilespmem:v44+s28+$0x0] =	vst.idx.msk $0xff, v53  }
0x332: {  	v53 =	vld.idx.msk [tilespmem:v58+s11+$0x0], $0xffff  }
0x333: {  	v57 =	vor.u32 v14, v52;
	_ =	sdelay $0x3  }
0x334: {  	[tilespmem:v45+s28+$0x0] =	vst.idx.msk $0xff, v53  }
0x335: {  	v53 =	vld.idx.msk [tilespmem:v57+s11+$0x0], $0xffff  }
0x336: {  	v58 =	vor.u32 v15, v52;
	_ =	sdelay $0x3  }
0x337: {  	[tilespmem:v46+s28+$0x0] =	vst.idx.msk $0xff, v53  }
0x338: {  	v53 =	vld.idx.msk [tilespmem:v58+s11+$0x0], $0xffff  }
0x339: {  	v57 =	vor.u32 v16, v52;
	_ =	sdelay $0x3  }
0x33a: {  	[tilespmem:v47+s28+$0x0] =	vst.idx.msk $0xff, v53  }
0x33b: {  	v53 =	vld.idx.msk [tilespmem:v57+s11+$0x0], $0xffff  }
0x33c: {  	v58 =	vor.u32 v17, v52;
	_ =	sdelay $0x3  }
0x33d: {  	[tilespmem:v48+s28+$0x0] =	vst.idx.msk $0xff, v53  }
0x33e: {  	v53 =	vld.idx.msk [tilespmem:v58+s11+$0x0], $0xffff  }
0x33f: {  	v57 =	vor.u32 v18, v52;
	_ =	sdelay $0x3  }
0x340: {  	[tilespmem:v49+s28+$0x0] =	vst.idx.msk $0xff, v53  }
0x341: {  	v53 =	vld.idx.msk [tilespmem:v57+s11+$0x0], $0xffff  }
0x342: {  	v58 =	vor.u32 v19, v52;
	_ =	sdelay $0x3  }
0x343: {  	[tilespmem:v50+s28+$0x0] =	vst.idx.msk $0xff, v53  }
0x344: {  	v53 =	vld.idx.msk [tilespmem:v58+s11+$0x0], $0xffff  }
0x345: {  	v57 =	vor.u32 v20, v52;
	_ =	sdelay $0x3  }
0x346: {  	[tilespmem:v51+s28+$0x0] =	vst.idx.msk $0xff, v53  }
0x347: {  	v58 =	vor.u32 $0x2DF0, v0;
	v53 =	vld.idx.msk [tilespmem:v57+s11+$0x0], $0xffff  }
0x348: {  	v55 =	vor.u32 v21, v52;
	_ =	sdelay $0x3  }
0x349: {  	[tilespmem:v58+s28+$0x0] =	vst.idx.msk $0xff, v53  }
0x34a: {  	v57 =	vor.u32 $0x2E70, v0;
	v53 =	vld.idx.msk [tilespmem:v55+s11+$0x0], $0xffff  }
0x34b: {  	v58 =	vor.u32 v22, v52;
	_ =	sdelay $0x3  }
0x34c: {  	[tilespmem:v57+s28+$0x0] =	vst.idx.msk $0xff, v53  }
0x34d: {  	v57 =	vor.u32 $0x2EF0, v0;
	v53 =	vld.idx.msk [tilespmem:v58+s11+$0x0], $0xffff  }
0x34e: {  	v58 =	vor.u32 v23, v52;
	_ =	sdelay $0x3  }
0x34f: {  	[tilespmem:v57+s28+$0x0] =	vst.idx.msk $0xff, v53  }
0x350: {  	v57 =	vor.u32 $0x2F70, v0;
	v53 =	vld.idx.msk [tilespmem:v58+s11+$0x0], $0xffff  }
0x351: {  	v58 =	vor.u32 v24, v52;
	_ =	sdelay $0x3  }
0x352: {  	[tilespmem:v57+s28+$0x0] =	vst.idx.msk $0xff, v53  }
0x353: {  	v57 =	vor.u32 $0x2FF0, v0;
	v53 =	vld.idx.msk [tilespmem:v58+s11+$0x0], $0xffff  }
0x354: {  	v58 =	vor.u32 v25, v52;
	_ =	sdelay $0x3  }
0x355: {  	[tilespmem:v57+s28+$0x0] =	vst.idx.msk $0xff, v53  }
0x356: {  	v57 =	vor.u32 $0x3C70, v0;
	v53 =	vld.idx.msk [tilespmem:v58+s11+$0x0], $0xffff  }
0x357: {  	v58 =	vor.u32 v26, v52;
	_ =	sdelay $0x3  }
0x358: {  	[tilespmem:v57+s28+$0x0] =	vst.idx.msk $0xff, v53  }
0x359: {  	v57 =	vor.u32 $0x3CF0, v0;
	v53 =	vld.idx.msk [tilespmem:v58+s11+$0x0], $0xffff  }
0x35a: {  	v58 =	vor.u32 v27, v52;
	_ =	sdelay $0x3  }
0x35b: {  	[tilespmem:v57+s28+$0x0] =	vst.idx.msk $0xff, v53  }
0x35c: {  	v57 =	vor.u32 $0x3D70, v0;
	v53 =	vld.idx.msk [tilespmem:v58+s11+$0x0], $0xffff  }
0x35d: {  	v58 =	vor.u32 v28, v52;
	_ =	sdelay $0x3  }
0x35e: {  	[tilespmem:v57+s28+$0x0] =	vst.idx.msk $0xff, v53  }
0x35f: {  	v57 =	vor.u32 $0x3DF0, v0;
	v53 =	vld.idx.msk [tilespmem:v58+s11+$0x0], $0xffff  }
0x360: {  	v58 =	vor.u32 v29, v52;
	_ =	sdelay $0x3  }
0x361: {  	[tilespmem:v57+s28+$0x0] =	vst.idx.msk $0xff, v53  }
0x362: {  	v57 =	vor.u32 $0x3E70, v0;
	v53 =	vld.idx.msk [tilespmem:v58+s11+$0x0], $0xffff  }
0x363: {  	v58 =	vor.u32 v30, v52;
	_ =	sdelay $0x3  }
0x364: {  	[tilespmem:v57+s28+$0x0] =	vst.idx.msk $0xff, v53  }
0x365: {  	v57 =	vor.u32 $0x3EF0, v0;
	v53 =	vld.idx.msk [tilespmem:v58+s11+$0x0], $0xffff  }
0x366: {  	v58 =	vor.u32 v31, v52;
	_ =	sdelay $0x3  }
0x367: {  	[tilespmem:v57+s28+$0x0] =	vst.idx.msk $0xff, v53  }
0x368: {  	v57 =	vor.u32 $0x3F70, v0;
	v53 =	vld.idx.msk [tilespmem:v58+s11+$0x0], $0xffff  }
0x369: {  	v52 =	vor.u32 v32, v52;
	_ =	sdelay $0x3  }
0x36a: {  	[tilespmem:v57+s28+$0x0] =	vst.idx.msk $0xff, v53  }
0x36b: {  	v58 =	vor.u32 $0x3FF0, v0;
	v52 =	vld.idx.msk [tilespmem:v52+s11+$0x0], $0xffff;
	_ =	sdelay $0x4  }
0x36c: {  	[tilespmem:v58+s28+$0x0] =	vst.idx.msk $0xff, v52  }
0x36d: {  	_ =	swait.ge [sflag:s29], $0x1000  }
0x36e: {  	[sflag:s29] =	ssyncset.done $0x0  }
0x36f: {  	[sflag:s29] =	ssyncadd.s32 $0xFFFFF000  }
0x370: {  	_ =	swait.ge [sflag:s29], $0x1000  }
0x371: {  	[sflag:s29] =	ssyncset.done $0x0  }
0x372: {  	[sflag:s29] =	ssyncadd.s32 $0xFFFFF000  }
0x373: {  	_ =	swait.ge [sflag:s29], $0x1000  }
0x374: {  	[sflag:s29] =	ssyncset.done $0x0  }
0x375: {  	[sflag:s29] =	ssyncadd.s32 $0xFFFFF000  }
0x376: {  	_ =	swait.ge [sflag:s29], $0x1000  }
0x377: {  	[sflag:s29] =	ssyncset.done $0x0  }
0x378: {  	[sflag:s29] =	ssyncadd.s32 $0xFFFFF000  }
0x379: {  	_ =	swait.ge [sflag:s29], $0x1000  }
0x37a: {  	[sflag:s29] =	ssyncset.done $0x0  }
0x37b: {  	[sflag:s29] =	ssyncadd.s32 $0xFFFFF000  }
0x37c: {  	_ =	swait.ge [sflag:s29], $0x1000  }
0x37d: {  	[sflag:s29] =	ssyncset.done $0x0  }
0x37e: {  	[sflag:s29] =	ssyncadd.s32 $0xFFFFF000  }
0x37f: {  	_ =	swait.ge [sflag:s29], $0x1000  }
0x380: {  	[sflag:s29] =	ssyncset.done $0x0  }
0x381: {  	[sflag:s29] =	ssyncadd.s32 $0xFFFFF000  }
0x382: {  	_ =	swait.ge [sflag:s29], $0x1000  }
0x383: {  	[sflag:s29] =	ssyncset.done $0x0  }
0x384: {  	[sflag:s29] =	ssyncadd.s32 $0xFFFFF000  }
0x385: {  	v56 =	vld [tilespmem:$0x1F8];
	_ =	sdelay $0x4  }
0x386: {  	v52 =	vand.u32 $0x7F, v56  }
0x387: {  	v57 =	vor.u32 v1, v52;
	_ =	sdelay $0x4  }
0x388: {  	v53 =	vld.idx.msk [tilespmem:v57+s18+$0x0], $0xffff  }
0x389: {  	v57 =	vld [tilespmem:$0x1FE50];
	_ =	sdelay $0x5  }
0x38a: {  	v58 =	vor.u32 v2, v52;
	_ =	sdelay $0x1  }
0x38b: {  	[tilespmem:v57+s28+$0x0] =	vst.idx.msk $0xff, v53;
	v57 =	vld [tilespmem:$0x1FE60];
	_ =	sdelay $0x2  }
0x38c: {  	v53 =	vld.idx.msk [tilespmem:v58+s18+$0x0], $0xffff;
	_ =	sdelay $0x2  }
0x38d: {  	v58 =	vor.u32 v3, v52;
	_ =	sdelay $0x1  }
0x38e: {  	[tilespmem:v57+s28+$0x0] =	vst.idx.msk $0xff, v53;
	v57 =	vld [tilespmem:$0x1FE70];
	_ =	sdelay $0x2  }
0x38f: {  	v53 =	vld.idx.msk [tilespmem:v58+s18+$0x0], $0xffff;
	_ =	sdelay $0x2  }
0x390: {  	v58 =	vor.u32 v4, v52;
	_ =	sdelay $0x1  }
0x391: {  	[tilespmem:v57+s28+$0x0] =	vst.idx.msk $0xff, v53;
	v57 =	vld [tilespmem:$0x1FE80];
	_ =	sdelay $0x2  }
0x392: {  	v53 =	vld.idx.msk [tilespmem:v58+s18+$0x0], $0xffff;
	_ =	sdelay $0x2  }
0x393: {  	v58 =	vor.u32 v5, v52;
	_ =	sdelay $0x1  }
0x394: {  	[tilespmem:v57+s28+$0x0] =	vst.idx.msk $0xff, v53;
	v57 =	vld [tilespmem:$0x1FE90];
	_ =	sdelay $0x2  }
0x395: {  	v53 =	vld.idx.msk [tilespmem:v58+s18+$0x0], $0xffff;
	_ =	sdelay $0x2  }
0x396: {  	v58 =	vor.u32 v6, v52;
	_ =	sdelay $0x1  }
0x397: {  	[tilespmem:v57+s28+$0x0] =	vst.idx.msk $0xff, v53;
	v57 =	vld [tilespmem:$0x1FEA0];
	_ =	sdelay $0x2  }
0x398: {  	v53 =	vld.idx.msk [tilespmem:v58+s18+$0x0], $0xffff;
	_ =	sdelay $0x2  }
0x399: {  	v58 =	vor.u32 v7, v52;
	_ =	sdelay $0x1  }
0x39a: {  	[tilespmem:v57+s28+$0x0] =	vst.idx.msk $0xff, v53;
	v57 =	vld [tilespmem:$0x1FEB0];
	_ =	sdelay $0x2  }
0x39b: {  	v53 =	vld.idx.msk [tilespmem:v58+s18+$0x0], $0xffff;
	_ =	sdelay $0x2  }
0x39c: {  	v58 =	vor.u32 v8, v52;
	_ =	sdelay $0x1  }
0x39d: {  	[tilespmem:v57+s28+$0x0] =	vst.idx.msk $0xff, v53;
	v57 =	vld [tilespmem:$0x1FEC0];
	_ =	sdelay $0x2  }
0x39e: {  	v53 =	vld.idx.msk [tilespmem:v58+s18+$0x0], $0xffff;
	_ =	sdelay $0x2  }
0x39f: {  	v58 =	vor.u32 v9, v52;
	_ =	sdelay $0x1  }
0x3a0: {  	[tilespmem:v57+s28+$0x0] =	vst.idx.msk $0xff, v53;
	v57 =	vld [tilespmem:$0x1FED0];
	_ =	sdelay $0x2  }
0x3a1: {  	v53 =	vld.idx.msk [tilespmem:v58+s18+$0x0], $0xffff;
	_ =	sdelay $0x2  }
0x3a2: {  	v58 =	vor.u32 v10, v52;
	_ =	sdelay $0x1  }
0x3a3: {  	[tilespmem:v57+s28+$0x0] =	vst.idx.msk $0xff, v53;
	v57 =	vld [tilespmem:$0x1FEE0];
	_ =	sdelay $0x2  }
0x3a4: {  	v53 =	vld.idx.msk [tilespmem:v58+s18+$0x0], $0xffff;
	_ =	sdelay $0x2  }
0x3a5: {  	v58 =	vor.u32 v11, v52;
	_ =	sdelay $0x1  }
0x3a6: {  	[tilespmem:v57+s28+$0x0] =	vst.idx.msk $0xff, v53;
	v57 =	vld [tilespmem:$0x1FEF0];
	_ =	sdelay $0x2  }
0x3a7: {  	v53 =	vld.idx.msk [tilespmem:v58+s18+$0x0], $0xffff;
	_ =	sdelay $0x2  }
0x3a8: {  	v58 =	vor.u32 v12, v52;
	_ =	sdelay $0x1  }
0x3a9: {  	[tilespmem:v57+s28+$0x0] =	vst.idx.msk $0xff, v53;
	v57 =	vld [tilespmem:$0x1FF00];
	_ =	sdelay $0x2  }
0x3aa: {  	v53 =	vld.idx.msk [tilespmem:v58+s18+$0x0], $0xffff;
	_ =	sdelay $0x2  }
0x3ab: {  	v58 =	vor.u32 v13, v52;
	_ =	sdelay $0x1  }
0x3ac: {  	[tilespmem:v57+s28+$0x0] =	vst.idx.msk $0xff, v53;
	v57 =	vld [tilespmem:$0x1FF10];
	_ =	sdelay $0x2  }
0x3ad: {  	v53 =	vld.idx.msk [tilespmem:v58+s18+$0x0], $0xffff;
	_ =	sdelay $0x2  }
0x3ae: {  	v58 =	vor.u32 v14, v52;
	_ =	sdelay $0x1  }
0x3af: {  	[tilespmem:v57+s28+$0x0] =	vst.idx.msk $0xff, v53;
	v57 =	vld [tilespmem:$0x1FF20];
	_ =	sdelay $0x2  }
0x3b0: {  	v53 =	vld.idx.msk [tilespmem:v58+s18+$0x0], $0xffff;
	_ =	sdelay $0x2  }
0x3b1: {  	v58 =	vor.u32 v15, v52;
	_ =	sdelay $0x1  }
0x3b2: {  	[tilespmem:v57+s28+$0x0] =	vst.idx.msk $0xff, v53;
	v57 =	vld [tilespmem:$0x1FF30];
	_ =	sdelay $0x2  }
0x3b3: {  	v53 =	vld.idx.msk [tilespmem:v58+s18+$0x0], $0xffff;
	_ =	sdelay $0x2  }
0x3b4: {  	v58 =	vor.u32 v16, v52;
	_ =	sdelay $0x1  }
0x3b5: {  	[tilespmem:v57+s28+$0x0] =	vst.idx.msk $0xff, v53;
	v57 =	vld [tilespmem:$0x1FF40];
	_ =	sdelay $0x2  }
0x3b6: {  	v53 =	vld.idx.msk [tilespmem:v58+s18+$0x0], $0xffff;
	_ =	sdelay $0x2  }
0x3b7: {  	v58 =	vor.u32 v17, v52;
	_ =	sdelay $0x1  }
0x3b8: {  	[tilespmem:v57+s28+$0x0] =	vst.idx.msk $0xff, v53;
	v57 =	vld [tilespmem:$0x1FF50];
	_ =	sdelay $0x2  }
0x3b9: {  	v53 =	vld.idx.msk [tilespmem:v58+s18+$0x0], $0xffff;
	_ =	sdelay $0x2  }
0x3ba: {  	v58 =	vor.u32 v18, v52;
	_ =	sdelay $0x1  }
0x3bb: {  	[tilespmem:v57+s28+$0x0] =	vst.idx.msk $0xff, v53;
	v57 =	vld [tilespmem:$0x1FF60];
	_ =	sdelay $0x2  }
0x3bc: {  	v53 =	vld.idx.msk [tilespmem:v58+s18+$0x0], $0xffff;
	_ =	sdelay $0x2  }
0x3bd: {  	v58 =	vor.u32 v19, v52;
	_ =	sdelay $0x1  }
0x3be: {  	[tilespmem:v57+s28+$0x0] =	vst.idx.msk $0xff, v53;
	v57 =	vld [tilespmem:$0x1FF70];
	_ =	sdelay $0x2  }
0x3bf: {  	v53 =	vld.idx.msk [tilespmem:v58+s18+$0x0], $0xffff;
	_ =	sdelay $0x2  }
0x3c0: {  	v58 =	vor.u32 v20, v52;
	_ =	sdelay $0x1  }
0x3c1: {  	[tilespmem:v57+s28+$0x0] =	vst.idx.msk $0xff, v53;
	v57 =	vld [tilespmem:$0x1FF80];
	_ =	sdelay $0x2  }
0x3c2: {  	v53 =	vld.idx.msk [tilespmem:v58+s18+$0x0], $0xffff;
	_ =	sdelay $0x2  }
0x3c3: {  	v58 =	vor.u32 v21, v52;
	_ =	sdelay $0x1  }
0x3c4: {  	[tilespmem:v57+s28+$0x0] =	vst.idx.msk $0xff, v53;
	v57 =	vld [tilespmem:$0x1FF90];
	_ =	sdelay $0x2  }
0x3c5: {  	v53 =	vld.idx.msk [tilespmem:v58+s18+$0x0], $0xffff;
	_ =	sdelay $0x2  }
0x3c6: {  	v58 =	vor.u32 v22, v52;
	_ =	sdelay $0x1  }
0x3c7: {  	[tilespmem:v57+s28+$0x0] =	vst.idx.msk $0xff, v53;
	v57 =	vld [tilespmem:$0x1FFA0];
	_ =	sdelay $0x2  }
0x3c8: {  	v53 =	vld.idx.msk [tilespmem:v58+s18+$0x0], $0xffff;
	_ =	sdelay $0x2  }
0x3c9: {  	v58 =	vor.u32 v23, v52;
	_ =	sdelay $0x1  }
0x3ca: {  	[tilespmem:v57+s28+$0x0] =	vst.idx.msk $0xff, v53;
	v57 =	vld [tilespmem:$0x1FFB0];
	_ =	sdelay $0x2  }
0x3cb: {  	v53 =	vld.idx.msk [tilespmem:v58+s18+$0x0], $0xffff;
	_ =	sdelay $0x2  }
0x3cc: {  	v58 =	vor.u32 v24, v52;
	_ =	sdelay $0x1  }
0x3cd: {  	[tilespmem:v57+s28+$0x0] =	vst.idx.msk $0xff, v53;
	v57 =	vld [tilespmem:$0x1FFC0];
	_ =	sdelay $0x2  }
0x3ce: {  	v53 =	vld.idx.msk [tilespmem:v58+s18+$0x0], $0xffff;
	_ =	sdelay $0x2  }
0x3cf: {  	v58 =	vor.u32 v25, v52;
	_ =	sdelay $0x1  }
0x3d0: {  	[tilespmem:v57+s28+$0x0] =	vst.idx.msk $0xff, v53;
	v57 =	vld [tilespmem:$0x1FFD0];
	_ =	sdelay $0x2  }
0x3d1: {  	v53 =	vld.idx.msk [tilespmem:v58+s18+$0x0], $0xffff;
	_ =	sdelay $0x2  }
0x3d2: {  	v58 =	vor.u32 v26, v52;
	_ =	sdelay $0x1  }
0x3d3: {  	[tilespmem:v57+s28+$0x0] =	vst.idx.msk $0xff, v53;
	v57 =	vld [tilespmem:$0x1FFE0];
	_ =	sdelay $0x2  }
0x3d4: {  	v53 =	vld.idx.msk [tilespmem:v58+s18+$0x0], $0xffff;
	_ =	sdelay $0x2  }
0x3d5: {  	v58 =	vor.u32 v27, v52;
	_ =	sdelay $0x1  }
0x3d6: {  	[tilespmem:v57+s28+$0x0] =	vst.idx.msk $0xff, v53;
	v57 =	vld [tilespmem:$0x1FFF0];
	_ =	sdelay $0x2  }
0x3d7: {  	v53 =	vld.idx.msk [tilespmem:v58+s18+$0x0], $0xffff  }
0x3d8: {  	v58 =	vor.u32 v28, v52;
	_ =	sdelay $0x3  }
0x3d9: {  	[tilespmem:v57+s28+$0x0] =	vst.idx.msk $0xff, v53  }
0x3da: {  	v53 =	vld.idx.msk [tilespmem:v58+s18+$0x0], $0xffff  }
0x3db: {  	v58 =	vor.u32 v29, v52;
	_ =	sdelay $0x3  }
0x3dc: {  	[tilespmem:v59+s28+$0x0] =	vst.idx.msk $0xff, v53  }
0x3dd: {  	v53 =	vld.idx.msk [tilespmem:v58+s18+$0x0], $0xffff  }
0x3de: {  	v57 =	vor.u32 v30, v52;
	_ =	sdelay $0x3  }
0x3df: {  	[tilespmem:v60+s28+$0x0] =	vst.idx.msk $0xff, v53  }
0x3e0: {  	v53 =	vld.idx.msk [tilespmem:v57+s18+$0x0], $0xffff  }
0x3e1: {  	v58 =	vor.u32 v31, v52;
	_ =	sdelay $0x3  }
0x3e2: {  	[tilespmem:v61+s28+$0x0] =	vst.idx.msk $0xff, v53  }
0x3e3: {  	v53 =	vld.idx.msk [tilespmem:v58+s18+$0x0], $0xffff  }
0x3e4: {  	v52 =	vor.u32 v32, v52;
	_ =	sdelay $0x3  }
0x3e5: {  	[tilespmem:v62+s28+$0x0] =	vst.idx.msk $0xff, v53  }
0x3e6: {  	v52 =	vld.idx.msk [tilespmem:v52+s18+$0x0], $0xffff;
	_ =	sdelay $0x4  }
0x3e7: {  	s2 =	simm.s32 $0x1000;
	s4 =	simm.s32 $0x20000;
	s1 =	rddreg [dreg:$0x5];
	[tilespmem:v63+s28+$0x0] =	vst.idx.msk $0xff, v52  }
0x3e8: {  	[hbm4b:s1+s2] =	stream.strided.scatter [tilespmem:s28], [sflag:$0x3], $0x4000, s4, s2, $0x38;
	[tilespmem:$0x14280] =	vst v63  }
0x3e9: {  	s2 =	simm.s32 $0x3  }
0x3ea: {  	_ =	swait.ge [sflag:s2], $0x4000  }
0x3eb: {  	s30 =	rddreg [dreg:$0x7]  }
0x3ec: {  	s31 =	rddreg [dreg:$0x6];
	s4 =	sadd.s32 $0x1, s30  }
0x3ed: {  	p0 =	sne.s32 s4, s31  }
.Ltmp1:
0x3ee: {  	_ = 	snop;
	(pc) =	sbr.rel @p0 .LBB2_1-.Ltmp1, $3  }
0x3ef: {  	_ =	sdelay $0x1  }
0x3f0: {  	[sflag:s2] =	ssyncset.done $0x0  }
0x3f1: {  	[sflag:s2] =	ssyncadd.s32 $0xFFFFC000  }
0x3f2: {  	_ =	sfence.sel $0x180000  }
0x3f3: {  	[bflag:$0x0] =	sbarrier.arrive $0xFFFF  }
0x3f4: {  	_ =	strace $0x90000047  }
0x3f5: {  	s0 =	stileid.u32;
	[bflag:$0x2] =	sbarrier.arrive $0xFFFF  }
0x3f6: {  	p0 =	sne.s32 s0, $0x0;
	s0 =	rddreg [dreg:$0x3]  }
0x3f7: {  	s0 =	sadd.s32 @!p0 $0x100000, s0  }
0x3f8: {  	[sflag:s0] =	ssyncadd.tile.s32 @!p0 $0x1;
	_ =	shalt  }
.Lfunc_end2:
_tile_overlayer_lowered:
.L_overlay_start_2:
0x3f9: {  	(tag) =	ssettag $0x2  }
0x3fa: {  	s0 =	rddreg [dreg:$0x0];
	s2 =	stileid.u32  }
0x3fb: {  	s1 =	rddreg [dreg:$0x1];
	p0 =	sne.s32 s2, $0x0  }
0x3fc: {  	s3 =	rddreg [dreg:$0x2];
	[bflag:$0x3] =	sbarrier.arrive $0xFFFF;
	s2 =	simm.s32 @!p0 $0x1C03  }
0x3fd: {  	[timem:s3], [sflag:s2] =	dma.local @!p0 [hbm:s0], s1  }
0x3fe: {  	s0 =	simm.s32 @!p0 $0x3  }
0x3ff: {  	_ =	swait.ge @!p0 [sflag:s0], s1  }
0x400: {  	s1 =	ssub.s32 @!p0 $0x0, s1;
	[sflag:s0] =	ssyncset.done @!p0 $0x0  }
0x401: {  	[sflag:s0] =	ssyncadd.s32 @!p0 s1  }
0x402: {  	[bflag:$0x3] =	sbarrier.arrive $0xFFFF  }
0x403: {  	_ =	shalt  }

</sc_bundles>
